<compile_context>
chip_gen: v7x
topology: tpu7x:2x2x1
jax: 0.10.2.dev20260603
libtpu: 0.0.44.dev20260713+nightly
codegen_flags: <defaults>
</compile_context>

<pallas_src>
import functools

import jax
import jax.numpy as jnp
from jax import lax
from jax.experimental import pallas as pl
from jax.experimental.pallas import tpu as pltpu
from jax.experimental.pallas import tpu_sc as plsc

N = 10000
E = 320000
D = 128
NB = 16
NC = 2
NS = 16
NW = NC * NS
EW = E // NW
K = 80
NCH = EW // K
RB = 10
RBS = 1024
NP = 10240
RPT = NP // NS

_F32 = jnp.float32
_F16 = jnp.float16


def _sc_mesh():
    return plsc.VectorSubcoreMesh(core_axis_name="c", subcore_axis_name="s")


def _hist_call(dst3):
    @functools.partial(
        pl.kernel,
        out_type=jax.ShapeDtypeStruct((NC, NP), _F32),
        mesh=_sc_mesh(),
        scratch_types=[
            pltpu.VMEM_SHARED((NP,), _F32),
            pltpu.VMEM((640,), _F32),
            pltpu.VMEM((K,), _F32),
            pltpu.VMEM((NCH, K), jnp.int32),
            pltpu.SemaphoreType.DMA,
        ],
    )
    def hist_kernel(dst_hbm, out_hbm, hist_sh, zbuf, ones_v, didx, sem):
        c = lax.axis_index("c")
        s = lax.axis_index("s")
        w = c * NS + s

        def fill(i, _):
            zbuf[pl.ds(i * 16, 16)] = jnp.zeros((16,), _F32)
            return 0

        lax.fori_loop(0, 40, fill, 0)
        for i in range(K // 16):
            ones_v[pl.ds(i * 16, 16)] = jnp.ones((16,), _F32)

        pltpu.sync_copy(zbuf, hist_sh.at[pl.ds(s * 640, 640)])
        pltpu.sync_copy(dst_hbm.at[w], didx)
        plsc.subcore_barrier()

        def fire(it, _):
            pltpu.async_copy(ones_v, hist_sh.at[didx.at[it]], sem, add=True)
            return 0

        lax.fori_loop(0, NCH, fire, 0)

        def drain(it, _):
            pltpu.make_async_copy(ones_v, hist_sh.at[didx.at[it]], sem).wait()
            return 0

        lax.fori_loop(0, NCH, drain, 0)
        plsc.subcore_barrier()
        pltpu.sync_copy(hist_sh.at[pl.ds(s * 640, 640)],
                        out_hbm.at[c, pl.ds(s * 640, 640)])

    return hist_kernel(dst3)


NBUF = 4
NFULL = NCH // NBUF
NREM = NCH % NBUF


def _agg_call(hp, src, dst4, zrow):
    @functools.partial(
        pl.kernel,
        out_type=jax.ShapeDtypeStruct((NC, NP, D), _F32),
        mesh=_sc_mesh(),
        scratch_types=[
            pltpu.VMEM_SHARED((NP, D), _F32),
            pltpu.VMEM((8, D), _F32),
        ] + [pltpu.VMEM((K,), jnp.int32)] * NBUF
          + [pltpu.VMEM((1, K), jnp.int32)] * NBUF
          + [pltpu.VMEM((K, D), _F32)] * NBUF
          + [pltpu.SemaphoreType.DMA] * (4 * NBUF),
    )
    def agg_kernel(hp_hbm, src_hbm, dst_hbm, zrow_hbm, out_hbm, acc, zbuf,
                   sb0, sb1, sb2, sb3, db0, db1, db2, db3,
                   r0, r1, r2, r3,
                   gs0, gs1, gs2, gs3, ts0, ts1, ts2, ts3,
                   us0, us1, us2, us3, vs0, vs1, vs2, vs3):
        sbuf = [sb0, sb1, sb2, sb3]
        dbuf = [db0, db1, db2, db3]
        rows = [r0, r1, r2, r3]
        gsem = [gs0, gs1, gs2, gs3]
        ssem = [ts0, ts1, ts2, ts3]
        issem = [us0, us1, us2, us3]
        idsem = [vs0, vs1, vs2, vs3]
        c = lax.axis_index("c")
        s = lax.axis_index("s")
        w = c * NS + s

        def il_s(j, b):
            pltpu.async_copy(src_hbm.at[pl.ds(w * EW + j * K, K)], sbuf[b],
                             issem[b])

        def il_d(j, b):
            pltpu.async_copy(dst_hbm.at[w, pl.ds(j, 1)], dbuf[b], idsem[b])

        def wait_is(b):
            pltpu.make_async_copy(src_hbm.at[pl.ds(w * EW, K)], sbuf[b],
                                  issem[b]).wait()

        def wait_id(b):
            pltpu.make_async_copy(dst_hbm.at[w, pl.ds(0, 1)], dbuf[b],
                                  idsem[b]).wait()

        def fire_g(b):
            pltpu.async_copy(hp_hbm.at[sbuf[b]], rows[b], gsem[b])

        for b in range(NBUF):
            il_s(b, b)
        for b in range(NBUF):
            il_d(b, b)
        for b in range(NBUF):
            wait_is(b)
            fire_g(b)

        pltpu.sync_copy(zrow_hbm, zbuf)

        def zero(j, _):
            pltpu.sync_copy(zbuf, acc.at[pl.ds(s * RPT + j * 8, 8)])
            return 0

        lax.fori_loop(0, RPT // 8, zero, 0)
        plsc.subcore_barrier()

        def step(j, b, pf):
            pltpu.make_async_copy(hp_hbm.at[sbuf[b]], rows[b],
                                  gsem[b]).wait()
            if pf:
                il_s(j + NBUF, b)
            wait_id(b)
            pltpu.async_copy(rows[b], acc.at[dbuf[b].at[0]], ssem[b],
                             add=True)
            pltpu.make_async_copy(rows[b], acc.at[dbuf[b].at[0]],
                                  ssem[b]).wait()
            if pf:
                il_d(j + NBUF, b)
                wait_is(b)
                fire_g(b)

        def outer(g, _):
            for b in range(NBUF):
                step(g * NBUF + b, b, True)
            return 0

        lax.fori_loop(0, NFULL - 1, outer, 0)
        for b in range(NBUF):
            step((NFULL - 1) * NBUF + b, b, b < NREM)
        for b in range(NREM):
            step(NFULL * NBUF + b, b, False)

        plsc.subcore_barrier()
        pltpu.sync_copy(acc.at[pl.ds(s * RPT, RPT)],
                        out_hbm.at[c, pl.ds(s * RPT, RPT)])

    return agg_kernel(hp, src, dst4, zrow)


def _tc0_call(x, hist, W_proj, b_proj, W_g0):
    def body(x_ref, hist_ref, wp_ref, bp_ref, wg_ref, hp_ref, dinv_ref):
        dinv = lax.rsqrt(1.0 + hist_ref[0] + hist_ref[1])
        h = jnp.maximum(
            jnp.dot(x_ref[...], wp_ref[...], preferred_element_type=_F32)
            + bp_ref[...], 0.0)
        hp_ref[...] = jnp.dot(dinv * h, wg_ref[...],
                              preferred_element_type=_F32)
        dinv_ref[...] = dinv

    return pl.pallas_call(
        body,
        grid=(RB,),
        in_specs=[
            pl.BlockSpec((RBS, D), lambda i: (i, 0)),
            pl.BlockSpec((NC, RBS, 1), lambda i: (0, i, 0)),
            pl.BlockSpec((D, D), lambda i: (0, 0)),
            pl.BlockSpec((1, D), lambda i: (0, 0)),
            pl.BlockSpec((D, D), lambda i: (0, 0)),
        ],
        out_specs=[
            pl.BlockSpec((RBS, D), lambda i: (i, 0)),
            pl.BlockSpec((RBS, 1), lambda i: (i, 0)),
        ],
        out_shape=[
            jax.ShapeDtypeStruct((N, D), _F32),
            jax.ShapeDtypeStruct((N, 1), _F32),
        ],
    )(x, hist, W_proj, b_proj, W_g0)


def _tcmid_call(s2, hp, dinv, b_prev, W_next):
    def body(s_ref, hp_ref, dinv_ref, b_ref, w_ref, out_ref):
        dinv = dinv_ref[...]
        h = jnp.maximum(
            dinv * (s_ref[0] + s_ref[1] + hp_ref[...]) + b_ref[...], 0.0)
        out_ref[...] = jnp.dot(dinv * h, w_ref[...],
                               preferred_element_type=_F32)

    return pl.pallas_call(
        body,
        grid=(RB,),
        in_specs=[
            pl.BlockSpec((NC, RBS, D), lambda i: (0, i, 0)),
            pl.BlockSpec((RBS, D), lambda i: (i, 0)),
            pl.BlockSpec((RBS, 1), lambda i: (i, 0)),
            pl.BlockSpec((1, D), lambda i: (0, 0)),
            pl.BlockSpec((D, D), lambda i: (0, 0)),
        ],
        out_specs=pl.BlockSpec((RBS, D), lambda i: (i, 0)),
        out_shape=jax.ShapeDtypeStruct((N, D), _F32),
    )(s2, hp, dinv, b_prev, W_next)


def _tcf_call(s2, hp, dinv, b_prev, batch, W_c1, b_c1, W_c2, b_c2):
    def body(s_ref, hp_ref, dinv_ref, b_ref, batch_ref, wc1_ref, bc1_ref,
             wc2_ref, bc2_ref, out_ref, acc, cnt):
        i = pl.program_id(0)

        @pl.when(i == 0)
        def _():
            acc[...] = jnp.zeros((NB, D), _F32)
            cnt[...] = jnp.zeros((NB, 1), _F32)

        dinv = dinv_ref[...]
        h = jnp.maximum(
            dinv * (s_ref[0] + s_ref[1] + hp_ref[...]) + b_ref[...], 0.0)
        valid_col = (i * RBS
                     + lax.broadcasted_iota(jnp.int32, (RBS, 1), 0)) < N
        h = jnp.where(valid_col, h, 0.0)
        valid_row = (i * RBS
                     + lax.broadcasted_iota(jnp.int32, (1, RBS), 1)) < N
        bb = batch_ref[pl.ds(i * RBS, RBS)]
        mask = jnp.where(
            (lax.broadcasted_iota(jnp.int32, (NB, RBS), 0) == bb[None, :])
            & valid_row, 1.0, 0.0)
        acc[...] += jnp.dot(mask, h, preferred_element_type=_F32)
        cnt[...] += jnp.sum(mask, axis=1, keepdims=True)

        @pl.when(i == RB - 1)
        def _():
            pooled = acc[...] / jnp.maximum(cnt[...], 1.0)
            z = jnp.maximum(
                jnp.dot(pooled, wc1_ref[...], preferred_element_type=_F32)
                + bc1_ref[...], 0.0)
            out_ref[...] = jnp.dot(z, wc2_ref[...],
                                   preferred_element_type=_F32) + bc2_ref[...]

    return pl.pallas_call(
        body,
        grid=(RB,),
        in_specs=[
            pl.BlockSpec((NC, RBS, D), lambda i: (0, i, 0)),
            pl.BlockSpec((RBS, D), lambda i: (i, 0)),
            pl.BlockSpec((RBS, 1), lambda i: (i, 0)),
            pl.BlockSpec((1, D), lambda i: (0, 0)),
            pl.BlockSpec((NP,), lambda i: (0,)),
            pl.BlockSpec((D, D // 2), lambda i: (0, 0)),
            pl.BlockSpec((1, D // 2), lambda i: (0, 0)),
            pl.BlockSpec((D // 2, 2), lambda i: (0, 0)),
            pl.BlockSpec((1, 2), lambda i: (0, 0)),
        ],
        out_specs=pl.BlockSpec((NB, 2), lambda i: (0, 0)),
        out_shape=jax.ShapeDtypeStruct((NB, 2), _F32),
        scratch_shapes=[
            pltpu.VMEM((NB, D), _F32),
            pltpu.VMEM((NB, 1), _F32),
        ],
    )(s2, hp, dinv, b_prev, batch, W_c1, b_c1, W_c2, b_c2)


def kernel(x, edge_index, batch, W_proj, b_proj, W_g0, b_g0, W_g1, b_g1,
           W_g2, b_g2, W_c1, b_c1, W_c2, b_c2):
    src = edge_index[0]
    dst3 = edge_index[1].reshape(NW, NCH, K)
    hist = _hist_call(dst3).reshape(NC, NP, 1)
    batch_p = jnp.pad(batch, (0, NP - N))
    zrow = jnp.zeros((8, D), _F32)
    hp0, dinv = _tc0_call(x, hist, W_proj, b_proj.reshape(1, D), W_g0)
    s0 = _agg_call(hp0, src, dst3, zrow)
    hp1 = _tcmid_call(s0, hp0, dinv, b_g0.reshape(1, D), W_g1)
    s1 = _agg_call(hp1, src, dst3, zrow)
    hp2 = _tcmid_call(s1, hp1, dinv, b_g1.reshape(1, D), W_g2)
    s2 = _agg_call(hp2, src, dst3, zrow)
    return _tcf_call(s2, hp2, dinv, b_g2.reshape(1, D), batch_p,
                     W_c1, b_c1.reshape(1, D // 2), W_c2, b_c2.reshape(1, 2))

# --- scband reference (transcript-rebuilt; emitter-appended) ---
"""Pipeline reference for scband-simple-dagnn-86466281603216 (READ-ONLY COPY).

The authoritative reference and input builder live on the scoring server;
editing this copy changes nothing except your own understanding.
"""

import jax, jax.numpy as jnp
import numpy as np

N = 10000
E = 320000
D_IN = 128
H = 128
B = 16


def setup_inputs(seed: int = 0):
    key = jax.random.key(seed)
    ks = jax.random.split(key, 12)
    x = jax.random.normal(ks[0], (N, D_IN), dtype=jnp.float32)
    edge_index = jax.random.randint(ks[1], (2, E), 0, N, dtype=jnp.int32)
    batch = jnp.sort(jax.random.randint(ks[2], (N,), 0, B, dtype=jnp.int32))

    def lin(k, fi, fo):
        return jax.random.normal(k, (fi, fo), dtype=jnp.float32) / np.sqrt(fi)

    W_proj = lin(ks[3], D_IN, H)
    b_proj = jnp.zeros((H,), jnp.float32)
    W_g0 = lin(ks[4], H, H)
    b_g0 = jnp.zeros((H,), jnp.float32)
    W_g1 = lin(ks[5], H, H)
    b_g1 = jnp.zeros((H,), jnp.float32)
    W_g2 = lin(ks[6], H, H)
    b_g2 = jnp.zeros((H,), jnp.float32)
    W_c1 = lin(ks[7], H, H // 2)
    b_c1 = jnp.zeros((H // 2,), jnp.float32)
    W_c2 = lin(ks[8], H // 2, 2)
    b_c2 = jnp.zeros((2,), jnp.float32)
    return {"x": x, "edge_index": edge_index, "batch": batch,
            "W_proj": W_proj, "b_proj": b_proj,
            "W_g0": W_g0, "b_g0": b_g0, "W_g1": W_g1, "b_g1": b_g1,
            "W_g2": W_g2, "b_g2": b_g2,
            "W_c1": W_c1, "b_c1": b_c1, "W_c2": W_c2, "b_c2": b_c2}


def gcn_conv(x, edge_index, W, b):
    n = x.shape[0]
    loop = jnp.arange(n, dtype=edge_index.dtype)
    src = jnp.concatenate([edge_index[0], loop])
    dst = jnp.concatenate([edge_index[1], loop])
    deg = jnp.zeros((n,), jnp.float32).at[dst].add(1.0)
    dinv = jnp.where(deg > 0, jax.lax.rsqrt(deg), 0.0)
    norm = dinv[src] * dinv[dst]
    h = x @ W
    msg = h[src] * norm[:, None]
    out = jnp.zeros((n, h.shape[1]), jnp.float32).at[dst].add(msg)
    return out + b


def reference(x, edge_index, batch, W_proj, b_proj, W_g0, b_g0, W_g1, b_g1, W_g2, b_g2, W_c1, b_c1, W_c2, b_c2):
    # ProjectionLayer: Linear + ReLU (dropout disabled / eval mode)
    h = jax.nn.relu(x @ W_proj + b_proj)
    for W, bb in ((W_g0, b_g0), (W_g1, b_g1), (W_g2, b_g2)):
        h = jax.nn.relu(gcn_conv(h, edge_index, W, bb))
    # global_mean_pool over batch assignment
    sums = jax.ops.segment_sum(h, batch, num_segments=B)
    cnts = jax.ops.segment_sum(jnp.ones((h.shape[0],), jnp.float32), batch, num_segments=B)
    pooled = sums / jnp.maximum(cnts, 1.0)[:, None]
    z = jax.nn.relu(pooled @ W_c1 + b_c1)
    return z @ W_c2 + b_c2

if __name__ == "__main__":
    import jax
    _d = setup_inputs()
    print(jax.jit(kernel)(*tuple(_d.values())))

</pallas_src>

<mosaic_0001>
#map = affine_map<(d0, d1) -> (0, 0)>
#map1 = affine_map<(d0, d1) -> (0)>
#map2 = affine_map<(d0, d1) -> (0, 0, 0)>
module attributes {stable_mosaic.version = 14 : i64} {
  func.func @agg_kernel(%arg0: i32, %arg1: i32, %arg2: memref<10000x128xf32, #tpu.memory_space<hbm>>, %arg3: memref<320000xi32, #tpu.memory_space<hbm>>, %arg4: memref<32x125x80xi32, #tpu.memory_space<hbm>>, %arg5: memref<8x128xf32, #tpu.memory_space<hbm>>, %arg6: memref<2x10240x128xf32, #tpu.memory_space<hbm>>, %arg7: memref<10240x128xf32, #tpu.memory_space<vmem_shared>>, %arg8: memref<8x128xf32, #tpu.memory_space<vmem>>, %arg9: memref<80xi32, #tpu.memory_space<vmem>>, %arg10: memref<80xi32, #tpu.memory_space<vmem>>, %arg11: memref<80xi32, #tpu.memory_space<vmem>>, %arg12: memref<80xi32, #tpu.memory_space<vmem>>, %arg13: memref<1x80xi32, #tpu.memory_space<vmem>>, %arg14: memref<1x80xi32, #tpu.memory_space<vmem>>, %arg15: memref<1x80xi32, #tpu.memory_space<vmem>>, %arg16: memref<1x80xi32, #tpu.memory_space<vmem>>, %arg17: memref<80x128xf32, #tpu.memory_space<vmem>>, %arg18: memref<80x128xf32, #tpu.memory_space<vmem>>, %arg19: memref<80x128xf32, #tpu.memory_space<vmem>>, %arg20: memref<80x128xf32, #tpu.memory_space<vmem>>, %arg21: memref<!tpu.dma_semaphore, #tpu.memory_space<semaphore_mem>>, %arg22: memref<!tpu.dma_semaphore, #tpu.memory_space<semaphore_mem>>, %arg23: memref<!tpu.dma_semaphore, #tpu.memory_space<semaphore_mem>>, %arg24: memref<!tpu.dma_semaphore, #tpu.memory_space<semaphore_mem>>, %arg25: memref<!tpu.dma_semaphore, #tpu.memory_space<semaphore_mem>>, %arg26: memref<!tpu.dma_semaphore, #tpu.memory_space<semaphore_mem>>, %arg27: memref<!tpu.dma_semaphore, #tpu.memory_space<semaphore_mem>>, %arg28: memref<!tpu.dma_semaphore, #tpu.memory_space<semaphore_mem>>, %arg29: memref<!tpu.dma_semaphore, #tpu.memory_space<semaphore_mem>>, %arg30: memref<!tpu.dma_semaphore, #tpu.memory_space<semaphore_mem>>, %arg31: memref<!tpu.dma_semaphore, #tpu.memory_space<semaphore_mem>>, %arg32: memref<!tpu.dma_semaphore, #tpu.memory_space<semaphore_mem>>, %arg33: memref<!tpu.dma_semaphore, #tpu.memory_space<semaphore_mem>>, %arg34: memref<!tpu.dma_semaphore, #tpu.memory_space<semaphore_mem>>, %arg35: memref<!tpu.dma_semaphore, #tpu.memory_space<semaphore_mem>>, %arg36: memref<!tpu.dma_semaphore, #tpu.memory_space<semaphore_mem>>) attributes {dimension_semantics = [#tpu.dimension_semantics<core_parallel>, #tpu.dimension_semantics<subcore_parallel>], iteration_bounds = array<i64: 2, 16>, scalar_prefetch = 0 : i64, scratch_operands = 30 : i64, tpu.core_type = #tpu.core_type<sc_vector_subcore>, window_params = [{transform_indices = #map}, {transform_indices = #map1}, {transform_indices = #map2}, {transform_indices = #map}, {transform_indices = #map2}]} {
    %mul3A = arith.constant 16 : i32
    %mul3A_0 = arith.muli %arg0, %mul3A : i32
    %add3A = arith.addi %mul3A_0, %arg1 : i32
    %mul3A_1 = arith.constant 10000 : i32
    %mul3A_2 = arith.muli %add3A, %mul3A_1 : i32
    %add3A_3 = arith.constant 0 : i32
    %add3A_4 = arith.addi %mul3A_2, %add3A_3 : i32
    %dma_start3A = tpu.memref_slice %arg3[%add3A_4] : memref<320000xi32, #tpu.memory_space<hbm>> -> memref<80xi32, #tpu.memory_space<hbm>>
    %dma_start3A_5 = tpu.memref_slice %arg3[%add3A_4] : memref<320000xi32, #tpu.memory_space<hbm>> -> memref<80xi32, #tpu.memory_space<hbm>>
    tpu.enqueue_dma source(%dma_start3A_5 : memref<80xi32, #tpu.memory_space<hbm>>) target(%arg9 : memref<80xi32, #tpu.memory_space<vmem>>) target_semaphore(%arg29 : memref<!tpu.dma_semaphore, #tpu.memory_space<semaphore_mem>>)
    %mul3A_6 = arith.constant 10000 : i32
    %mul3A_7 = arith.muli %add3A, %mul3A_6 : i32
    %add3A_8 = arith.constant 80 : i32
    %add3A_9 = arith.addi %mul3A_7, %add3A_8 : i32
    %dma_start3A_10 = tpu.memref_slice %arg3[%add3A_9] : memref<320000xi32, #tpu.memory_space<hbm>> -> memref<80xi32, #tpu.memory_space<hbm>>
    %dma_start3A_11 = tpu.memref_slice %arg3[%add3A_9] : memref<320000xi32, #tpu.memory_space<hbm>> -> memref<80xi32, #tpu.memory_space<hbm>>
    tpu.enqueue_dma source(%dma_start3A_11 : memref<80xi32, #tpu.memory_space<hbm>>) target(%arg10 : memref<80xi32, #tpu.memory_space<vmem>>) target_semaphore(%arg30 : memref<!tpu.dma_semaphore, #tpu.memory_space<semaphore_mem>>)
    %mul3A_12 = arith.constant 10000 : i32
    %mul3A_13 = arith.muli %add3A, %mul3A_12 : i32
    %add3A_14 = arith.constant 160 : i32
    %add3A_15 = arith.addi %mul3A_13, %add3A_14 : i32
    %dma_start3A_16 = tpu.memref_slice %arg3[%add3A_15] : memref<320000xi32, #tpu.memory_space<hbm>> -> memref<80xi32, #tpu.memory_space<hbm>>
    %dma_start3A_17 = tpu.memref_slice %arg3[%add3A_15] : memref<320000xi32, #tpu.memory_space<hbm>> -> memref<80xi32, #tpu.memory_space<hbm>>
    tpu.enqueue_dma source(%dma_start3A_17 : memref<80xi32, #tpu.memory_space<hbm>>) target(%arg11 : memref<80xi32, #tpu.memory_space<vmem>>) target_semaphore(%arg31 : memref<!tpu.dma_semaphore, #tpu.memory_space<semaphore_mem>>)
    %mul3A_18 = arith.constant 10000 : i32
    %mul3A_19 = arith.muli %add3A, %mul3A_18 : i32
    %add3A_20 = arith.constant 240 : i32
    %add3A_21 = arith.addi %mul3A_19, %add3A_20 : i32
    %dma_start3A_22 = tpu.memref_slice %arg3[%add3A_21] : memref<320000xi32, #tpu.memory_space<hbm>> -> memref<80xi32, #tpu.memory_space<hbm>>
    %dma_start3A_23 = tpu.memref_slice %arg3[%add3A_21] : memref<320000xi32, #tpu.memory_space<hbm>> -> memref<80xi32, #tpu.memory_space<hbm>>
    tpu.enqueue_dma source(%dma_start3A_23 : memref<80xi32, #tpu.memory_space<hbm>>) target(%arg12 : memref<80xi32, #tpu.memory_space<vmem>>) target_semaphore(%arg32 : memref<!tpu.dma_semaphore, #tpu.memory_space<semaphore_mem>>)
    %dma_start3A_24 = arith.constant 0 : i32
    %dma_start3A_25 = arith.constant 0 : i32
    %dma_start3A_26 = tpu.memref_slice %arg4[%add3A, %dma_start3A_24, %dma_start3A_25] : memref<32x125x80xi32, #tpu.memory_space<hbm>> -> memref<1x1x80xi32, #tpu.memory_space<hbm>>
    %dma_start3A_27 = tpu.memref_squeeze %dma_start3A_26 : memref<1x1x80xi32, #tpu.memory_space<hbm>> -> memref<1x80xi32, #tpu.memory_space<hbm>>
    %dma_start3A_28 = arith.constant 0 : i32
    %dma_start3A_29 = arith.constant 0 : i32
    %dma_start3A_30 = tpu.memref_slice %arg4[%add3A, %dma_start3A_28, %dma_start3A_29] : memref<32x125x80xi32, #tpu.memory_space<hbm>> -> memref<1x1x80xi32, #tpu.memory_space<hbm>>
    %dma_start3A_31 = tpu.memref_squeeze %dma_start3A_30 : memref<1x1x80xi32, #tpu.memory_space<hbm>> -> memref<1x80xi32, #tpu.memory_space<hbm>>
    tpu.enqueue_dma source(%dma_start3A_31 : memref<1x80xi32, #tpu.memory_space<hbm>>) target(%arg13 : memref<1x80xi32, #tpu.memory_space<vmem>>) target_semaphore(%arg33 : memref<!tpu.dma_semaphore, #tpu.memory_space<semaphore_mem>>)
    %dma_start3A_32 = arith.constant 1 : i32
    %dma_start3A_33 = arith.constant 0 : i32
    %dma_start3A_34 = tpu.memref_slice %arg4[%add3A, %dma_start3A_32, %dma_start3A_33] : memref<32x125x80xi32, #tpu.memory_space<hbm>> -> memref<1x1x80xi32, #tpu.memory_space<hbm>>
    %dma_start3A_35 = tpu.memref_squeeze %dma_start3A_34 : memref<1x1x80xi32, #tpu.memory_space<hbm>> -> memref<1x80xi32, #tpu.memory_space<hbm>>
    %dma_start3A_36 = arith.constant 1 : i32
    %dma_start3A_37 = arith.constant 0 : i32
    %dma_start3A_38 = tpu.memref_slice %arg4[%add3A, %dma_start3A_36, %dma_start3A_37] : memref<32x125x80xi32, #tpu.memory_space<hbm>> -> memref<1x1x80xi32, #tpu.memory_space<hbm>>
    %dma_start3A_39 = tpu.memref_squeeze %dma_start3A_38 : memref<1x1x80xi32, #tpu.memory_space<hbm>> -> memref<1x80xi32, #tpu.memory_space<hbm>>
    tpu.enqueue_dma source(%dma_start3A_39 : memref<1x80xi32, #tpu.memory_space<hbm>>) target(%arg14 : memref<1x80xi32, #tpu.memory_space<vmem>>) target_semaphore(%arg34 : memref<!tpu.dma_semaphore, #tpu.memory_space<semaphore_mem>>)
    %dma_start3A_40 = arith.constant 2 : i32
    %dma_start3A_41 = arith.constant 0 : i32
    %dma_start3A_42 = tpu.memref_slice %arg4[%add3A, %dma_start3A_40, %dma_start3A_41] : memref<32x125x80xi32, #tpu.memory_space<hbm>> -> memref<1x1x80xi32, #tpu.memory_space<hbm>>
    %dma_start3A_43 = tpu.memref_squeeze %dma_start3A_42 : memref<1x1x80xi32, #tpu.memory_space<hbm>> -> memref<1x80xi32, #tpu.memory_space<hbm>>
    %dma_start3A_44 = arith.constant 2 : i32
    %dma_start3A_45 = arith.constant 0 : i32
    %dma_start3A_46 = tpu.memref_slice %arg4[%add3A, %dma_start3A_44, %dma_start3A_45] : memref<32x125x80xi32, #tpu.memory_space<hbm>> -> memref<1x1x80xi32, #tpu.memory_space<hbm>>
    %dma_start3A_47 = tpu.memref_squeeze %dma_start3A_46 : memref<1x1x80xi32, #tpu.memory_space<hbm>> -> memref<1x80xi32, #tpu.memory_space<hbm>>
    tpu.enqueue_dma source(%dma_start3A_47 : memref<1x80xi32, #tpu.memory_space<hbm>>) target(%arg15 : memref<1x80xi32, #tpu.memory_space<vmem>>) target_semaphore(%arg35 : memref<!tpu.dma_semaphore, #tpu.memory_space<semaphore_mem>>)
    %dma_start3A_48 = arith.constant 3 : i32
    %dma_start3A_49 = arith.constant 0 : i32
    %dma_start3A_50 = tpu.memref_slice %arg4[%add3A, %dma_start3A_48, %dma_start3A_49] : memref<32x125x80xi32, #tpu.memory_space<hbm>> -> memref<1x1x80xi32, #tpu.memory_space<hbm>>
    %dma_start3A_51 = tpu.memref_squeeze %dma_start3A_50 : memref<1x1x80xi32, #tpu.memory_space<hbm>> -> memref<1x80xi32, #tpu.memory_space<hbm>>
    %dma_start3A_52 = arith.constant 3 : i32
    %dma_start3A_53 = arith.constant 0 : i32
    %dma_start3A_54 = tpu.memref_slice %arg4[%add3A, %dma_start3A_52, %dma_start3A_53] : memref<32x125x80xi32, #tpu.memory_space<hbm>> -> memref<1x1x80xi32, #tpu.memory_space<hbm>>
    %dma_start3A_55 = tpu.memref_squeeze %dma_start3A_54 : memref<1x1x80xi32, #tpu.memory_space<hbm>> -> memref<1x80xi32, #tpu.memory_space<hbm>>
    tpu.enqueue_dma source(%dma_start3A_55 : memref<1x80xi32, #tpu.memory_space<hbm>>) target(%arg16 : memref<1x80xi32, #tpu.memory_space<vmem>>) target_semaphore(%arg36 : memref<!tpu.dma_semaphore, #tpu.memory_space<semaphore_mem>>)
    %mul3A_56 = arith.constant 10000 : i32
    %mul3A_57 = arith.muli %add3A, %mul3A_56 : i32
    %dma_wait3A = tpu.memref_slice %arg3[%mul3A_57] : memref<320000xi32, #tpu.memory_space<hbm>> -> memref<80xi32, #tpu.memory_space<hbm>>
    %dma_wait3A_58 = tpu.memref_slice %arg3[%mul3A_57] : memref<320000xi32, #tpu.memory_space<hbm>> -> memref<80xi32, #tpu.memory_space<hbm>>
    tpu.wait_dma2 semaphore(%arg29 : memref<!tpu.dma_semaphore, #tpu.memory_space<semaphore_mem>>) src(%dma_wait3A_58 : memref<80xi32, #tpu.memory_space<hbm>>) dst(%arg9 : memref<80xi32, #tpu.memory_space<vmem>>)
    %dma_start3A_59 = arith.constant 0 : i32
    %dma_start3A_60 = arith.constant 0 : i32
    %dma_start3A_61 = tpu.memref_slice %arg2[%dma_start3A_59, %dma_start3A_60] : memref<10000x128xf32, #tpu.memory_space<hbm>> -> memref<10000x128xf32, #tpu.memory_space<hbm>>
    tpu.enqueue_indirect_dma source(%dma_start3A_61 : memref<10000x128xf32, #tpu.memory_space<hbm>>) target(%arg17 : memref<80x128xf32, #tpu.memory_space<vmem>>) offsets(%arg9 : memref<80xi32, #tpu.memory_space<vmem>>) semaphore(%arg21 : memref<!tpu.dma_semaphore, #tpu.memory_space<semaphore_mem>>)
    %mul3A_62 = arith.constant 10000 : i32
    %mul3A_63 = arith.muli %add3A, %mul3A_62 : i32
    %dma_wait3A_64 = tpu.memref_slice %arg3[%mul3A_63] : memref<320000xi32, #tpu.memory_space<hbm>> -> memref<80xi32, #tpu.memory_space<hbm>>
    %dma_wait3A_65 = tpu.memref_slice %arg3[%mul3A_63] : memref<320000xi32, #tpu.memory_space<hbm>> -> memref<80xi32, #tpu.memory_space<hbm>>
    tpu.wait_dma2 semaphore(%arg30 : memref<!tpu.dma_semaphore, #tpu.memory_space<semaphore_mem>>) src(%dma_wait3A_65 : memref<80xi32, #tpu.memory_space<hbm>>) dst(%arg10 : memref<80xi32, #tpu.memory_space<vmem>>)
    %dma_start3A_66 = arith.constant 0 : i32
    %dma_start3A_67 = arith.constant 0 : i32
    %dma_start3A_68 = tpu.memref_slice %arg2[%dma_start3A_66, %dma_start3A_67] : memref<10000x128xf32, #tpu.memory_space<hbm>> -> memref<10000x128xf32, #tpu.memory_space<hbm>>
    tpu.enqueue_indirect_dma source(%dma_start3A_68 : memref<10000x128xf32, #tpu.memory_space<hbm>>) target(%arg18 : memref<80x128xf32, #tpu.memory_space<vmem>>) offsets(%arg10 : memref<80xi32, #tpu.memory_space<vmem>>) semaphore(%arg22 : memref<!tpu.dma_semaphore, #tpu.memory_space<semaphore_mem>>)
    %mul3A_69 = arith.constant 10000 : i32
    %mul3A_70 = arith.muli %add3A, %mul3A_69 : i32
    %dma_wait3A_71 = tpu.memref_slice %arg3[%mul3A_70] : memref<320000xi32, #tpu.memory_space<hbm>> -> memref<80xi32, #tpu.memory_space<hbm>>
    %dma_wait3A_72 = tpu.memref_slice %arg3[%mul3A_70] : memref<320000xi32, #tpu.memory_space<hbm>> -> memref<80xi32, #tpu.memory_space<hbm>>
    tpu.wait_dma2 semaphore(%arg31 : memref<!tpu.dma_semaphore, #tpu.memory_space<semaphore_mem>>) src(%dma_wait3A_72 : memref<80xi32, #tpu.memory_space<hbm>>) dst(%arg11 : memref<80xi32, #tpu.memory_space<vmem>>)
    %dma_start3A_73 = arith.constant 0 : i32
    %dma_start3A_74 = arith.constant 0 : i32
    %dma_start3A_75 = tpu.memref_slice %arg2[%dma_start3A_73, %dma_start3A_74] : memref<10000x128xf32, #tpu.memory_space<hbm>> -> memref<10000x128xf32, #tpu.memory_space<hbm>>
    tpu.enqueue_indirect_dma source(%dma_start3A_75 : memref<10000x128xf32, #tpu.memory_space<hbm>>) target(%arg19 : memref<80x128xf32, #tpu.memory_space<vmem>>) offsets(%arg11 : memref<80xi32, #tpu.memory_space<vmem>>) semaphore(%arg23 : memref<!tpu.dma_semaphore, #tpu.memory_space<semaphore_mem>>)
    %mul3A_76 = arith.constant 10000 : i32
    %mul3A_77 = arith.muli %add3A, %mul3A_76 : i32
    %dma_wait3A_78 = tpu.memref_slice %arg3[%mul3A_77] : memref<320000xi32, #tpu.memory_space<hbm>> -> memref<80xi32, #tpu.memory_space<hbm>>
    %dma_wait3A_79 = tpu.memref_slice %arg3[%mul3A_77] : memref<320000xi32, #tpu.memory_space<hbm>> -> memref<80xi32, #tpu.memory_space<hbm>>
    tpu.wait_dma2 semaphore(%arg32 : memref<!tpu.dma_semaphore, #tpu.memory_space<semaphore_mem>>) src(%dma_wait3A_79 : memref<80xi32, #tpu.memory_space<hbm>>) dst(%arg12 : memref<80xi32, #tpu.memory_space<vmem>>)
    %dma_start3A_80 = arith.constant 0 : i32
    %dma_start3A_81 = arith.constant 0 : i32
    %dma_start3A_82 = tpu.memref_slice %arg2[%dma_start3A_80, %dma_start3A_81] : memref<10000x128xf32, #tpu.memory_space<hbm>> -> memref<10000x128xf32, #tpu.memory_space<hbm>>
    tpu.enqueue_indirect_dma source(%dma_start3A_82 : memref<10000x128xf32, #tpu.memory_space<hbm>>) target(%arg20 : memref<80x128xf32, #tpu.memory_space<vmem>>) offsets(%arg12 : memref<80xi32, #tpu.memory_space<vmem>>) semaphore(%arg24 : memref<!tpu.dma_semaphore, #tpu.memory_space<semaphore_mem>>)
    "tpu.region"() ({
      %run_scoped3A = tpu.sem_alloc : memref<!tpu.dma_semaphore, #tpu.memory_space<semaphore_mem>>
      tpu.enqueue_dma source(%arg5 : memref<8x128xf32, #tpu.memory_space<hbm>>) target(%arg8 : memref<8x128xf32, #tpu.memory_space<vmem>>) target_semaphore(%run_scoped3A : memref<!tpu.dma_semaphore, #tpu.memory_space<semaphore_mem>>)
      tpu.wait_dma2 semaphore(%run_scoped3A : memref<!tpu.dma_semaphore, #tpu.memory_space<semaphore_mem>>) src(%arg5 : memref<8x128xf32, #tpu.memory_space<hbm>>) dst(%arg8 : memref<8x128xf32, #tpu.memory_space<vmem>>)
      tpu.yield
    }) : () -> ()
    %scan3A = arith.constant 0 : i32
    %scan3A_83 = arith.constant 0 : i32
    %scan3A_84 = arith.constant 80 : i32
    %scan3A_85 = arith.addi %scan3A_83, %scan3A_84 : i32
    %scan3A_86 = arith.constant 1 : i32
    %scan3A_87 = scf.for %scan3A_247 = %scan3A_83 to %scan3A_85 step %scan3A_86 iter_args(%scan3A_248 = %scan3A) -> (i32)  : i32 {
      %mul3A_249 = arith.constant 640 : i32
      %mul3A_250 = arith.muli %arg1, %mul3A_249 : i32
      %mul3A_251 = arith.constant 8 : i32
      %mul3A_252 = arith.muli %scan3A_247, %mul3A_251 : i32
      %add3A_253 = arith.addi %mul3A_250, %mul3A_252 : i32
      "tpu.region"() ({
        %run_scoped3A = tpu.sem_alloc : memref<!tpu.dma_semaphore, #tpu.memory_space<semaphore_mem>>
        %dma_start3A_255 = arith.constant 0 : i32
        %dma_start3A_256 = tpu.memref_slice %arg7[%add3A_253, %dma_start3A_255] : memref<10240x128xf32, #tpu.memory_space<vmem_shared>> -> memref<8x128xf32, #tpu.memory_space<vmem_shared>>
        %dma_start3A_257 = arith.constant 0 : i32
        %dma_start3A_258 = tpu.memref_slice %arg7[%add3A_253, %dma_start3A_257] : memref<10240x128xf32, #tpu.memory_space<vmem_shared>> -> memref<8x128xf32, #tpu.memory_space<vmem_shared>>
        tpu.enqueue_dma source(%arg8 : memref<8x128xf32, #tpu.memory_space<vmem>>) target(%dma_start3A_258 : memref<8x128xf32, #tpu.memory_space<vmem_shared>>) target_semaphore(%run_scoped3A : memref<!tpu.dma_semaphore, #tpu.memory_space<semaphore_mem>>)
        %dma_wait3A_259 = arith.constant 0 : i32
        %dma_wait3A_260 = tpu.memref_slice %arg7[%add3A_253, %dma_wait3A_259] : memref<10240x128xf32, #tpu.memory_space<vmem_shared>> -> memref<8x128xf32, #tpu.memory_space<vmem_shared>>
        %dma_wait3A_261 = arith.constant 0 : i32
        %dma_wait3A_262 = tpu.memref_slice %arg7[%add3A_253, %dma_wait3A_261] : memref<10240x128xf32, #tpu.memory_space<vmem_shared>> -> memref<8x128xf32, #tpu.memory_space<vmem_shared>>
        tpu.wait_dma2 semaphore(%run_scoped3A : memref<!tpu.dma_semaphore, #tpu.memory_space<semaphore_mem>>) src(%arg8 : memref<8x128xf32, #tpu.memory_space<vmem>>) dst(%dma_wait3A_262 : memref<8x128xf32, #tpu.memory_space<vmem_shared>>)
        tpu.yield
      }) : () -> ()
      %scan3A_254 = arith.constant 0 : i32
      scf.yield %scan3A_254 : i32
    }
    %scan3A_88 = arith.constant 80 : i32
    %barrier3A = arith.constant 0 : index
    tpu.barrier barrier_id(%barrier3A)
    %scan3A_89 = arith.constant 0 : i32
    %scan3A_90 = arith.constant 0 : i32
    %scan3A_91 = arith.constant 30 : i32
    %scan3A_92 = arith.addi %scan3A_90, %scan3A_91 : i32
    %scan3A_93 = arith.constant 1 : i32
    %scan3A_94 = scf.for %scan3A_247 = %scan3A_90 to %scan3A_92 step %scan3A_93 iter_args(%scan3A_248 = %scan3A_89) -> (i32)  : i32 {
      %mul3A_249 = arith.constant 4 : i32
      %mul3A_250 = arith.muli %scan3A_247, %mul3A_249 : i32
      %add3A_251 = arith.constant 0 : i32
      %add3A_252 = arith.addi %mul3A_250, %add3A_251 : i32
      %dma_wait3A_253 = arith.constant 0 : i32
      %dma_wait3A_254 = arith.constant 0 : i32
      %dma_wait3A_255 = tpu.memref_slice %arg2[%dma_wait3A_253, %dma_wait3A_254] : memref<10000x128xf32, #tpu.memory_space<hbm>> -> memref<10000x128xf32, #tpu.memory_space<hbm>>
      tpu.wait_indirect_dma semaphore(%arg21 : memref<!tpu.dma_semaphore, #tpu.memory_space<semaphore_mem>>) src(%dma_wait3A_255 : memref<10000x128xf32, #tpu.memory_space<hbm>>) dst(%arg17 : memref<80x128xf32, #tpu.memory_space<vmem>>)
      %add3A_256 = arith.constant 4 : i32
      %add3A_257 = arith.addi %add3A_252, %add3A_256 : i32
      %mul3A_258 = arith.constant 10000 : i32
      %mul3A_259 = arith.muli %add3A, %mul3A_258 : i32
      %mul3A_260 = arith.constant 80 : i32
      %mul3A_261 = arith.muli %add3A_257, %mul3A_260 : i32
      %add3A_262 = arith.addi %mul3A_259, %mul3A_261 : i32
      %dma_start3A_263 = tpu.memref_slice %arg3[%add3A_262] : memref<320000xi32, #tpu.memory_space<hbm>> -> memref<80xi32, #tpu.memory_space<hbm>>
      %dma_start3A_264 = tpu.memref_slice %arg3[%add3A_262] : memref<320000xi32, #tpu.memory_space<hbm>> -> memref<80xi32, #tpu.memory_space<hbm>>
      tpu.enqueue_dma source(%dma_start3A_264 : memref<80xi32, #tpu.memory_space<hbm>>) target(%arg9 : memref<80xi32, #tpu.memory_space<vmem>>) target_semaphore(%arg29 : memref<!tpu.dma_semaphore, #tpu.memory_space<semaphore_mem>>)
      %dma_wait3A_265 = arith.constant 0 : i32
      %dma_wait3A_266 = arith.constant 0 : i32
      %dma_wait3A_267 = tpu.memref_slice %arg4[%add3A, %dma_wait3A_265, %dma_wait3A_266] : memref<32x125x80xi32, #tpu.memory_space<hbm>> -> memref<1x1x80xi32, #tpu.memory_space<hbm>>
      %dma_wait3A_268 = tpu.memref_squeeze %dma_wait3A_267 : memref<1x1x80xi32, #tpu.memory_space<hbm>> -> memref<1x80xi32, #tpu.memory_space<hbm>>
      %dma_wait3A_269 = arith.constant 0 : i32
      %dma_wait3A_270 = arith.constant 0 : i32
      %dma_wait3A_271 = tpu.memref_slice %arg4[%add3A, %dma_wait3A_269, %dma_wait3A_270] : memref<32x125x80xi32, #tpu.memory_space<hbm>> -> memref<1x1x80xi32, #tpu.memory_space<hbm>>
      %dma_wait3A_272 = tpu.memref_squeeze %dma_wait3A_271 : memref<1x1x80xi32, #tpu.memory_space<hbm>> -> memref<1x80xi32, #tpu.memory_space<hbm>>
      tpu.wait_dma2 semaphore(%arg33 : memref<!tpu.dma_semaphore, #tpu.memory_space<semaphore_mem>>) src(%dma_wait3A_272 : memref<1x80xi32, #tpu.memory_space<hbm>>) dst(%arg13 : memref<1x80xi32, #tpu.memory_space<vmem>>)
      %dma_start3A_273 = arith.constant 0 : i32
      %dma_start3A_274 = arith.constant 0 : i32
      %dma_start3A_275 = tpu.memref_slice %arg13[%dma_start3A_273, %dma_start3A_274] : memref<1x80xi32, #tpu.memory_space<vmem>> -> memref<1x80xi32, #tpu.memory_space<vmem>>
      %dma_start3A_276 = tpu.memref_squeeze %dma_start3A_275 : memref<1x80xi32, #tpu.memory_space<vmem>> -> memref<80xi32, #tpu.memory_space<vmem>>
      %dma_start3A_277 = arith.constant 0 : i32
      %dma_start3A_278 = arith.constant 0 : i32
      %dma_start3A_279 = tpu.memref_slice %arg7[%dma_start3A_277, %dma_start3A_278] : memref<10240x128xf32, #tpu.memory_space<vmem_shared>> -> memref<10240x128xf32, #tpu.memory_space<vmem_shared>>
      tpu.enqueue_indirect_dma source(%arg17 : memref<80x128xf32, #tpu.memory_space<vmem>>) target(%dma_start3A_279 : memref<10240x128xf32, #tpu.memory_space<vmem_shared>>) offsets(%dma_start3A_276 : memref<80xi32, #tpu.memory_space<vmem>>) semaphore(%arg25 : memref<!tpu.dma_semaphore, #tpu.memory_space<semaphore_mem>>) {add = true}
      %dma_wait3A_280 = arith.constant 0 : i32
      %dma_wait3A_281 = arith.constant 0 : i32
      %dma_wait3A_282 = tpu.memref_slice %arg13[%dma_wait3A_280, %dma_wait3A_281] : memref<1x80xi32, #tpu.memory_space<vmem>> -> memref<1x80xi32, #tpu.memory_space<vmem>>
      %dma_wait3A_283 = tpu.memref_squeeze %dma_wait3A_282 : memref<1x80xi32, #tpu.memory_space<vmem>> -> memref<80xi32, #tpu.memory_space<vmem>>
      %dma_wait3A_284 = arith.constant 0 : i32
      %dma_wait3A_285 = arith.constant 0 : i32
      %dma_wait3A_286 = tpu.memref_slice %arg7[%dma_wait3A_284, %dma_wait3A_285] : memref<10240x128xf32, #tpu.memory_space<vmem_shared>> -> memref<10240x128xf32, #tpu.memory_space<vmem_shared>>
      tpu.wait_indirect_dma semaphore(%arg25 : memref<!tpu.dma_semaphore, #tpu.memory_space<semaphore_mem>>) src(%arg17 : memref<80x128xf32, #tpu.memory_space<vmem>>) dst(%dma_wait3A_286 : memref<10240x128xf32, #tpu.memory_space<vmem_shared>>)
      %add3A_287 = arith.constant 4 : i32
      %add3A_288 = arith.addi %add3A_252, %add3A_287 : i32
      %dma_start3A_289 = arith.constant 0 : i32
      %dma_start3A_290 = tpu.memref_slice %arg4[%add3A, %add3A_288, %dma_start3A_289] : memref<32x125x80xi32, #tpu.memory_space<hbm>> -> memref<1x1x80xi32, #tpu.memory_space<hbm>>
      %dma_start3A_291 = tpu.memref_squeeze %dma_start3A_290 : memref<1x1x80xi32, #tpu.memory_space<hbm>> -> memref<1x80xi32, #tpu.memory_space<hbm>>
      %dma_start3A_292 = arith.constant 0 : i32
      %dma_start3A_293 = tpu.memref_slice %arg4[%add3A, %add3A_288, %dma_start3A_292] : memref<32x125x80xi32, #tpu.memory_space<hbm>> -> memref<1x1x80xi32, #tpu.memory_space<hbm>>
      %dma_start3A_294 = tpu.memref_squeeze %dma_start3A_293 : memref<1x1x80xi32, #tpu.memory_space<hbm>> -> memref<1x80xi32, #tpu.memory_space<hbm>>
      tpu.enqueue_dma source(%dma_start3A_294 : memref<1x80xi32, #tpu.memory_space<hbm>>) target(%arg13 : memref<1x80xi32, #tpu.memory_space<vmem>>) target_semaphore(%arg33 : memref<!tpu.dma_semaphore, #tpu.memory_space<semaphore_mem>>)
      %mul3A_295 = arith.constant 10000 : i32
      %mul3A_296 = arith.muli %add3A, %mul3A_295 : i32
      %dma_wait3A_297 = tpu.memref_slice %arg3[%mul3A_296] : memref<320000xi32, #tpu.memory_space<hbm>> -> memref<80xi32, #tpu.memory_space<hbm>>
      %dma_wait3A_298 = tpu.memref_slice %arg3[%mul3A_296] : memref<320000xi32, #tpu.memory_space<hbm>> -> memref<80xi32, #tpu.memory_space<hbm>>
      tpu.wait_dma2 semaphore(%arg29 : memref<!tpu.dma_semaphore, #tpu.memory_space<semaphore_mem>>) src(%dma_wait3A_298 : memref<80xi32, #tpu.memory_space<hbm>>) dst(%arg9 : memref<80xi32, #tpu.memory_space<vmem>>)
      %dma_start3A_299 = arith.constant 0 : i32
      %dma_start3A_300 = arith.constant 0 : i32
      %dma_start3A_301 = tpu.memref_slice %arg2[%dma_start3A_299, %dma_start3A_300] : memref<10000x128xf32, #tpu.memory_space<hbm>> -> memref<10000x128xf32, #tpu.memory_space<hbm>>
      tpu.enqueue_indirect_dma source(%dma_start3A_301 : memref<10000x128xf32, #tpu.memory_space<hbm>>) target(%arg17 : memref<80x128xf32, #tpu.memory_space<vmem>>) offsets(%arg9 : memref<80xi32, #tpu.memory_space<vmem>>) semaphore(%arg21 : memref<!tpu.dma_semaphore, #tpu.memory_space<semaphore_mem>>)
      %mul3A_302 = arith.constant 4 : i32
      %mul3A_303 = arith.muli %scan3A_247, %mul3A_302 : i32
      %add3A_304 = arith.constant 1 : i32
      %add3A_305 = arith.addi %mul3A_303, %add3A_304 : i32
      %dma_wait3A_306 = arith.constant 0 : i32
      %dma_wait3A_307 = arith.constant 0 : i32
      %dma_wait3A_308 = tpu.memref_slice %arg2[%dma_wait3A_306, %dma_wait3A_307] : memref<10000x128xf32, #tpu.memory_space<hbm>> -> memref<10000x128xf32, #tpu.memory_space<hbm>>
      tpu.wait_indirect_dma semaphore(%arg22 : memref<!tpu.dma_semaphore, #tpu.memory_space<semaphore_mem>>) src(%dma_wait3A_308 : memref<10000x128xf32, #tpu.memory_space<hbm>>) dst(%arg18 : memref<80x128xf32, #tpu.memory_space<vmem>>)
      %add3A_309 = arith.constant 4 : i32
      %add3A_310 = arith.addi %add3A_305, %add3A_309 : i32
      %mul3A_311 = arith.constant 10000 : i32
      %mul3A_312 = arith.muli %add3A, %mul3A_311 : i32
      %mul3A_313 = arith.constant 80 : i32
      %mul3A_314 = arith.muli %add3A_310, %mul3A_313 : i32
      %add3A_315 = arith.addi %mul3A_312, %mul3A_314 : i32
      %dma_start3A_316 = tpu.memref_slice %arg3[%add3A_315] : memref<320000xi32, #tpu.memory_space<hbm>> -> memref<80xi32, #tpu.memory_space<hbm>>
      %dma_start3A_317 = tpu.memref_slice %arg3[%add3A_315] : memref<320000xi32, #tpu.memory_space<hbm>> -> memref<80xi32, #tpu.memory_space<hbm>>
      tpu.enqueue_dma source(%dma_start3A_317 : memref<80xi32, #tpu.memory_space<hbm>>) target(%arg10 : memref<80xi32, #tpu.memory_space<vmem>>) target_semaphore(%arg30 : memref<!tpu.dma_semaphore, #tpu.memory_space<semaphore_mem>>)
      %dma_wait3A_318 = arith.constant 0 : i32
      %dma_wait3A_319 = arith.constant 0 : i32
      %dma_wait3A_320 = tpu.memref_slice %arg4[%add3A, %dma_wait3A_318, %dma_wait3A_319] : memref<32x125x80xi32, #tpu.memory_space<hbm>> -> memref<1x1x80xi32, #tpu.memory_space<hbm>>
      %dma_wait3A_321 = tpu.memref_squeeze %dma_wait3A_320 : memref<1x1x80xi32, #tpu.memory_space<hbm>> -> memref<1x80xi32, #tpu.memory_space<hbm>>
      %dma_wait3A_322 = arith.constant 0 : i32
      %dma_wait3A_323 = arith.constant 0 : i32
      %dma_wait3A_324 = tpu.memref_slice %arg4[%add3A, %dma_wait3A_322, %dma_wait3A_323] : memref<32x125x80xi32, #tpu.memory_space<hbm>> -> memref<1x1x80xi32, #tpu.memory_space<hbm>>
      %dma_wait3A_325 = tpu.memref_squeeze %dma_wait3A_324 : memref<1x1x80xi32, #tpu.memory_space<hbm>> -> memref<1x80xi32, #tpu.memory_space<hbm>>
      tpu.wait_dma2 semaphore(%arg34 : memref<!tpu.dma_semaphore, #tpu.memory_space<semaphore_mem>>) src(%dma_wait3A_325 : memref<1x80xi32, #tpu.memory_space<hbm>>) dst(%arg14 : memref<1x80xi32, #tpu.memory_space<vmem>>)
      %dma_start3A_326 = arith.constant 0 : i32
      %dma_start3A_327 = arith.constant 0 : i32
      %dma_start3A_328 = tpu.memref_slice %arg14[%dma_start3A_326, %dma_start3A_327] : memref<1x80xi32, #tpu.memory_space<vmem>> -> memref<1x80xi32, #tpu.memory_space<vmem>>
      %dma_start3A_329 = tpu.memref_squeeze %dma_start3A_328 : memref<1x80xi32, #tpu.memory_space<vmem>> -> memref<80xi32, #tpu.memory_space<vmem>>
      %dma_start3A_330 = arith.constant 0 : i32
      %dma_start3A_331 = arith.constant 0 : i32
      %dma_start3A_332 = tpu.memref_slice %arg7[%dma_start3A_330, %dma_start3A_331] : memref<10240x128xf32, #tpu.memory_space<vmem_shared>> -> memref<10240x128xf32, #tpu.memory_space<vmem_shared>>
      tpu.enqueue_indirect_dma source(%arg18 : memref<80x128xf32, #tpu.memory_space<vmem>>) target(%dma_start3A_332 : memref<10240x128xf32, #tpu.memory_space<vmem_shared>>) offsets(%dma_start3A_329 : memref<80xi32, #tpu.memory_space<vmem>>) semaphore(%arg26 : memref<!tpu.dma_semaphore, #tpu.memory_space<semaphore_mem>>) {add = true}
      %dma_wait3A_333 = arith.constant 0 : i32
      %dma_wait3A_334 = arith.constant 0 : i32
      %dma_wait3A_335 = tpu.memref_slice %arg14[%dma_wait3A_333, %dma_wait3A_334] : memref<1x80xi32, #tpu.memory_space<vmem>> -> memref<1x80xi32, #tpu.memory_space<vmem>>
      %dma_wait3A_336 = tpu.memref_squeeze %dma_wait3A_335 : memref<1x80xi32, #tpu.memory_space<vmem>> -> memref<80xi32, #tpu.memory_space<vmem>>
      %dma_wait3A_337 = arith.constant 0 : i32
      %dma_wait3A_338 = arith.constant 0 : i32
      %dma_wait3A_339 = tpu.memref_slice %arg7[%dma_wait3A_337, %dma_wait3A_338] : memref<10240x128xf32, #tpu.memory_space<vmem_shared>> -> memref<10240x128xf32, #tpu.memory_space<vmem_shared>>
      tpu.wait_indirect_dma semaphore(%arg26 : memref<!tpu.dma_semaphore, #tpu.memory_space<semaphore_mem>>) src(%arg18 : memref<80x128xf32, #tpu.memory_space<vmem>>) dst(%dma_wait3A_339 : memref<10240x128xf32, #tpu.memory_space<vmem_shared>>)
      %add3A_340 = arith.constant 4 : i32
      %add3A_341 = arith.addi %add3A_305, %add3A_340 : i32
      %dma_start3A_342 = arith.constant 0 : i32
      %dma_start3A_343 = tpu.memref_slice %arg4[%add3A, %add3A_341, %dma_start3A_342] : memref<32x125x80xi32, #tpu.memory_space<hbm>> -> memref<1x1x80xi32, #tpu.memory_space<hbm>>
      %dma_start3A_344 = tpu.memref_squeeze %dma_start3A_343 : memref<1x1x80xi32, #tpu.memory_space<hbm>> -> memref<1x80xi32, #tpu.memory_space<hbm>>
      %dma_start3A_345 = arith.constant 0 : i32
      %dma_start3A_346 = tpu.memref_slice %arg4[%add3A, %add3A_341, %dma_start3A_345] : memref<32x125x80xi32, #tpu.memory_space<hbm>> -> memref<1x1x80xi32, #tpu.memory_space<hbm>>
      %dma_start3A_347 = tpu.memref_squeeze %dma_start3A_346 : memref<1x1x80xi32, #tpu.memory_space<hbm>> -> memref<1x80xi32, #tpu.memory_space<hbm>>
      tpu.enqueue_dma source(%dma_start3A_347 : memref<1x80xi32, #tpu.memory_space<hbm>>) target(%arg14 : memref<1x80xi32, #tpu.memory_space<vmem>>) target_semaphore(%arg34 : memref<!tpu.dma_semaphore, #tpu.memory_space<semaphore_mem>>)
      %mul3A_348 = arith.constant 10000 : i32
      %mul3A_349 = arith.muli %add3A, %mul3A_348 : i32
      %dma_wait3A_350 = tpu.memref_slice %arg3[%mul3A_349] : memref<320000xi32, #tpu.memory_space<hbm>> -> memref<80xi32, #tpu.memory_space<hbm>>
      %dma_wait3A_351 = tpu.memref_slice %arg3[%mul3A_349] : memref<320000xi32, #tpu.memory_space<hbm>> -> memref<80xi32, #tpu.memory_space<hbm>>
      tpu.wait_dma2 semaphore(%arg30 : memref<!tpu.dma_semaphore, #tpu.memory_space<semaphore_mem>>) src(%dma_wait3A_351 : memref<80xi32, #tpu.memory_space<hbm>>) dst(%arg10 : memref<80xi32, #tpu.memory_space<vmem>>)
      %dma_start3A_352 = arith.constant 0 : i32
      %dma_start3A_353 = arith.constant 0 : i32
      %dma_start3A_354 = tpu.memref_slice %arg2[%dma_start3A_352, %dma_start3A_353] : memref<10000x128xf32, #tpu.memory_space<hbm>> -> memref<10000x128xf32, #tpu.memory_space<hbm>>
      tpu.enqueue_indirect_dma source(%dma_start3A_354 : memref<10000x128xf32, #tpu.memory_space<hbm>>) target(%arg18 : memref<80x128xf32, #tpu.memory_space<vmem>>) offsets(%arg10 : memref<80xi32, #tpu.memory_space<vmem>>) semaphore(%arg22 : memref<!tpu.dma_semaphore, #tpu.memory_space<semaphore_mem>>)
      %mul3A_355 = arith.constant 4 : i32
      %mul3A_356 = arith.muli %scan3A_247, %mul3A_355 : i32
      %add3A_357 = arith.constant 2 : i32
      %add3A_358 = arith.addi %mul3A_356, %add3A_357 : i32
      %dma_wait3A_359 = arith.constant 0 : i32
      %dma_wait3A_360 = arith.constant 0 : i32
      %dma_wait3A_361 = tpu.memref_slice %arg2[%dma_wait3A_359, %dma_wait3A_360] : memref<10000x128xf32, #tpu.memory_space<hbm>> -> memref<10000x128xf32, #tpu.memory_space<hbm>>
      tpu.wait_indirect_dma semaphore(%arg23 : memref<!tpu.dma_semaphore, #tpu.memory_space<semaphore_mem>>) src(%dma_wait3A_361 : memref<10000x128xf32, #tpu.memory_space<hbm>>) dst(%arg19 : memref<80x128xf32, #tpu.memory_space<vmem>>)
      %add3A_362 = arith.constant 4 : i32
      %add3A_363 = arith.addi %add3A_358, %add3A_362 : i32
      %mul3A_364 = arith.constant 10000 : i32
      %mul3A_365 = arith.muli %add3A, %mul3A_364 : i32
      %mul3A_366 = arith.constant 80 : i32
      %mul3A_367 = arith.muli %add3A_363, %mul3A_366 : i32
      %add3A_368 = arith.addi %mul3A_365, %mul3A_367 : i32
      %dma_start3A_369 = tpu.memref_slice %arg3[%add3A_368] : memref<320000xi32, #tpu.memory_space<hbm>> -> memref<80xi32, #tpu.memory_space<hbm>>
      %dma_start3A_370 = tpu.memref_slice %arg3[%add3A_368] : memref<320000xi32, #tpu.memory_space<hbm>> -> memref<80xi32, #tpu.memory_space<hbm>>
      tpu.enqueue_dma source(%dma_start3A_370 : memref<80xi32, #tpu.memory_space<hbm>>) target(%arg11 : memref<80xi32, #tpu.memory_space<vmem>>) target_semaphore(%arg31 : memref<!tpu.dma_semaphore, #tpu.memory_space<semaphore_mem>>)
      %dma_wait3A_371 = arith.constant 0 : i32
      %dma_wait3A_372 = arith.constant 0 : i32
      %dma_wait3A_373 = tpu.memref_slice %arg4[%add3A, %dma_wait3A_371, %dma_wait3A_372] : memref<32x125x80xi32, #tpu.memory_space<hbm>> -> memref<1x1x80xi32, #tpu.memory_space<hbm>>
      %dma_wait3A_374 = tpu.memref_squeeze %dma_wait3A_373 : memref<1x1x80xi32, #tpu.memory_space<hbm>> -> memref<1x80xi32, #tpu.memory_space<hbm>>
      %dma_wait3A_375 = arith.constant 0 : i32
      %dma_wait3A_376 = arith.constant 0 : i32
      %dma_wait3A_377 = tpu.memref_slice %arg4[%add3A, %dma_wait3A_375, %dma_wait3A_376] : memref<32x125x80xi32, #tpu.memory_space<hbm>> -> memref<1x1x80xi32, #tpu.memory_space<hbm>>
      %dma_wait3A_378 = tpu.memref_squeeze %dma_wait3A_377 : memref<1x1x80xi32, #tpu.memory_space<hbm>> -> memref<1x80xi32, #tpu.memory_space<hbm>>
      tpu.wait_dma2 semaphore(%arg35 : memref<!tpu.dma_semaphore, #tpu.memory_space<semaphore_mem>>) src(%dma_wait3A_378 : memref<1x80xi32, #tpu.memory_space<hbm>>) dst(%arg15 : memref<1x80xi32, #tpu.memory_space<vmem>>)
      %dma_start3A_379 = arith.constant 0 : i32
      %dma_start3A_380 = arith.constant 0 : i32
      %dma_start3A_381 = tpu.memref_slice %arg15[%dma_start3A_379, %dma_start3A_380] : memref<1x80xi32, #tpu.memory_space<vmem>> -> memref<1x80xi32, #tpu.memory_space<vmem>>
      %dma_start3A_382 = tpu.memref_squeeze %dma_start3A_381 : memref<1x80xi32, #tpu.memory_space<vmem>> -> memref<80xi32, #tpu.memory_space<vmem>>
      %dma_start3A_383 = arith.constant 0 : i32
      %dma_start3A_384 = arith.constant 0 : i32
      %dma_start3A_385 = tpu.memref_slice %arg7[%dma_start3A_383, %dma_start3A_384] : memref<10240x128xf32, #tpu.memory_space<vmem_shared>> -> memref<10240x128xf32, #tpu.memory_space<vmem_shared>>
      tpu.enqueue_indirect_dma source(%arg19 : memref<80x128xf32, #tpu.memory_space<vmem>>) target(%dma_start3A_385 : memref<10240x128xf32, #tpu.memory_space<vmem_shared>>) offsets(%dma_start3A_382 : memref<80xi32, #tpu.memory_space<vmem>>) semaphore(%arg27 : memref<!tpu.dma_semaphore, #tpu.memory_space<semaphore_mem>>) {add = true}
      %dma_wait3A_386 = arith.constant 0 : i32
      %dma_wait3A_387 = arith.constant 0 : i32
      %dma_wait3A_388 = tpu.memref_slice %arg15[%dma_wait3A_386, %dma_wait3A_387] : memref<1x80xi32, #tpu.memory_space<vmem>> -> memref<1x80xi32, #tpu.memory_space<vmem>>
      %dma_wait3A_389 = tpu.memref_squeeze %dma_wait3A_388 : memref<1x80xi32, #tpu.memory_space<vmem>> -> memref<80xi32, #tpu.memory_space<vmem>>
      %dma_wait3A_390 = arith.constant 0 : i32
      %dma_wait3A_391 = arith.constant 0 : i32
      %dma_wait3A_392 = tpu.memref_slice %arg7[%dma_wait3A_390, %dma_wait3A_391] : memref<10240x128xf32, #tpu.memory_space<vmem_shared>> -> memref<10240x128xf32, #tpu.memory_space<vmem_shared>>
      tpu.wait_indirect_dma semaphore(%arg27 : memref<!tpu.dma_semaphore, #tpu.memory_space<semaphore_mem>>) src(%arg19 : memref<80x128xf32, #tpu.memory_space<vmem>>) dst(%dma_wait3A_392 : memref<10240x128xf32, #tpu.memory_space<vmem_shared>>)
      %add3A_393 = arith.constant 4 : i32
      %add3A_394 = arith.addi %add3A_358, %add3A_393 : i32
      %dma_start3A_395 = arith.constant 0 : i32
      %dma_start3A_396 = tpu.memref_slice %arg4[%add3A, %add3A_394, %dma_start3A_395] : memref<32x125x80xi32, #tpu.memory_space<hbm>> -> memref<1x1x80xi32, #tpu.memory_space<hbm>>
      %dma_start3A_397 = tpu.memref_squeeze %dma_start3A_396 : memref<1x1x80xi32, #tpu.memory_space<hbm>> -> memref<1x80xi32, #tpu.memory_space<hbm>>
      %dma_start3A_398 = arith.constant 0 : i32
      %dma_start3A_399 = tpu.memref_slice %arg4[%add3A, %add3A_394, %dma_start3A_398] : memref<32x125x80xi32, #tpu.memory_space<hbm>> -> memref<1x1x80xi32, #tpu.memory_space<hbm>>
      %dma_start3A_400 = tpu.memref_squeeze %dma_start3A_399 : memref<1x1x80xi32, #tpu.memory_space<hbm>> -> memref<1x80xi32, #tpu.memory_space<hbm>>
      tpu.enqueue_dma source(%dma_start3A_400 : memref<1x80xi32, #tpu.memory_space<hbm>>) target(%arg15 : memref<1x80xi32, #tpu.memory_space<vmem>>) target_semaphore(%arg35 : memref<!tpu.dma_semaphore, #tpu.memory_space<semaphore_mem>>)
      %mul3A_401 = arith.constant 10000 : i32
      %mul3A_402 = arith.muli %add3A, %mul3A_401 : i32
      %dma_wait3A_403 = tpu.memref_slice %arg3[%mul3A_402] : memref<320000xi32, #tpu.memory_space<hbm>> -> memref<80xi32, #tpu.memory_space<hbm>>
      %dma_wait3A_404 = tpu.memref_slice %arg3[%mul3A_402] : memref<320000xi32, #tpu.memory_space<hbm>> -> memref<80xi32, #tpu.memory_space<hbm>>
      tpu.wait_dma2 semaphore(%arg31 : memref<!tpu.dma_semaphore, #tpu.memory_space<semaphore_mem>>) src(%dma_wait3A_404 : memref<80xi32, #tpu.memory_space<hbm>>) dst(%arg11 : memref<80xi32, #tpu.memory_space<vmem>>)
      %dma_start3A_405 = arith.constant 0 : i32
      %dma_start3A_406 = arith.constant 0 : i32
      %dma_start3A_407 = tpu.memref_slice %arg2[%dma_start3A_405, %dma_start3A_406] : memref<10000x128xf32, #tpu.memory_space<hbm>> -> memref<10000x128xf32, #tpu.memory_space<hbm>>
      tpu.enqueue_indirect_dma source(%dma_start3A_407 : memref<10000x128xf32, #tpu.memory_space<hbm>>) target(%arg19 : memref<80x128xf32, #tpu.memory_space<vmem>>) offsets(%arg11 : memref<80xi32, #tpu.memory_space<vmem>>) semaphore(%arg23 : memref<!tpu.dma_semaphore, #tpu.memory_space<semaphore_mem>>)
      %mul3A_408 = arith.constant 4 : i32
      %mul3A_409 = arith.muli %scan3A_247, %mul3A_408 : i32
      %add3A_410 = arith.constant 3 : i32
      %add3A_411 = arith.addi %mul3A_409, %add3A_410 : i32
      %dma_wait3A_412 = arith.constant 0 : i32
      %dma_wait3A_413 = arith.constant 0 : i32
      %dma_wait3A_414 = tpu.memref_slice %arg2[%dma_wait3A_412, %dma_wait3A_413] : memref<10000x128xf32, #tpu.memory_space<hbm>> -> memref<10000x128xf32, #tpu.memory_space<hbm>>
      tpu.wait_indirect_dma semaphore(%arg24 : memref<!tpu.dma_semaphore, #tpu.memory_space<semaphore_mem>>) src(%dma_wait3A_414 : memref<10000x128xf32, #tpu.memory_space<hbm>>) dst(%arg20 : memref<80x128xf32, #tpu.memory_space<vmem>>)
      %add3A_415 = arith.constant 4 : i32
      %add3A_416 = arith.addi %add3A_411, %add3A_415 : i32
      %mul3A_417 = arith.constant 10000 : i32
      %mul3A_418 = arith.muli %add3A, %mul3A_417 : i32
      %mul3A_419 = arith.constant 80 : i32
      %mul3A_420 = arith.muli %add3A_416, %mul3A_419 : i32
      %add3A_421 = arith.addi %mul3A_418, %mul3A_420 : i32
      %dma_start3A_422 = tpu.memref_slice %arg3[%add3A_421] : memref<320000xi32, #tpu.memory_space<hbm>> -> memref<80xi32, #tpu.memory_space<hbm>>
      %dma_start3A_423 = tpu.memref_slice %arg3[%add3A_421] : memref<320000xi32, #tpu.memory_space<hbm>> -> memref<80xi32, #tpu.memory_space<hbm>>
      tpu.enqueue_dma source(%dma_start3A_423 : memref<80xi32, #tpu.memory_space<hbm>>) target(%arg12 : memref<80xi32, #tpu.memory_space<vmem>>) target_semaphore(%arg32 : memref<!tpu.dma_semaphore, #tpu.memory_space<semaphore_mem>>)
      %dma_wait3A_424 = arith.constant 0 : i32
      %dma_wait3A_425 = arith.constant 0 : i32
      %dma_wait3A_426 = tpu.memref_slice %arg4[%add3A, %dma_wait3A_424, %dma_wait3A_425] : memref<32x125x80xi32, #tpu.memory_space<hbm>> -> memref<1x1x80xi32, #tpu.memory_space<hbm>>
      %dma_wait3A_427 = tpu.memref_squeeze %dma_wait3A_426 : memref<1x1x80xi32, #tpu.memory_space<hbm>> -> memref<1x80xi32, #tpu.memory_space<hbm>>
      %dma_wait3A_428 = arith.constant 0 : i32
      %dma_wait3A_429 = arith.constant 0 : i32
      %dma_wait3A_430 = tpu.memref_slice %arg4[%add3A, %dma_wait3A_428, %dma_wait3A_429] : memref<32x125x80xi32, #tpu.memory_space<hbm>> -> memref<1x1x80xi32, #tpu.memory_space<hbm>>
      %dma_wait3A_431 = tpu.memref_squeeze %dma_wait3A_430 : memref<1x1x80xi32, #tpu.memory_space<hbm>> -> memref<1x80xi32, #tpu.memory_space<hbm>>
      tpu.wait_dma2 semaphore(%arg36 : memref<!tpu.dma_semaphore, #tpu.memory_space<semaphore_mem>>) src(%dma_wait3A_431 : memref<1x80xi32, #tpu.memory_space<hbm>>) dst(%arg16 : memref<1x80xi32, #tpu.memory_space<vmem>>)
      %dma_start3A_432 = arith.constant 0 : i32
      %dma_start3A_433 = arith.constant 0 : i32
      %dma_start3A_434 = tpu.memref_slice %arg16[%dma_start3A_432, %dma_start3A_433] : memref<1x80xi32, #tpu.memory_space<vmem>> -> memref<1x80xi32, #tpu.memory_space<vmem>>
      %dma_start3A_435 = tpu.memref_squeeze %dma_start3A_434 : memref<1x80xi32, #tpu.memory_space<vmem>> -> memref<80xi32, #tpu.memory_space<vmem>>
      %dma_start3A_436 = arith.constant 0 : i32
      %dma_start3A_437 = arith.constant 0 : i32
      %dma_start3A_438 = tpu.memref_slice %arg7[%dma_start3A_436, %dma_start3A_437] : memref<10240x128xf32, #tpu.memory_space<vmem_shared>> -> memref<10240x128xf32, #tpu.memory_space<vmem_shared>>
      tpu.enqueue_indirect_dma source(%arg20 : memref<80x128xf32, #tpu.memory_space<vmem>>) target(%dma_start3A_438 : memref<10240x128xf32, #tpu.memory_space<vmem_shared>>) offsets(%dma_start3A_435 : memref<80xi32, #tpu.memory_space<vmem>>) semaphore(%arg28 : memref<!tpu.dma_semaphore, #tpu.memory_space<semaphore_mem>>) {add = true}
      %dma_wait3A_439 = arith.constant 0 : i32
      %dma_wait3A_440 = arith.constant 0 : i32
      %dma_wait3A_441 = tpu.memref_slice %arg16[%dma_wait3A_439, %dma_wait3A_440] : memref<1x80xi32, #tpu.memory_space<vmem>> -> memref<1x80xi32, #tpu.memory_space<vmem>>
      %dma_wait3A_442 = tpu.memref_squeeze %dma_wait3A_441 : memref<1x80xi32, #tpu.memory_space<vmem>> -> memref<80xi32, #tpu.memory_space<vmem>>
      %dma_wait3A_443 = arith.constant 0 : i32
      %dma_wait3A_444 = arith.constant 0 : i32
      %dma_wait3A_445 = tpu.memref_slice %arg7[%dma_wait3A_443, %dma_wait3A_444] : memref<10240x128xf32, #tpu.memory_space<vmem_shared>> -> memref<10240x128xf32, #tpu.memory_space<vmem_shared>>
      tpu.wait_indirect_dma semaphore(%arg28 : memref<!tpu.dma_semaphore, #tpu.memory_space<semaphore_mem>>) src(%arg20 : memref<80x128xf32, #tpu.memory_space<vmem>>) dst(%dma_wait3A_445 : memref<10240x128xf32, #tpu.memory_space<vmem_shared>>)
      %add3A_446 = arith.constant 4 : i32
      %add3A_447 = arith.addi %add3A_411, %add3A_446 : i32
      %dma_start3A_448 = arith.constant 0 : i32
      %dma_start3A_449 = tpu.memref_slice %arg4[%add3A, %add3A_447, %dma_start3A_448] : memref<32x125x80xi32, #tpu.memory_space<hbm>> -> memref<1x1x80xi32, #tpu.memory_space<hbm>>
      %dma_start3A_450 = tpu.memref_squeeze %dma_start3A_449 : memref<1x1x80xi32, #tpu.memory_space<hbm>> -> memref<1x80xi32, #tpu.memory_space<hbm>>
      %dma_start3A_451 = arith.constant 0 : i32
      %dma_start3A_452 = tpu.memref_slice %arg4[%add3A, %add3A_447, %dma_start3A_451] : memref<32x125x80xi32, #tpu.memory_space<hbm>> -> memref<1x1x80xi32, #tpu.memory_space<hbm>>
      %dma_start3A_453 = tpu.memref_squeeze %dma_start3A_452 : memref<1x1x80xi32, #tpu.memory_space<hbm>> -> memref<1x80xi32, #tpu.memory_space<hbm>>
      tpu.enqueue_dma source(%dma_start3A_453 : memref<1x80xi32, #tpu.memory_space<hbm>>) target(%arg16 : memref<1x80xi32, #tpu.memory_space<vmem>>) target_semaphore(%arg36 : memref<!tpu.dma_semaphore, #tpu.memory_space<semaphore_mem>>)
      %mul3A_454 = arith.constant 10000 : i32
      %mul3A_455 = arith.muli %add3A, %mul3A_454 : i32
      %dma_wait3A_456 = tpu.memref_slice %arg3[%mul3A_455] : memref<320000xi32, #tpu.memory_space<hbm>> -> memref<80xi32, #tpu.memory_space<hbm>>
      %dma_wait3A_457 = tpu.memref_slice %arg3[%mul3A_455] : memref<320000xi32, #tpu.memory_space<hbm>> -> memref<80xi32, #tpu.memory_space<hbm>>
      tpu.wait_dma2 semaphore(%arg32 : memref<!tpu.dma_semaphore, #tpu.memory_space<semaphore_mem>>) src(%dma_wait3A_457 : memref<80xi32, #tpu.memory_space<hbm>>) dst(%arg12 : memref<80xi32, #tpu.memory_space<vmem>>)
      %dma_start3A_458 = arith.constant 0 : i32
      %dma_start3A_459 = arith.constant 0 : i32
      %dma_start3A_460 = tpu.memref_slice %arg2[%dma_start3A_458, %dma_start3A_459] : memref<10000x128xf32, #tpu.memory_space<hbm>> -> memref<10000x128xf32, #tpu.memory_space<hbm>>
      tpu.enqueue_indirect_dma source(%dma_start3A_460 : memref<10000x128xf32, #tpu.memory_space<hbm>>) target(%arg20 : memref<80x128xf32, #tpu.memory_space<vmem>>) offsets(%arg12 : memref<80xi32, #tpu.memory_space<vmem>>) semaphore(%arg24 : memref<!tpu.dma_semaphore, #tpu.memory_space<semaphore_mem>>)
      %scan3A_461 = arith.constant 0 : i32
      scf.yield %scan3A_461 : i32
    }
    %scan3A_95 = arith.constant 30 : i32
    %dma_wait3A_96 = arith.constant 0 : i32
    %dma_wait3A_97 = arith.constant 0 : i32
    %dma_wait3A_98 = tpu.memref_slice %arg2[%dma_wait3A_96, %dma_wait3A_97] : memref<10000x128xf32, #tpu.memory_space<hbm>> -> memref<10000x128xf32, #tpu.memory_space<hbm>>
    tpu.wait_indirect_dma semaphore(%arg21 : memref<!tpu.dma_semaphore, #tpu.memory_space<semaphore_mem>>) src(%dma_wait3A_98 : memref<10000x128xf32, #tpu.memory_space<hbm>>) dst(%arg17 : memref<80x128xf32, #tpu.memory_space<vmem>>)
    %mul3A_99 = arith.constant 10000 : i32
    %mul3A_100 = arith.muli %add3A, %mul3A_99 : i32
    %add3A_101 = arith.constant 9920 : i32
    %add3A_102 = arith.addi %mul3A_100, %add3A_101 : i32
    %dma_start3A_103 = tpu.memref_slice %arg3[%add3A_102] : memref<320000xi32, #tpu.memory_space<hbm>> -> memref<80xi32, #tpu.memory_space<hbm>>
    %dma_start3A_104 = tpu.memref_slice %arg3[%add3A_102] : memref<320000xi32, #tpu.memory_space<hbm>> -> memref<80xi32, #tpu.memory_space<hbm>>
    tpu.enqueue_dma source(%dma_start3A_104 : memref<80xi32, #tpu.memory_space<hbm>>) target(%arg9 : memref<80xi32, #tpu.memory_space<vmem>>) target_semaphore(%arg29 : memref<!tpu.dma_semaphore, #tpu.memory_space<semaphore_mem>>)
    %dma_wait3A_105 = arith.constant 0 : i32
    %dma_wait3A_106 = arith.constant 0 : i32
    %dma_wait3A_107 = tpu.memref_slice %arg4[%add3A, %dma_wait3A_105, %dma_wait3A_106] : memref<32x125x80xi32, #tpu.memory_space<hbm>> -> memref<1x1x80xi32, #tpu.memory_space<hbm>>
    %dma_wait3A_108 = tpu.memref_squeeze %dma_wait3A_107 : memref<1x1x80xi32, #tpu.memory_space<hbm>> -> memref<1x80xi32, #tpu.memory_space<hbm>>
    %dma_wait3A_109 = arith.constant 0 : i32
    %dma_wait3A_110 = arith.constant 0 : i32
    %dma_wait3A_111 = tpu.memref_slice %arg4[%add3A, %dma_wait3A_109, %dma_wait3A_110] : memref<32x125x80xi32, #tpu.memory_space<hbm>> -> memref<1x1x80xi32, #tpu.memory_space<hbm>>
    %dma_wait3A_112 = tpu.memref_squeeze %dma_wait3A_111 : memref<1x1x80xi32, #tpu.memory_space<hbm>> -> memref<1x80xi32, #tpu.memory_space<hbm>>
    tpu.wait_dma2 semaphore(%arg33 : memref<!tpu.dma_semaphore, #tpu.memory_space<semaphore_mem>>) src(%dma_wait3A_112 : memref<1x80xi32, #tpu.memory_space<hbm>>) dst(%arg13 : memref<1x80xi32, #tpu.memory_space<vmem>>)
    %dma_start3A_113 = arith.constant 0 : i32
    %dma_start3A_114 = arith.constant 0 : i32
    %dma_start3A_115 = tpu.memref_slice %arg13[%dma_start3A_113, %dma_start3A_114] : memref<1x80xi32, #tpu.memory_space<vmem>> -> memref<1x80xi32, #tpu.memory_space<vmem>>
    %dma_start3A_116 = tpu.memref_squeeze %dma_start3A_115 : memref<1x80xi32, #tpu.memory_space<vmem>> -> memref<80xi32, #tpu.memory_space<vmem>>
    %dma_start3A_117 = arith.constant 0 : i32
    %dma_start3A_118 = arith.constant 0 : i32
    %dma_start3A_119 = tpu.memref_slice %arg7[%dma_start3A_117, %dma_start3A_118] : memref<10240x128xf32, #tpu.memory_space<vmem_shared>> -> memref<10240x128xf32, #tpu.memory_space<vmem_shared>>
    tpu.enqueue_indirect_dma source(%arg17 : memref<80x128xf32, #tpu.memory_space<vmem>>) target(%dma_start3A_119 : memref<10240x128xf32, #tpu.memory_space<vmem_shared>>) offsets(%dma_start3A_116 : memref<80xi32, #tpu.memory_space<vmem>>) semaphore(%arg25 : memref<!tpu.dma_semaphore, #tpu.memory_space<semaphore_mem>>) {add = true}
    %dma_wait3A_120 = arith.constant 0 : i32
    %dma_wait3A_121 = arith.constant 0 : i32
    %dma_wait3A_122 = tpu.memref_slice %arg13[%dma_wait3A_120, %dma_wait3A_121] : memref<1x80xi32, #tpu.memory_space<vmem>> -> memref<1x80xi32, #tpu.memory_space<vmem>>
    %dma_wait3A_123 = tpu.memref_squeeze %dma_wait3A_122 : memref<1x80xi32, #tpu.memory_space<vmem>> -> memref<80xi32, #tpu.memory_space<vmem>>
    %dma_wait3A_124 = arith.constant 0 : i32
    %dma_wait3A_125 = arith.constant 0 : i32
    %dma_wait3A_126 = tpu.memref_slice %arg7[%dma_wait3A_124, %dma_wait3A_125] : memref<10240x128xf32, #tpu.memory_space<vmem_shared>> -> memref<10240x128xf32, #tpu.memory_space<vmem_shared>>
    tpu.wait_indirect_dma semaphore(%arg25 : memref<!tpu.dma_semaphore, #tpu.memory_space<semaphore_mem>>) src(%arg17 : memref<80x128xf32, #tpu.memory_space<vmem>>) dst(%dma_wait3A_126 : memref<10240x128xf32, #tpu.memory_space<vmem_shared>>)
    %dma_start3A_127 = arith.constant 124 : i32
    %dma_start3A_128 = arith.constant 0 : i32
    %dma_start3A_129 = tpu.memref_slice %arg4[%add3A, %dma_start3A_127, %dma_start3A_128] : memref<32x125x80xi32, #tpu.memory_space<hbm>> -> memref<1x1x80xi32, #tpu.memory_space<hbm>>
    %dma_start3A_130 = tpu.memref_squeeze %dma_start3A_129 : memref<1x1x80xi32, #tpu.memory_space<hbm>> -> memref<1x80xi32, #tpu.memory_space<hbm>>
    %dma_start3A_131 = arith.constant 124 : i32
    %dma_start3A_132 = arith.constant 0 : i32
    %dma_start3A_133 = tpu.memref_slice %arg4[%add3A, %dma_start3A_131, %dma_start3A_132] : memref<32x125x80xi32, #tpu.memory_space<hbm>> -> memref<1x1x80xi32, #tpu.memory_space<hbm>>
    %dma_start3A_134 = tpu.memref_squeeze %dma_start3A_133 : memref<1x1x80xi32, #tpu.memory_space<hbm>> -> memref<1x80xi32, #tpu.memory_space<hbm>>
    tpu.enqueue_dma source(%dma_start3A_134 : memref<1x80xi32, #tpu.memory_space<hbm>>) target(%arg13 : memref<1x80xi32, #tpu.memory_space<vmem>>) target_semaphore(%arg33 : memref<!tpu.dma_semaphore, #tpu.memory_space<semaphore_mem>>)
    %mul3A_135 = arith.constant 10000 : i32
    %mul3A_136 = arith.muli %add3A, %mul3A_135 : i32
    %dma_wait3A_137 = tpu.memref_slice %arg3[%mul3A_136] : memref<320000xi32, #tpu.memory_space<hbm>> -> memref<80xi32, #tpu.memory_space<hbm>>
    %dma_wait3A_138 = tpu.memref_slice %arg3[%mul3A_136] : memref<320000xi32, #tpu.memory_space<hbm>> -> memref<80xi32, #tpu.memory_space<hbm>>
    tpu.wait_dma2 semaphore(%arg29 : memref<!tpu.dma_semaphore, #tpu.memory_space<semaphore_mem>>) src(%dma_wait3A_138 : memref<80xi32, #tpu.memory_space<hbm>>) dst(%arg9 : memref<80xi32, #tpu.memory_space<vmem>>)
    %dma_start3A_139 = arith.constant 0 : i32
    %dma_start3A_140 = arith.constant 0 : i32
    %dma_start3A_141 = tpu.memref_slice %arg2[%dma_start3A_139, %dma_start3A_140] : memref<10000x128xf32, #tpu.memory_space<hbm>> -> memref<10000x128xf32, #tpu.memory_space<hbm>>
    tpu.enqueue_indirect_dma source(%dma_start3A_141 : memref<10000x128xf32, #tpu.memory_space<hbm>>) target(%arg17 : memref<80x128xf32, #tpu.memory_space<vmem>>) offsets(%arg9 : memref<80xi32, #tpu.memory_space<vmem>>) semaphore(%arg21 : memref<!tpu.dma_semaphore, #tpu.memory_space<semaphore_mem>>)
    %dma_wait3A_142 = arith.constant 0 : i32
    %dma_wait3A_143 = arith.constant 0 : i32
    %dma_wait3A_144 = tpu.memref_slice %arg2[%dma_wait3A_142, %dma_wait3A_143] : memref<10000x128xf32, #tpu.memory_space<hbm>> -> memref<10000x128xf32, #tpu.memory_space<hbm>>
    tpu.wait_indirect_dma semaphore(%arg22 : memref<!tpu.dma_semaphore, #tpu.memory_space<semaphore_mem>>) src(%dma_wait3A_144 : memref<10000x128xf32, #tpu.memory_space<hbm>>) dst(%arg18 : memref<80x128xf32, #tpu.memory_space<vmem>>)
    %dma_wait3A_145 = arith.constant 0 : i32
    %dma_wait3A_146 = arith.constant 0 : i32
    %dma_wait3A_147 = tpu.memref_slice %arg4[%add3A, %dma_wait3A_145, %dma_wait3A_146] : memref<32x125x80xi32, #tpu.memory_space<hbm>> -> memref<1x1x80xi32, #tpu.memory_space<hbm>>
    %dma_wait3A_148 = tpu.memref_squeeze %dma_wait3A_147 : memref<1x1x80xi32, #tpu.memory_space<hbm>> -> memref<1x80xi32, #tpu.memory_space<hbm>>
    %dma_wait3A_149 = arith.constant 0 : i32
    %dma_wait3A_150 = arith.constant 0 : i32
    %dma_wait3A_151 = tpu.memref_slice %arg4[%add3A, %dma_wait3A_149, %dma_wait3A_150] : memref<32x125x80xi32, #tpu.memory_space<hbm>> -> memref<1x1x80xi32, #tpu.memory_space<hbm>>
    %dma_wait3A_152 = tpu.memref_squeeze %dma_wait3A_151 : memref<1x1x80xi32, #tpu.memory_space<hbm>> -> memref<1x80xi32, #tpu.memory_space<hbm>>
    tpu.wait_dma2 semaphore(%arg34 : memref<!tpu.dma_semaphore, #tpu.memory_space<semaphore_mem>>) src(%dma_wait3A_152 : memref<1x80xi32, #tpu.memory_space<hbm>>) dst(%arg14 : memref<1x80xi32, #tpu.memory_space<vmem>>)
    %dma_start3A_153 = arith.constant 0 : i32
    %dma_start3A_154 = arith.constant 0 : i32
    %dma_start3A_155 = tpu.memref_slice %arg14[%dma_start3A_153, %dma_start3A_154] : memref<1x80xi32, #tpu.memory_space<vmem>> -> memref<1x80xi32, #tpu.memory_space<vmem>>
    %dma_start3A_156 = tpu.memref_squeeze %dma_start3A_155 : memref<1x80xi32, #tpu.memory_space<vmem>> -> memref<80xi32, #tpu.memory_space<vmem>>
    %dma_start3A_157 = arith.constant 0 : i32
    %dma_start3A_158 = arith.constant 0 : i32
    %dma_start3A_159 = tpu.memref_slice %arg7[%dma_start3A_157, %dma_start3A_158] : memref<10240x128xf32, #tpu.memory_space<vmem_shared>> -> memref<10240x128xf32, #tpu.memory_space<vmem_shared>>
    tpu.enqueue_indirect_dma source(%arg18 : memref<80x128xf32, #tpu.memory_space<vmem>>) target(%dma_start3A_159 : memref<10240x128xf32, #tpu.memory_space<vmem_shared>>) offsets(%dma_start3A_156 : memref<80xi32, #tpu.memory_space<vmem>>) semaphore(%arg26 : memref<!tpu.dma_semaphore, #tpu.memory_space<semaphore_mem>>) {add = true}
    %dma_wait3A_160 = arith.constant 0 : i32
    %dma_wait3A_161 = arith.constant 0 : i32
    %dma_wait3A_162 = tpu.memref_slice %arg14[%dma_wait3A_160, %dma_wait3A_161] : memref<1x80xi32, #tpu.memory_space<vmem>> -> memref<1x80xi32, #tpu.memory_space<vmem>>
    %dma_wait3A_163 = tpu.memref_squeeze %dma_wait3A_162 : memref<1x80xi32, #tpu.memory_space<vmem>> -> memref<80xi32, #tpu.memory_space<vmem>>
    %dma_wait3A_164 = arith.constant 0 : i32
    %dma_wait3A_165 = arith.constant 0 : i32
    %dma_wait3A_166 = tpu.memref_slice %arg7[%dma_wait3A_164, %dma_wait3A_165] : memref<10240x128xf32, #tpu.memory_space<vmem_shared>> -> memref<10240x128xf32, #tpu.memory_space<vmem_shared>>
    tpu.wait_indirect_dma semaphore(%arg26 : memref<!tpu.dma_semaphore, #tpu.memory_space<semaphore_mem>>) src(%arg18 : memref<80x128xf32, #tpu.memory_space<vmem>>) dst(%dma_wait3A_166 : memref<10240x128xf32, #tpu.memory_space<vmem_shared>>)
    %dma_wait3A_167 = arith.constant 0 : i32
    %dma_wait3A_168 = arith.constant 0 : i32
    %dma_wait3A_169 = tpu.memref_slice %arg2[%dma_wait3A_167, %dma_wait3A_168] : memref<10000x128xf32, #tpu.memory_space<hbm>> -> memref<10000x128xf32, #tpu.memory_space<hbm>>
    tpu.wait_indirect_dma semaphore(%arg23 : memref<!tpu.dma_semaphore, #tpu.memory_space<semaphore_mem>>) src(%dma_wait3A_169 : memref<10000x128xf32, #tpu.memory_space<hbm>>) dst(%arg19 : memref<80x128xf32, #tpu.memory_space<vmem>>)
    %dma_wait3A_170 = arith.constant 0 : i32
    %dma_wait3A_171 = arith.constant 0 : i32
    %dma_wait3A_172 = tpu.memref_slice %arg4[%add3A, %dma_wait3A_170, %dma_wait3A_171] : memref<32x125x80xi32, #tpu.memory_space<hbm>> -> memref<1x1x80xi32, #tpu.memory_space<hbm>>
    %dma_wait3A_173 = tpu.memref_squeeze %dma_wait3A_172 : memref<1x1x80xi32, #tpu.memory_space<hbm>> -> memref<1x80xi32, #tpu.memory_space<hbm>>
    %dma_wait3A_174 = arith.constant 0 : i32
    %dma_wait3A_175 = arith.constant 0 : i32
    %dma_wait3A_176 = tpu.memref_slice %arg4[%add3A, %dma_wait3A_174, %dma_wait3A_175] : memref<32x125x80xi32, #tpu.memory_space<hbm>> -> memref<1x1x80xi32, #tpu.memory_space<hbm>>
    %dma_wait3A_177 = tpu.memref_squeeze %dma_wait3A_176 : memref<1x1x80xi32, #tpu.memory_space<hbm>> -> memref<1x80xi32, #tpu.memory_space<hbm>>
    tpu.wait_dma2 semaphore(%arg35 : memref<!tpu.dma_semaphore, #tpu.memory_space<semaphore_mem>>) src(%dma_wait3A_177 : memref<1x80xi32, #tpu.memory_space<hbm>>) dst(%arg15 : memref<1x80xi32, #tpu.memory_space<vmem>>)
    %dma_start3A_178 = arith.constant 0 : i32
    %dma_start3A_179 = arith.constant 0 : i32
    %dma_start3A_180 = tpu.memref_slice %arg15[%dma_start3A_178, %dma_start3A_179] : memref<1x80xi32, #tpu.memory_space<vmem>> -> memref<1x80xi32, #tpu.memory_space<vmem>>
    %dma_start3A_181 = tpu.memref_squeeze %dma_start3A_180 : memref<1x80xi32, #tpu.memory_space<vmem>> -> memref<80xi32, #tpu.memory_space<vmem>>
    %dma_start3A_182 = arith.constant 0 : i32
    %dma_start3A_183 = arith.constant 0 : i32
    %dma_start3A_184 = tpu.memref_slice %arg7[%dma_start3A_182, %dma_start3A_183] : memref<10240x128xf32, #tpu.memory_space<vmem_shared>> -> memref<10240x128xf32, #tpu.memory_space<vmem_shared>>
    tpu.enqueue_indirect_dma source(%arg19 : memref<80x128xf32, #tpu.memory_space<vmem>>) target(%dma_start3A_184 : memref<10240x128xf32, #tpu.memory_space<vmem_shared>>) offsets(%dma_start3A_181 : memref<80xi32, #tpu.memory_space<vmem>>) semaphore(%arg27 : memref<!tpu.dma_semaphore, #tpu.memory_space<semaphore_mem>>) {add = true}
    %dma_wait3A_185 = arith.constant 0 : i32
    %dma_wait3A_186 = arith.constant 0 : i32
    %dma_wait3A_187 = tpu.memref_slice %arg15[%dma_wait3A_185, %dma_wait3A_186] : memref<1x80xi32, #tpu.memory_space<vmem>> -> memref<1x80xi32, #tpu.memory_space<vmem>>
    %dma_wait3A_188 = tpu.memref_squeeze %dma_wait3A_187 : memref<1x80xi32, #tpu.memory_space<vmem>> -> memref<80xi32, #tpu.memory_space<vmem>>
    %dma_wait3A_189 = arith.constant 0 : i32
    %dma_wait3A_190 = arith.constant 0 : i32
    %dma_wait3A_191 = tpu.memref_slice %arg7[%dma_wait3A_189, %dma_wait3A_190] : memref<10240x128xf32, #tpu.memory_space<vmem_shared>> -> memref<10240x128xf32, #tpu.memory_space<vmem_shared>>
    tpu.wait_indirect_dma semaphore(%arg27 : memref<!tpu.dma_semaphore, #tpu.memory_space<semaphore_mem>>) src(%arg19 : memref<80x128xf32, #tpu.memory_space<vmem>>) dst(%dma_wait3A_191 : memref<10240x128xf32, #tpu.memory_space<vmem_shared>>)
    %dma_wait3A_192 = arith.constant 0 : i32
    %dma_wait3A_193 = arith.constant 0 : i32
    %dma_wait3A_194 = tpu.memref_slice %arg2[%dma_wait3A_192, %dma_wait3A_193] : memref<10000x128xf32, #tpu.memory_space<hbm>> -> memref<10000x128xf32, #tpu.memory_space<hbm>>
    tpu.wait_indirect_dma semaphore(%arg24 : memref<!tpu.dma_semaphore, #tpu.memory_space<semaphore_mem>>) src(%dma_wait3A_194 : memref<10000x128xf32, #tpu.memory_space<hbm>>) dst(%arg20 : memref<80x128xf32, #tpu.memory_space<vmem>>)
    %dma_wait3A_195 = arith.constant 0 : i32
    %dma_wait3A_196 = arith.constant 0 : i32
    %dma_wait3A_197 = tpu.memref_slice %arg4[%add3A, %dma_wait3A_195, %dma_wait3A_196] : memref<32x125x80xi32, #tpu.memory_space<hbm>> -> memref<1x1x80xi32, #tpu.memory_space<hbm>>
    %dma_wait3A_198 = tpu.memref_squeeze %dma_wait3A_197 : memref<1x1x80xi32, #tpu.memory_space<hbm>> -> memref<1x80xi32, #tpu.memory_space<hbm>>
    %dma_wait3A_199 = arith.constant 0 : i32
    %dma_wait3A_200 = arith.constant 0 : i32
    %dma_wait3A_201 = tpu.memref_slice %arg4[%add3A, %dma_wait3A_199, %dma_wait3A_200] : memref<32x125x80xi32, #tpu.memory_space<hbm>> -> memref<1x1x80xi32, #tpu.memory_space<hbm>>
    %dma_wait3A_202 = tpu.memref_squeeze %dma_wait3A_201 : memref<1x1x80xi32, #tpu.memory_space<hbm>> -> memref<1x80xi32, #tpu.memory_space<hbm>>
    tpu.wait_dma2 semaphore(%arg36 : memref<!tpu.dma_semaphore, #tpu.memory_space<semaphore_mem>>) src(%dma_wait3A_202 : memref<1x80xi32, #tpu.memory_space<hbm>>) dst(%arg16 : memref<1x80xi32, #tpu.memory_space<vmem>>)
    %dma_start3A_203 = arith.constant 0 : i32
    %dma_start3A_204 = arith.constant 0 : i32
    %dma_start3A_205 = tpu.memref_slice %arg16[%dma_start3A_203, %dma_start3A_204] : memref<1x80xi32, #tpu.memory_space<vmem>> -> memref<1x80xi32, #tpu.memory_space<vmem>>
    %dma_start3A_206 = tpu.memref_squeeze %dma_start3A_205 : memref<1x80xi32, #tpu.memory_space<vmem>> -> memref<80xi32, #tpu.memory_space<vmem>>
    %dma_start3A_207 = arith.constant 0 : i32
    %dma_start3A_208 = arith.constant 0 : i32
    %dma_start3A_209 = tpu.memref_slice %arg7[%dma_start3A_207, %dma_start3A_208] : memref<10240x128xf32, #tpu.memory_space<vmem_shared>> -> memref<10240x128xf32, #tpu.memory_space<vmem_shared>>
    tpu.enqueue_indirect_dma source(%arg20 : memref<80x128xf32, #tpu.memory_space<vmem>>) target(%dma_start3A_209 : memref<10240x128xf32, #tpu.memory_space<vmem_shared>>) offsets(%dma_start3A_206 : memref<80xi32, #tpu.memory_space<vmem>>) semaphore(%arg28 : memref<!tpu.dma_semaphore, #tpu.memory_space<semaphore_mem>>) {add = true}
    %dma_wait3A_210 = arith.constant 0 : i32
    %dma_wait3A_211 = arith.constant 0 : i32
    %dma_wait3A_212 = tpu.memref_slice %arg16[%dma_wait3A_210, %dma_wait3A_211] : memref<1x80xi32, #tpu.memory_space<vmem>> -> memref<1x80xi32, #tpu.memory_space<vmem>>
    %dma_wait3A_213 = tpu.memref_squeeze %dma_wait3A_212 : memref<1x80xi32, #tpu.memory_space<vmem>> -> memref<80xi32, #tpu.memory_space<vmem>>
    %dma_wait3A_214 = arith.constant 0 : i32
    %dma_wait3A_215 = arith.constant 0 : i32
    %dma_wait3A_216 = tpu.memref_slice %arg7[%dma_wait3A_214, %dma_wait3A_215] : memref<10240x128xf32, #tpu.memory_space<vmem_shared>> -> memref<10240x128xf32, #tpu.memory_space<vmem_shared>>
    tpu.wait_indirect_dma semaphore(%arg28 : memref<!tpu.dma_semaphore, #tpu.memory_space<semaphore_mem>>) src(%arg20 : memref<80x128xf32, #tpu.memory_space<vmem>>) dst(%dma_wait3A_216 : memref<10240x128xf32, #tpu.memory_space<vmem_shared>>)
    %dma_wait3A_217 = arith.constant 0 : i32
    %dma_wait3A_218 = arith.constant 0 : i32
    %dma_wait3A_219 = tpu.memref_slice %arg2[%dma_wait3A_217, %dma_wait3A_218] : memref<10000x128xf32, #tpu.memory_space<hbm>> -> memref<10000x128xf32, #tpu.memory_space<hbm>>
    tpu.wait_indirect_dma semaphore(%arg21 : memref<!tpu.dma_semaphore, #tpu.memory_space<semaphore_mem>>) src(%dma_wait3A_219 : memref<10000x128xf32, #tpu.memory_space<hbm>>) dst(%arg17 : memref<80x128xf32, #tpu.memory_space<vmem>>)
    %dma_wait3A_220 = arith.constant 0 : i32
    %dma_wait3A_221 = arith.constant 0 : i32
    %dma_wait3A_222 = tpu.memref_slice %arg4[%add3A, %dma_wait3A_220, %dma_wait3A_221] : memref<32x125x80xi32, #tpu.memory_space<hbm>> -> memref<1x1x80xi32, #tpu.memory_space<hbm>>
    %dma_wait3A_223 = tpu.memref_squeeze %dma_wait3A_222 : memref<1x1x80xi32, #tpu.memory_space<hbm>> -> memref<1x80xi32, #tpu.memory_space<hbm>>
    %dma_wait3A_224 = arith.constant 0 : i32
    %dma_wait3A_225 = arith.constant 0 : i32
    %dma_wait3A_226 = tpu.memref_slice %arg4[%add3A, %dma_wait3A_224, %dma_wait3A_225] : memref<32x125x80xi32, #tpu.memory_space<hbm>> -> memref<1x1x80xi32, #tpu.memory_space<hbm>>
    %dma_wait3A_227 = tpu.memref_squeeze %dma_wait3A_226 : memref<1x1x80xi32, #tpu.memory_space<hbm>> -> memref<1x80xi32, #tpu.memory_space<hbm>>
    tpu.wait_dma2 semaphore(%arg33 : memref<!tpu.dma_semaphore, #tpu.memory_space<semaphore_mem>>) src(%dma_wait3A_227 : memref<1x80xi32, #tpu.memory_space<hbm>>) dst(%arg13 : memref<1x80xi32, #tpu.memory_space<vmem>>)
    %dma_start3A_228 = arith.constant 0 : i32
    %dma_start3A_229 = arith.constant 0 : i32
    %dma_start3A_230 = tpu.memref_slice %arg13[%dma_start3A_228, %dma_start3A_229] : memref<1x80xi32, #tpu.memory_space<vmem>> -> memref<1x80xi32, #tpu.memory_space<vmem>>
    %dma_start3A_231 = tpu.memref_squeeze %dma_start3A_230 : memref<1x80xi32, #tpu.memory_space<vmem>> -> memref<80xi32, #tpu.memory_space<vmem>>
    %dma_start3A_232 = arith.constant 0 : i32
    %dma_start3A_233 = arith.constant 0 : i32
    %dma_start3A_234 = tpu.memref_slice %arg7[%dma_start3A_232, %dma_start3A_233] : memref<10240x128xf32, #tpu.memory_space<vmem_shared>> -> memref<10240x128xf32, #tpu.memory_space<vmem_shared>>
    tpu.enqueue_indirect_dma source(%arg17 : memref<80x128xf32, #tpu.memory_space<vmem>>) target(%dma_start3A_234 : memref<10240x128xf32, #tpu.memory_space<vmem_shared>>) offsets(%dma_start3A_231 : memref<80xi32, #tpu.memory_space<vmem>>) semaphore(%arg25 : memref<!tpu.dma_semaphore, #tpu.memory_space<semaphore_mem>>) {add = true}
    %dma_wait3A_235 = arith.constant 0 : i32
    %dma_wait3A_236 = arith.constant 0 : i32
    %dma_wait3A_237 = tpu.memref_slice %arg13[%dma_wait3A_235, %dma_wait3A_236] : memref<1x80xi32, #tpu.memory_space<vmem>> -> memref<1x80xi32, #tpu.memory_space<vmem>>
    %dma_wait3A_238 = tpu.memref_squeeze %dma_wait3A_237 : memref<1x80xi32, #tpu.memory_space<vmem>> -> memref<80xi32, #tpu.memory_space<vmem>>
    %dma_wait3A_239 = arith.constant 0 : i32
    %dma_wait3A_240 = arith.constant 0 : i32
    %dma_wait3A_241 = tpu.memref_slice %arg7[%dma_wait3A_239, %dma_wait3A_240] : memref<10240x128xf32, #tpu.memory_space<vmem_shared>> -> memref<10240x128xf32, #tpu.memory_space<vmem_shared>>
    tpu.wait_indirect_dma semaphore(%arg25 : memref<!tpu.dma_semaphore, #tpu.memory_space<semaphore_mem>>) src(%arg17 : memref<80x128xf32, #tpu.memory_space<vmem>>) dst(%dma_wait3A_241 : memref<10240x128xf32, #tpu.memory_space<vmem_shared>>)
    %barrier3A_242 = arith.constant 0 : index
    tpu.barrier barrier_id(%barrier3A_242)
    %mul3A_243 = arith.constant 640 : i32
    %mul3A_244 = arith.muli %arg1, %mul3A_243 : i32
    %mul3A_245 = arith.constant 640 : i32
    %mul3A_246 = arith.muli %arg1, %mul3A_245 : i32
    "tpu.region"() ({
      %run_scoped3A = tpu.sem_alloc : memref<!tpu.dma_semaphore, #tpu.memory_space<semaphore_mem>>
      %dma_start3A_247 = arith.constant 0 : i32
      %dma_start3A_248 = tpu.memref_slice %arg6[%arg0, %mul3A_246, %dma_start3A_247] : memref<2x10240x128xf32, #tpu.memory_space<hbm>> -> memref<1x640x128xf32, #tpu.memory_space<hbm>>
      %dma_start3A_249 = tpu.memref_squeeze %dma_start3A_248 : memref<1x640x128xf32, #tpu.memory_space<hbm>> -> memref<640x128xf32, #tpu.memory_space<hbm>>
      %dma_start3A_250 = arith.constant 0 : i32
      %dma_start3A_251 = tpu.memref_slice %arg7[%mul3A_244, %dma_start3A_250] : memref<10240x128xf32, #tpu.memory_space<vmem_shared>> -> memref<640x128xf32, #tpu.memory_space<vmem_shared>>
      tpu.enqueue_dma source(%dma_start3A_251 : memref<640x128xf32, #tpu.memory_space<vmem_shared>>) target(%dma_start3A_249 : memref<640x128xf32, #tpu.memory_space<hbm>>) target_semaphore(%run_scoped3A : memref<!tpu.dma_semaphore, #tpu.memory_space<semaphore_mem>>)
      %dma_wait3A_252 = arith.constant 0 : i32
      %dma_wait3A_253 = tpu.memref_slice %arg6[%arg0, %mul3A_246, %dma_wait3A_252] : memref<2x10240x128xf32, #tpu.memory_space<hbm>> -> memref<1x640x128xf32, #tpu.memory_space<hbm>>
      %dma_wait3A_254 = tpu.memref_squeeze %dma_wait3A_253 : memref<1x640x128xf32, #tpu.memory_space<hbm>> -> memref<640x128xf32, #tpu.memory_space<hbm>>
      %dma_wait3A_255 = arith.constant 0 : i32
      %dma_wait3A_256 = tpu.memref_slice %arg7[%mul3A_244, %dma_wait3A_255] : memref<10240x128xf32, #tpu.memory_space<vmem_shared>> -> memref<640x128xf32, #tpu.memory_space<vmem_shared>>
      tpu.wait_dma2 semaphore(%run_scoped3A : memref<!tpu.dma_semaphore, #tpu.memory_space<semaphore_mem>>) src(%dma_wait3A_256 : memref<640x128xf32, #tpu.memory_space<vmem_shared>>) dst(%dma_wait3A_254 : memref<640x128xf32, #tpu.memory_space<hbm>>)
      tpu.yield
    }) : () -> ()
    return
  }
}

#map = affine_map<(d0, d1) -> (0, 0, 0)>
#map1 = affine_map<(d0, d1) -> (0, 0)>
module attributes {stable_mosaic.version = 14 : i64} {
  func.func @hist_kernel(%arg0: i32, %arg1: i32, %arg2: memref<32x125x80xi32, #tpu.memory_space<hbm>>, %arg3: memref<2x10240xf32, #tpu.memory_space<hbm>>, %arg4: memref<10240xf32, #tpu.memory_space<vmem_shared>>, %arg5: memref<640xf32, #tpu.memory_space<vmem>>, %arg6: memref<80xf32, #tpu.memory_space<vmem>>, %arg7: memref<125x80xi32, #tpu.memory_space<vmem>>, %arg8: memref<!tpu.dma_semaphore, #tpu.memory_space<semaphore_mem>>) attributes {dimension_semantics = [#tpu.dimension_semantics<core_parallel>, #tpu.dimension_semantics<subcore_parallel>], iteration_bounds = array<i64: 2, 16>, scalar_prefetch = 0 : i64, scratch_operands = 5 : i64, tpu.core_type = #tpu.core_type<sc_vector_subcore>, window_params = [{transform_indices = #map}, {transform_indices = #map1}]} {
    %mul3A = arith.constant 16 : i32
    %mul3A_0 = arith.muli %arg0, %mul3A : i32
    %add3A = arith.addi %mul3A_0, %arg1 : i32
    %scan3A = arith.constant 0 : i32
    %scan3A_1 = arith.constant 0 : i32
    %scan3A_2 = arith.constant 40 : i32
    %scan3A_3 = arith.addi %scan3A_1, %scan3A_2 : i32
    %scan3A_4 = arith.constant 1 : i32
    %scan3A_5 = scf.for %scan3A_56 = %scan3A_1 to %scan3A_3 step %scan3A_4 iter_args(%scan3A_57 = %scan3A) -> (i32)  : i32 {
      %broadcast_in_dim3A_58 = arith.constant 0.000000e+00 : f32
      %broadcast_in_dim3A_59 = vector.broadcast %broadcast_in_dim3A_58 : f32 to vector<16xf32>
      %mul3A_60 = arith.constant 16 : i32
      %mul3A_61 = arith.muli %scan3A_56, %mul3A_60 : i32
      %swap3A_62 = arith.index_cast %mul3A_61 : i32 to index
      %swap3A_63 = tpu.vector_load %arg5[%swap3A_62] {strides = array<i32>} : memref<640xf32, #tpu.memory_space<vmem>>, vector<16xf32>,
      %swap3A_64 = vector.shape_cast %swap3A_63 : vector<16xf32> to vector<16xf32>
      %swap3A_65 = vector.shape_cast %broadcast_in_dim3A_59 : vector<16xf32> to vector<16xf32>
      tpu.vector_store %arg5[%swap3A_62], %swap3A_65 {strides = array<i32>} : memref<640xf32, #tpu.memory_space<vmem>>, vector<16xf32>,
      %scan3A_66 = arith.constant 0 : i32
      scf.yield %scan3A_66 : i32
    }
    %scan3A_6 = arith.constant 40 : i32
    %broadcast_in_dim3A = arith.constant 1.000000e+00 : f32
    %broadcast_in_dim3A_7 = vector.broadcast %broadcast_in_dim3A : f32 to vector<16xf32>
    %swap3A = arith.constant 0 : index
    %swap3A_8 = tpu.vector_load %arg6[%swap3A] {strides = array<i32>} : memref<80xf32, #tpu.memory_space<vmem>>, vector<16xf32>,
    %swap3A_9 = vector.shape_cast %swap3A_8 : vector<16xf32> to vector<16xf32>
    %swap3A_10 = vector.shape_cast %broadcast_in_dim3A_7 : vector<16xf32> to vector<16xf32>
    tpu.vector_store %arg6[%swap3A], %swap3A_10 {strides = array<i32>} : memref<80xf32, #tpu.memory_space<vmem>>, vector<16xf32>,
    %broadcast_in_dim3A_11 = arith.constant 1.000000e+00 : f32
    %broadcast_in_dim3A_12 = vector.broadcast %broadcast_in_dim3A_11 : f32 to vector<16xf32>
    %swap3A_13 = arith.constant 16 : index
    %swap3A_14 = tpu.vector_load %arg6[%swap3A_13] {strides = array<i32>} : memref<80xf32, #tpu.memory_space<vmem>>, vector<16xf32>,
    %swap3A_15 = vector.shape_cast %swap3A_14 : vector<16xf32> to vector<16xf32>
    %swap3A_16 = vector.shape_cast %broadcast_in_dim3A_12 : vector<16xf32> to vector<16xf32>
    tpu.vector_store %arg6[%swap3A_13], %swap3A_16 {strides = array<i32>} : memref<80xf32, #tpu.memory_space<vmem>>, vector<16xf32>,
    %broadcast_in_dim3A_17 = arith.constant 1.000000e+00 : f32
    %broadcast_in_dim3A_18 = vector.broadcast %broadcast_in_dim3A_17 : f32 to vector<16xf32>
    %swap3A_19 = arith.constant 32 : index
    %swap3A_20 = tpu.vector_load %arg6[%swap3A_19] {strides = array<i32>} : memref<80xf32, #tpu.memory_space<vmem>>, vector<16xf32>,
    %swap3A_21 = vector.shape_cast %swap3A_20 : vector<16xf32> to vector<16xf32>
    %swap3A_22 = vector.shape_cast %broadcast_in_dim3A_18 : vector<16xf32> to vector<16xf32>
    tpu.vector_store %arg6[%swap3A_19], %swap3A_22 {strides = array<i32>} : memref<80xf32, #tpu.memory_space<vmem>>, vector<16xf32>,
    %broadcast_in_dim3A_23 = arith.constant 1.000000e+00 : f32
    %broadcast_in_dim3A_24 = vector.broadcast %broadcast_in_dim3A_23 : f32 to vector<16xf32>
    %swap3A_25 = arith.constant 48 : index
    %swap3A_26 = tpu.vector_load %arg6[%swap3A_25] {strides = array<i32>} : memref<80xf32, #tpu.memory_space<vmem>>, vector<16xf32>,
    %swap3A_27 = vector.shape_cast %swap3A_26 : vector<16xf32> to vector<16xf32>
    %swap3A_28 = vector.shape_cast %broadcast_in_dim3A_24 : vector<16xf32> to vector<16xf32>
    tpu.vector_store %arg6[%swap3A_25], %swap3A_28 {strides = array<i32>} : memref<80xf32, #tpu.memory_space<vmem>>, vector<16xf32>,
    %broadcast_in_dim3A_29 = arith.constant 1.000000e+00 : f32
    %broadcast_in_dim3A_30 = vector.broadcast %broadcast_in_dim3A_29 : f32 to vector<16xf32>
    %swap3A_31 = arith.constant 64 : index
    %swap3A_32 = tpu.vector_load %arg6[%swap3A_31] {strides = array<i32>} : memref<80xf32, #tpu.memory_space<vmem>>, vector<16xf32>,
    %swap3A_33 = vector.shape_cast %swap3A_32 : vector<16xf32> to vector<16xf32>
    %swap3A_34 = vector.shape_cast %broadcast_in_dim3A_30 : vector<16xf32> to vector<16xf32>
    tpu.vector_store %arg6[%swap3A_31], %swap3A_34 {strides = array<i32>} : memref<80xf32, #tpu.memory_space<vmem>>, vector<16xf32>,
    %mul3A_35 = arith.constant 640 : i32
    %mul3A_36 = arith.muli %arg1, %mul3A_35 : i32
    "tpu.region"() ({
      %run_scoped3A = tpu.sem_alloc : memref<!tpu.dma_semaphore, #tpu.memory_space<semaphore_mem>>
      %dma_start3A = tpu.memref_slice %arg4[%mul3A_36] : memref<10240xf32, #tpu.memory_space<vmem_shared>> -> memref<640xf32, #tpu.memory_space<vmem_shared>>
      %dma_start3A_56 = tpu.memref_slice %arg4[%mul3A_36] : memref<10240xf32, #tpu.memory_space<vmem_shared>> -> memref<640xf32, #tpu.memory_space<vmem_shared>>
      tpu.enqueue_dma source(%arg5 : memref<640xf32, #tpu.memory_space<vmem>>) target(%dma_start3A_56 : memref<640xf32, #tpu.memory_space<vmem_shared>>) target_semaphore(%run_scoped3A : memref<!tpu.dma_semaphore, #tpu.memory_space<semaphore_mem>>)
      %dma_wait3A = tpu.memref_slice %arg4[%mul3A_36] : memref<10240xf32, #tpu.memory_space<vmem_shared>> -> memref<640xf32, #tpu.memory_space<vmem_shared>>
      %dma_wait3A_57 = tpu.memref_slice %arg4[%mul3A_36] : memref<10240xf32, #tpu.memory_space<vmem_shared>> -> memref<640xf32, #tpu.memory_space<vmem_shared>>
      tpu.wait_dma2 semaphore(%run_scoped3A : memref<!tpu.dma_semaphore, #tpu.memory_space<semaphore_mem>>) src(%arg5 : memref<640xf32, #tpu.memory_space<vmem>>) dst(%dma_wait3A_57 : memref<640xf32, #tpu.memory_space<vmem_shared>>)
      tpu.yield
    }) : () -> ()
    "tpu.region"() ({
      %run_scoped3A = tpu.sem_alloc : memref<!tpu.dma_semaphore, #tpu.memory_space<semaphore_mem>>
      %dma_start3A = arith.constant 0 : i32
      %dma_start3A_56 = arith.constant 0 : i32
      %dma_start3A_57 = tpu.memref_slice %arg2[%add3A, %dma_start3A, %dma_start3A_56] : memref<32x125x80xi32, #tpu.memory_space<hbm>> -> memref<1x125x80xi32, #tpu.memory_space<hbm>>
      %dma_start3A_58 = tpu.memref_squeeze %dma_start3A_57 : memref<1x125x80xi32, #tpu.memory_space<hbm>> -> memref<125x80xi32, #tpu.memory_space<hbm>>
      %dma_start3A_59 = arith.constant 0 : i32
      %dma_start3A_60 = arith.constant 0 : i32
      %dma_start3A_61 = tpu.memref_slice %arg2[%add3A, %dma_start3A_59, %dma_start3A_60] : memref<32x125x80xi32, #tpu.memory_space<hbm>> -> memref<1x125x80xi32, #tpu.memory_space<hbm>>
      %dma_start3A_62 = tpu.memref_squeeze %dma_start3A_61 : memref<1x125x80xi32, #tpu.memory_space<hbm>> -> memref<125x80xi32, #tpu.memory_space<hbm>>
      tpu.enqueue_dma source(%dma_start3A_62 : memref<125x80xi32, #tpu.memory_space<hbm>>) target(%arg7 : memref<125x80xi32, #tpu.memory_space<vmem>>) target_semaphore(%run_scoped3A : memref<!tpu.dma_semaphore, #tpu.memory_space<semaphore_mem>>)
      %dma_wait3A = arith.constant 0 : i32
      %dma_wait3A_63 = arith.constant 0 : i32
      %dma_wait3A_64 = tpu.memref_slice %arg2[%add3A, %dma_wait3A, %dma_wait3A_63] : memref<32x125x80xi32, #tpu.memory_space<hbm>> -> memref<1x125x80xi32, #tpu.memory_space<hbm>>
      %dma_wait3A_65 = tpu.memref_squeeze %dma_wait3A_64 : memref<1x125x80xi32, #tpu.memory_space<hbm>> -> memref<125x80xi32, #tpu.memory_space<hbm>>
      %dma_wait3A_66 = arith.constant 0 : i32
      %dma_wait3A_67 = arith.constant 0 : i32
      %dma_wait3A_68 = tpu.memref_slice %arg2[%add3A, %dma_wait3A_66, %dma_wait3A_67] : memref<32x125x80xi32, #tpu.memory_space<hbm>> -> memref<1x125x80xi32, #tpu.memory_space<hbm>>
      %dma_wait3A_69 = tpu.memref_squeeze %dma_wait3A_68 : memref<1x125x80xi32, #tpu.memory_space<hbm>> -> memref<125x80xi32, #tpu.memory_space<hbm>>
      tpu.wait_dma2 semaphore(%run_scoped3A : memref<!tpu.dma_semaphore, #tpu.memory_space<semaphore_mem>>) src(%dma_wait3A_69 : memref<125x80xi32, #tpu.memory_space<hbm>>) dst(%arg7 : memref<125x80xi32, #tpu.memory_space<vmem>>)
      tpu.yield
    }) : () -> ()
    %barrier3A = arith.constant 0 : index
    tpu.barrier barrier_id(%barrier3A)
    %scan3A_37 = arith.constant 0 : i32
    %scan3A_38 = arith.constant 0 : i32
    %scan3A_39 = arith.constant 125 : i32
    %scan3A_40 = arith.addi %scan3A_38, %scan3A_39 : i32
    %scan3A_41 = arith.constant 1 : i32
    %scan3A_42 = scf.for %scan3A_56 = %scan3A_38 to %scan3A_40 step %scan3A_41 iter_args(%scan3A_57 = %scan3A_37) -> (i32)  : i32 {
      %dma_start3A = arith.constant 0 : i32
      %dma_start3A_58 = tpu.memref_slice %arg7[%scan3A_56, %dma_start3A] : memref<125x80xi32, #tpu.memory_space<vmem>> -> memref<1x80xi32, #tpu.memory_space<vmem>>
      %dma_start3A_59 = tpu.memref_squeeze %dma_start3A_58 : memref<1x80xi32, #tpu.memory_space<vmem>> -> memref<80xi32, #tpu.memory_space<vmem>>
      %dma_start3A_60 = arith.constant 0 : i32
      %dma_start3A_61 = tpu.memref_slice %arg4[%dma_start3A_60] : memref<10240xf32, #tpu.memory_space<vmem_shared>> -> memref<10240xf32, #tpu.memory_space<vmem_shared>>
      tpu.enqueue_indirect_dma source(%arg6 : memref<80xf32, #tpu.memory_space<vmem>>) target(%dma_start3A_61 : memref<10240xf32, #tpu.memory_space<vmem_shared>>) offsets(%dma_start3A_59 : memref<80xi32, #tpu.memory_space<vmem>>) semaphore(%arg8 : memref<!tpu.dma_semaphore, #tpu.memory_space<semaphore_mem>>) {add = true}
      %scan3A_62 = arith.constant 0 : i32
      scf.yield %scan3A_62 : i32
    }
    %scan3A_43 = arith.constant 125 : i32
    %scan3A_44 = arith.constant 0 : i32
    %scan3A_45 = arith.constant 0 : i32
    %scan3A_46 = arith.constant 125 : i32
    %scan3A_47 = arith.addi %scan3A_45, %scan3A_46 : i32
    %scan3A_48 = arith.constant 1 : i32
    %scan3A_49 = scf.for %scan3A_56 = %scan3A_45 to %scan3A_47 step %scan3A_48 iter_args(%scan3A_57 = %scan3A_44) -> (i32)  : i32 {
      %dma_wait3A = arith.constant 0 : i32
      %dma_wait3A_58 = tpu.memref_slice %arg7[%scan3A_56, %dma_wait3A] : memref<125x80xi32, #tpu.memory_space<vmem>> -> memref<1x80xi32, #tpu.memory_space<vmem>>
      %dma_wait3A_59 = tpu.memref_squeeze %dma_wait3A_58 : memref<1x80xi32, #tpu.memory_space<vmem>> -> memref<80xi32, #tpu.memory_space<vmem>>
      %dma_wait3A_60 = arith.constant 0 : i32
      %dma_wait3A_61 = tpu.memref_slice %arg4[%dma_wait3A_60] : memref<10240xf32, #tpu.memory_space<vmem_shared>> -> memref<10240xf32, #tpu.memory_space<vmem_shared>>
      tpu.wait_indirect_dma semaphore(%arg8 : memref<!tpu.dma_semaphore, #tpu.memory_space<semaphore_mem>>) src(%arg6 : memref<80xf32, #tpu.memory_space<vmem>>) dst(%dma_wait3A_61 : memref<10240xf32, #tpu.memory_space<vmem_shared>>)
      %scan3A_62 = arith.constant 0 : i32
      scf.yield %scan3A_62 : i32
    }
    %scan3A_50 = arith.constant 125 : i32
    %barrier3A_51 = arith.constant 0 : index
    tpu.barrier barrier_id(%barrier3A_51)
    %mul3A_52 = arith.constant 640 : i32
    %mul3A_53 = arith.muli %arg1, %mul3A_52 : i32
    %mul3A_54 = arith.constant 640 : i32
    %mul3A_55 = arith.muli %arg1, %mul3A_54 : i32
    "tpu.region"() ({
      %run_scoped3A = tpu.sem_alloc : memref<!tpu.dma_semaphore, #tpu.memory_space<semaphore_mem>>
      %dma_start3A = tpu.memref_slice %arg3[%arg0, %mul3A_55] : memref<2x10240xf32, #tpu.memory_space<hbm>> -> memref<1x640xf32, #tpu.memory_space<hbm>>
      %dma_start3A_56 = tpu.memref_squeeze %dma_start3A : memref<1x640xf32, #tpu.memory_space<hbm>> -> memref<640xf32, #tpu.memory_space<hbm>>
      %dma_start3A_57 = tpu.memref_slice %arg4[%mul3A_53] : memref<10240xf32, #tpu.memory_space<vmem_shared>> -> memref<640xf32, #tpu.memory_space<vmem_shared>>
      tpu.enqueue_dma source(%dma_start3A_57 : memref<640xf32, #tpu.memory_space<vmem_shared>>) target(%dma_start3A_56 : memref<640xf32, #tpu.memory_space<hbm>>) target_semaphore(%run_scoped3A : memref<!tpu.dma_semaphore, #tpu.memory_space<semaphore_mem>>)
      %dma_wait3A = tpu.memref_slice %arg3[%arg0, %mul3A_55] : memref<2x10240xf32, #tpu.memory_space<hbm>> -> memref<1x640xf32, #tpu.memory_space<hbm>>
      %dma_wait3A_58 = tpu.memref_squeeze %dma_wait3A : memref<1x640xf32, #tpu.memory_space<hbm>> -> memref<640xf32, #tpu.memory_space<hbm>>
      %dma_wait3A_59 = tpu.memref_slice %arg4[%mul3A_53] : memref<10240xf32, #tpu.memory_space<vmem_shared>> -> memref<640xf32, #tpu.memory_space<vmem_shared>>
      tpu.wait_dma2 semaphore(%run_scoped3A : memref<!tpu.dma_semaphore, #tpu.memory_space<semaphore_mem>>) src(%dma_wait3A_59 : memref<640xf32, #tpu.memory_space<vmem_shared>>) dst(%dma_wait3A_58 : memref<640xf32, #tpu.memory_space<hbm>>)
      tpu.yield
    }) : () -> ()
    return
  }
}

#map = affine_map<(d0, d1) -> (0, 0)>
#map1 = affine_map<(d0, d1) -> (0)>
#map2 = affine_map<(d0, d1) -> (0, 0, 0)>
module attributes {stable_mosaic.version = 14 : i64} {
  func.func @agg_kernel(%arg0: i32, %arg1: i32, %arg2: memref<10000x128xf32, #tpu.memory_space<hbm>>, %arg3: memref<320000xi32, #tpu.memory_space<hbm>>, %arg4: memref<32x125x80xi32, #tpu.memory_space<hbm>>, %arg5: memref<8x128xf32, #tpu.memory_space<hbm>>, %arg6: memref<2x10240x128xf32, #tpu.memory_space<hbm>>, %arg7: memref<10240x128xf32, #tpu.memory_space<vmem_shared>>, %arg8: memref<8x128xf32, #tpu.memory_space<vmem>>, %arg9: memref<80xi32, #tpu.memory_space<vmem>>, %arg10: memref<80xi32, #tpu.memory_space<vmem>>, %arg11: memref<80xi32, #tpu.memory_space<vmem>>, %arg12: memref<80xi32, #tpu.memory_space<vmem>>, %arg13: memref<1x80xi32, #tpu.memory_space<vmem>>, %arg14: memref<1x80xi32, #tpu.memory_space<vmem>>, %arg15: memref<1x80xi32, #tpu.memory_space<vmem>>, %arg16: memref<1x80xi32, #tpu.memory_space<vmem>>, %arg17: memref<80x128xf32, #tpu.memory_space<vmem>>, %arg18: memref<80x128xf32, #tpu.memory_space<vmem>>, %arg19: memref<80x128xf32, #tpu.memory_space<vmem>>, %arg20: memref<80x128xf32, #tpu.memory_space<vmem>>, %arg21: memref<!tpu.dma_semaphore, #tpu.memory_space<semaphore_mem>>, %arg22: memref<!tpu.dma_semaphore, #tpu.memory_space<semaphore_mem>>, %arg23: memref<!tpu.dma_semaphore, #tpu.memory_space<semaphore_mem>>, %arg24: memref<!tpu.dma_semaphore, #tpu.memory_space<semaphore_mem>>, %arg25: memref<!tpu.dma_semaphore, #tpu.memory_space<semaphore_mem>>, %arg26: memref<!tpu.dma_semaphore, #tpu.memory_space<semaphore_mem>>, %arg27: memref<!tpu.dma_semaphore, #tpu.memory_space<semaphore_mem>>, %arg28: memref<!tpu.dma_semaphore, #tpu.memory_space<semaphore_mem>>, %arg29: memref<!tpu.dma_semaphore, #tpu.memory_space<semaphore_mem>>, %arg30: memref<!tpu.dma_semaphore, #tpu.memory_space<semaphore_mem>>, %arg31: memref<!tpu.dma_semaphore, #tpu.memory_space<semaphore_mem>>, %arg32: memref<!tpu.dma_semaphore, #tpu.memory_space<semaphore_mem>>, %arg33: memref<!tpu.dma_semaphore, #tpu.memory_space<semaphore_mem>>, %arg34: memref<!tpu.dma_semaphore, #tpu.memory_space<semaphore_mem>>, %arg35: memref<!tpu.dma_semaphore, #tpu.memory_space<semaphore_mem>>, %arg36: memref<!tpu.dma_semaphore, #tpu.memory_space<semaphore_mem>>) attributes {dimension_semantics = [#tpu.dimension_semantics<core_parallel>, #tpu.dimension_semantics<subcore_parallel>], iteration_bounds = array<i64: 2, 16>, scalar_prefetch = 0 : i64, scratch_operands = 30 : i64, tpu.core_type = #tpu.core_type<sc_vector_subcore>, window_params = [{transform_indices = #map}, {transform_indices = #map1}, {transform_indices = #map2}, {transform_indices = #map}, {transform_indices = #map2}]} {
    %mul3A = arith.constant 16 : i32
    %mul3A_0 = arith.muli %arg0, %mul3A : i32
    %add3A = arith.addi %mul3A_0, %arg1 : i32
    %mul3A_1 = arith.constant 10000 : i32
    %mul3A_2 = arith.muli %add3A, %mul3A_1 : i32
    %add3A_3 = arith.constant 0 : i32
    %add3A_4 = arith.addi %mul3A_2, %add3A_3 : i32
    %dma_start3A = tpu.memref_slice %arg3[%add3A_4] : memref<320000xi32, #tpu.memory_space<hbm>> -> memref<80xi32, #tpu.memory_space<hbm>>
    %dma_start3A_5 = tpu.memref_slice %arg3[%add3A_4] : memref<320000xi32, #tpu.memory_space<hbm>> -> memref<80xi32, #tpu.memory_space<hbm>>
    tpu.enqueue_dma source(%dma_start3A_5 : memref<80xi32, #tpu.memory_space<hbm>>) target(%arg9 : memref<80xi32, #tpu.memory_space<vmem>>) target_semaphore(%arg29 : memref<!tpu.dma_semaphore, #tpu.memory_space<semaphore_mem>>)
    %mul3A_6 = arith.constant 10000 : i32
    %mul3A_7 = arith.muli %add3A, %mul3A_6 : i32
    %add3A_8 = arith.constant 80 : i32
    %add3A_9 = arith.addi %mul3A_7, %add3A_8 : i32
    %dma_start3A_10 = tpu.memref_slice %arg3[%add3A_9] : memref<320000xi32, #tpu.memory_space<hbm>> -> memref<80xi32, #tpu.memory_space<hbm>>
    %dma_start3A_11 = tpu.memref_slice %arg3[%add3A_9] : memref<320000xi32, #tpu.memory_space<hbm>> -> memref<80xi32, #tpu.memory_space<hbm>>
    tpu.enqueue_dma source(%dma_start3A_11 : memref<80xi32, #tpu.memory_space<hbm>>) target(%arg10 : memref<80xi32, #tpu.memory_space<vmem>>) target_semaphore(%arg30 : memref<!tpu.dma_semaphore, #tpu.memory_space<semaphore_mem>>)
    %mul3A_12 = arith.constant 10000 : i32
    %mul3A_13 = arith.muli %add3A, %mul3A_12 : i32
    %add3A_14 = arith.constant 160 : i32
    %add3A_15 = arith.addi %mul3A_13, %add3A_14 : i32
    %dma_start3A_16 = tpu.memref_slice %arg3[%add3A_15] : memref<320000xi32, #tpu.memory_space<hbm>> -> memref<80xi32, #tpu.memory_space<hbm>>
    %dma_start3A_17 = tpu.memref_slice %arg3[%add3A_15] : memref<320000xi32, #tpu.memory_space<hbm>> -> memref<80xi32, #tpu.memory_space<hbm>>
    tpu.enqueue_dma source(%dma_start3A_17 : memref<80xi32, #tpu.memory_space<hbm>>) target(%arg11 : memref<80xi32, #tpu.memory_space<vmem>>) target_semaphore(%arg31 : memref<!tpu.dma_semaphore, #tpu.memory_space<semaphore_mem>>)
    %mul3A_18 = arith.constant 10000 : i32
    %mul3A_19 = arith.muli %add3A, %mul3A_18 : i32
    %add3A_20 = arith.constant 240 : i32
    %add3A_21 = arith.addi %mul3A_19, %add3A_20 : i32
    %dma_start3A_22 = tpu.memref_slice %arg3[%add3A_21] : memref<320000xi32, #tpu.memory_space<hbm>> -> memref<80xi32, #tpu.memory_space<hbm>>
    %dma_start3A_23 = tpu.memref_slice %arg3[%add3A_21] : memref<320000xi32, #tpu.memory_space<hbm>> -> memref<80xi32, #tpu.memory_space<hbm>>
    tpu.enqueue_dma source(%dma_start3A_23 : memref<80xi32, #tpu.memory_space<hbm>>) target(%arg12 : memref<80xi32, #tpu.memory_space<vmem>>) target_semaphore(%arg32 : memref<!tpu.dma_semaphore, #tpu.memory_space<semaphore_mem>>)
    %dma_start3A_24 = arith.constant 0 : i32
    %dma_start3A_25 = arith.constant 0 : i32
    %dma_start3A_26 = tpu.memref_slice %arg4[%add3A, %dma_start3A_24, %dma_start3A_25] : memref<32x125x80xi32, #tpu.memory_space<hbm>> -> memref<1x1x80xi32, #tpu.memory_space<hbm>>
    %dma_start3A_27 = tpu.memref_squeeze %dma_start3A_26 : memref<1x1x80xi32, #tpu.memory_space<hbm>> -> memref<1x80xi32, #tpu.memory_space<hbm>>
    %dma_start3A_28 = arith.constant 0 : i32
    %dma_start3A_29 = arith.constant 0 : i32
    %dma_start3A_30 = tpu.memref_slice %arg4[%add3A, %dma_start3A_28, %dma_start3A_29] : memref<32x125x80xi32, #tpu.memory_space<hbm>> -> memref<1x1x80xi32, #tpu.memory_space<hbm>>
    %dma_start3A_31 = tpu.memref_squeeze %dma_start3A_30 : memref<1x1x80xi32, #tpu.memory_space<hbm>> -> memref<1x80xi32, #tpu.memory_space<hbm>>
    tpu.enqueue_dma source(%dma_start3A_31 : memref<1x80xi32, #tpu.memory_space<hbm>>) target(%arg13 : memref<1x80xi32, #tpu.memory_space<vmem>>) target_semaphore(%arg33 : memref<!tpu.dma_semaphore, #tpu.memory_space<semaphore_mem>>)
    %dma_start3A_32 = arith.constant 1 : i32
    %dma_start3A_33 = arith.constant 0 : i32
    %dma_start3A_34 = tpu.memref_slice %arg4[%add3A, %dma_start3A_32, %dma_start3A_33] : memref<32x125x80xi32, #tpu.memory_space<hbm>> -> memref<1x1x80xi32, #tpu.memory_space<hbm>>
    %dma_start3A_35 = tpu.memref_squeeze %dma_start3A_34 : memref<1x1x80xi32, #tpu.memory_space<hbm>> -> memref<1x80xi32, #tpu.memory_space<hbm>>
    %dma_start3A_36 = arith.constant 1 : i32
    %dma_start3A_37 = arith.constant 0 : i32
    %dma_start3A_38 = tpu.memref_slice %arg4[%add3A, %dma_start3A_36, %dma_start3A_37] : memref<32x125x80xi32, #tpu.memory_space<hbm>> -> memref<1x1x80xi32, #tpu.memory_space<hbm>>
    %dma_start3A_39 = tpu.memref_squeeze %dma_start3A_38 : memref<1x1x80xi32, #tpu.memory_space<hbm>> -> memref<1x80xi32, #tpu.memory_space<hbm>>
    tpu.enqueue_dma source(%dma_start3A_39 : memref<1x80xi32, #tpu.memory_space<hbm>>) target(%arg14 : memref<1x80xi32, #tpu.memory_space<vmem>>) target_semaphore(%arg34 : memref<!tpu.dma_semaphore, #tpu.memory_space<semaphore_mem>>)
    %dma_start3A_40 = arith.constant 2 : i32
    %dma_start3A_41 = arith.constant 0 : i32
    %dma_start3A_42 = tpu.memref_slice %arg4[%add3A, %dma_start3A_40, %dma_start3A_41] : memref<32x125x80xi32, #tpu.memory_space<hbm>> -> memref<1x1x80xi32, #tpu.memory_space<hbm>>
    %dma_start3A_43 = tpu.memref_squeeze %dma_start3A_42 : memref<1x1x80xi32, #tpu.memory_space<hbm>> -> memref<1x80xi32, #tpu.memory_space<hbm>>
    %dma_start3A_44 = arith.constant 2 : i32
    %dma_start3A_45 = arith.constant 0 : i32
    %dma_start3A_46 = tpu.memref_slice %arg4[%add3A, %dma_start3A_44, %dma_start3A_45] : memref<32x125x80xi32, #tpu.memory_space<hbm>> -> memref<1x1x80xi32, #tpu.memory_space<hbm>>
    %dma_start3A_47 = tpu.memref_squeeze %dma_start3A_46 : memref<1x1x80xi32, #tpu.memory_space<hbm>> -> memref<1x80xi32, #tpu.memory_space<hbm>>
    tpu.enqueue_dma source(%dma_start3A_47 : memref<1x80xi32, #tpu.memory_space<hbm>>) target(%arg15 : memref<1x80xi32, #tpu.memory_space<vmem>>) target_semaphore(%arg35 : memref<!tpu.dma_semaphore, #tpu.memory_space<semaphore_mem>>)
    %dma_start3A_48 = arith.constant 3 : i32
    %dma_start3A_49 = arith.constant 0 : i32
    %dma_start3A_50 = tpu.memref_slice %arg4[%add3A, %dma_start3A_48, %dma_start3A_49] : memref<32x125x80xi32, #tpu.memory_space<hbm>> -> memref<1x1x80xi32, #tpu.memory_space<hbm>>
    %dma_start3A_51 = tpu.memref_squeeze %dma_start3A_50 : memref<1x1x80xi32, #tpu.memory_space<hbm>> -> memref<1x80xi32, #tpu.memory_space<hbm>>
    %dma_start3A_52 = arith.constant 3 : i32
    %dma_start3A_53 = arith.constant 0 : i32
    %dma_start3A_54 = tpu.memref_slice %arg4[%add3A, %dma_start3A_52, %dma_start3A_53] : memref<32x125x80xi32, #tpu.memory_space<hbm>> -> memref<1x1x80xi32, #tpu.memory_space<hbm>>
    %dma_start3A_55 = tpu.memref_squeeze %dma_start3A_54 : memref<1x1x80xi32, #tpu.memory_space<hbm>> -> memref<1x80xi32, #tpu.memory_space<hbm>>
    tpu.enqueue_dma source(%dma_start3A_55 : memref<1x80xi32, #tpu.memory_space<hbm>>) target(%arg16 : memref<1x80xi32, #tpu.memory_space<vmem>>) target_semaphore(%arg36 : memref<!tpu.dma_semaphore, #tpu.memory_space<semaphore_mem>>)
    %mul3A_56 = arith.constant 10000 : i32
    %mul3A_57 = arith.muli %add3A, %mul3A_56 : i32
    %dma_wait3A = tpu.memref_slice %arg3[%mul3A_57] : memref<320000xi32, #tpu.memory_space<hbm>> -> memref<80xi32, #tpu.memory_space<hbm>>
    %dma_wait3A_58 = tpu.memref_slice %arg3[%mul3A_57] : memref<320000xi32, #tpu.memory_space<hbm>> -> memref<80xi32, #tpu.memory_space<hbm>>
    tpu.wait_dma2 semaphore(%arg29 : memref<!tpu.dma_semaphore, #tpu.memory_space<semaphore_mem>>) src(%dma_wait3A_58 : memref<80xi32, #tpu.memory_space<hbm>>) dst(%arg9 : memref<80xi32, #tpu.memory_space<vmem>>)
    %dma_start3A_59 = arith.constant 0 : i32
    %dma_start3A_60 = arith.constant 0 : i32
    %dma_start3A_61 = tpu.memref_slice %arg2[%dma_start3A_59, %dma_start3A_60] : memref<10000x128xf32, #tpu.memory_space<hbm>> -> memref<10000x128xf32, #tpu.memory_space<hbm>>
    tpu.enqueue_indirect_dma source(%dma_start3A_61 : memref<10000x128xf32, #tpu.memory_space<hbm>>) target(%arg17 : memref<80x128xf32, #tpu.memory_space<vmem>>) offsets(%arg9 : memref<80xi32, #tpu.memory_space<vmem>>) semaphore(%arg21 : memref<!tpu.dma_semaphore, #tpu.memory_space<semaphore_mem>>)
    %mul3A_62 = arith.constant 10000 : i32
    %mul3A_63 = arith.muli %add3A, %mul3A_62 : i32
    %dma_wait3A_64 = tpu.memref_slice %arg3[%mul3A_63] : memref<320000xi32, #tpu.memory_space<hbm>> -> memref<80xi32, #tpu.memory_space<hbm>>
    %dma_wait3A_65 = tpu.memref_slice %arg3[%mul3A_63] : memref<320000xi32, #tpu.memory_space<hbm>> -> memref<80xi32, #tpu.memory_space<hbm>>
    tpu.wait_dma2 semaphore(%arg30 : memref<!tpu.dma_semaphore, #tpu.memory_space<semaphore_mem>>) src(%dma_wait3A_65 : memref<80xi32, #tpu.memory_space<hbm>>) dst(%arg10 : memref<80xi32, #tpu.memory_space<vmem>>)
    %dma_start3A_66 = arith.constant 0 : i32
    %dma_start3A_67 = arith.constant 0 : i32
    %dma_start3A_68 = tpu.memref_slice %arg2[%dma_start3A_66, %dma_start3A_67] : memref<10000x128xf32, #tpu.memory_space<hbm>> -> memref<10000x128xf32, #tpu.memory_space<hbm>>
    tpu.enqueue_indirect_dma source(%dma_start3A_68 : memref<10000x128xf32, #tpu.memory_space<hbm>>) target(%arg18 : memref<80x128xf32, #tpu.memory_space<vmem>>) offsets(%arg10 : memref<80xi32, #tpu.memory_space<vmem>>) semaphore(%arg22 : memref<!tpu.dma_semaphore, #tpu.memory_space<semaphore_mem>>)
    %mul3A_69 = arith.constant 10000 : i32
    %mul3A_70 = arith.muli %add3A, %mul3A_69 : i32
    %dma_wait3A_71 = tpu.memref_slice %arg3[%mul3A_70] : memref<320000xi32, #tpu.memory_space<hbm>> -> memref<80xi32, #tpu.memory_space<hbm>>
    %dma_wait3A_72 = tpu.memref_slice %arg3[%mul3A_70] : memref<320000xi32, #tpu.memory_space<hbm>> -> memref<80xi32, #tpu.memory_space<hbm>>
    tpu.wait_dma2 semaphore(%arg31 : memref<!tpu.dma_semaphore, #tpu.memory_space<semaphore_mem>>) src(%dma_wait3A_72 : memref<80xi32, #tpu.memory_space<hbm>>) dst(%arg11 : memref<80xi32, #tpu.memory_space<vmem>>)
    %dma_start3A_73 = arith.constant 0 : i32
    %dma_start3A_74 = arith.constant 0 : i32
    %dma_start3A_75 = tpu.memref_slice %arg2[%dma_start3A_73, %dma_start3A_74] : memref<10000x128xf32, #tpu.memory_space<hbm>> -> memref<10000x128xf32, #tpu.memory_space<hbm>>
    tpu.enqueue_indirect_dma source(%dma_start3A_75 : memref<10000x128xf32, #tpu.memory_space<hbm>>) target(%arg19 : memref<80x128xf32, #tpu.memory_space<vmem>>) offsets(%arg11 : memref<80xi32, #tpu.memory_space<vmem>>) semaphore(%arg23 : memref<!tpu.dma_semaphore, #tpu.memory_space<semaphore_mem>>)
    %mul3A_76 = arith.constant 10000 : i32
    %mul3A_77 = arith.muli %add3A, %mul3A_76 : i32
    %dma_wait3A_78 = tpu.memref_slice %arg3[%mul3A_77] : memref<320000xi32, #tpu.memory_space<hbm>> -> memref<80xi32, #tpu.memory_space<hbm>>
    %dma_wait3A_79 = tpu.memref_slice %arg3[%mul3A_77] : memref<320000xi32, #tpu.memory_space<hbm>> -> memref<80xi32, #tpu.memory_space<hbm>>
    tpu.wait_dma2 semaphore(%arg32 : memref<!tpu.dma_semaphore, #tpu.memory_space<semaphore_mem>>) src(%dma_wait3A_79 : memref<80xi32, #tpu.memory_space<hbm>>) dst(%arg12 : memref<80xi32, #tpu.memory_space<vmem>>)
    %dma_start3A_80 = arith.constant 0 : i32
    %dma_start3A_81 = arith.constant 0 : i32
    %dma_start3A_82 = tpu.memref_slice %arg2[%dma_start3A_80, %dma_start3A_81] : memref<10000x128xf32, #tpu.memory_space<hbm>> -> memref<10000x128xf32, #tpu.memory_space<hbm>>
    tpu.enqueue_indirect_dma source(%dma_start3A_82 : memref<10000x128xf32, #tpu.memory_space<hbm>>) target(%arg20 : memref<80x128xf32, #tpu.memory_space<vmem>>) offsets(%arg12 : memref<80xi32, #tpu.memory_space<vmem>>) semaphore(%arg24 : memref<!tpu.dma_semaphore, #tpu.memory_space<semaphore_mem>>)
    "tpu.region"() ({
      %run_scoped3A = tpu.sem_alloc : memref<!tpu.dma_semaphore, #tpu.memory_space<semaphore_mem>>
      tpu.enqueue_dma source(%arg5 : memref<8x128xf32, #tpu.memory_space<hbm>>) target(%arg8 : memref<8x128xf32, #tpu.memory_space<vmem>>) target_semaphore(%run_scoped3A : memref<!tpu.dma_semaphore, #tpu.memory_space<semaphore_mem>>)
      tpu.wait_dma2 semaphore(%run_scoped3A : memref<!tpu.dma_semaphore, #tpu.memory_space<semaphore_mem>>) src(%arg5 : memref<8x128xf32, #tpu.memory_space<hbm>>) dst(%arg8 : memref<8x128xf32, #tpu.memory_space<vmem>>)
      tpu.yield
    }) : () -> ()
    %scan3A = arith.constant 0 : i32
    %scan3A_83 = arith.constant 0 : i32
    %scan3A_84 = arith.constant 80 : i32
    %scan3A_85 = arith.addi %scan3A_83, %scan3A_84 : i32
    %scan3A_86 = arith.constant 1 : i32
    %scan3A_87 = scf.for %scan3A_247 = %scan3A_83 to %scan3A_85 step %scan3A_86 iter_args(%scan3A_248 = %scan3A) -> (i32)  : i32 {
      %mul3A_249 = arith.constant 640 : i32
      %mul3A_250 = arith.muli %arg1, %mul3A_249 : i32
      %mul3A_251 = arith.constant 8 : i32
      %mul3A_252 = arith.muli %scan3A_247, %mul3A_251 : i32
      %add3A_253 = arith.addi %mul3A_250, %mul3A_252 : i32
      "tpu.region"() ({
        %run_scoped3A = tpu.sem_alloc : memref<!tpu.dma_semaphore, #tpu.memory_space<semaphore_mem>>
        %dma_start3A_255 = arith.constant 0 : i32
        %dma_start3A_256 = tpu.memref_slice %arg7[%add3A_253, %dma_start3A_255] : memref<10240x128xf32, #tpu.memory_space<vmem_shared>> -> memref<8x128xf32, #tpu.memory_space<vmem_shared>>
        %dma_start3A_257 = arith.constant 0 : i32
        %dma_start3A_258 = tpu.memref_slice %arg7[%add3A_253, %dma_start3A_257] : memref<10240x128xf32, #tpu.memory_space<vmem_shared>> -> memref<8x128xf32, #tpu.memory_space<vmem_shared>>
        tpu.enqueue_dma source(%arg8 : memref<8x128xf32, #tpu.memory_space<vmem>>) target(%dma_start3A_258 : memref<8x128xf32, #tpu.memory_space<vmem_shared>>) target_semaphore(%run_scoped3A : memref<!tpu.dma_semaphore, #tpu.memory_space<semaphore_mem>>)
        %dma_wait3A_259 = arith.constant 0 : i32
        %dma_wait3A_260 = tpu.memref_slice %arg7[%add3A_253, %dma_wait3A_259] : memref<10240x128xf32, #tpu.memory_space<vmem_shared>> -> memref<8x128xf32, #tpu.memory_space<vmem_shared>>
        %dma_wait3A_261 = arith.constant 0 : i32
        %dma_wait3A_262 = tpu.memref_slice %arg7[%add3A_253, %dma_wait3A_261] : memref<10240x128xf32, #tpu.memory_space<vmem_shared>> -> memref<8x128xf32, #tpu.memory_space<vmem_shared>>
        tpu.wait_dma2 semaphore(%run_scoped3A : memref<!tpu.dma_semaphore, #tpu.memory_space<semaphore_mem>>) src(%arg8 : memref<8x128xf32, #tpu.memory_space<vmem>>) dst(%dma_wait3A_262 : memref<8x128xf32, #tpu.memory_space<vmem_shared>>)
        tpu.yield
      }) : () -> ()
      %scan3A_254 = arith.constant 0 : i32
      scf.yield %scan3A_254 : i32
    }
    %scan3A_88 = arith.constant 80 : i32
    %barrier3A = arith.constant 0 : index
    tpu.barrier barrier_id(%barrier3A)
    %scan3A_89 = arith.constant 0 : i32
    %scan3A_90 = arith.constant 0 : i32
    %scan3A_91 = arith.constant 30 : i32
    %scan3A_92 = arith.addi %scan3A_90, %scan3A_91 : i32
    %scan3A_93 = arith.constant 1 : i32
    %scan3A_94 = scf.for %scan3A_247 = %scan3A_90 to %scan3A_92 step %scan3A_93 iter_args(%scan3A_248 = %scan3A_89) -> (i32)  : i32 {
      %mul3A_249 = arith.constant 4 : i32
      %mul3A_250 = arith.muli %scan3A_247, %mul3A_249 : i32
      %add3A_251 = arith.constant 0 : i32
      %add3A_252 = arith.addi %mul3A_250, %add3A_251 : i32
      %dma_wait3A_253 = arith.constant 0 : i32
      %dma_wait3A_254 = arith.constant 0 : i32
      %dma_wait3A_255 = tpu.memref_slice %arg2[%dma_wait3A_253, %dma_wait3A_254] : memref<10000x128xf32, #tpu.memory_space<hbm>> -> memref<10000x128xf32, #tpu.memory_space<hbm>>
      tpu.wait_indirect_dma semaphore(%arg21 : memref<!tpu.dma_semaphore, #tpu.memory_space<semaphore_mem>>) src(%dma_wait3A_255 : memref<10000x128xf32, #tpu.memory_space<hbm>>) dst(%arg17 : memref<80x128xf32, #tpu.memory_space<vmem>>)
      %add3A_256 = arith.constant 4 : i32
      %add3A_257 = arith.addi %add3A_252, %add3A_256 : i32
      %mul3A_258 = arith.constant 10000 : i32
      %mul3A_259 = arith.muli %add3A, %mul3A_258 : i32
      %mul3A_260 = arith.constant 80 : i32
      %mul3A_261 = arith.muli %add3A_257, %mul3A_260 : i32
      %add3A_262 = arith.addi %mul3A_259, %mul3A_261 : i32
      %dma_start3A_263 = tpu.memref_slice %arg3[%add3A_262] : memref<320000xi32, #tpu.memory_space<hbm>> -> memref<80xi32, #tpu.memory_space<hbm>>
      %dma_start3A_264 = tpu.memref_slice %arg3[%add3A_262] : memref<320000xi32, #tpu.memory_space<hbm>> -> memref<80xi32, #tpu.memory_space<hbm>>
      tpu.enqueue_dma source(%dma_start3A_264 : memref<80xi32, #tpu.memory_space<hbm>>) target(%arg9 : memref<80xi32, #tpu.memory_space<vmem>>) target_semaphore(%arg29 : memref<!tpu.dma_semaphore, #tpu.memory_space<semaphore_mem>>)
      %dma_wait3A_265 = arith.constant 0 : i32
      %dma_wait3A_266 = arith.constant 0 : i32
      %dma_wait3A_267 = tpu.memref_slice %arg4[%add3A, %dma_wait3A_265, %dma_wait3A_266] : memref<32x125x80xi32, #tpu.memory_space<hbm>> -> memref<1x1x80xi32, #tpu.memory_space<hbm>>
      %dma_wait3A_268 = tpu.memref_squeeze %dma_wait3A_267 : memref<1x1x80xi32, #tpu.memory_space<hbm>> -> memref<1x80xi32, #tpu.memory_space<hbm>>
      %dma_wait3A_269 = arith.constant 0 : i32
      %dma_wait3A_270 = arith.constant 0 : i32
      %dma_wait3A_271 = tpu.memref_slice %arg4[%add3A, %dma_wait3A_269, %dma_wait3A_270] : memref<32x125x80xi32, #tpu.memory_space<hbm>> -> memref<1x1x80xi32, #tpu.memory_space<hbm>>
      %dma_wait3A_272 = tpu.memref_squeeze %dma_wait3A_271 : memref<1x1x80xi32, #tpu.memory_space<hbm>> -> memref<1x80xi32, #tpu.memory_space<hbm>>
      tpu.wait_dma2 semaphore(%arg33 : memref<!tpu.dma_semaphore, #tpu.memory_space<semaphore_mem>>) src(%dma_wait3A_272 : memref<1x80xi32, #tpu.memory_space<hbm>>) dst(%arg13 : memref<1x80xi32, #tpu.memory_space<vmem>>)
      %dma_start3A_273 = arith.constant 0 : i32
      %dma_start3A_274 = arith.constant 0 : i32
      %dma_start3A_275 = tpu.memref_slice %arg13[%dma_start3A_273, %dma_start3A_274] : memref<1x80xi32, #tpu.memory_space<vmem>> -> memref<1x80xi32, #tpu.memory_space<vmem>>
      %dma_start3A_276 = tpu.memref_squeeze %dma_start3A_275 : memref<1x80xi32, #tpu.memory_space<vmem>> -> memref<80xi32, #tpu.memory_space<vmem>>
      %dma_start3A_277 = arith.constant 0 : i32
      %dma_start3A_278 = arith.constant 0 : i32
      %dma_start3A_279 = tpu.memref_slice %arg7[%dma_start3A_277, %dma_start3A_278] : memref<10240x128xf32, #tpu.memory_space<vmem_shared>> -> memref<10240x128xf32, #tpu.memory_space<vmem_shared>>
      tpu.enqueue_indirect_dma source(%arg17 : memref<80x128xf32, #tpu.memory_space<vmem>>) target(%dma_start3A_279 : memref<10240x128xf32, #tpu.memory_space<vmem_shared>>) offsets(%dma_start3A_276 : memref<80xi32, #tpu.memory_space<vmem>>) semaphore(%arg25 : memref<!tpu.dma_semaphore, #tpu.memory_space<semaphore_mem>>) {add = true}
      %dma_wait3A_280 = arith.constant 0 : i32
      %dma_wait3A_281 = arith.constant 0 : i32
      %dma_wait3A_282 = tpu.memref_slice %arg13[%dma_wait3A_280, %dma_wait3A_281] : memref<1x80xi32, #tpu.memory_space<vmem>> -> memref<1x80xi32, #tpu.memory_space<vmem>>
      %dma_wait3A_283 = tpu.memref_squeeze %dma_wait3A_282 : memref<1x80xi32, #tpu.memory_space<vmem>> -> memref<80xi32, #tpu.memory_space<vmem>>
      %dma_wait3A_284 = arith.constant 0 : i32
      %dma_wait3A_285 = arith.constant 0 : i32
      %dma_wait3A_286 = tpu.memref_slice %arg7[%dma_wait3A_284, %dma_wait3A_285] : memref<10240x128xf32, #tpu.memory_space<vmem_shared>> -> memref<10240x128xf32, #tpu.memory_space<vmem_shared>>
      tpu.wait_indirect_dma semaphore(%arg25 : memref<!tpu.dma_semaphore, #tpu.memory_space<semaphore_mem>>) src(%arg17 : memref<80x128xf32, #tpu.memory_space<vmem>>) dst(%dma_wait3A_286 : memref<10240x128xf32, #tpu.memory_space<vmem_shared>>)
      %add3A_287 = arith.constant 4 : i32
      %add3A_288 = arith.addi %add3A_252, %add3A_287 : i32
      %dma_start3A_289 = arith.constant 0 : i32
      %dma_start3A_290 = tpu.memref_slice %arg4[%add3A, %add3A_288, %dma_start3A_289] : memref<32x125x80xi32, #tpu.memory_space<hbm>> -> memref<1x1x80xi32, #tpu.memory_space<hbm>>
      %dma_start3A_291 = tpu.memref_squeeze %dma_start3A_290 : memref<1x1x80xi32, #tpu.memory_space<hbm>> -> memref<1x80xi32, #tpu.memory_space<hbm>>
      %dma_start3A_292 = arith.constant 0 : i32
      %dma_start3A_293 = tpu.memref_slice %arg4[%add3A, %add3A_288, %dma_start3A_292] : memref<32x125x80xi32, #tpu.memory_space<hbm>> -> memref<1x1x80xi32, #tpu.memory_space<hbm>>
      %dma_start3A_294 = tpu.memref_squeeze %dma_start3A_293 : memref<1x1x80xi32, #tpu.memory_space<hbm>> -> memref<1x80xi32, #tpu.memory_space<hbm>>
      tpu.enqueue_dma source(%dma_start3A_294 : memref<1x80xi32, #tpu.memory_space<hbm>>) target(%arg13 : memref<1x80xi32, #tpu.memory_space<vmem>>) target_semaphore(%arg33 : memref<!tpu.dma_semaphore, #tpu.memory_space<semaphore_mem>>)
      %mul3A_295 = arith.constant 10000 : i32
      %mul3A_296 = arith.muli %add3A, %mul3A_295 : i32
      %dma_wait3A_297 = tpu.memref_slice %arg3[%mul3A_296] : memref<320000xi32, #tpu.memory_space<hbm>> -> memref<80xi32, #tpu.memory_space<hbm>>
      %dma_wait3A_298 = tpu.memref_slice %arg3[%mul3A_296] : memref<320000xi32, #tpu.memory_space<hbm>> -> memref<80xi32, #tpu.memory_space<hbm>>
      tpu.wait_dma2 semaphore(%arg29 : memref<!tpu.dma_semaphore, #tpu.memory_space<semaphore_mem>>) src(%dma_wait3A_298 : memref<80xi32, #tpu.memory_space<hbm>>) dst(%arg9 : memref<80xi32, #tpu.memory_space<vmem>>)
      %dma_start3A_299 = arith.constant 0 : i32
      %dma_start3A_300 = arith.constant 0 : i32
      %dma_start3A_301 = tpu.memref_slice %arg2[%dma_start3A_299, %dma_start3A_300] : memref<10000x128xf32, #tpu.memory_space<hbm>> -> memref<10000x128xf32, #tpu.memory_space<hbm>>
      tpu.enqueue_indirect_dma source(%dma_start3A_301 : memref<10000x128xf32, #tpu.memory_space<hbm>>) target(%arg17 : memref<80x128xf32, #tpu.memory_space<vmem>>) offsets(%arg9 : memref<80xi32, #tpu.memory_space<vmem>>) semaphore(%arg21 : memref<!tpu.dma_semaphore, #tpu.memory_space<semaphore_mem>>)
      %mul3A_302 = arith.constant 4 : i32
      %mul3A_303 = arith.muli %scan3A_247, %mul3A_302 : i32
      %add3A_304 = arith.constant 1 : i32
      %add3A_305 = arith.addi %mul3A_303, %add3A_304 : i32
      %dma_wait3A_306 = arith.constant 0 : i32
      %dma_wait3A_307 = arith.constant 0 : i32
      %dma_wait3A_308 = tpu.memref_slice %arg2[%dma_wait3A_306, %dma_wait3A_307] : memref<10000x128xf32, #tpu.memory_space<hbm>> -> memref<10000x128xf32, #tpu.memory_space<hbm>>
      tpu.wait_indirect_dma semaphore(%arg22 : memref<!tpu.dma_semaphore, #tpu.memory_space<semaphore_mem>>) src(%dma_wait3A_308 : memref<10000x128xf32, #tpu.memory_space<hbm>>) dst(%arg18 : memref<80x128xf32, #tpu.memory_space<vmem>>)
      %add3A_309 = arith.constant 4 : i32
      %add3A_310 = arith.addi %add3A_305, %add3A_309 : i32
      %mul3A_311 = arith.constant 10000 : i32
      %mul3A_312 = arith.muli %add3A, %mul3A_311 : i32
      %mul3A_313 = arith.constant 80 : i32
      %mul3A_314 = arith.muli %add3A_310, %mul3A_313 : i32
      %add3A_315 = arith.addi %mul3A_312, %mul3A_314 : i32
      %dma_start3A_316 = tpu.memref_slice %arg3[%add3A_315] : memref<320000xi32, #tpu.memory_space<hbm>> -> memref<80xi32, #tpu.memory_space<hbm>>
      %dma_start3A_317 = tpu.memref_slice %arg3[%add3A_315] : memref<320000xi32, #tpu.memory_space<hbm>> -> memref<80xi32, #tpu.memory_space<hbm>>
      tpu.enqueue_dma source(%dma_start3A_317 : memref<80xi32, #tpu.memory_space<hbm>>) target(%arg10 : memref<80xi32, #tpu.memory_space<vmem>>) target_semaphore(%arg30 : memref<!tpu.dma_semaphore, #tpu.memory_space<semaphore_mem>>)
      %dma_wait3A_318 = arith.constant 0 : i32
      %dma_wait3A_319 = arith.constant 0 : i32
      %dma_wait3A_320 = tpu.memref_slice %arg4[%add3A, %dma_wait3A_318, %dma_wait3A_319] : memref<32x125x80xi32, #tpu.memory_space<hbm>> -> memref<1x1x80xi32, #tpu.memory_space<hbm>>
      %dma_wait3A_321 = tpu.memref_squeeze %dma_wait3A_320 : memref<1x1x80xi32, #tpu.memory_space<hbm>> -> memref<1x80xi32, #tpu.memory_space<hbm>>
      %dma_wait3A_322 = arith.constant 0 : i32
      %dma_wait3A_323 = arith.constant 0 : i32
      %dma_wait3A_324 = tpu.memref_slice %arg4[%add3A, %dma_wait3A_322, %dma_wait3A_323] : memref<32x125x80xi32, #tpu.memory_space<hbm>> -> memref<1x1x80xi32, #tpu.memory_space<hbm>>
      %dma_wait3A_325 = tpu.memref_squeeze %dma_wait3A_324 : memref<1x1x80xi32, #tpu.memory_space<hbm>> -> memref<1x80xi32, #tpu.memory_space<hbm>>
      tpu.wait_dma2 semaphore(%arg34 : memref<!tpu.dma_semaphore, #tpu.memory_space<semaphore_mem>>) src(%dma_wait3A_325 : memref<1x80xi32, #tpu.memory_space<hbm>>) dst(%arg14 : memref<1x80xi32, #tpu.memory_space<vmem>>)
      %dma_start3A_326 = arith.constant 0 : i32
      %dma_start3A_327 = arith.constant 0 : i32
      %dma_start3A_328 = tpu.memref_slice %arg14[%dma_start3A_326, %dma_start3A_327] : memref<1x80xi32, #tpu.memory_space<vmem>> -> memref<1x80xi32, #tpu.memory_space<vmem>>
      %dma_start3A_329 = tpu.memref_squeeze %dma_start3A_328 : memref<1x80xi32, #tpu.memory_space<vmem>> -> memref<80xi32, #tpu.memory_space<vmem>>
      %dma_start3A_330 = arith.constant 0 : i32
      %dma_start3A_331 = arith.constant 0 : i32
      %dma_start3A_332 = tpu.memref_slice %arg7[%dma_start3A_330, %dma_start3A_331] : memref<10240x128xf32, #tpu.memory_space<vmem_shared>> -> memref<10240x128xf32, #tpu.memory_space<vmem_shared>>
      tpu.enqueue_indirect_dma source(%arg18 : memref<80x128xf32, #tpu.memory_space<vmem>>) target(%dma_start3A_332 : memref<10240x128xf32, #tpu.memory_space<vmem_shared>>) offsets(%dma_start3A_329 : memref<80xi32, #tpu.memory_space<vmem>>) semaphore(%arg26 : memref<!tpu.dma_semaphore, #tpu.memory_space<semaphore_mem>>) {add = true}
      %dma_wait3A_333 = arith.constant 0 : i32
      %dma_wait3A_334 = arith.constant 0 : i32
      %dma_wait3A_335 = tpu.memref_slice %arg14[%dma_wait3A_333, %dma_wait3A_334] : memref<1x80xi32, #tpu.memory_space<vmem>> -> memref<1x80xi32, #tpu.memory_space<vmem>>
      %dma_wait3A_336 = tpu.memref_squeeze %dma_wait3A_335 : memref<1x80xi32, #tpu.memory_space<vmem>> -> memref<80xi32, #tpu.memory_space<vmem>>
      %dma_wait3A_337 = arith.constant 0 : i32
      %dma_wait3A_338 = arith.constant 0 : i32
      %dma_wait3A_339 = tpu.memref_slice %arg7[%dma_wait3A_337, %dma_wait3A_338] : memref<10240x128xf32, #tpu.memory_space<vmem_shared>> -> memref<10240x128xf32, #tpu.memory_space<vmem_shared>>
      tpu.wait_indirect_dma semaphore(%arg26 : memref<!tpu.dma_semaphore, #tpu.memory_space<semaphore_mem>>) src(%arg18 : memref<80x128xf32, #tpu.memory_space<vmem>>) dst(%dma_wait3A_339 : memref<10240x128xf32, #tpu.memory_space<vmem_shared>>)
      %add3A_340 = arith.constant 4 : i32
      %add3A_341 = arith.addi %add3A_305, %add3A_340 : i32
      %dma_start3A_342 = arith.constant 0 : i32
      %dma_start3A_343 = tpu.memref_slice %arg4[%add3A, %add3A_341, %dma_start3A_342] : memref<32x125x80xi32, #tpu.memory_space<hbm>> -> memref<1x1x80xi32, #tpu.memory_space<hbm>>
      %dma_start3A_344 = tpu.memref_squeeze %dma_start3A_343 : memref<1x1x80xi32, #tpu.memory_space<hbm>> -> memref<1x80xi32, #tpu.memory_space<hbm>>
      %dma_start3A_345 = arith.constant 0 : i32
      %dma_start3A_346 = tpu.memref_slice %arg4[%add3A, %add3A_341, %dma_start3A_345] : memref<32x125x80xi32, #tpu.memory_space<hbm>> -> memref<1x1x80xi32, #tpu.memory_space<hbm>>
      %dma_start3A_347 = tpu.memref_squeeze %dma_start3A_346 : memref<1x1x80xi32, #tpu.memory_space<hbm>> -> memref<1x80xi32, #tpu.memory_space<hbm>>
      tpu.enqueue_dma source(%dma_start3A_347 : memref<1x80xi32, #tpu.memory_space<hbm>>) target(%arg14 : memref<1x80xi32, #tpu.memory_space<vmem>>) target_semaphore(%arg34 : memref<!tpu.dma_semaphore, #tpu.memory_space<semaphore_mem>>)
      %mul3A_348 = arith.constant 10000 : i32
      %mul3A_349 = arith.muli %add3A, %mul3A_348 : i32
      %dma_wait3A_350 = tpu.memref_slice %arg3[%mul3A_349] : memref<320000xi32, #tpu.memory_space<hbm>> -> memref<80xi32, #tpu.memory_space<hbm>>
      %dma_wait3A_351 = tpu.memref_slice %arg3[%mul3A_349] : memref<320000xi32, #tpu.memory_space<hbm>> -> memref<80xi32, #tpu.memory_space<hbm>>
      tpu.wait_dma2 semaphore(%arg30 : memref<!tpu.dma_semaphore, #tpu.memory_space<semaphore_mem>>) src(%dma_wait3A_351 : memref<80xi32, #tpu.memory_space<hbm>>) dst(%arg10 : memref<80xi32, #tpu.memory_space<vmem>>)
      %dma_start3A_352 = arith.constant 0 : i32
      %dma_start3A_353 = arith.constant 0 : i32
      %dma_start3A_354 = tpu.memref_slice %arg2[%dma_start3A_352, %dma_start3A_353] : memref<10000x128xf32, #tpu.memory_space<hbm>> -> memref<10000x128xf32, #tpu.memory_space<hbm>>
      tpu.enqueue_indirect_dma source(%dma_start3A_354 : memref<10000x128xf32, #tpu.memory_space<hbm>>) target(%arg18 : memref<80x128xf32, #tpu.memory_space<vmem>>) offsets(%arg10 : memref<80xi32, #tpu.memory_space<vmem>>) semaphore(%arg22 : memref<!tpu.dma_semaphore, #tpu.memory_space<semaphore_mem>>)
      %mul3A_355 = arith.constant 4 : i32
      %mul3A_356 = arith.muli %scan3A_247, %mul3A_355 : i32
      %add3A_357 = arith.constant 2 : i32
      %add3A_358 = arith.addi %mul3A_356, %add3A_357 : i32
      %dma_wait3A_359 = arith.constant 0 : i32
      %dma_wait3A_360 = arith.constant 0 : i32
      %dma_wait3A_361 = tpu.memref_slice %arg2[%dma_wait3A_359, %dma_wait3A_360] : memref<10000x128xf32, #tpu.memory_space<hbm>> -> memref<10000x128xf32, #tpu.memory_space<hbm>>
      tpu.wait_indirect_dma semaphore(%arg23 : memref<!tpu.dma_semaphore, #tpu.memory_space<semaphore_mem>>) src(%dma_wait3A_361 : memref<10000x128xf32, #tpu.memory_space<hbm>>) dst(%arg19 : memref<80x128xf32, #tpu.memory_space<vmem>>)
      %add3A_362 = arith.constant 4 : i32
      %add3A_363 = arith.addi %add3A_358, %add3A_362 : i32
      %mul3A_364 = arith.constant 10000 : i32
      %mul3A_365 = arith.muli %add3A, %mul3A_364 : i32
      %mul3A_366 = arith.constant 80 : i32
      %mul3A_367 = arith.muli %add3A_363, %mul3A_366 : i32
      %add3A_368 = arith.addi %mul3A_365, %mul3A_367 : i32
      %dma_start3A_369 = tpu.memref_slice %arg3[%add3A_368] : memref<320000xi32, #tpu.memory_space<hbm>> -> memref<80xi32, #tpu.memory_space<hbm>>
      %dma_start3A_370 = tpu.memref_slice %arg3[%add3A_368] : memref<320000xi32, #tpu.memory_space<hbm>> -> memref<80xi32, #tpu.memory_space<hbm>>
      tpu.enqueue_dma source(%dma_start3A_370 : memref<80xi32, #tpu.memory_space<hbm>>) target(%arg11 : memref<80xi32, #tpu.memory_space<vmem>>) target_semaphore(%arg31 : memref<!tpu.dma_semaphore, #tpu.memory_space<semaphore_mem>>)
      %dma_wait3A_371 = arith.constant 0 : i32
      %dma_wait3A_372 = arith.constant 0 : i32
      %dma_wait3A_373 = tpu.memref_slice %arg4[%add3A, %dma_wait3A_371, %dma_wait3A_372] : memref<32x125x80xi32, #tpu.memory_space<hbm>> -> memref<1x1x80xi32, #tpu.memory_space<hbm>>
      %dma_wait3A_374 = tpu.memref_squeeze %dma_wait3A_373 : memref<1x1x80xi32, #tpu.memory_space<hbm>> -> memref<1x80xi32, #tpu.memory_space<hbm>>
      %dma_wait3A_375 = arith.constant 0 : i32
      %dma_wait3A_376 = arith.constant 0 : i32
      %dma_wait3A_377 = tpu.memref_slice %arg4[%add3A, %dma_wait3A_375, %dma_wait3A_376] : memref<32x125x80xi32, #tpu.memory_space<hbm>> -> memref<1x1x80xi32, #tpu.memory_space<hbm>>
      %dma_wait3A_378 = tpu.memref_squeeze %dma_wait3A_377 : memref<1x1x80xi32, #tpu.memory_space<hbm>> -> memref<1x80xi32, #tpu.memory_space<hbm>>
      tpu.wait_dma2 semaphore(%arg35 : memref<!tpu.dma_semaphore, #tpu.memory_space<semaphore_mem>>) src(%dma_wait3A_378 : memref<1x80xi32, #tpu.memory_space<hbm>>) dst(%arg15 : memref<1x80xi32, #tpu.memory_space<vmem>>)
      %dma_start3A_379 = arith.constant 0 : i32
      %dma_start3A_380 = arith.constant 0 : i32
      %dma_start3A_381 = tpu.memref_slice %arg15[%dma_start3A_379, %dma_start3A_380] : memref<1x80xi32, #tpu.memory_space<vmem>> -> memref<1x80xi32, #tpu.memory_space<vmem>>
      %dma_start3A_382 = tpu.memref_squeeze %dma_start3A_381 : memref<1x80xi32, #tpu.memory_space<vmem>> -> memref<80xi32, #tpu.memory_space<vmem>>
      %dma_start3A_383 = arith.constant 0 : i32
      %dma_start3A_384 = arith.constant 0 : i32
      %dma_start3A_385 = tpu.memref_slice %arg7[%dma_start3A_383, %dma_start3A_384] : memref<10240x128xf32, #tpu.memory_space<vmem_shared>> -> memref<10240x128xf32, #tpu.memory_space<vmem_shared>>
      tpu.enqueue_indirect_dma source(%arg19 : memref<80x128xf32, #tpu.memory_space<vmem>>) target(%dma_start3A_385 : memref<10240x128xf32, #tpu.memory_space<vmem_shared>>) offsets(%dma_start3A_382 : memref<80xi32, #tpu.memory_space<vmem>>) semaphore(%arg27 : memref<!tpu.dma_semaphore, #tpu.memory_space<semaphore_mem>>) {add = true}
      %dma_wait3A_386 = arith.constant 0 : i32
      %dma_wait3A_387 = arith.constant 0 : i32
      %dma_wait3A_388 = tpu.memref_slice %arg15[%dma_wait3A_386, %dma_wait3A_387] : memref<1x80xi32, #tpu.memory_space<vmem>> -> memref<1x80xi32, #tpu.memory_space<vmem>>
      %dma_wait3A_389 = tpu.memref_squeeze %dma_wait3A_388 : memref<1x80xi32, #tpu.memory_space<vmem>> -> memref<80xi32, #tpu.memory_space<vmem>>
      %dma_wait3A_390 = arith.constant 0 : i32
      %dma_wait3A_391 = arith.constant 0 : i32
      %dma_wait3A_392 = tpu.memref_slice %arg7[%dma_wait3A_390, %dma_wait3A_391] : memref<10240x128xf32, #tpu.memory_space<vmem_shared>> -> memref<10240x128xf32, #tpu.memory_space<vmem_shared>>
      tpu.wait_indirect_dma semaphore(%arg27 : memref<!tpu.dma_semaphore, #tpu.memory_space<semaphore_mem>>) src(%arg19 : memref<80x128xf32, #tpu.memory_space<vmem>>) dst(%dma_wait3A_392 : memref<10240x128xf32, #tpu.memory_space<vmem_shared>>)
      %add3A_393 = arith.constant 4 : i32
      %add3A_394 = arith.addi %add3A_358, %add3A_393 : i32
      %dma_start3A_395 = arith.constant 0 : i32
      %dma_start3A_396 = tpu.memref_slice %arg4[%add3A, %add3A_394, %dma_start3A_395] : memref<32x125x80xi32, #tpu.memory_space<hbm>> -> memref<1x1x80xi32, #tpu.memory_space<hbm>>
      %dma_start3A_397 = tpu.memref_squeeze %dma_start3A_396 : memref<1x1x80xi32, #tpu.memory_space<hbm>> -> memref<1x80xi32, #tpu.memory_space<hbm>>
      %dma_start3A_398 = arith.constant 0 : i32
      %dma_start3A_399 = tpu.memref_slice %arg4[%add3A, %add3A_394, %dma_start3A_398] : memref<32x125x80xi32, #tpu.memory_space<hbm>> -> memref<1x1x80xi32, #tpu.memory_space<hbm>>
      %dma_start3A_400 = tpu.memref_squeeze %dma_start3A_399 : memref<1x1x80xi32, #tpu.memory_space<hbm>> -> memref<1x80xi32, #tpu.memory_space<hbm>>
      tpu.enqueue_dma source(%dma_start3A_400 : memref<1x80xi32, #tpu.memory_space<hbm>>) target(%arg15 : memref<1x80xi32, #tpu.memory_space<vmem>>) target_semaphore(%arg35 : memref<!tpu.dma_semaphore, #tpu.memory_space<semaphore_mem>>)
      %mul3A_401 = arith.constant 10000 : i32
      %mul3A_402 = arith.muli %add3A, %mul3A_401 : i32
      %dma_wait3A_403 = tpu.memref_slice %arg3[%mul3A_402] : memref<320000xi32, #tpu.memory_space<hbm>> -> memref<80xi32, #tpu.memory_space<hbm>>
      %dma_wait3A_404 = tpu.memref_slice %arg3[%mul3A_402] : memref<320000xi32, #tpu.memory_space<hbm>> -> memref<80xi32, #tpu.memory_space<hbm>>
      tpu.wait_dma2 semaphore(%arg31 : memref<!tpu.dma_semaphore, #tpu.memory_space<semaphore_mem>>) src(%dma_wait3A_404 : memref<80xi32, #tpu.memory_space<hbm>>) dst(%arg11 : memref<80xi32, #tpu.memory_space<vmem>>)
      %dma_start3A_405 = arith.constant 0 : i32
      %dma_start3A_406 = arith.constant 0 : i32
      %dma_start3A_407 = tpu.memref_slice %arg2[%dma_start3A_405, %dma_start3A_406] : memref<10000x128xf32, #tpu.memory_space<hbm>> -> memref<10000x128xf32, #tpu.memory_space<hbm>>
      tpu.enqueue_indirect_dma source(%dma_start3A_407 : memref<10000x128xf32, #tpu.memory_space<hbm>>) target(%arg19 : memref<80x128xf32, #tpu.memory_space<vmem>>) offsets(%arg11 : memref<80xi32, #tpu.memory_space<vmem>>) semaphore(%arg23 : memref<!tpu.dma_semaphore, #tpu.memory_space<semaphore_mem>>)
      %mul3A_408 = arith.constant 4 : i32
      %mul3A_409 = arith.muli %scan3A_247, %mul3A_408 : i32
      %add3A_410 = arith.constant 3 : i32
      %add3A_411 = arith.addi %mul3A_409, %add3A_410 : i32
      %dma_wait3A_412 = arith.constant 0 : i32
      %dma_wait3A_413 = arith.constant 0 : i32
      %dma_wait3A_414 = tpu.memref_slice %arg2[%dma_wait3A_412, %dma_wait3A_413] : memref<10000x128xf32, #tpu.memory_space<hbm>> -> memref<10000x128xf32, #tpu.memory_space<hbm>>
      tpu.wait_indirect_dma semaphore(%arg24 : memref<!tpu.dma_semaphore, #tpu.memory_space<semaphore_mem>>) src(%dma_wait3A_414 : memref<10000x128xf32, #tpu.memory_space<hbm>>) dst(%arg20 : memref<80x128xf32, #tpu.memory_space<vmem>>)
      %add3A_415 = arith.constant 4 : i32
      %add3A_416 = arith.addi %add3A_411, %add3A_415 : i32
      %mul3A_417 = arith.constant 10000 : i32
      %mul3A_418 = arith.muli %add3A, %mul3A_417 : i32
      %mul3A_419 = arith.constant 80 : i32
      %mul3A_420 = arith.muli %add3A_416, %mul3A_419 : i32
      %add3A_421 = arith.addi %mul3A_418, %mul3A_420 : i32
      %dma_start3A_422 = tpu.memref_slice %arg3[%add3A_421] : memref<320000xi32, #tpu.memory_space<hbm>> -> memref<80xi32, #tpu.memory_space<hbm>>
      %dma_start3A_423 = tpu.memref_slice %arg3[%add3A_421] : memref<320000xi32, #tpu.memory_space<hbm>> -> memref<80xi32, #tpu.memory_space<hbm>>
      tpu.enqueue_dma source(%dma_start3A_423 : memref<80xi32, #tpu.memory_space<hbm>>) target(%arg12 : memref<80xi32, #tpu.memory_space<vmem>>) target_semaphore(%arg32 : memref<!tpu.dma_semaphore, #tpu.memory_space<semaphore_mem>>)
      %dma_wait3A_424 = arith.constant 0 : i32
      %dma_wait3A_425 = arith.constant 0 : i32
      %dma_wait3A_426 = tpu.memref_slice %arg4[%add3A, %dma_wait3A_424, %dma_wait3A_425] : memref<32x125x80xi32, #tpu.memory_space<hbm>> -> memref<1x1x80xi32, #tpu.memory_space<hbm>>
      %dma_wait3A_427 = tpu.memref_squeeze %dma_wait3A_426 : memref<1x1x80xi32, #tpu.memory_space<hbm>> -> memref<1x80xi32, #tpu.memory_space<hbm>>
      %dma_wait3A_428 = arith.constant 0 : i32
      %dma_wait3A_429 = arith.constant 0 : i32
      %dma_wait3A_430 = tpu.memref_slice %arg4[%add3A, %dma_wait3A_428, %dma_wait3A_429] : memref<32x125x80xi32, #tpu.memory_space<hbm>> -> memref<1x1x80xi32, #tpu.memory_space<hbm>>
      %dma_wait3A_431 = tpu.memref_squeeze %dma_wait3A_430 : memref<1x1x80xi32, #tpu.memory_space<hbm>> -> memref<1x80xi32, #tpu.memory_space<hbm>>
      tpu.wait_dma2 semaphore(%arg36 : memref<!tpu.dma_semaphore, #tpu.memory_space<semaphore_mem>>) src(%dma_wait3A_431 : memref<1x80xi32, #tpu.memory_space<hbm>>) dst(%arg16 : memref<1x80xi32, #tpu.memory_space<vmem>>)
      %dma_start3A_432 = arith.constant 0 : i32
      %dma_start3A_433 = arith.constant 0 : i32
      %dma_start3A_434 = tpu.memref_slice %arg16[%dma_start3A_432, %dma_start3A_433] : memref<1x80xi32, #tpu.memory_space<vmem>> -> memref<1x80xi32, #tpu.memory_space<vmem>>
      %dma_start3A_435 = tpu.memref_squeeze %dma_start3A_434 : memref<1x80xi32, #tpu.memory_space<vmem>> -> memref<80xi32, #tpu.memory_space<vmem>>
      %dma_start3A_436 = arith.constant 0 : i32
      %dma_start3A_437 = arith.constant 0 : i32
      %dma_start3A_438 = tpu.memref_slice %arg7[%dma_start3A_436, %dma_start3A_437] : memref<10240x128xf32, #tpu.memory_space<vmem_shared>> -> memref<10240x128xf32, #tpu.memory_space<vmem_shared>>
      tpu.enqueue_indirect_dma source(%arg20 : memref<80x128xf32, #tpu.memory_space<vmem>>) target(%dma_start3A_438 : memref<10240x128xf32, #tpu.memory_space<vmem_shared>>) offsets(%dma_start3A_435 : memref<80xi32, #tpu.memory_space<vmem>>) semaphore(%arg28 : memref<!tpu.dma_semaphore, #tpu.memory_space<semaphore_mem>>) {add = true}
      %dma_wait3A_439 = arith.constant 0 : i32
      %dma_wait3A_440 = arith.constant 0 : i32
      %dma_wait3A_441 = tpu.memref_slice %arg16[%dma_wait3A_439, %dma_wait3A_440] : memref<1x80xi32, #tpu.memory_space<vmem>> -> memref<1x80xi32, #tpu.memory_space<vmem>>
      %dma_wait3A_442 = tpu.memref_squeeze %dma_wait3A_441 : memref<1x80xi32, #tpu.memory_space<vmem>> -> memref<80xi32, #tpu.memory_space<vmem>>
      %dma_wait3A_443 = arith.constant 0 : i32
      %dma_wait3A_444 = arith.constant 0 : i32
      %dma_wait3A_445 = tpu.memref_slice %arg7[%dma_wait3A_443, %dma_wait3A_444] : memref<10240x128xf32, #tpu.memory_space<vmem_shared>> -> memref<10240x128xf32, #tpu.memory_space<vmem_shared>>
      tpu.wait_indirect_dma semaphore(%arg28 : memref<!tpu.dma_semaphore, #tpu.memory_space<semaphore_mem>>) src(%arg20 : memref<80x128xf32, #tpu.memory_space<vmem>>) dst(%dma_wait3A_445 : memref<10240x128xf32, #tpu.memory_space<vmem_shared>>)
      %add3A_446 = arith.constant 4 : i32
      %add3A_447 = arith.addi %add3A_411, %add3A_446 : i32
      %dma_start3A_448 = arith.constant 0 : i32
      %dma_start3A_449 = tpu.memref_slice %arg4[%add3A, %add3A_447, %dma_start3A_448] : memref<32x125x80xi32, #tpu.memory_space<hbm>> -> memref<1x1x80xi32, #tpu.memory_space<hbm>>
      %dma_start3A_450 = tpu.memref_squeeze %dma_start3A_449 : memref<1x1x80xi32, #tpu.memory_space<hbm>> -> memref<1x80xi32, #tpu.memory_space<hbm>>
      %dma_start3A_451 = arith.constant 0 : i32
      %dma_start3A_452 = tpu.memref_slice %arg4[%add3A, %add3A_447, %dma_start3A_451] : memref<32x125x80xi32, #tpu.memory_space<hbm>> -> memref<1x1x80xi32, #tpu.memory_space<hbm>>
      %dma_start3A_453 = tpu.memref_squeeze %dma_start3A_452 : memref<1x1x80xi32, #tpu.memory_space<hbm>> -> memref<1x80xi32, #tpu.memory_space<hbm>>
      tpu.enqueue_dma source(%dma_start3A_453 : memref<1x80xi32, #tpu.memory_space<hbm>>) target(%arg16 : memref<1x80xi32, #tpu.memory_space<vmem>>) target_semaphore(%arg36 : memref<!tpu.dma_semaphore, #tpu.memory_space<semaphore_mem>>)
      %mul3A_454 = arith.constant 10000 : i32
      %mul3A_455 = arith.muli %add3A, %mul3A_454 : i32
      %dma_wait3A_456 = tpu.memref_slice %arg3[%mul3A_455] : memref<320000xi32, #tpu.memory_space<hbm>> -> memref<80xi32, #tpu.memory_space<hbm>>
      %dma_wait3A_457 = tpu.memref_slice %arg3[%mul3A_455] : memref<320000xi32, #tpu.memory_space<hbm>> -> memref<80xi32, #tpu.memory_space<hbm>>
      tpu.wait_dma2 semaphore(%arg32 : memref<!tpu.dma_semaphore, #tpu.memory_space<semaphore_mem>>) src(%dma_wait3A_457 : memref<80xi32, #tpu.memory_space<hbm>>) dst(%arg12 : memref<80xi32, #tpu.memory_space<vmem>>)
      %dma_start3A_458 = arith.constant 0 : i32
      %dma_start3A_459 = arith.constant 0 : i32
      %dma_start3A_460 = tpu.memref_slice %arg2[%dma_start3A_458, %dma_start3A_459] : memref<10000x128xf32, #tpu.memory_space<hbm>> -> memref<10000x128xf32, #tpu.memory_space<hbm>>
      tpu.enqueue_indirect_dma source(%dma_start3A_460 : memref<10000x128xf32, #tpu.memory_space<hbm>>) target(%arg20 : memref<80x128xf32, #tpu.memory_space<vmem>>) offsets(%arg12 : memref<80xi32, #tpu.memory_space<vmem>>) semaphore(%arg24 : memref<!tpu.dma_semaphore, #tpu.memory_space<semaphore_mem>>)
      %scan3A_461 = arith.constant 0 : i32
      scf.yield %scan3A_461 : i32
    }
    %scan3A_95 = arith.constant 30 : i32
    %dma_wait3A_96 = arith.constant 0 : i32
    %dma_wait3A_97 = arith.constant 0 : i32
    %dma_wait3A_98 = tpu.memref_slice %arg2[%dma_wait3A_96, %dma_wait3A_97] : memref<10000x128xf32, #tpu.memory_space<hbm>> -> memref<10000x128xf32, #tpu.memory_space<hbm>>
    tpu.wait_indirect_dma semaphore(%arg21 : memref<!tpu.dma_semaphore, #tpu.memory_space<semaphore_mem>>) src(%dma_wait3A_98 : memref<10000x128xf32, #tpu.memory_space<hbm>>) dst(%arg17 : memref<80x128xf32, #tpu.memory_space<vmem>>)
    %mul3A_99 = arith.constant 10000 : i32
    %mul3A_100 = arith.muli %add3A, %mul3A_99 : i32
    %add3A_101 = arith.constant 9920 : i32
    %add3A_102 = arith.addi %mul3A_100, %add3A_101 : i32
    %dma_start3A_103 = tpu.memref_slice %arg3[%add3A_102] : memref<320000xi32, #tpu.memory_space<hbm>> -> memref<80xi32, #tpu.memory_space<hbm>>
    %dma_start3A_104 = tpu.memref_slice %arg3[%add3A_102] : memref<320000xi32, #tpu.memory_space<hbm>> -> memref<80xi32, #tpu.memory_space<hbm>>
    tpu.enqueue_dma source(%dma_start3A_104 : memref<80xi32, #tpu.memory_space<hbm>>) target(%arg9 : memref<80xi32, #tpu.memory_space<vmem>>) target_semaphore(%arg29 : memref<!tpu.dma_semaphore, #tpu.memory_space<semaphore_mem>>)
    %dma_wait3A_105 = arith.constant 0 : i32
    %dma_wait3A_106 = arith.constant 0 : i32
    %dma_wait3A_107 = tpu.memref_slice %arg4[%add3A, %dma_wait3A_105, %dma_wait3A_106] : memref<32x125x80xi32, #tpu.memory_space<hbm>> -> memref<1x1x80xi32, #tpu.memory_space<hbm>>
    %dma_wait3A_108 = tpu.memref_squeeze %dma_wait3A_107 : memref<1x1x80xi32, #tpu.memory_space<hbm>> -> memref<1x80xi32, #tpu.memory_space<hbm>>
    %dma_wait3A_109 = arith.constant 0 : i32
    %dma_wait3A_110 = arith.constant 0 : i32
    %dma_wait3A_111 = tpu.memref_slice %arg4[%add3A, %dma_wait3A_109, %dma_wait3A_110] : memref<32x125x80xi32, #tpu.memory_space<hbm>> -> memref<1x1x80xi32, #tpu.memory_space<hbm>>
    %dma_wait3A_112 = tpu.memref_squeeze %dma_wait3A_111 : memref<1x1x80xi32, #tpu.memory_space<hbm>> -> memref<1x80xi32, #tpu.memory_space<hbm>>
    tpu.wait_dma2 semaphore(%arg33 : memref<!tpu.dma_semaphore, #tpu.memory_space<semaphore_mem>>) src(%dma_wait3A_112 : memref<1x80xi32, #tpu.memory_space<hbm>>) dst(%arg13 : memref<1x80xi32, #tpu.memory_space<vmem>>)
    %dma_start3A_113 = arith.constant 0 : i32
    %dma_start3A_114 = arith.constant 0 : i32
    %dma_start3A_115 = tpu.memref_slice %arg13[%dma_start3A_113, %dma_start3A_114] : memref<1x80xi32, #tpu.memory_space<vmem>> -> memref<1x80xi32, #tpu.memory_space<vmem>>
    %dma_start3A_116 = tpu.memref_squeeze %dma_start3A_115 : memref<1x80xi32, #tpu.memory_space<vmem>> -> memref<80xi32, #tpu.memory_space<vmem>>
    %dma_start3A_117 = arith.constant 0 : i32
    %dma_start3A_118 = arith.constant 0 : i32
    %dma_start3A_119 = tpu.memref_slice %arg7[%dma_start3A_117, %dma_start3A_118] : memref<10240x128xf32, #tpu.memory_space<vmem_shared>> -> memref<10240x128xf32, #tpu.memory_space<vmem_shared>>
    tpu.enqueue_indirect_dma source(%arg17 : memref<80x128xf32, #tpu.memory_space<vmem>>) target(%dma_start3A_119 : memref<10240x128xf32, #tpu.memory_space<vmem_shared>>) offsets(%dma_start3A_116 : memref<80xi32, #tpu.memory_space<vmem>>) semaphore(%arg25 : memref<!tpu.dma_semaphore, #tpu.memory_space<semaphore_mem>>) {add = true}
    %dma_wait3A_120 = arith.constant 0 : i32
    %dma_wait3A_121 = arith.constant 0 : i32
    %dma_wait3A_122 = tpu.memref_slice %arg13[%dma_wait3A_120, %dma_wait3A_121] : memref<1x80xi32, #tpu.memory_space<vmem>> -> memref<1x80xi32, #tpu.memory_space<vmem>>
    %dma_wait3A_123 = tpu.memref_squeeze %dma_wait3A_122 : memref<1x80xi32, #tpu.memory_space<vmem>> -> memref<80xi32, #tpu.memory_space<vmem>>
    %dma_wait3A_124 = arith.constant 0 : i32
    %dma_wait3A_125 = arith.constant 0 : i32
    %dma_wait3A_126 = tpu.memref_slice %arg7[%dma_wait3A_124, %dma_wait3A_125] : memref<10240x128xf32, #tpu.memory_space<vmem_shared>> -> memref<10240x128xf32, #tpu.memory_space<vmem_shared>>
    tpu.wait_indirect_dma semaphore(%arg25 : memref<!tpu.dma_semaphore, #tpu.memory_space<semaphore_mem>>) src(%arg17 : memref<80x128xf32, #tpu.memory_space<vmem>>) dst(%dma_wait3A_126 : memref<10240x128xf32, #tpu.memory_space<vmem_shared>>)
    %dma_start3A_127 = arith.constant 124 : i32
    %dma_start3A_128 = arith.constant 0 : i32
    %dma_start3A_129 = tpu.memref_slice %arg4[%add3A, %dma_start3A_127, %dma_start3A_128] : memref<32x125x80xi32, #tpu.memory_space<hbm>> -> memref<1x1x80xi32, #tpu.memory_space<hbm>>
    %dma_start3A_130 = tpu.memref_squeeze %dma_start3A_129 : memref<1x1x80xi32, #tpu.memory_space<hbm>> -> memref<1x80xi32, #tpu.memory_space<hbm>>
    %dma_start3A_131 = arith.constant 124 : i32
    %dma_start3A_132 = arith.constant 0 : i32
    %dma_start3A_133 = tpu.memref_slice %arg4[%add3A, %dma_start3A_131, %dma_start3A_132] : memref<32x125x80xi32, #tpu.memory_space<hbm>> -> memref<1x1x80xi32, #tpu.memory_space<hbm>>
    %dma_start3A_134 = tpu.memref_squeeze %dma_start3A_133 : memref<1x1x80xi32, #tpu.memory_space<hbm>> -> memref<1x80xi32, #tpu.memory_space<hbm>>
    tpu.enqueue_dma source(%dma_start3A_134 : memref<1x80xi32, #tpu.memory_space<hbm>>) target(%arg13 : memref<1x80xi32, #tpu.memory_space<vmem>>) target_semaphore(%arg33 : memref<!tpu.dma_semaphore, #tpu.memory_space<semaphore_mem>>)
    %mul3A_135 = arith.constant 10000 : i32
    %mul3A_136 = arith.muli %add3A, %mul3A_135 : i32
    %dma_wait3A_137 = tpu.memref_slice %arg3[%mul3A_136] : memref<320000xi32, #tpu.memory_space<hbm>> -> memref<80xi32, #tpu.memory_space<hbm>>
    %dma_wait3A_138 = tpu.memref_slice %arg3[%mul3A_136] : memref<320000xi32, #tpu.memory_space<hbm>> -> memref<80xi32, #tpu.memory_space<hbm>>
    tpu.wait_dma2 semaphore(%arg29 : memref<!tpu.dma_semaphore, #tpu.memory_space<semaphore_mem>>) src(%dma_wait3A_138 : memref<80xi32, #tpu.memory_space<hbm>>) dst(%arg9 : memref<80xi32, #tpu.memory_space<vmem>>)
    %dma_start3A_139 = arith.constant 0 : i32
    %dma_start3A_140 = arith.constant 0 : i32
    %dma_start3A_141 = tpu.memref_slice %arg2[%dma_start3A_139, %dma_start3A_140] : memref<10000x128xf32, #tpu.memory_space<hbm>> -> memref<10000x128xf32, #tpu.memory_space<hbm>>
    tpu.enqueue_indirect_dma source(%dma_start3A_141 : memref<10000x128xf32, #tpu.memory_space<hbm>>) target(%arg17 : memref<80x128xf32, #tpu.memory_space<vmem>>) offsets(%arg9 : memref<80xi32, #tpu.memory_space<vmem>>) semaphore(%arg21 : memref<!tpu.dma_semaphore, #tpu.memory_space<semaphore_mem>>)
    %dma_wait3A_142 = arith.constant 0 : i32
    %dma_wait3A_143 = arith.constant 0 : i32
    %dma_wait3A_144 = tpu.memref_slice %arg2[%dma_wait3A_142, %dma_wait3A_143] : memref<10000x128xf32, #tpu.memory_space<hbm>> -> memref<10000x128xf32, #tpu.memory_space<hbm>>
    tpu.wait_indirect_dma semaphore(%arg22 : memref<!tpu.dma_semaphore, #tpu.memory_space<semaphore_mem>>) src(%dma_wait3A_144 : memref<10000x128xf32, #tpu.memory_space<hbm>>) dst(%arg18 : memref<80x128xf32, #tpu.memory_space<vmem>>)
    %dma_wait3A_145 = arith.constant 0 : i32
    %dma_wait3A_146 = arith.constant 0 : i32
    %dma_wait3A_147 = tpu.memref_slice %arg4[%add3A, %dma_wait3A_145, %dma_wait3A_146] : memref<32x125x80xi32, #tpu.memory_space<hbm>> -> memref<1x1x80xi32, #tpu.memory_space<hbm>>
    %dma_wait3A_148 = tpu.memref_squeeze %dma_wait3A_147 : memref<1x1x80xi32, #tpu.memory_space<hbm>> -> memref<1x80xi32, #tpu.memory_space<hbm>>
    %dma_wait3A_149 = arith.constant 0 : i32
    %dma_wait3A_150 = arith.constant 0 : i32
    %dma_wait3A_151 = tpu.memref_slice %arg4[%add3A, %dma_wait3A_149, %dma_wait3A_150] : memref<32x125x80xi32, #tpu.memory_space<hbm>> -> memref<1x1x80xi32, #tpu.memory_space<hbm>>
    %dma_wait3A_152 = tpu.memref_squeeze %dma_wait3A_151 : memref<1x1x80xi32, #tpu.memory_space<hbm>> -> memref<1x80xi32, #tpu.memory_space<hbm>>
    tpu.wait_dma2 semaphore(%arg34 : memref<!tpu.dma_semaphore, #tpu.memory_space<semaphore_mem>>) src(%dma_wait3A_152 : memref<1x80xi32, #tpu.memory_space<hbm>>) dst(%arg14 : memref<1x80xi32, #tpu.memory_space<vmem>>)
    %dma_start3A_153 = arith.constant 0 : i32
    %dma_start3A_154 = arith.constant 0 : i32
    %dma_start3A_155 = tpu.memref_slice %arg14[%dma_start3A_153, %dma_start3A_154] : memref<1x80xi32, #tpu.memory_space<vmem>> -> memref<1x80xi32, #tpu.memory_space<vmem>>
    %dma_start3A_156 = tpu.memref_squeeze %dma_start3A_155 : memref<1x80xi32, #tpu.memory_space<vmem>> -> memref<80xi32, #tpu.memory_space<vmem>>
    %dma_start3A_157 = arith.constant 0 : i32
    %dma_start3A_158 = arith.constant 0 : i32
    %dma_start3A_159 = tpu.memref_slice %arg7[%dma_start3A_157, %dma_start3A_158] : memref<10240x128xf32, #tpu.memory_space<vmem_shared>> -> memref<10240x128xf32, #tpu.memory_space<vmem_shared>>
    tpu.enqueue_indirect_dma source(%arg18 : memref<80x128xf32, #tpu.memory_space<vmem>>) target(%dma_start3A_159 : memref<10240x128xf32, #tpu.memory_space<vmem_shared>>) offsets(%dma_start3A_156 : memref<80xi32, #tpu.memory_space<vmem>>) semaphore(%arg26 : memref<!tpu.dma_semaphore, #tpu.memory_space<semaphore_mem>>) {add = true}
    %dma_wait3A_160 = arith.constant 0 : i32
    %dma_wait3A_161 = arith.constant 0 : i32
    %dma_wait3A_162 = tpu.memref_slice %arg14[%dma_wait3A_160, %dma_wait3A_161] : memref<1x80xi32, #tpu.memory_space<vmem>> -> memref<1x80xi32, #tpu.memory_space<vmem>>
    %dma_wait3A_163 = tpu.memref_squeeze %dma_wait3A_162 : memref<1x80xi32, #tpu.memory_space<vmem>> -> memref<80xi32, #tpu.memory_space<vmem>>
    %dma_wait3A_164 = arith.constant 0 : i32
    %dma_wait3A_165 = arith.constant 0 : i32
    %dma_wait3A_166 = tpu.memref_slice %arg7[%dma_wait3A_164, %dma_wait3A_165] : memref<10240x128xf32, #tpu.memory_space<vmem_shared>> -> memref<10240x128xf32, #tpu.memory_space<vmem_shared>>
    tpu.wait_indirect_dma semaphore(%arg26 : memref<!tpu.dma_semaphore, #tpu.memory_space<semaphore_mem>>) src(%arg18 : memref<80x128xf32, #tpu.memory_space<vmem>>) dst(%dma_wait3A_166 : memref<10240x128xf32, #tpu.memory_space<vmem_shared>>)
    %dma_wait3A_167 = arith.constant 0 : i32
    %dma_wait3A_168 = arith.constant 0 : i32
    %dma_wait3A_169 = tpu.memref_slice %arg2[%dma_wait3A_167, %dma_wait3A_168] : memref<10000x128xf32, #tpu.memory_space<hbm>> -> memref<10000x128xf32, #tpu.memory_space<hbm>>
    tpu.wait_indirect_dma semaphore(%arg23 : memref<!tpu.dma_semaphore, #tpu.memory_space<semaphore_mem>>) src(%dma_wait3A_169 : memref<10000x128xf32, #tpu.memory_space<hbm>>) dst(%arg19 : memref<80x128xf32, #tpu.memory_space<vmem>>)
    %dma_wait3A_170 = arith.constant 0 : i32
    %dma_wait3A_171 = arith.constant 0 : i32
    %dma_wait3A_172 = tpu.memref_slice %arg4[%add3A, %dma_wait3A_170, %dma_wait3A_171] : memref<32x125x80xi32, #tpu.memory_space<hbm>> -> memref<1x1x80xi32, #tpu.memory_space<hbm>>
    %dma_wait3A_173 = tpu.memref_squeeze %dma_wait3A_172 : memref<1x1x80xi32, #tpu.memory_space<hbm>> -> memref<1x80xi32, #tpu.memory_space<hbm>>
    %dma_wait3A_174 = arith.constant 0 : i32
    %dma_wait3A_175 = arith.constant 0 : i32
    %dma_wait3A_176 = tpu.memref_slice %arg4[%add3A, %dma_wait3A_174, %dma_wait3A_175] : memref<32x125x80xi32, #tpu.memory_space<hbm>> -> memref<1x1x80xi32, #tpu.memory_space<hbm>>
    %dma_wait3A_177 = tpu.memref_squeeze %dma_wait3A_176 : memref<1x1x80xi32, #tpu.memory_space<hbm>> -> memref<1x80xi32, #tpu.memory_space<hbm>>
    tpu.wait_dma2 semaphore(%arg35 : memref<!tpu.dma_semaphore, #tpu.memory_space<semaphore_mem>>) src(%dma_wait3A_177 : memref<1x80xi32, #tpu.memory_space<hbm>>) dst(%arg15 : memref<1x80xi32, #tpu.memory_space<vmem>>)
    %dma_start3A_178 = arith.constant 0 : i32
    %dma_start3A_179 = arith.constant 0 : i32
    %dma_start3A_180 = tpu.memref_slice %arg15[%dma_start3A_178, %dma_start3A_179] : memref<1x80xi32, #tpu.memory_space<vmem>> -> memref<1x80xi32, #tpu.memory_space<vmem>>
    %dma_start3A_181 = tpu.memref_squeeze %dma_start3A_180 : memref<1x80xi32, #tpu.memory_space<vmem>> -> memref<80xi32, #tpu.memory_space<vmem>>
    %dma_start3A_182 = arith.constant 0 : i32
    %dma_start3A_183 = arith.constant 0 : i32
    %dma_start3A_184 = tpu.memref_slice %arg7[%dma_start3A_182, %dma_start3A_183] : memref<10240x128xf32, #tpu.memory_space<vmem_shared>> -> memref<10240x128xf32, #tpu.memory_space<vmem_shared>>
    tpu.enqueue_indirect_dma source(%arg19 : memref<80x128xf32, #tpu.memory_space<vmem>>) target(%dma_start3A_184 : memref<10240x128xf32, #tpu.memory_space<vmem_shared>>) offsets(%dma_start3A_181 : memref<80xi32, #tpu.memory_space<vmem>>) semaphore(%arg27 : memref<!tpu.dma_semaphore, #tpu.memory_space<semaphore_mem>>) {add = true}
    %dma_wait3A_185 = arith.constant 0 : i32
    %dma_wait3A_186 = arith.constant 0 : i32
    %dma_wait3A_187 = tpu.memref_slice %arg15[%dma_wait3A_185, %dma_wait3A_186] : memref<1x80xi32, #tpu.memory_space<vmem>> -> memref<1x80xi32, #tpu.memory_space<vmem>>
    %dma_wait3A_188 = tpu.memref_squeeze %dma_wait3A_187 : memref<1x80xi32, #tpu.memory_space<vmem>> -> memref<80xi32, #tpu.memory_space<vmem>>
    %dma_wait3A_189 = arith.constant 0 : i32
    %dma_wait3A_190 = arith.constant 0 : i32
    %dma_wait3A_191 = tpu.memref_slice %arg7[%dma_wait3A_189, %dma_wait3A_190] : memref<10240x128xf32, #tpu.memory_space<vmem_shared>> -> memref<10240x128xf32, #tpu.memory_space<vmem_shared>>
    tpu.wait_indirect_dma semaphore(%arg27 : memref<!tpu.dma_semaphore, #tpu.memory_space<semaphore_mem>>) src(%arg19 : memref<80x128xf32, #tpu.memory_space<vmem>>) dst(%dma_wait3A_191 : memref<10240x128xf32, #tpu.memory_space<vmem_shared>>)
    %dma_wait3A_192 = arith.constant 0 : i32
    %dma_wait3A_193 = arith.constant 0 : i32
    %dma_wait3A_194 = tpu.memref_slice %arg2[%dma_wait3A_192, %dma_wait3A_193] : memref<10000x128xf32, #tpu.memory_space<hbm>> -> memref<10000x128xf32, #tpu.memory_space<hbm>>
    tpu.wait_indirect_dma semaphore(%arg24 : memref<!tpu.dma_semaphore, #tpu.memory_space<semaphore_mem>>) src(%dma_wait3A_194 : memref<10000x128xf32, #tpu.memory_space<hbm>>) dst(%arg20 : memref<80x128xf32, #tpu.memory_space<vmem>>)
    %dma_wait3A_195 = arith.constant 0 : i32
    %dma_wait3A_196 = arith.constant 0 : i32
    %dma_wait3A_197 = tpu.memref_slice %arg4[%add3A, %dma_wait3A_195, %dma_wait3A_196] : memref<32x125x80xi32, #tpu.memory_space<hbm>> -> memref<1x1x80xi32, #tpu.memory_space<hbm>>
    %dma_wait3A_198 = tpu.memref_squeeze %dma_wait3A_197 : memref<1x1x80xi32, #tpu.memory_space<hbm>> -> memref<1x80xi32, #tpu.memory_space<hbm>>
    %dma_wait3A_199 = arith.constant 0 : i32
    %dma_wait3A_200 = arith.constant 0 : i32
    %dma_wait3A_201 = tpu.memref_slice %arg4[%add3A, %dma_wait3A_199, %dma_wait3A_200] : memref<32x125x80xi32, #tpu.memory_space<hbm>> -> memref<1x1x80xi32, #tpu.memory_space<hbm>>
    %dma_wait3A_202 = tpu.memref_squeeze %dma_wait3A_201 : memref<1x1x80xi32, #tpu.memory_space<hbm>> -> memref<1x80xi32, #tpu.memory_space<hbm>>
    tpu.wait_dma2 semaphore(%arg36 : memref<!tpu.dma_semaphore, #tpu.memory_space<semaphore_mem>>) src(%dma_wait3A_202 : memref<1x80xi32, #tpu.memory_space<hbm>>) dst(%arg16 : memref<1x80xi32, #tpu.memory_space<vmem>>)
    %dma_start3A_203 = arith.constant 0 : i32
    %dma_start3A_204 = arith.constant 0 : i32
    %dma_start3A_205 = tpu.memref_slice %arg16[%dma_start3A_203, %dma_start3A_204] : memref<1x80xi32, #tpu.memory_space<vmem>> -> memref<1x80xi32, #tpu.memory_space<vmem>>
    %dma_start3A_206 = tpu.memref_squeeze %dma_start3A_205 : memref<1x80xi32, #tpu.memory_space<vmem>> -> memref<80xi32, #tpu.memory_space<vmem>>
    %dma_start3A_207 = arith.constant 0 : i32
    %dma_start3A_208 = arith.constant 0 : i32
    %dma_start3A_209 = tpu.memref_slice %arg7[%dma_start3A_207, %dma_start3A_208] : memref<10240x128xf32, #tpu.memory_space<vmem_shared>> -> memref<10240x128xf32, #tpu.memory_space<vmem_shared>>
    tpu.enqueue_indirect_dma source(%arg20 : memref<80x128xf32, #tpu.memory_space<vmem>>) target(%dma_start3A_209 : memref<10240x128xf32, #tpu.memory_space<vmem_shared>>) offsets(%dma_start3A_206 : memref<80xi32, #tpu.memory_space<vmem>>) semaphore(%arg28 : memref<!tpu.dma_semaphore, #tpu.memory_space<semaphore_mem>>) {add = true}
    %dma_wait3A_210 = arith.constant 0 : i32
    %dma_wait3A_211 = arith.constant 0 : i32
    %dma_wait3A_212 = tpu.memref_slice %arg16[%dma_wait3A_210, %dma_wait3A_211] : memref<1x80xi32, #tpu.memory_space<vmem>> -> memref<1x80xi32, #tpu.memory_space<vmem>>
    %dma_wait3A_213 = tpu.memref_squeeze %dma_wait3A_212 : memref<1x80xi32, #tpu.memory_space<vmem>> -> memref<80xi32, #tpu.memory_space<vmem>>
    %dma_wait3A_214 = arith.constant 0 : i32
    %dma_wait3A_215 = arith.constant 0 : i32
    %dma_wait3A_216 = tpu.memref_slice %arg7[%dma_wait3A_214, %dma_wait3A_215] : memref<10240x128xf32, #tpu.memory_space<vmem_shared>> -> memref<10240x128xf32, #tpu.memory_space<vmem_shared>>
    tpu.wait_indirect_dma semaphore(%arg28 : memref<!tpu.dma_semaphore, #tpu.memory_space<semaphore_mem>>) src(%arg20 : memref<80x128xf32, #tpu.memory_space<vmem>>) dst(%dma_wait3A_216 : memref<10240x128xf32, #tpu.memory_space<vmem_shared>>)
    %dma_wait3A_217 = arith.constant 0 : i32
    %dma_wait3A_218 = arith.constant 0 : i32
    %dma_wait3A_219 = tpu.memref_slice %arg2[%dma_wait3A_217, %dma_wait3A_218] : memref<10000x128xf32, #tpu.memory_space<hbm>> -> memref<10000x128xf32, #tpu.memory_space<hbm>>
    tpu.wait_indirect_dma semaphore(%arg21 : memref<!tpu.dma_semaphore, #tpu.memory_space<semaphore_mem>>) src(%dma_wait3A_219 : memref<10000x128xf32, #tpu.memory_space<hbm>>) dst(%arg17 : memref<80x128xf32, #tpu.memory_space<vmem>>)
    %dma_wait3A_220 = arith.constant 0 : i32
    %dma_wait3A_221 = arith.constant 0 : i32
    %dma_wait3A_222 = tpu.memref_slice %arg4[%add3A, %dma_wait3A_220, %dma_wait3A_221] : memref<32x125x80xi32, #tpu.memory_space<hbm>> -> memref<1x1x80xi32, #tpu.memory_space<hbm>>
    %dma_wait3A_223 = tpu.memref_squeeze %dma_wait3A_222 : memref<1x1x80xi32, #tpu.memory_space<hbm>> -> memref<1x80xi32, #tpu.memory_space<hbm>>
    %dma_wait3A_224 = arith.constant 0 : i32
    %dma_wait3A_225 = arith.constant 0 : i32
    %dma_wait3A_226 = tpu.memref_slice %arg4[%add3A, %dma_wait3A_224, %dma_wait3A_225] : memref<32x125x80xi32, #tpu.memory_space<hbm>> -> memref<1x1x80xi32, #tpu.memory_space<hbm>>
    %dma_wait3A_227 = tpu.memref_squeeze %dma_wait3A_226 : memref<1x1x80xi32, #tpu.memory_space<hbm>> -> memref<1x80xi32, #tpu.memory_space<hbm>>
    tpu.wait_dma2 semaphore(%arg33 : memref<!tpu.dma_semaphore, #tpu.memory_space<semaphore_mem>>) src(%dma_wait3A_227 : memref<1x80xi32, #tpu.memory_space<hbm>>) dst(%arg13 : memref<1x80xi32, #tpu.memory_space<vmem>>)
    %dma_start3A_228 = arith.constant 0 : i32
    %dma_start3A_229 = arith.constant 0 : i32
    %dma_start3A_230 = tpu.memref_slice %arg13[%dma_start3A_228, %dma_start3A_229] : memref<1x80xi32, #tpu.memory_space<vmem>> -> memref<1x80xi32, #tpu.memory_space<vmem>>
    %dma_start3A_231 = tpu.memref_squeeze %dma_start3A_230 : memref<1x80xi32, #tpu.memory_space<vmem>> -> memref<80xi32, #tpu.memory_space<vmem>>
    %dma_start3A_232 = arith.constant 0 : i32
    %dma_start3A_233 = arith.constant 0 : i32
    %dma_start3A_234 = tpu.memref_slice %arg7[%dma_start3A_232, %dma_start3A_233] : memref<10240x128xf32, #tpu.memory_space<vmem_shared>> -> memref<10240x128xf32, #tpu.memory_space<vmem_shared>>
    tpu.enqueue_indirect_dma source(%arg17 : memref<80x128xf32, #tpu.memory_space<vmem>>) target(%dma_start3A_234 : memref<10240x128xf32, #tpu.memory_space<vmem_shared>>) offsets(%dma_start3A_231 : memref<80xi32, #tpu.memory_space<vmem>>) semaphore(%arg25 : memref<!tpu.dma_semaphore, #tpu.memory_space<semaphore_mem>>) {add = true}
    %dma_wait3A_235 = arith.constant 0 : i32
    %dma_wait3A_236 = arith.constant 0 : i32
    %dma_wait3A_237 = tpu.memref_slice %arg13[%dma_wait3A_235, %dma_wait3A_236] : memref<1x80xi32, #tpu.memory_space<vmem>> -> memref<1x80xi32, #tpu.memory_space<vmem>>
    %dma_wait3A_238 = tpu.memref_squeeze %dma_wait3A_237 : memref<1x80xi32, #tpu.memory_space<vmem>> -> memref<80xi32, #tpu.memory_space<vmem>>
    %dma_wait3A_239 = arith.constant 0 : i32
    %dma_wait3A_240 = arith.constant 0 : i32
    %dma_wait3A_241 = tpu.memref_slice %arg7[%dma_wait3A_239, %dma_wait3A_240] : memref<10240x128xf32, #tpu.memory_space<vmem_shared>> -> memref<10240x128xf32, #tpu.memory_space<vmem_shared>>
    tpu.wait_indirect_dma semaphore(%arg25 : memref<!tpu.dma_semaphore, #tpu.memory_space<semaphore_mem>>) src(%arg17 : memref<80x128xf32, #tpu.memory_space<vmem>>) dst(%dma_wait3A_241 : memref<10240x128xf32, #tpu.memory_space<vmem_shared>>)
    %barrier3A_242 = arith.constant 0 : index
    tpu.barrier barrier_id(%barrier3A_242)
    %mul3A_243 = arith.constant 640 : i32
    %mul3A_244 = arith.muli %arg1, %mul3A_243 : i32
    %mul3A_245 = arith.constant 640 : i32
    %mul3A_246 = arith.muli %arg1, %mul3A_245 : i32
    "tpu.region"() ({
      %run_scoped3A = tpu.sem_alloc : memref<!tpu.dma_semaphore, #tpu.memory_space<semaphore_mem>>
      %dma_start3A_247 = arith.constant 0 : i32
      %dma_start3A_248 = tpu.memref_slice %arg6[%arg0, %mul3A_246, %dma_start3A_247] : memref<2x10240x128xf32, #tpu.memory_space<hbm>> -> memref<1x640x128xf32, #tpu.memory_space<hbm>>
      %dma_start3A_249 = tpu.memref_squeeze %dma_start3A_248 : memref<1x640x128xf32, #tpu.memory_space<hbm>> -> memref<640x128xf32, #tpu.memory_space<hbm>>
      %dma_start3A_250 = arith.constant 0 : i32
      %dma_start3A_251 = tpu.memref_slice %arg7[%mul3A_244, %dma_start3A_250] : memref<10240x128xf32, #tpu.memory_space<vmem_shared>> -> memref<640x128xf32, #tpu.memory_space<vmem_shared>>
      tpu.enqueue_dma source(%dma_start3A_251 : memref<640x128xf32, #tpu.memory_space<vmem_shared>>) target(%dma_start3A_249 : memref<640x128xf32, #tpu.memory_space<hbm>>) target_semaphore(%run_scoped3A : memref<!tpu.dma_semaphore, #tpu.memory_space<semaphore_mem>>)
      %dma_wait3A_252 = arith.constant 0 : i32
      %dma_wait3A_253 = tpu.memref_slice %arg6[%arg0, %mul3A_246, %dma_wait3A_252] : memref<2x10240x128xf32, #tpu.memory_space<hbm>> -> memref<1x640x128xf32, #tpu.memory_space<hbm>>
      %dma_wait3A_254 = tpu.memref_squeeze %dma_wait3A_253 : memref<1x640x128xf32, #tpu.memory_space<hbm>> -> memref<640x128xf32, #tpu.memory_space<hbm>>
      %dma_wait3A_255 = arith.constant 0 : i32
      %dma_wait3A_256 = tpu.memref_slice %arg7[%mul3A_244, %dma_wait3A_255] : memref<10240x128xf32, #tpu.memory_space<vmem_shared>> -> memref<640x128xf32, #tpu.memory_space<vmem_shared>>
      tpu.wait_dma2 semaphore(%run_scoped3A : memref<!tpu.dma_semaphore, #tpu.memory_space<semaphore_mem>>) src(%dma_wait3A_256 : memref<640x128xf32, #tpu.memory_space<vmem_shared>>) dst(%dma_wait3A_254 : memref<640x128xf32, #tpu.memory_space<hbm>>)
      tpu.yield
    }) : () -> ()
    return
  }
}

#map = affine_map<(d0, d1) -> (0, 0)>
#map1 = affine_map<(d0, d1) -> (0)>
#map2 = affine_map<(d0, d1) -> (0, 0, 0)>
module attributes {stable_mosaic.version = 14 : i64} {
  func.func @agg_kernel(%arg0: i32, %arg1: i32, %arg2: memref<10000x128xf32, #tpu.memory_space<hbm>>, %arg3: memref<320000xi32, #tpu.memory_space<hbm>>, %arg4: memref<32x125x80xi32, #tpu.memory_space<hbm>>, %arg5: memref<8x128xf32, #tpu.memory_space<hbm>>, %arg6: memref<2x10240x128xf32, #tpu.memory_space<hbm>>, %arg7: memref<10240x128xf32, #tpu.memory_space<vmem_shared>>, %arg8: memref<8x128xf32, #tpu.memory_space<vmem>>, %arg9: memref<80xi32, #tpu.memory_space<vmem>>, %arg10: memref<80xi32, #tpu.memory_space<vmem>>, %arg11: memref<80xi32, #tpu.memory_space<vmem>>, %arg12: memref<80xi32, #tpu.memory_space<vmem>>, %arg13: memref<1x80xi32, #tpu.memory_space<vmem>>, %arg14: memref<1x80xi32, #tpu.memory_space<vmem>>, %arg15: memref<1x80xi32, #tpu.memory_space<vmem>>, %arg16: memref<1x80xi32, #tpu.memory_space<vmem>>, %arg17: memref<80x128xf32, #tpu.memory_space<vmem>>, %arg18: memref<80x128xf32, #tpu.memory_space<vmem>>, %arg19: memref<80x128xf32, #tpu.memory_space<vmem>>, %arg20: memref<80x128xf32, #tpu.memory_space<vmem>>, %arg21: memref<!tpu.dma_semaphore, #tpu.memory_space<semaphore_mem>>, %arg22: memref<!tpu.dma_semaphore, #tpu.memory_space<semaphore_mem>>, %arg23: memref<!tpu.dma_semaphore, #tpu.memory_space<semaphore_mem>>, %arg24: memref<!tpu.dma_semaphore, #tpu.memory_space<semaphore_mem>>, %arg25: memref<!tpu.dma_semaphore, #tpu.memory_space<semaphore_mem>>, %arg26: memref<!tpu.dma_semaphore, #tpu.memory_space<semaphore_mem>>, %arg27: memref<!tpu.dma_semaphore, #tpu.memory_space<semaphore_mem>>, %arg28: memref<!tpu.dma_semaphore, #tpu.memory_space<semaphore_mem>>, %arg29: memref<!tpu.dma_semaphore, #tpu.memory_space<semaphore_mem>>, %arg30: memref<!tpu.dma_semaphore, #tpu.memory_space<semaphore_mem>>, %arg31: memref<!tpu.dma_semaphore, #tpu.memory_space<semaphore_mem>>, %arg32: memref<!tpu.dma_semaphore, #tpu.memory_space<semaphore_mem>>, %arg33: memref<!tpu.dma_semaphore, #tpu.memory_space<semaphore_mem>>, %arg34: memref<!tpu.dma_semaphore, #tpu.memory_space<semaphore_mem>>, %arg35: memref<!tpu.dma_semaphore, #tpu.memory_space<semaphore_mem>>, %arg36: memref<!tpu.dma_semaphore, #tpu.memory_space<semaphore_mem>>) attributes {dimension_semantics = [#tpu.dimension_semantics<core_parallel>, #tpu.dimension_semantics<subcore_parallel>], iteration_bounds = array<i64: 2, 16>, scalar_prefetch = 0 : i64, scratch_operands = 30 : i64, tpu.core_type = #tpu.core_type<sc_vector_subcore>, window_params = [{transform_indices = #map}, {transform_indices = #map1}, {transform_indices = #map2}, {transform_indices = #map}, {transform_indices = #map2}]} {
    %mul3A = arith.constant 16 : i32
    %mul3A_0 = arith.muli %arg0, %mul3A : i32
    %add3A = arith.addi %mul3A_0, %arg1 : i32
    %mul3A_1 = arith.constant 10000 : i32
    %mul3A_2 = arith.muli %add3A, %mul3A_1 : i32
    %add3A_3 = arith.constant 0 : i32
    %add3A_4 = arith.addi %mul3A_2, %add3A_3 : i32
    %dma_start3A = tpu.memref_slice %arg3[%add3A_4] : memref<320000xi32, #tpu.memory_space<hbm>> -> memref<80xi32, #tpu.memory_space<hbm>>
    %dma_start3A_5 = tpu.memref_slice %arg3[%add3A_4] : memref<320000xi32, #tpu.memory_space<hbm>> -> memref<80xi32, #tpu.memory_space<hbm>>
    tpu.enqueue_dma source(%dma_start3A_5 : memref<80xi32, #tpu.memory_space<hbm>>) target(%arg9 : memref<80xi32, #tpu.memory_space<vmem>>) target_semaphore(%arg29 : memref<!tpu.dma_semaphore, #tpu.memory_space<semaphore_mem>>)
    %mul3A_6 = arith.constant 10000 : i32
    %mul3A_7 = arith.muli %add3A, %mul3A_6 : i32
    %add3A_8 = arith.constant 80 : i32
    %add3A_9 = arith.addi %mul3A_7, %add3A_8 : i32
    %dma_start3A_10 = tpu.memref_slice %arg3[%add3A_9] : memref<320000xi32, #tpu.memory_space<hbm>> -> memref<80xi32, #tpu.memory_space<hbm>>
    %dma_start3A_11 = tpu.memref_slice %arg3[%add3A_9] : memref<320000xi32, #tpu.memory_space<hbm>> -> memref<80xi32, #tpu.memory_space<hbm>>
    tpu.enqueue_dma source(%dma_start3A_11 : memref<80xi32, #tpu.memory_space<hbm>>) target(%arg10 : memref<80xi32, #tpu.memory_space<vmem>>) target_semaphore(%arg30 : memref<!tpu.dma_semaphore, #tpu.memory_space<semaphore_mem>>)
    %mul3A_12 = arith.constant 10000 : i32
    %mul3A_13 = arith.muli %add3A, %mul3A_12 : i32
    %add3A_14 = arith.constant 160 : i32
    %add3A_15 = arith.addi %mul3A_13, %add3A_14 : i32
    %dma_start3A_16 = tpu.memref_slice %arg3[%add3A_15] : memref<320000xi32, #tpu.memory_space<hbm>> -> memref<80xi32, #tpu.memory_space<hbm>>
    %dma_start3A_17 = tpu.memref_slice %arg3[%add3A_15] : memref<320000xi32, #tpu.memory_space<hbm>> -> memref<80xi32, #tpu.memory_space<hbm>>
    tpu.enqueue_dma source(%dma_start3A_17 : memref<80xi32, #tpu.memory_space<hbm>>) target(%arg11 : memref<80xi32, #tpu.memory_space<vmem>>) target_semaphore(%arg31 : memref<!tpu.dma_semaphore, #tpu.memory_space<semaphore_mem>>)
    %mul3A_18 = arith.constant 10000 : i32
    %mul3A_19 = arith.muli %add3A, %mul3A_18 : i32
    %add3A_20 = arith.constant 240 : i32
    %add3A_21 = arith.addi %mul3A_19, %add3A_20 : i32
    %dma_start3A_22 = tpu.memref_slice %arg3[%add3A_21] : memref<320000xi32, #tpu.memory_space<hbm>> -> memref<80xi32, #tpu.memory_space<hbm>>
    %dma_start3A_23 = tpu.memref_slice %arg3[%add3A_21] : memref<320000xi32, #tpu.memory_space<hbm>> -> memref<80xi32, #tpu.memory_space<hbm>>
    tpu.enqueue_dma source(%dma_start3A_23 : memref<80xi32, #tpu.memory_space<hbm>>) target(%arg12 : memref<80xi32, #tpu.memory_space<vmem>>) target_semaphore(%arg32 : memref<!tpu.dma_semaphore, #tpu.memory_space<semaphore_mem>>)
    %dma_start3A_24 = arith.constant 0 : i32
    %dma_start3A_25 = arith.constant 0 : i32
    %dma_start3A_26 = tpu.memref_slice %arg4[%add3A, %dma_start3A_24, %dma_start3A_25] : memref<32x125x80xi32, #tpu.memory_space<hbm>> -> memref<1x1x80xi32, #tpu.memory_space<hbm>>
    %dma_start3A_27 = tpu.memref_squeeze %dma_start3A_26 : memref<1x1x80xi32, #tpu.memory_space<hbm>> -> memref<1x80xi32, #tpu.memory_space<hbm>>
    %dma_start3A_28 = arith.constant 0 : i32
    %dma_start3A_29 = arith.constant 0 : i32
    %dma_start3A_30 = tpu.memref_slice %arg4[%add3A, %dma_start3A_28, %dma_start3A_29] : memref<32x125x80xi32, #tpu.memory_space<hbm>> -> memref<1x1x80xi32, #tpu.memory_space<hbm>>
    %dma_start3A_31 = tpu.memref_squeeze %dma_start3A_30 : memref<1x1x80xi32, #tpu.memory_space<hbm>> -> memref<1x80xi32, #tpu.memory_space<hbm>>
    tpu.enqueue_dma source(%dma_start3A_31 : memref<1x80xi32, #tpu.memory_space<hbm>>) target(%arg13 : memref<1x80xi32, #tpu.memory_space<vmem>>) target_semaphore(%arg33 : memref<!tpu.dma_semaphore, #tpu.memory_space<semaphore_mem>>)
    %dma_start3A_32 = arith.constant 1 : i32
    %dma_start3A_33 = arith.constant 0 : i32
    %dma_start3A_34 = tpu.memref_slice %arg4[%add3A, %dma_start3A_32, %dma_start3A_33] : memref<32x125x80xi32, #tpu.memory_space<hbm>> -> memref<1x1x80xi32, #tpu.memory_space<hbm>>
    %dma_start3A_35 = tpu.memref_squeeze %dma_start3A_34 : memref<1x1x80xi32, #tpu.memory_space<hbm>> -> memref<1x80xi32, #tpu.memory_space<hbm>>
    %dma_start3A_36 = arith.constant 1 : i32
    %dma_start3A_37 = arith.constant 0 : i32
    %dma_start3A_38 = tpu.memref_slice %arg4[%add3A, %dma_start3A_36, %dma_start3A_37] : memref<32x125x80xi32, #tpu.memory_space<hbm>> -> memref<1x1x80xi32, #tpu.memory_space<hbm>>
    %dma_start3A_39 = tpu.memref_squeeze %dma_start3A_38 : memref<1x1x80xi32, #tpu.memory_space<hbm>> -> memref<1x80xi32, #tpu.memory_space<hbm>>
    tpu.enqueue_dma source(%dma_start3A_39 : memref<1x80xi32, #tpu.memory_space<hbm>>) target(%arg14 : memref<1x80xi32, #tpu.memory_space<vmem>>) target_semaphore(%arg34 : memref<!tpu.dma_semaphore, #tpu.memory_space<semaphore_mem>>)
    %dma_start3A_40 = arith.constant 2 : i32
    %dma_start3A_41 = arith.constant 0 : i32
    %dma_start3A_42 = tpu.memref_slice %arg4[%add3A, %dma_start3A_40, %dma_start3A_41] : memref<32x125x80xi32, #tpu.memory_space<hbm>> -> memref<1x1x80xi32, #tpu.memory_space<hbm>>
    %dma_start3A_43 = tpu.memref_squeeze %dma_start3A_42 : memref<1x1x80xi32, #tpu.memory_space<hbm>> -> memref<1x80xi32, #tpu.memory_space<hbm>>
    %dma_start3A_44 = arith.constant 2 : i32
    %dma_start3A_45 = arith.constant 0 : i32
    %dma_start3A_46 = tpu.memref_slice %arg4[%add3A, %dma_start3A_44, %dma_start3A_45] : memref<32x125x80xi32, #tpu.memory_space<hbm>> -> memref<1x1x80xi32, #tpu.memory_space<hbm>>
    %dma_start3A_47 = tpu.memref_squeeze %dma_start3A_46 : memref<1x1x80xi32, #tpu.memory_space<hbm>> -> memref<1x80xi32, #tpu.memory_space<hbm>>
    tpu.enqueue_dma source(%dma_start3A_47 : memref<1x80xi32, #tpu.memory_space<hbm>>) target(%arg15 : memref<1x80xi32, #tpu.memory_space<vmem>>) target_semaphore(%arg35 : memref<!tpu.dma_semaphore, #tpu.memory_space<semaphore_mem>>)
    %dma_start3A_48 = arith.constant 3 : i32
    %dma_start3A_49 = arith.constant 0 : i32
    %dma_start3A_50 = tpu.memref_slice %arg4[%add3A, %dma_start3A_48, %dma_start3A_49] : memref<32x125x80xi32, #tpu.memory_space<hbm>> -> memref<1x1x80xi32, #tpu.memory_space<hbm>>
    %dma_start3A_51 = tpu.memref_squeeze %dma_start3A_50 : memref<1x1x80xi32, #tpu.memory_space<hbm>> -> memref<1x80xi32, #tpu.memory_space<hbm>>
    %dma_start3A_52 = arith.constant 3 : i32
    %dma_start3A_53 = arith.constant 0 : i32
    %dma_start3A_54 = tpu.memref_slice %arg4[%add3A, %dma_start3A_52, %dma_start3A_53] : memref<32x125x80xi32, #tpu.memory_space<hbm>> -> memref<1x1x80xi32, #tpu.memory_space<hbm>>
    %dma_start3A_55 = tpu.memref_squeeze %dma_start3A_54 : memref<1x1x80xi32, #tpu.memory_space<hbm>> -> memref<1x80xi32, #tpu.memory_space<hbm>>
    tpu.enqueue_dma source(%dma_start3A_55 : memref<1x80xi32, #tpu.memory_space<hbm>>) target(%arg16 : memref<1x80xi32, #tpu.memory_space<vmem>>) target_semaphore(%arg36 : memref<!tpu.dma_semaphore, #tpu.memory_space<semaphore_mem>>)
    %mul3A_56 = arith.constant 10000 : i32
    %mul3A_57 = arith.muli %add3A, %mul3A_56 : i32
    %dma_wait3A = tpu.memref_slice %arg3[%mul3A_57] : memref<320000xi32, #tpu.memory_space<hbm>> -> memref<80xi32, #tpu.memory_space<hbm>>
    %dma_wait3A_58 = tpu.memref_slice %arg3[%mul3A_57] : memref<320000xi32, #tpu.memory_space<hbm>> -> memref<80xi32, #tpu.memory_space<hbm>>
    tpu.wait_dma2 semaphore(%arg29 : memref<!tpu.dma_semaphore, #tpu.memory_space<semaphore_mem>>) src(%dma_wait3A_58 : memref<80xi32, #tpu.memory_space<hbm>>) dst(%arg9 : memref<80xi32, #tpu.memory_space<vmem>>)
    %dma_start3A_59 = arith.constant 0 : i32
    %dma_start3A_60 = arith.constant 0 : i32
    %dma_start3A_61 = tpu.memref_slice %arg2[%dma_start3A_59, %dma_start3A_60] : memref<10000x128xf32, #tpu.memory_space<hbm>> -> memref<10000x128xf32, #tpu.memory_space<hbm>>
    tpu.enqueue_indirect_dma source(%dma_start3A_61 : memref<10000x128xf32, #tpu.memory_space<hbm>>) target(%arg17 : memref<80x128xf32, #tpu.memory_space<vmem>>) offsets(%arg9 : memref<80xi32, #tpu.memory_space<vmem>>) semaphore(%arg21 : memref<!tpu.dma_semaphore, #tpu.memory_space<semaphore_mem>>)
    %mul3A_62 = arith.constant 10000 : i32
    %mul3A_63 = arith.muli %add3A, %mul3A_62 : i32
    %dma_wait3A_64 = tpu.memref_slice %arg3[%mul3A_63] : memref<320000xi32, #tpu.memory_space<hbm>> -> memref<80xi32, #tpu.memory_space<hbm>>
    %dma_wait3A_65 = tpu.memref_slice %arg3[%mul3A_63] : memref<320000xi32, #tpu.memory_space<hbm>> -> memref<80xi32, #tpu.memory_space<hbm>>
    tpu.wait_dma2 semaphore(%arg30 : memref<!tpu.dma_semaphore, #tpu.memory_space<semaphore_mem>>) src(%dma_wait3A_65 : memref<80xi32, #tpu.memory_space<hbm>>) dst(%arg10 : memref<80xi32, #tpu.memory_space<vmem>>)
    %dma_start3A_66 = arith.constant 0 : i32
    %dma_start3A_67 = arith.constant 0 : i32
    %dma_start3A_68 = tpu.memref_slice %arg2[%dma_start3A_66, %dma_start3A_67] : memref<10000x128xf32, #tpu.memory_space<hbm>> -> memref<10000x128xf32, #tpu.memory_space<hbm>>
    tpu.enqueue_indirect_dma source(%dma_start3A_68 : memref<10000x128xf32, #tpu.memory_space<hbm>>) target(%arg18 : memref<80x128xf32, #tpu.memory_space<vmem>>) offsets(%arg10 : memref<80xi32, #tpu.memory_space<vmem>>) semaphore(%arg22 : memref<!tpu.dma_semaphore, #tpu.memory_space<semaphore_mem>>)
    %mul3A_69 = arith.constant 10000 : i32
    %mul3A_70 = arith.muli %add3A, %mul3A_69 : i32
    %dma_wait3A_71 = tpu.memref_slice %arg3[%mul3A_70] : memref<320000xi32, #tpu.memory_space<hbm>> -> memref<80xi32, #tpu.memory_space<hbm>>
    %dma_wait3A_72 = tpu.memref_slice %arg3[%mul3A_70] : memref<320000xi32, #tpu.memory_space<hbm>> -> memref<80xi32, #tpu.memory_space<hbm>>
    tpu.wait_dma2 semaphore(%arg31 : memref<!tpu.dma_semaphore, #tpu.memory_space<semaphore_mem>>) src(%dma_wait3A_72 : memref<80xi32, #tpu.memory_space<hbm>>) dst(%arg11 : memref<80xi32, #tpu.memory_space<vmem>>)
    %dma_start3A_73 = arith.constant 0 : i32
    %dma_start3A_74 = arith.constant 0 : i32
    %dma_start3A_75 = tpu.memref_slice %arg2[%dma_start3A_73, %dma_start3A_74] : memref<10000x128xf32, #tpu.memory_space<hbm>> -> memref<10000x128xf32, #tpu.memory_space<hbm>>
    tpu.enqueue_indirect_dma source(%dma_start3A_75 : memref<10000x128xf32, #tpu.memory_space<hbm>>) target(%arg19 : memref<80x128xf32, #tpu.memory_space<vmem>>) offsets(%arg11 : memref<80xi32, #tpu.memory_space<vmem>>) semaphore(%arg23 : memref<!tpu.dma_semaphore, #tpu.memory_space<semaphore_mem>>)
    %mul3A_76 = arith.constant 10000 : i32
    %mul3A_77 = arith.muli %add3A, %mul3A_76 : i32
    %dma_wait3A_78 = tpu.memref_slice %arg3[%mul3A_77] : memref<320000xi32, #tpu.memory_space<hbm>> -> memref<80xi32, #tpu.memory_space<hbm>>
    %dma_wait3A_79 = tpu.memref_slice %arg3[%mul3A_77] : memref<320000xi32, #tpu.memory_space<hbm>> -> memref<80xi32, #tpu.memory_space<hbm>>
    tpu.wait_dma2 semaphore(%arg32 : memref<!tpu.dma_semaphore, #tpu.memory_space<semaphore_mem>>) src(%dma_wait3A_79 : memref<80xi32, #tpu.memory_space<hbm>>) dst(%arg12 : memref<80xi32, #tpu.memory_space<vmem>>)
    %dma_start3A_80 = arith.constant 0 : i32
    %dma_start3A_81 = arith.constant 0 : i32
    %dma_start3A_82 = tpu.memref_slice %arg2[%dma_start3A_80, %dma_start3A_81] : memref<10000x128xf32, #tpu.memory_space<hbm>> -> memref<10000x128xf32, #tpu.memory_space<hbm>>
    tpu.enqueue_indirect_dma source(%dma_start3A_82 : memref<10000x128xf32, #tpu.memory_space<hbm>>) target(%arg20 : memref<80x128xf32, #tpu.memory_space<vmem>>) offsets(%arg12 : memref<80xi32, #tpu.memory_space<vmem>>) semaphore(%arg24 : memref<!tpu.dma_semaphore, #tpu.memory_space<semaphore_mem>>)
    "tpu.region"() ({
      %run_scoped3A = tpu.sem_alloc : memref<!tpu.dma_semaphore, #tpu.memory_space<semaphore_mem>>
      tpu.enqueue_dma source(%arg5 : memref<8x128xf32, #tpu.memory_space<hbm>>) target(%arg8 : memref<8x128xf32, #tpu.memory_space<vmem>>) target_semaphore(%run_scoped3A : memref<!tpu.dma_semaphore, #tpu.memory_space<semaphore_mem>>)
      tpu.wait_dma2 semaphore(%run_scoped3A : memref<!tpu.dma_semaphore, #tpu.memory_space<semaphore_mem>>) src(%arg5 : memref<8x128xf32, #tpu.memory_space<hbm>>) dst(%arg8 : memref<8x128xf32, #tpu.memory_space<vmem>>)
      tpu.yield
    }) : () -> ()
    %scan3A = arith.constant 0 : i32
    %scan3A_83 = arith.constant 0 : i32
    %scan3A_84 = arith.constant 80 : i32
    %scan3A_85 = arith.addi %scan3A_83, %scan3A_84 : i32
    %scan3A_86 = arith.constant 1 : i32
    %scan3A_87 = scf.for %scan3A_247 = %scan3A_83 to %scan3A_85 step %scan3A_86 iter_args(%scan3A_248 = %scan3A) -> (i32)  : i32 {
      %mul3A_249 = arith.constant 640 : i32
      %mul3A_250 = arith.muli %arg1, %mul3A_249 : i32
      %mul3A_251 = arith.constant 8 : i32
      %mul3A_252 = arith.muli %scan3A_247, %mul3A_251 : i32
      %add3A_253 = arith.addi %mul3A_250, %mul3A_252 : i32
      "tpu.region"() ({
        %run_scoped3A = tpu.sem_alloc : memref<!tpu.dma_semaphore, #tpu.memory_space<semaphore_mem>>
        %dma_start3A_255 = arith.constant 0 : i32
        %dma_start3A_256 = tpu.memref_slice %arg7[%add3A_253, %dma_start3A_255] : memref<10240x128xf32, #tpu.memory_space<vmem_shared>> -> memref<8x128xf32, #tpu.memory_space<vmem_shared>>
        %dma_start3A_257 = arith.constant 0 : i32
        %dma_start3A_258 = tpu.memref_slice %arg7[%add3A_253, %dma_start3A_257] : memref<10240x128xf32, #tpu.memory_space<vmem_shared>> -> memref<8x128xf32, #tpu.memory_space<vmem_shared>>
        tpu.enqueue_dma source(%arg8 : memref<8x128xf32, #tpu.memory_space<vmem>>) target(%dma_start3A_258 : memref<8x128xf32, #tpu.memory_space<vmem_shared>>) target_semaphore(%run_scoped3A : memref<!tpu.dma_semaphore, #tpu.memory_space<semaphore_mem>>)
        %dma_wait3A_259 = arith.constant 0 : i32
        %dma_wait3A_260 = tpu.memref_slice %arg7[%add3A_253, %dma_wait3A_259] : memref<10240x128xf32, #tpu.memory_space<vmem_shared>> -> memref<8x128xf32, #tpu.memory_space<vmem_shared>>
        %dma_wait3A_261 = arith.constant 0 : i32
        %dma_wait3A_262 = tpu.memref_slice %arg7[%add3A_253, %dma_wait3A_261] : memref<10240x128xf32, #tpu.memory_space<vmem_shared>> -> memref<8x128xf32, #tpu.memory_space<vmem_shared>>
        tpu.wait_dma2 semaphore(%run_scoped3A : memref<!tpu.dma_semaphore, #tpu.memory_space<semaphore_mem>>) src(%arg8 : memref<8x128xf32, #tpu.memory_space<vmem>>) dst(%dma_wait3A_262 : memref<8x128xf32, #tpu.memory_space<vmem_shared>>)
        tpu.yield
      }) : () -> ()
      %scan3A_254 = arith.constant 0 : i32
      scf.yield %scan3A_254 : i32
    }
    %scan3A_88 = arith.constant 80 : i32
    %barrier3A = arith.constant 0 : index
    tpu.barrier barrier_id(%barrier3A)
    %scan3A_89 = arith.constant 0 : i32
    %scan3A_90 = arith.constant 0 : i32
    %scan3A_91 = arith.constant 30 : i32
    %scan3A_92 = arith.addi %scan3A_90, %scan3A_91 : i32
    %scan3A_93 = arith.constant 1 : i32
    %scan3A_94 = scf.for %scan3A_247 = %scan3A_90 to %scan3A_92 step %scan3A_93 iter_args(%scan3A_248 = %scan3A_89) -> (i32)  : i32 {
      %mul3A_249 = arith.constant 4 : i32
      %mul3A_250 = arith.muli %scan3A_247, %mul3A_249 : i32
      %add3A_251 = arith.constant 0 : i32
      %add3A_252 = arith.addi %mul3A_250, %add3A_251 : i32
      %dma_wait3A_253 = arith.constant 0 : i32
      %dma_wait3A_254 = arith.constant 0 : i32
      %dma_wait3A_255 = tpu.memref_slice %arg2[%dma_wait3A_253, %dma_wait3A_254] : memref<10000x128xf32, #tpu.memory_space<hbm>> -> memref<10000x128xf32, #tpu.memory_space<hbm>>
      tpu.wait_indirect_dma semaphore(%arg21 : memref<!tpu.dma_semaphore, #tpu.memory_space<semaphore_mem>>) src(%dma_wait3A_255 : memref<10000x128xf32, #tpu.memory_space<hbm>>) dst(%arg17 : memref<80x128xf32, #tpu.memory_space<vmem>>)
      %add3A_256 = arith.constant 4 : i32
      %add3A_257 = arith.addi %add3A_252, %add3A_256 : i32
      %mul3A_258 = arith.constant 10000 : i32
      %mul3A_259 = arith.muli %add3A, %mul3A_258 : i32
      %mul3A_260 = arith.constant 80 : i32
      %mul3A_261 = arith.muli %add3A_257, %mul3A_260 : i32
      %add3A_262 = arith.addi %mul3A_259, %mul3A_261 : i32
      %dma_start3A_263 = tpu.memref_slice %arg3[%add3A_262] : memref<320000xi32, #tpu.memory_space<hbm>> -> memref<80xi32, #tpu.memory_space<hbm>>
      %dma_start3A_264 = tpu.memref_slice %arg3[%add3A_262] : memref<320000xi32, #tpu.memory_space<hbm>> -> memref<80xi32, #tpu.memory_space<hbm>>
      tpu.enqueue_dma source(%dma_start3A_264 : memref<80xi32, #tpu.memory_space<hbm>>) target(%arg9 : memref<80xi32, #tpu.memory_space<vmem>>) target_semaphore(%arg29 : memref<!tpu.dma_semaphore, #tpu.memory_space<semaphore_mem>>)
      %dma_wait3A_265 = arith.constant 0 : i32
      %dma_wait3A_266 = arith.constant 0 : i32
      %dma_wait3A_267 = tpu.memref_slice %arg4[%add3A, %dma_wait3A_265, %dma_wait3A_266] : memref<32x125x80xi32, #tpu.memory_space<hbm>> -> memref<1x1x80xi32, #tpu.memory_space<hbm>>
      %dma_wait3A_268 = tpu.memref_squeeze %dma_wait3A_267 : memref<1x1x80xi32, #tpu.memory_space<hbm>> -> memref<1x80xi32, #tpu.memory_space<hbm>>
      %dma_wait3A_269 = arith.constant 0 : i32
      %dma_wait3A_270 = arith.constant 0 : i32
      %dma_wait3A_271 = tpu.memref_slice %arg4[%add3A, %dma_wait3A_269, %dma_wait3A_270] : memref<32x125x80xi32, #tpu.memory_space<hbm>> -> memref<1x1x80xi32, #tpu.memory_space<hbm>>
      %dma_wait3A_272 = tpu.memref_squeeze %dma_wait3A_271 : memref<1x1x80xi32, #tpu.memory_space<hbm>> -> memref<1x80xi32, #tpu.memory_space<hbm>>
      tpu.wait_dma2 semaphore(%arg33 : memref<!tpu.dma_semaphore, #tpu.memory_space<semaphore_mem>>) src(%dma_wait3A_272 : memref<1x80xi32, #tpu.memory_space<hbm>>) dst(%arg13 : memref<1x80xi32, #tpu.memory_space<vmem>>)
      %dma_start3A_273 = arith.constant 0 : i32
      %dma_start3A_274 = arith.constant 0 : i32
      %dma_start3A_275 = tpu.memref_slice %arg13[%dma_start3A_273, %dma_start3A_274] : memref<1x80xi32, #tpu.memory_space<vmem>> -> memref<1x80xi32, #tpu.memory_space<vmem>>
      %dma_start3A_276 = tpu.memref_squeeze %dma_start3A_275 : memref<1x80xi32, #tpu.memory_space<vmem>> -> memref<80xi32, #tpu.memory_space<vmem>>
      %dma_start3A_277 = arith.constant 0 : i32
      %dma_start3A_278 = arith.constant 0 : i32
      %dma_start3A_279 = tpu.memref_slice %arg7[%dma_start3A_277, %dma_start3A_278] : memref<10240x128xf32, #tpu.memory_space<vmem_shared>> -> memref<10240x128xf32, #tpu.memory_space<vmem_shared>>
      tpu.enqueue_indirect_dma source(%arg17 : memref<80x128xf32, #tpu.memory_space<vmem>>) target(%dma_start3A_279 : memref<10240x128xf32, #tpu.memory_space<vmem_shared>>) offsets(%dma_start3A_276 : memref<80xi32, #tpu.memory_space<vmem>>) semaphore(%arg25 : memref<!tpu.dma_semaphore, #tpu.memory_space<semaphore_mem>>) {add = true}
      %dma_wait3A_280 = arith.constant 0 : i32
      %dma_wait3A_281 = arith.constant 0 : i32
      %dma_wait3A_282 = tpu.memref_slice %arg13[%dma_wait3A_280, %dma_wait3A_281] : memref<1x80xi32, #tpu.memory_space<vmem>> -> memref<1x80xi32, #tpu.memory_space<vmem>>
      %dma_wait3A_283 = tpu.memref_squeeze %dma_wait3A_282 : memref<1x80xi32, #tpu.memory_space<vmem>> -> memref<80xi32, #tpu.memory_space<vmem>>
      %dma_wait3A_284 = arith.constant 0 : i32
      %dma_wait3A_285 = arith.constant 0 : i32
      %dma_wait3A_286 = tpu.memref_slice %arg7[%dma_wait3A_284, %dma_wait3A_285] : memref<10240x128xf32, #tpu.memory_space<vmem_shared>> -> memref<10240x128xf32, #tpu.memory_space<vmem_shared>>
      tpu.wait_indirect_dma semaphore(%arg25 : memref<!tpu.dma_semaphore, #tpu.memory_space<semaphore_mem>>) src(%arg17 : memref<80x128xf32, #tpu.memory_space<vmem>>) dst(%dma_wait3A_286 : memref<10240x128xf32, #tpu.memory_space<vmem_shared>>)
      %add3A_287 = arith.constant 4 : i32
      %add3A_288 = arith.addi %add3A_252, %add3A_287 : i32
      %dma_start3A_289 = arith.constant 0 : i32
      %dma_start3A_290 = tpu.memref_slice %arg4[%add3A, %add3A_288, %dma_start3A_289] : memref<32x125x80xi32, #tpu.memory_space<hbm>> -> memref<1x1x80xi32, #tpu.memory_space<hbm>>
      %dma_start3A_291 = tpu.memref_squeeze %dma_start3A_290 : memref<1x1x80xi32, #tpu.memory_space<hbm>> -> memref<1x80xi32, #tpu.memory_space<hbm>>
      %dma_start3A_292 = arith.constant 0 : i32
      %dma_start3A_293 = tpu.memref_slice %arg4[%add3A, %add3A_288, %dma_start3A_292] : memref<32x125x80xi32, #tpu.memory_space<hbm>> -> memref<1x1x80xi32, #tpu.memory_space<hbm>>
      %dma_start3A_294 = tpu.memref_squeeze %dma_start3A_293 : memref<1x1x80xi32, #tpu.memory_space<hbm>> -> memref<1x80xi32, #tpu.memory_space<hbm>>
      tpu.enqueue_dma source(%dma_start3A_294 : memref<1x80xi32, #tpu.memory_space<hbm>>) target(%arg13 : memref<1x80xi32, #tpu.memory_space<vmem>>) target_semaphore(%arg33 : memref<!tpu.dma_semaphore, #tpu.memory_space<semaphore_mem>>)
      %mul3A_295 = arith.constant 10000 : i32
      %mul3A_296 = arith.muli %add3A, %mul3A_295 : i32
      %dma_wait3A_297 = tpu.memref_slice %arg3[%mul3A_296] : memref<320000xi32, #tpu.memory_space<hbm>> -> memref<80xi32, #tpu.memory_space<hbm>>
      %dma_wait3A_298 = tpu.memref_slice %arg3[%mul3A_296] : memref<320000xi32, #tpu.memory_space<hbm>> -> memref<80xi32, #tpu.memory_space<hbm>>
      tpu.wait_dma2 semaphore(%arg29 : memref<!tpu.dma_semaphore, #tpu.memory_space<semaphore_mem>>) src(%dma_wait3A_298 : memref<80xi32, #tpu.memory_space<hbm>>) dst(%arg9 : memref<80xi32, #tpu.memory_space<vmem>>)
      %dma_start3A_299 = arith.constant 0 : i32
      %dma_start3A_300 = arith.constant 0 : i32
      %dma_start3A_301 = tpu.memref_slice %arg2[%dma_start3A_299, %dma_start3A_300] : memref<10000x128xf32, #tpu.memory_space<hbm>> -> memref<10000x128xf32, #tpu.memory_space<hbm>>
      tpu.enqueue_indirect_dma source(%dma_start3A_301 : memref<10000x128xf32, #tpu.memory_space<hbm>>) target(%arg17 : memref<80x128xf32, #tpu.memory_space<vmem>>) offsets(%arg9 : memref<80xi32, #tpu.memory_space<vmem>>) semaphore(%arg21 : memref<!tpu.dma_semaphore, #tpu.memory_space<semaphore_mem>>)
      %mul3A_302 = arith.constant 4 : i32
      %mul3A_303 = arith.muli %scan3A_247, %mul3A_302 : i32
      %add3A_304 = arith.constant 1 : i32
      %add3A_305 = arith.addi %mul3A_303, %add3A_304 : i32
      %dma_wait3A_306 = arith.constant 0 : i32
      %dma_wait3A_307 = arith.constant 0 : i32
      %dma_wait3A_308 = tpu.memref_slice %arg2[%dma_wait3A_306, %dma_wait3A_307] : memref<10000x128xf32, #tpu.memory_space<hbm>> -> memref<10000x128xf32, #tpu.memory_space<hbm>>
      tpu.wait_indirect_dma semaphore(%arg22 : memref<!tpu.dma_semaphore, #tpu.memory_space<semaphore_mem>>) src(%dma_wait3A_308 : memref<10000x128xf32, #tpu.memory_space<hbm>>) dst(%arg18 : memref<80x128xf32, #tpu.memory_space<vmem>>)
      %add3A_309 = arith.constant 4 : i32
      %add3A_310 = arith.addi %add3A_305, %add3A_309 : i32
      %mul3A_311 = arith.constant 10000 : i32
      %mul3A_312 = arith.muli %add3A, %mul3A_311 : i32
      %mul3A_313 = arith.constant 80 : i32
      %mul3A_314 = arith.muli %add3A_310, %mul3A_313 : i32
      %add3A_315 = arith.addi %mul3A_312, %mul3A_314 : i32
      %dma_start3A_316 = tpu.memref_slice %arg3[%add3A_315] : memref<320000xi32, #tpu.memory_space<hbm>> -> memref<80xi32, #tpu.memory_space<hbm>>
      %dma_start3A_317 = tpu.memref_slice %arg3[%add3A_315] : memref<320000xi32, #tpu.memory_space<hbm>> -> memref<80xi32, #tpu.memory_space<hbm>>
      tpu.enqueue_dma source(%dma_start3A_317 : memref<80xi32, #tpu.memory_space<hbm>>) target(%arg10 : memref<80xi32, #tpu.memory_space<vmem>>) target_semaphore(%arg30 : memref<!tpu.dma_semaphore, #tpu.memory_space<semaphore_mem>>)
      %dma_wait3A_318 = arith.constant 0 : i32
      %dma_wait3A_319 = arith.constant 0 : i32
      %dma_wait3A_320 = tpu.memref_slice %arg4[%add3A, %dma_wait3A_318, %dma_wait3A_319] : memref<32x125x80xi32, #tpu.memory_space<hbm>> -> memref<1x1x80xi32, #tpu.memory_space<hbm>>
      %dma_wait3A_321 = tpu.memref_squeeze %dma_wait3A_320 : memref<1x1x80xi32, #tpu.memory_space<hbm>> -> memref<1x80xi32, #tpu.memory_space<hbm>>
      %dma_wait3A_322 = arith.constant 0 : i32
      %dma_wait3A_323 = arith.constant 0 : i32
      %dma_wait3A_324 = tpu.memref_slice %arg4[%add3A, %dma_wait3A_322, %dma_wait3A_323] : memref<32x125x80xi32, #tpu.memory_space<hbm>> -> memref<1x1x80xi32, #tpu.memory_space<hbm>>
      %dma_wait3A_325 = tpu.memref_squeeze %dma_wait3A_324 : memref<1x1x80xi32, #tpu.memory_space<hbm>> -> memref<1x80xi32, #tpu.memory_space<hbm>>
      tpu.wait_dma2 semaphore(%arg34 : memref<!tpu.dma_semaphore, #tpu.memory_space<semaphore_mem>>) src(%dma_wait3A_325 : memref<1x80xi32, #tpu.memory_space<hbm>>) dst(%arg14 : memref<1x80xi32, #tpu.memory_space<vmem>>)
      %dma_start3A_326 = arith.constant 0 : i32
      %dma_start3A_327 = arith.constant 0 : i32
      %dma_start3A_328 = tpu.memref_slice %arg14[%dma_start3A_326, %dma_start3A_327] : memref<1x80xi32, #tpu.memory_space<vmem>> -> memref<1x80xi32, #tpu.memory_space<vmem>>
      %dma_start3A_329 = tpu.memref_squeeze %dma_start3A_328 : memref<1x80xi32, #tpu.memory_space<vmem>> -> memref<80xi32, #tpu.memory_space<vmem>>
      %dma_start3A_330 = arith.constant 0 : i32
      %dma_start3A_331 = arith.constant 0 : i32
      %dma_start3A_332 = tpu.memref_slice %arg7[%dma_start3A_330, %dma_start3A_331] : memref<10240x128xf32, #tpu.memory_space<vmem_shared>> -> memref<10240x128xf32, #tpu.memory_space<vmem_shared>>
      tpu.enqueue_indirect_dma source(%arg18 : memref<80x128xf32, #tpu.memory_space<vmem>>) target(%dma_start3A_332 : memref<10240x128xf32, #tpu.memory_space<vmem_shared>>) offsets(%dma_start3A_329 : memref<80xi32, #tpu.memory_space<vmem>>) semaphore(%arg26 : memref<!tpu.dma_semaphore, #tpu.memory_space<semaphore_mem>>) {add = true}
      %dma_wait3A_333 = arith.constant 0 : i32
      %dma_wait3A_334 = arith.constant 0 : i32
      %dma_wait3A_335 = tpu.memref_slice %arg14[%dma_wait3A_333, %dma_wait3A_334] : memref<1x80xi32, #tpu.memory_space<vmem>> -> memref<1x80xi32, #tpu.memory_space<vmem>>
      %dma_wait3A_336 = tpu.memref_squeeze %dma_wait3A_335 : memref<1x80xi32, #tpu.memory_space<vmem>> -> memref<80xi32, #tpu.memory_space<vmem>>
      %dma_wait3A_337 = arith.constant 0 : i32
      %dma_wait3A_338 = arith.constant 0 : i32
      %dma_wait3A_339 = tpu.memref_slice %arg7[%dma_wait3A_337, %dma_wait3A_338] : memref<10240x128xf32, #tpu.memory_space<vmem_shared>> -> memref<10240x128xf32, #tpu.memory_space<vmem_shared>>
      tpu.wait_indirect_dma semaphore(%arg26 : memref<!tpu.dma_semaphore, #tpu.memory_space<semaphore_mem>>) src(%arg18 : memref<80x128xf32, #tpu.memory_space<vmem>>) dst(%dma_wait3A_339 : memref<10240x128xf32, #tpu.memory_space<vmem_shared>>)
      %add3A_340 = arith.constant 4 : i32
      %add3A_341 = arith.addi %add3A_305, %add3A_340 : i32
      %dma_start3A_342 = arith.constant 0 : i32
      %dma_start3A_343 = tpu.memref_slice %arg4[%add3A, %add3A_341, %dma_start3A_342] : memref<32x125x80xi32, #tpu.memory_space<hbm>> -> memref<1x1x80xi32, #tpu.memory_space<hbm>>
      %dma_start3A_344 = tpu.memref_squeeze %dma_start3A_343 : memref<1x1x80xi32, #tpu.memory_space<hbm>> -> memref<1x80xi32, #tpu.memory_space<hbm>>
      %dma_start3A_345 = arith.constant 0 : i32
      %dma_start3A_346 = tpu.memref_slice %arg4[%add3A, %add3A_341, %dma_start3A_345] : memref<32x125x80xi32, #tpu.memory_space<hbm>> -> memref<1x1x80xi32, #tpu.memory_space<hbm>>
      %dma_start3A_347 = tpu.memref_squeeze %dma_start3A_346 : memref<1x1x80xi32, #tpu.memory_space<hbm>> -> memref<1x80xi32, #tpu.memory_space<hbm>>
      tpu.enqueue_dma source(%dma_start3A_347 : memref<1x80xi32, #tpu.memory_space<hbm>>) target(%arg14 : memref<1x80xi32, #tpu.memory_space<vmem>>) target_semaphore(%arg34 : memref<!tpu.dma_semaphore, #tpu.memory_space<semaphore_mem>>)
      %mul3A_348 = arith.constant 10000 : i32
      %mul3A_349 = arith.muli %add3A, %mul3A_348 : i32
      %dma_wait3A_350 = tpu.memref_slice %arg3[%mul3A_349] : memref<320000xi32, #tpu.memory_space<hbm>> -> memref<80xi32, #tpu.memory_space<hbm>>
      %dma_wait3A_351 = tpu.memref_slice %arg3[%mul3A_349] : memref<320000xi32, #tpu.memory_space<hbm>> -> memref<80xi32, #tpu.memory_space<hbm>>
      tpu.wait_dma2 semaphore(%arg30 : memref<!tpu.dma_semaphore, #tpu.memory_space<semaphore_mem>>) src(%dma_wait3A_351 : memref<80xi32, #tpu.memory_space<hbm>>) dst(%arg10 : memref<80xi32, #tpu.memory_space<vmem>>)
      %dma_start3A_352 = arith.constant 0 : i32
      %dma_start3A_353 = arith.constant 0 : i32
      %dma_start3A_354 = tpu.memref_slice %arg2[%dma_start3A_352, %dma_start3A_353] : memref<10000x128xf32, #tpu.memory_space<hbm>> -> memref<10000x128xf32, #tpu.memory_space<hbm>>
      tpu.enqueue_indirect_dma source(%dma_start3A_354 : memref<10000x128xf32, #tpu.memory_space<hbm>>) target(%arg18 : memref<80x128xf32, #tpu.memory_space<vmem>>) offsets(%arg10 : memref<80xi32, #tpu.memory_space<vmem>>) semaphore(%arg22 : memref<!tpu.dma_semaphore, #tpu.memory_space<semaphore_mem>>)
      %mul3A_355 = arith.constant 4 : i32
      %mul3A_356 = arith.muli %scan3A_247, %mul3A_355 : i32
      %add3A_357 = arith.constant 2 : i32
      %add3A_358 = arith.addi %mul3A_356, %add3A_357 : i32
      %dma_wait3A_359 = arith.constant 0 : i32
      %dma_wait3A_360 = arith.constant 0 : i32
      %dma_wait3A_361 = tpu.memref_slice %arg2[%dma_wait3A_359, %dma_wait3A_360] : memref<10000x128xf32, #tpu.memory_space<hbm>> -> memref<10000x128xf32, #tpu.memory_space<hbm>>
      tpu.wait_indirect_dma semaphore(%arg23 : memref<!tpu.dma_semaphore, #tpu.memory_space<semaphore_mem>>) src(%dma_wait3A_361 : memref<10000x128xf32, #tpu.memory_space<hbm>>) dst(%arg19 : memref<80x128xf32, #tpu.memory_space<vmem>>)
      %add3A_362 = arith.constant 4 : i32
      %add3A_363 = arith.addi %add3A_358, %add3A_362 : i32
      %mul3A_364 = arith.constant 10000 : i32
      %mul3A_365 = arith.muli %add3A, %mul3A_364 : i32
      %mul3A_366 = arith.constant 80 : i32
      %mul3A_367 = arith.muli %add3A_363, %mul3A_366 : i32
      %add3A_368 = arith.addi %mul3A_365, %mul3A_367 : i32
      %dma_start3A_369 = tpu.memref_slice %arg3[%add3A_368] : memref<320000xi32, #tpu.memory_space<hbm>> -> memref<80xi32, #tpu.memory_space<hbm>>
      %dma_start3A_370 = tpu.memref_slice %arg3[%add3A_368] : memref<320000xi32, #tpu.memory_space<hbm>> -> memref<80xi32, #tpu.memory_space<hbm>>
      tpu.enqueue_dma source(%dma_start3A_370 : memref<80xi32, #tpu.memory_space<hbm>>) target(%arg11 : memref<80xi32, #tpu.memory_space<vmem>>) target_semaphore(%arg31 : memref<!tpu.dma_semaphore, #tpu.memory_space<semaphore_mem>>)
      %dma_wait3A_371 = arith.constant 0 : i32
      %dma_wait3A_372 = arith.constant 0 : i32
      %dma_wait3A_373 = tpu.memref_slice %arg4[%add3A, %dma_wait3A_371, %dma_wait3A_372] : memref<32x125x80xi32, #tpu.memory_space<hbm>> -> memref<1x1x80xi32, #tpu.memory_space<hbm>>
      %dma_wait3A_374 = tpu.memref_squeeze %dma_wait3A_373 : memref<1x1x80xi32, #tpu.memory_space<hbm>> -> memref<1x80xi32, #tpu.memory_space<hbm>>
      %dma_wait3A_375 = arith.constant 0 : i32
      %dma_wait3A_376 = arith.constant 0 : i32
      %dma_wait3A_377 = tpu.memref_slice %arg4[%add3A, %dma_wait3A_375, %dma_wait3A_376] : memref<32x125x80xi32, #tpu.memory_space<hbm>> -> memref<1x1x80xi32, #tpu.memory_space<hbm>>
      %dma_wait3A_378 = tpu.memref_squeeze %dma_wait3A_377 : memref<1x1x80xi32, #tpu.memory_space<hbm>> -> memref<1x80xi32, #tpu.memory_space<hbm>>
      tpu.wait_dma2 semaphore(%arg35 : memref<!tpu.dma_semaphore, #tpu.memory_space<semaphore_mem>>) src(%dma_wait3A_378 : memref<1x80xi32, #tpu.memory_space<hbm>>) dst(%arg15 : memref<1x80xi32, #tpu.memory_space<vmem>>)
      %dma_start3A_379 = arith.constant 0 : i32
      %dma_start3A_380 = arith.constant 0 : i32
      %dma_start3A_381 = tpu.memref_slice %arg15[%dma_start3A_379, %dma_start3A_380] : memref<1x80xi32, #tpu.memory_space<vmem>> -> memref<1x80xi32, #tpu.memory_space<vmem>>
      %dma_start3A_382 = tpu.memref_squeeze %dma_start3A_381 : memref<1x80xi32, #tpu.memory_space<vmem>> -> memref<80xi32, #tpu.memory_space<vmem>>
      %dma_start3A_383 = arith.constant 0 : i32
      %dma_start3A_384 = arith.constant 0 : i32
      %dma_start3A_385 = tpu.memref_slice %arg7[%dma_start3A_383, %dma_start3A_384] : memref<10240x128xf32, #tpu.memory_space<vmem_shared>> -> memref<10240x128xf32, #tpu.memory_space<vmem_shared>>
      tpu.enqueue_indirect_dma source(%arg19 : memref<80x128xf32, #tpu.memory_space<vmem>>) target(%dma_start3A_385 : memref<10240x128xf32, #tpu.memory_space<vmem_shared>>) offsets(%dma_start3A_382 : memref<80xi32, #tpu.memory_space<vmem>>) semaphore(%arg27 : memref<!tpu.dma_semaphore, #tpu.memory_space<semaphore_mem>>) {add = true}
      %dma_wait3A_386 = arith.constant 0 : i32
      %dma_wait3A_387 = arith.constant 0 : i32
      %dma_wait3A_388 = tpu.memref_slice %arg15[%dma_wait3A_386, %dma_wait3A_387] : memref<1x80xi32, #tpu.memory_space<vmem>> -> memref<1x80xi32, #tpu.memory_space<vmem>>
      %dma_wait3A_389 = tpu.memref_squeeze %dma_wait3A_388 : memref<1x80xi32, #tpu.memory_space<vmem>> -> memref<80xi32, #tpu.memory_space<vmem>>
      %dma_wait3A_390 = arith.constant 0 : i32
      %dma_wait3A_391 = arith.constant 0 : i32
      %dma_wait3A_392 = tpu.memref_slice %arg7[%dma_wait3A_390, %dma_wait3A_391] : memref<10240x128xf32, #tpu.memory_space<vmem_shared>> -> memref<10240x128xf32, #tpu.memory_space<vmem_shared>>
      tpu.wait_indirect_dma semaphore(%arg27 : memref<!tpu.dma_semaphore, #tpu.memory_space<semaphore_mem>>) src(%arg19 : memref<80x128xf32, #tpu.memory_space<vmem>>) dst(%dma_wait3A_392 : memref<10240x128xf32, #tpu.memory_space<vmem_shared>>)
      %add3A_393 = arith.constant 4 : i32
      %add3A_394 = arith.addi %add3A_358, %add3A_393 : i32
      %dma_start3A_395 = arith.constant 0 : i32
      %dma_start3A_396 = tpu.memref_slice %arg4[%add3A, %add3A_394, %dma_start3A_395] : memref<32x125x80xi32, #tpu.memory_space<hbm>> -> memref<1x1x80xi32, #tpu.memory_space<hbm>>
      %dma_start3A_397 = tpu.memref_squeeze %dma_start3A_396 : memref<1x1x80xi32, #tpu.memory_space<hbm>> -> memref<1x80xi32, #tpu.memory_space<hbm>>
      %dma_start3A_398 = arith.constant 0 : i32
      %dma_start3A_399 = tpu.memref_slice %arg4[%add3A, %add3A_394, %dma_start3A_398] : memref<32x125x80xi32, #tpu.memory_space<hbm>> -> memref<1x1x80xi32, #tpu.memory_space<hbm>>
      %dma_start3A_400 = tpu.memref_squeeze %dma_start3A_399 : memref<1x1x80xi32, #tpu.memory_space<hbm>> -> memref<1x80xi32, #tpu.memory_space<hbm>>
      tpu.enqueue_dma source(%dma_start3A_400 : memref<1x80xi32, #tpu.memory_space<hbm>>) target(%arg15 : memref<1x80xi32, #tpu.memory_space<vmem>>) target_semaphore(%arg35 : memref<!tpu.dma_semaphore, #tpu.memory_space<semaphore_mem>>)
      %mul3A_401 = arith.constant 10000 : i32
      %mul3A_402 = arith.muli %add3A, %mul3A_401 : i32
      %dma_wait3A_403 = tpu.memref_slice %arg3[%mul3A_402] : memref<320000xi32, #tpu.memory_space<hbm>> -> memref<80xi32, #tpu.memory_space<hbm>>
      %dma_wait3A_404 = tpu.memref_slice %arg3[%mul3A_402] : memref<320000xi32, #tpu.memory_space<hbm>> -> memref<80xi32, #tpu.memory_space<hbm>>
      tpu.wait_dma2 semaphore(%arg31 : memref<!tpu.dma_semaphore, #tpu.memory_space<semaphore_mem>>) src(%dma_wait3A_404 : memref<80xi32, #tpu.memory_space<hbm>>) dst(%arg11 : memref<80xi32, #tpu.memory_space<vmem>>)
      %dma_start3A_405 = arith.constant 0 : i32
      %dma_start3A_406 = arith.constant 0 : i32
      %dma_start3A_407 = tpu.memref_slice %arg2[%dma_start3A_405, %dma_start3A_406] : memref<10000x128xf32, #tpu.memory_space<hbm>> -> memref<10000x128xf32, #tpu.memory_space<hbm>>
      tpu.enqueue_indirect_dma source(%dma_start3A_407 : memref<10000x128xf32, #tpu.memory_space<hbm>>) target(%arg19 : memref<80x128xf32, #tpu.memory_space<vmem>>) offsets(%arg11 : memref<80xi32, #tpu.memory_space<vmem>>) semaphore(%arg23 : memref<!tpu.dma_semaphore, #tpu.memory_space<semaphore_mem>>)
      %mul3A_408 = arith.constant 4 : i32
      %mul3A_409 = arith.muli %scan3A_247, %mul3A_408 : i32
      %add3A_410 = arith.constant 3 : i32
      %add3A_411 = arith.addi %mul3A_409, %add3A_410 : i32
      %dma_wait3A_412 = arith.constant 0 : i32
      %dma_wait3A_413 = arith.constant 0 : i32
      %dma_wait3A_414 = tpu.memref_slice %arg2[%dma_wait3A_412, %dma_wait3A_413] : memref<10000x128xf32, #tpu.memory_space<hbm>> -> memref<10000x128xf32, #tpu.memory_space<hbm>>
      tpu.wait_indirect_dma semaphore(%arg24 : memref<!tpu.dma_semaphore, #tpu.memory_space<semaphore_mem>>) src(%dma_wait3A_414 : memref<10000x128xf32, #tpu.memory_space<hbm>>) dst(%arg20 : memref<80x128xf32, #tpu.memory_space<vmem>>)
      %add3A_415 = arith.constant 4 : i32
      %add3A_416 = arith.addi %add3A_411, %add3A_415 : i32
      %mul3A_417 = arith.constant 10000 : i32
      %mul3A_418 = arith.muli %add3A, %mul3A_417 : i32
      %mul3A_419 = arith.constant 80 : i32
      %mul3A_420 = arith.muli %add3A_416, %mul3A_419 : i32
      %add3A_421 = arith.addi %mul3A_418, %mul3A_420 : i32
      %dma_start3A_422 = tpu.memref_slice %arg3[%add3A_421] : memref<320000xi32, #tpu.memory_space<hbm>> -> memref<80xi32, #tpu.memory_space<hbm>>
      %dma_start3A_423 = tpu.memref_slice %arg3[%add3A_421] : memref<320000xi32, #tpu.memory_space<hbm>> -> memref<80xi32, #tpu.memory_space<hbm>>
      tpu.enqueue_dma source(%dma_start3A_423 : memref<80xi32, #tpu.memory_space<hbm>>) target(%arg12 : memref<80xi32, #tpu.memory_space<vmem>>) target_semaphore(%arg32 : memref<!tpu.dma_semaphore, #tpu.memory_space<semaphore_mem>>)
      %dma_wait3A_424 = arith.constant 0 : i32
      %dma_wait3A_425 = arith.constant 0 : i32
      %dma_wait3A_426 = tpu.memref_slice %arg4[%add3A, %dma_wait3A_424, %dma_wait3A_425] : memref<32x125x80xi32, #tpu.memory_space<hbm>> -> memref<1x1x80xi32, #tpu.memory_space<hbm>>
      %dma_wait3A_427 = tpu.memref_squeeze %dma_wait3A_426 : memref<1x1x80xi32, #tpu.memory_space<hbm>> -> memref<1x80xi32, #tpu.memory_space<hbm>>
      %dma_wait3A_428 = arith.constant 0 : i32
      %dma_wait3A_429 = arith.constant 0 : i32
      %dma_wait3A_430 = tpu.memref_slice %arg4[%add3A, %dma_wait3A_428, %dma_wait3A_429] : memref<32x125x80xi32, #tpu.memory_space<hbm>> -> memref<1x1x80xi32, #tpu.memory_space<hbm>>
      %dma_wait3A_431 = tpu.memref_squeeze %dma_wait3A_430 : memref<1x1x80xi32, #tpu.memory_space<hbm>> -> memref<1x80xi32, #tpu.memory_space<hbm>>
      tpu.wait_dma2 semaphore(%arg36 : memref<!tpu.dma_semaphore, #tpu.memory_space<semaphore_mem>>) src(%dma_wait3A_431 : memref<1x80xi32, #tpu.memory_space<hbm>>) dst(%arg16 : memref<1x80xi32, #tpu.memory_space<vmem>>)
      %dma_start3A_432 = arith.constant 0 : i32
      %dma_start3A_433 = arith.constant 0 : i32
      %dma_start3A_434 = tpu.memref_slice %arg16[%dma_start3A_432, %dma_start3A_433] : memref<1x80xi32, #tpu.memory_space<vmem>> -> memref<1x80xi32, #tpu.memory_space<vmem>>
      %dma_start3A_435 = tpu.memref_squeeze %dma_start3A_434 : memref<1x80xi32, #tpu.memory_space<vmem>> -> memref<80xi32, #tpu.memory_space<vmem>>
      %dma_start3A_436 = arith.constant 0 : i32
      %dma_start3A_437 = arith.constant 0 : i32
      %dma_start3A_438 = tpu.memref_slice %arg7[%dma_start3A_436, %dma_start3A_437] : memref<10240x128xf32, #tpu.memory_space<vmem_shared>> -> memref<10240x128xf32, #tpu.memory_space<vmem_shared>>
      tpu.enqueue_indirect_dma source(%arg20 : memref<80x128xf32, #tpu.memory_space<vmem>>) target(%dma_start3A_438 : memref<10240x128xf32, #tpu.memory_space<vmem_shared>>) offsets(%dma_start3A_435 : memref<80xi32, #tpu.memory_space<vmem>>) semaphore(%arg28 : memref<!tpu.dma_semaphore, #tpu.memory_space<semaphore_mem>>) {add = true}
      %dma_wait3A_439 = arith.constant 0 : i32
      %dma_wait3A_440 = arith.constant 0 : i32
      %dma_wait3A_441 = tpu.memref_slice %arg16[%dma_wait3A_439, %dma_wait3A_440] : memref<1x80xi32, #tpu.memory_space<vmem>> -> memref<1x80xi32, #tpu.memory_space<vmem>>
      %dma_wait3A_442 = tpu.memref_squeeze %dma_wait3A_441 : memref<1x80xi32, #tpu.memory_space<vmem>> -> memref<80xi32, #tpu.memory_space<vmem>>
      %dma_wait3A_443 = arith.constant 0 : i32
      %dma_wait3A_444 = arith.constant 0 : i32
      %dma_wait3A_445 = tpu.memref_slice %arg7[%dma_wait3A_443, %dma_wait3A_444] : memref<10240x128xf32, #tpu.memory_space<vmem_shared>> -> memref<10240x128xf32, #tpu.memory_space<vmem_shared>>
      tpu.wait_indirect_dma semaphore(%arg28 : memref<!tpu.dma_semaphore, #tpu.memory_space<semaphore_mem>>) src(%arg20 : memref<80x128xf32, #tpu.memory_space<vmem>>) dst(%dma_wait3A_445 : memref<10240x128xf32, #tpu.memory_space<vmem_shared>>)
      %add3A_446 = arith.constant 4 : i32
      %add3A_447 = arith.addi %add3A_411, %add3A_446 : i32
      %dma_start3A_448 = arith.constant 0 : i32
      %dma_start3A_449 = tpu.memref_slice %arg4[%add3A, %add3A_447, %dma_start3A_448] : memref<32x125x80xi32, #tpu.memory_space<hbm>> -> memref<1x1x80xi32, #tpu.memory_space<hbm>>
      %dma_start3A_450 = tpu.memref_squeeze %dma_start3A_449 : memref<1x1x80xi32, #tpu.memory_space<hbm>> -> memref<1x80xi32, #tpu.memory_space<hbm>>
      %dma_start3A_451 = arith.constant 0 : i32
      %dma_start3A_452 = tpu.memref_slice %arg4[%add3A, %add3A_447, %dma_start3A_451] : memref<32x125x80xi32, #tpu.memory_space<hbm>> -> memref<1x1x80xi32, #tpu.memory_space<hbm>>
      %dma_start3A_453 = tpu.memref_squeeze %dma_start3A_452 : memref<1x1x80xi32, #tpu.memory_space<hbm>> -> memref<1x80xi32, #tpu.memory_space<hbm>>
      tpu.enqueue_dma source(%dma_start3A_453 : memref<1x80xi32, #tpu.memory_space<hbm>>) target(%arg16 : memref<1x80xi32, #tpu.memory_space<vmem>>) target_semaphore(%arg36 : memref<!tpu.dma_semaphore, #tpu.memory_space<semaphore_mem>>)
      %mul3A_454 = arith.constant 10000 : i32
      %mul3A_455 = arith.muli %add3A, %mul3A_454 : i32
      %dma_wait3A_456 = tpu.memref_slice %arg3[%mul3A_455] : memref<320000xi32, #tpu.memory_space<hbm>> -> memref<80xi32, #tpu.memory_space<hbm>>
      %dma_wait3A_457 = tpu.memref_slice %arg3[%mul3A_455] : memref<320000xi32, #tpu.memory_space<hbm>> -> memref<80xi32, #tpu.memory_space<hbm>>
      tpu.wait_dma2 semaphore(%arg32 : memref<!tpu.dma_semaphore, #tpu.memory_space<semaphore_mem>>) src(%dma_wait3A_457 : memref<80xi32, #tpu.memory_space<hbm>>) dst(%arg12 : memref<80xi32, #tpu.memory_space<vmem>>)
      %dma_start3A_458 = arith.constant 0 : i32
      %dma_start3A_459 = arith.constant 0 : i32
      %dma_start3A_460 = tpu.memref_slice %arg2[%dma_start3A_458, %dma_start3A_459] : memref<10000x128xf32, #tpu.memory_space<hbm>> -> memref<10000x128xf32, #tpu.memory_space<hbm>>
      tpu.enqueue_indirect_dma source(%dma_start3A_460 : memref<10000x128xf32, #tpu.memory_space<hbm>>) target(%arg20 : memref<80x128xf32, #tpu.memory_space<vmem>>) offsets(%arg12 : memref<80xi32, #tpu.memory_space<vmem>>) semaphore(%arg24 : memref<!tpu.dma_semaphore, #tpu.memory_space<semaphore_mem>>)
      %scan3A_461 = arith.constant 0 : i32
      scf.yield %scan3A_461 : i32
    }
    %scan3A_95 = arith.constant 30 : i32
    %dma_wait3A_96 = arith.constant 0 : i32
    %dma_wait3A_97 = arith.constant 0 : i32
    %dma_wait3A_98 = tpu.memref_slice %arg2[%dma_wait3A_96, %dma_wait3A_97] : memref<10000x128xf32, #tpu.memory_space<hbm>> -> memref<10000x128xf32, #tpu.memory_space<hbm>>
    tpu.wait_indirect_dma semaphore(%arg21 : memref<!tpu.dma_semaphore, #tpu.memory_space<semaphore_mem>>) src(%dma_wait3A_98 : memref<10000x128xf32, #tpu.memory_space<hbm>>) dst(%arg17 : memref<80x128xf32, #tpu.memory_space<vmem>>)
    %mul3A_99 = arith.constant 10000 : i32
    %mul3A_100 = arith.muli %add3A, %mul3A_99 : i32
    %add3A_101 = arith.constant 9920 : i32
    %add3A_102 = arith.addi %mul3A_100, %add3A_101 : i32
    %dma_start3A_103 = tpu.memref_slice %arg3[%add3A_102] : memref<320000xi32, #tpu.memory_space<hbm>> -> memref<80xi32, #tpu.memory_space<hbm>>
    %dma_start3A_104 = tpu.memref_slice %arg3[%add3A_102] : memref<320000xi32, #tpu.memory_space<hbm>> -> memref<80xi32, #tpu.memory_space<hbm>>
    tpu.enqueue_dma source(%dma_start3A_104 : memref<80xi32, #tpu.memory_space<hbm>>) target(%arg9 : memref<80xi32, #tpu.memory_space<vmem>>) target_semaphore(%arg29 : memref<!tpu.dma_semaphore, #tpu.memory_space<semaphore_mem>>)
    %dma_wait3A_105 = arith.constant 0 : i32
    %dma_wait3A_106 = arith.constant 0 : i32
    %dma_wait3A_107 = tpu.memref_slice %arg4[%add3A, %dma_wait3A_105, %dma_wait3A_106] : memref<32x125x80xi32, #tpu.memory_space<hbm>> -> memref<1x1x80xi32, #tpu.memory_space<hbm>>
    %dma_wait3A_108 = tpu.memref_squeeze %dma_wait3A_107 : memref<1x1x80xi32, #tpu.memory_space<hbm>> -> memref<1x80xi32, #tpu.memory_space<hbm>>
    %dma_wait3A_109 = arith.constant 0 : i32
    %dma_wait3A_110 = arith.constant 0 : i32
    %dma_wait3A_111 = tpu.memref_slice %arg4[%add3A, %dma_wait3A_109, %dma_wait3A_110] : memref<32x125x80xi32, #tpu.memory_space<hbm>> -> memref<1x1x80xi32, #tpu.memory_space<hbm>>
    %dma_wait3A_112 = tpu.memref_squeeze %dma_wait3A_111 : memref<1x1x80xi32, #tpu.memory_space<hbm>> -> memref<1x80xi32, #tpu.memory_space<hbm>>
    tpu.wait_dma2 semaphore(%arg33 : memref<!tpu.dma_semaphore, #tpu.memory_space<semaphore_mem>>) src(%dma_wait3A_112 : memref<1x80xi32, #tpu.memory_space<hbm>>) dst(%arg13 : memref<1x80xi32, #tpu.memory_space<vmem>>)
    %dma_start3A_113 = arith.constant 0 : i32
    %dma_start3A_114 = arith.constant 0 : i32
    %dma_start3A_115 = tpu.memref_slice %arg13[%dma_start3A_113, %dma_start3A_114] : memref<1x80xi32, #tpu.memory_space<vmem>> -> memref<1x80xi32, #tpu.memory_space<vmem>>
    %dma_start3A_116 = tpu.memref_squeeze %dma_start3A_115 : memref<1x80xi32, #tpu.memory_space<vmem>> -> memref<80xi32, #tpu.memory_space<vmem>>
    %dma_start3A_117 = arith.constant 0 : i32
    %dma_start3A_118 = arith.constant 0 : i32
    %dma_start3A_119 = tpu.memref_slice %arg7[%dma_start3A_117, %dma_start3A_118] : memref<10240x128xf32, #tpu.memory_space<vmem_shared>> -> memref<10240x128xf32, #tpu.memory_space<vmem_shared>>
    tpu.enqueue_indirect_dma source(%arg17 : memref<80x128xf32, #tpu.memory_space<vmem>>) target(%dma_start3A_119 : memref<10240x128xf32, #tpu.memory_space<vmem_shared>>) offsets(%dma_start3A_116 : memref<80xi32, #tpu.memory_space<vmem>>) semaphore(%arg25 : memref<!tpu.dma_semaphore, #tpu.memory_space<semaphore_mem>>) {add = true}
    %dma_wait3A_120 = arith.constant 0 : i32
    %dma_wait3A_121 = arith.constant 0 : i32
    %dma_wait3A_122 = tpu.memref_slice %arg13[%dma_wait3A_120, %dma_wait3A_121] : memref<1x80xi32, #tpu.memory_space<vmem>> -> memref<1x80xi32, #tpu.memory_space<vmem>>
    %dma_wait3A_123 = tpu.memref_squeeze %dma_wait3A_122 : memref<1x80xi32, #tpu.memory_space<vmem>> -> memref<80xi32, #tpu.memory_space<vmem>>
    %dma_wait3A_124 = arith.constant 0 : i32
    %dma_wait3A_125 = arith.constant 0 : i32
    %dma_wait3A_126 = tpu.memref_slice %arg7[%dma_wait3A_124, %dma_wait3A_125] : memref<10240x128xf32, #tpu.memory_space<vmem_shared>> -> memref<10240x128xf32, #tpu.memory_space<vmem_shared>>
    tpu.wait_indirect_dma semaphore(%arg25 : memref<!tpu.dma_semaphore, #tpu.memory_space<semaphore_mem>>) src(%arg17 : memref<80x128xf32, #tpu.memory_space<vmem>>) dst(%dma_wait3A_126 : memref<10240x128xf32, #tpu.memory_space<vmem_shared>>)
    %dma_start3A_127 = arith.constant 124 : i32
    %dma_start3A_128 = arith.constant 0 : i32
    %dma_start3A_129 = tpu.memref_slice %arg4[%add3A, %dma_start3A_127, %dma_start3A_128] : memref<32x125x80xi32, #tpu.memory_space<hbm>> -> memref<1x1x80xi32, #tpu.memory_space<hbm>>
    %dma_start3A_130 = tpu.memref_squeeze %dma_start3A_129 : memref<1x1x80xi32, #tpu.memory_space<hbm>> -> memref<1x80xi32, #tpu.memory_space<hbm>>
    %dma_start3A_131 = arith.constant 124 : i32
    %dma_start3A_132 = arith.constant 0 : i32
    %dma_start3A_133 = tpu.memref_slice %arg4[%add3A, %dma_start3A_131, %dma_start3A_132] : memref<32x125x80xi32, #tpu.memory_space<hbm>> -> memref<1x1x80xi32, #tpu.memory_space<hbm>>
    %dma_start3A_134 = tpu.memref_squeeze %dma_start3A_133 : memref<1x1x80xi32, #tpu.memory_space<hbm>> -> memref<1x80xi32, #tpu.memory_space<hbm>>
    tpu.enqueue_dma source(%dma_start3A_134 : memref<1x80xi32, #tpu.memory_space<hbm>>) target(%arg13 : memref<1x80xi32, #tpu.memory_space<vmem>>) target_semaphore(%arg33 : memref<!tpu.dma_semaphore, #tpu.memory_space<semaphore_mem>>)
    %mul3A_135 = arith.constant 10000 : i32
    %mul3A_136 = arith.muli %add3A, %mul3A_135 : i32
    %dma_wait3A_137 = tpu.memref_slice %arg3[%mul3A_136] : memref<320000xi32, #tpu.memory_space<hbm>> -> memref<80xi32, #tpu.memory_space<hbm>>
    %dma_wait3A_138 = tpu.memref_slice %arg3[%mul3A_136] : memref<320000xi32, #tpu.memory_space<hbm>> -> memref<80xi32, #tpu.memory_space<hbm>>
    tpu.wait_dma2 semaphore(%arg29 : memref<!tpu.dma_semaphore, #tpu.memory_space<semaphore_mem>>) src(%dma_wait3A_138 : memref<80xi32, #tpu.memory_space<hbm>>) dst(%arg9 : memref<80xi32, #tpu.memory_space<vmem>>)
    %dma_start3A_139 = arith.constant 0 : i32
    %dma_start3A_140 = arith.constant 0 : i32
    %dma_start3A_141 = tpu.memref_slice %arg2[%dma_start3A_139, %dma_start3A_140] : memref<10000x128xf32, #tpu.memory_space<hbm>> -> memref<10000x128xf32, #tpu.memory_space<hbm>>
    tpu.enqueue_indirect_dma source(%dma_start3A_141 : memref<10000x128xf32, #tpu.memory_space<hbm>>) target(%arg17 : memref<80x128xf32, #tpu.memory_space<vmem>>) offsets(%arg9 : memref<80xi32, #tpu.memory_space<vmem>>) semaphore(%arg21 : memref<!tpu.dma_semaphore, #tpu.memory_space<semaphore_mem>>)
    %dma_wait3A_142 = arith.constant 0 : i32
    %dma_wait3A_143 = arith.constant 0 : i32
    %dma_wait3A_144 = tpu.memref_slice %arg2[%dma_wait3A_142, %dma_wait3A_143] : memref<10000x128xf32, #tpu.memory_space<hbm>> -> memref<10000x128xf32, #tpu.memory_space<hbm>>
    tpu.wait_indirect_dma semaphore(%arg22 : memref<!tpu.dma_semaphore, #tpu.memory_space<semaphore_mem>>) src(%dma_wait3A_144 : memref<10000x128xf32, #tpu.memory_space<hbm>>) dst(%arg18 : memref<80x128xf32, #tpu.memory_space<vmem>>)
    %dma_wait3A_145 = arith.constant 0 : i32
    %dma_wait3A_146 = arith.constant 0 : i32
    %dma_wait3A_147 = tpu.memref_slice %arg4[%add3A, %dma_wait3A_145, %dma_wait3A_146] : memref<32x125x80xi32, #tpu.memory_space<hbm>> -> memref<1x1x80xi32, #tpu.memory_space<hbm>>
    %dma_wait3A_148 = tpu.memref_squeeze %dma_wait3A_147 : memref<1x1x80xi32, #tpu.memory_space<hbm>> -> memref<1x80xi32, #tpu.memory_space<hbm>>
    %dma_wait3A_149 = arith.constant 0 : i32
    %dma_wait3A_150 = arith.constant 0 : i32
    %dma_wait3A_151 = tpu.memref_slice %arg4[%add3A, %dma_wait3A_149, %dma_wait3A_150] : memref<32x125x80xi32, #tpu.memory_space<hbm>> -> memref<1x1x80xi32, #tpu.memory_space<hbm>>
    %dma_wait3A_152 = tpu.memref_squeeze %dma_wait3A_151 : memref<1x1x80xi32, #tpu.memory_space<hbm>> -> memref<1x80xi32, #tpu.memory_space<hbm>>
    tpu.wait_dma2 semaphore(%arg34 : memref<!tpu.dma_semaphore, #tpu.memory_space<semaphore_mem>>) src(%dma_wait3A_152 : memref<1x80xi32, #tpu.memory_space<hbm>>) dst(%arg14 : memref<1x80xi32, #tpu.memory_space<vmem>>)
    %dma_start3A_153 = arith.constant 0 : i32
    %dma_start3A_154 = arith.constant 0 : i32
    %dma_start3A_155 = tpu.memref_slice %arg14[%dma_start3A_153, %dma_start3A_154] : memref<1x80xi32, #tpu.memory_space<vmem>> -> memref<1x80xi32, #tpu.memory_space<vmem>>
    %dma_start3A_156 = tpu.memref_squeeze %dma_start3A_155 : memref<1x80xi32, #tpu.memory_space<vmem>> -> memref<80xi32, #tpu.memory_space<vmem>>
    %dma_start3A_157 = arith.constant 0 : i32
    %dma_start3A_158 = arith.constant 0 : i32
    %dma_start3A_159 = tpu.memref_slice %arg7[%dma_start3A_157, %dma_start3A_158] : memref<10240x128xf32, #tpu.memory_space<vmem_shared>> -> memref<10240x128xf32, #tpu.memory_space<vmem_shared>>
    tpu.enqueue_indirect_dma source(%arg18 : memref<80x128xf32, #tpu.memory_space<vmem>>) target(%dma_start3A_159 : memref<10240x128xf32, #tpu.memory_space<vmem_shared>>) offsets(%dma_start3A_156 : memref<80xi32, #tpu.memory_space<vmem>>) semaphore(%arg26 : memref<!tpu.dma_semaphore, #tpu.memory_space<semaphore_mem>>) {add = true}
    %dma_wait3A_160 = arith.constant 0 : i32
    %dma_wait3A_161 = arith.constant 0 : i32
    %dma_wait3A_162 = tpu.memref_slice %arg14[%dma_wait3A_160, %dma_wait3A_161] : memref<1x80xi32, #tpu.memory_space<vmem>> -> memref<1x80xi32, #tpu.memory_space<vmem>>
    %dma_wait3A_163 = tpu.memref_squeeze %dma_wait3A_162 : memref<1x80xi32, #tpu.memory_space<vmem>> -> memref<80xi32, #tpu.memory_space<vmem>>
    %dma_wait3A_164 = arith.constant 0 : i32
    %dma_wait3A_165 = arith.constant 0 : i32
    %dma_wait3A_166 = tpu.memref_slice %arg7[%dma_wait3A_164, %dma_wait3A_165] : memref<10240x128xf32, #tpu.memory_space<vmem_shared>> -> memref<10240x128xf32, #tpu.memory_space<vmem_shared>>
    tpu.wait_indirect_dma semaphore(%arg26 : memref<!tpu.dma_semaphore, #tpu.memory_space<semaphore_mem>>) src(%arg18 : memref<80x128xf32, #tpu.memory_space<vmem>>) dst(%dma_wait3A_166 : memref<10240x128xf32, #tpu.memory_space<vmem_shared>>)
    %dma_wait3A_167 = arith.constant 0 : i32
    %dma_wait3A_168 = arith.constant 0 : i32
    %dma_wait3A_169 = tpu.memref_slice %arg2[%dma_wait3A_167, %dma_wait3A_168] : memref<10000x128xf32, #tpu.memory_space<hbm>> -> memref<10000x128xf32, #tpu.memory_space<hbm>>
    tpu.wait_indirect_dma semaphore(%arg23 : memref<!tpu.dma_semaphore, #tpu.memory_space<semaphore_mem>>) src(%dma_wait3A_169 : memref<10000x128xf32, #tpu.memory_space<hbm>>) dst(%arg19 : memref<80x128xf32, #tpu.memory_space<vmem>>)
    %dma_wait3A_170 = arith.constant 0 : i32
    %dma_wait3A_171 = arith.constant 0 : i32
    %dma_wait3A_172 = tpu.memref_slice %arg4[%add3A, %dma_wait3A_170, %dma_wait3A_171] : memref<32x125x80xi32, #tpu.memory_space<hbm>> -> memref<1x1x80xi32, #tpu.memory_space<hbm>>
    %dma_wait3A_173 = tpu.memref_squeeze %dma_wait3A_172 : memref<1x1x80xi32, #tpu.memory_space<hbm>> -> memref<1x80xi32, #tpu.memory_space<hbm>>
    %dma_wait3A_174 = arith.constant 0 : i32
    %dma_wait3A_175 = arith.constant 0 : i32
    %dma_wait3A_176 = tpu.memref_slice %arg4[%add3A, %dma_wait3A_174, %dma_wait3A_175] : memref<32x125x80xi32, #tpu.memory_space<hbm>> -> memref<1x1x80xi32, #tpu.memory_space<hbm>>
    %dma_wait3A_177 = tpu.memref_squeeze %dma_wait3A_176 : memref<1x1x80xi32, #tpu.memory_space<hbm>> -> memref<1x80xi32, #tpu.memory_space<hbm>>
    tpu.wait_dma2 semaphore(%arg35 : memref<!tpu.dma_semaphore, #tpu.memory_space<semaphore_mem>>) src(%dma_wait3A_177 : memref<1x80xi32, #tpu.memory_space<hbm>>) dst(%arg15 : memref<1x80xi32, #tpu.memory_space<vmem>>)
    %dma_start3A_178 = arith.constant 0 : i32
    %dma_start3A_179 = arith.constant 0 : i32
    %dma_start3A_180 = tpu.memref_slice %arg15[%dma_start3A_178, %dma_start3A_179] : memref<1x80xi32, #tpu.memory_space<vmem>> -> memref<1x80xi32, #tpu.memory_space<vmem>>
    %dma_start3A_181 = tpu.memref_squeeze %dma_start3A_180 : memref<1x80xi32, #tpu.memory_space<vmem>> -> memref<80xi32, #tpu.memory_space<vmem>>
    %dma_start3A_182 = arith.constant 0 : i32
    %dma_start3A_183 = arith.constant 0 : i32
    %dma_start3A_184 = tpu.memref_slice %arg7[%dma_start3A_182, %dma_start3A_183] : memref<10240x128xf32, #tpu.memory_space<vmem_shared>> -> memref<10240x128xf32, #tpu.memory_space<vmem_shared>>
    tpu.enqueue_indirect_dma source(%arg19 : memref<80x128xf32, #tpu.memory_space<vmem>>) target(%dma_start3A_184 : memref<10240x128xf32, #tpu.memory_space<vmem_shared>>) offsets(%dma_start3A_181 : memref<80xi32, #tpu.memory_space<vmem>>) semaphore(%arg27 : memref<!tpu.dma_semaphore, #tpu.memory_space<semaphore_mem>>) {add = true}
    %dma_wait3A_185 = arith.constant 0 : i32
    %dma_wait3A_186 = arith.constant 0 : i32
    %dma_wait3A_187 = tpu.memref_slice %arg15[%dma_wait3A_185, %dma_wait3A_186] : memref<1x80xi32, #tpu.memory_space<vmem>> -> memref<1x80xi32, #tpu.memory_space<vmem>>
    %dma_wait3A_188 = tpu.memref_squeeze %dma_wait3A_187 : memref<1x80xi32, #tpu.memory_space<vmem>> -> memref<80xi32, #tpu.memory_space<vmem>>
    %dma_wait3A_189 = arith.constant 0 : i32
    %dma_wait3A_190 = arith.constant 0 : i32
    %dma_wait3A_191 = tpu.memref_slice %arg7[%dma_wait3A_189, %dma_wait3A_190] : memref<10240x128xf32, #tpu.memory_space<vmem_shared>> -> memref<10240x128xf32, #tpu.memory_space<vmem_shared>>
    tpu.wait_indirect_dma semaphore(%arg27 : memref<!tpu.dma_semaphore, #tpu.memory_space<semaphore_mem>>) src(%arg19 : memref<80x128xf32, #tpu.memory_space<vmem>>) dst(%dma_wait3A_191 : memref<10240x128xf32, #tpu.memory_space<vmem_shared>>)
    %dma_wait3A_192 = arith.constant 0 : i32
    %dma_wait3A_193 = arith.constant 0 : i32
    %dma_wait3A_194 = tpu.memref_slice %arg2[%dma_wait3A_192, %dma_wait3A_193] : memref<10000x128xf32, #tpu.memory_space<hbm>> -> memref<10000x128xf32, #tpu.memory_space<hbm>>
    tpu.wait_indirect_dma semaphore(%arg24 : memref<!tpu.dma_semaphore, #tpu.memory_space<semaphore_mem>>) src(%dma_wait3A_194 : memref<10000x128xf32, #tpu.memory_space<hbm>>) dst(%arg20 : memref<80x128xf32, #tpu.memory_space<vmem>>)
    %dma_wait3A_195 = arith.constant 0 : i32
    %dma_wait3A_196 = arith.constant 0 : i32
    %dma_wait3A_197 = tpu.memref_slice %arg4[%add3A, %dma_wait3A_195, %dma_wait3A_196] : memref<32x125x80xi32, #tpu.memory_space<hbm>> -> memref<1x1x80xi32, #tpu.memory_space<hbm>>
    %dma_wait3A_198 = tpu.memref_squeeze %dma_wait3A_197 : memref<1x1x80xi32, #tpu.memory_space<hbm>> -> memref<1x80xi32, #tpu.memory_space<hbm>>
    %dma_wait3A_199 = arith.constant 0 : i32
    %dma_wait3A_200 = arith.constant 0 : i32
    %dma_wait3A_201 = tpu.memref_slice %arg4[%add3A, %dma_wait3A_199, %dma_wait3A_200] : memref<32x125x80xi32, #tpu.memory_space<hbm>> -> memref<1x1x80xi32, #tpu.memory_space<hbm>>
    %dma_wait3A_202 = tpu.memref_squeeze %dma_wait3A_201 : memref<1x1x80xi32, #tpu.memory_space<hbm>> -> memref<1x80xi32, #tpu.memory_space<hbm>>
    tpu.wait_dma2 semaphore(%arg36 : memref<!tpu.dma_semaphore, #tpu.memory_space<semaphore_mem>>) src(%dma_wait3A_202 : memref<1x80xi32, #tpu.memory_space<hbm>>) dst(%arg16 : memref<1x80xi32, #tpu.memory_space<vmem>>)
    %dma_start3A_203 = arith.constant 0 : i32
    %dma_start3A_204 = arith.constant 0 : i32
    %dma_start3A_205 = tpu.memref_slice %arg16[%dma_start3A_203, %dma_start3A_204] : memref<1x80xi32, #tpu.memory_space<vmem>> -> memref<1x80xi32, #tpu.memory_space<vmem>>
    %dma_start3A_206 = tpu.memref_squeeze %dma_start3A_205 : memref<1x80xi32, #tpu.memory_space<vmem>> -> memref<80xi32, #tpu.memory_space<vmem>>
    %dma_start3A_207 = arith.constant 0 : i32
    %dma_start3A_208 = arith.constant 0 : i32
    %dma_start3A_209 = tpu.memref_slice %arg7[%dma_start3A_207, %dma_start3A_208] : memref<10240x128xf32, #tpu.memory_space<vmem_shared>> -> memref<10240x128xf32, #tpu.memory_space<vmem_shared>>
    tpu.enqueue_indirect_dma source(%arg20 : memref<80x128xf32, #tpu.memory_space<vmem>>) target(%dma_start3A_209 : memref<10240x128xf32, #tpu.memory_space<vmem_shared>>) offsets(%dma_start3A_206 : memref<80xi32, #tpu.memory_space<vmem>>) semaphore(%arg28 : memref<!tpu.dma_semaphore, #tpu.memory_space<semaphore_mem>>) {add = true}
    %dma_wait3A_210 = arith.constant 0 : i32
    %dma_wait3A_211 = arith.constant 0 : i32
    %dma_wait3A_212 = tpu.memref_slice %arg16[%dma_wait3A_210, %dma_wait3A_211] : memref<1x80xi32, #tpu.memory_space<vmem>> -> memref<1x80xi32, #tpu.memory_space<vmem>>
    %dma_wait3A_213 = tpu.memref_squeeze %dma_wait3A_212 : memref<1x80xi32, #tpu.memory_space<vmem>> -> memref<80xi32, #tpu.memory_space<vmem>>
    %dma_wait3A_214 = arith.constant 0 : i32
    %dma_wait3A_215 = arith.constant 0 : i32
    %dma_wait3A_216 = tpu.memref_slice %arg7[%dma_wait3A_214, %dma_wait3A_215] : memref<10240x128xf32, #tpu.memory_space<vmem_shared>> -> memref<10240x128xf32, #tpu.memory_space<vmem_shared>>
    tpu.wait_indirect_dma semaphore(%arg28 : memref<!tpu.dma_semaphore, #tpu.memory_space<semaphore_mem>>) src(%arg20 : memref<80x128xf32, #tpu.memory_space<vmem>>) dst(%dma_wait3A_216 : memref<10240x128xf32, #tpu.memory_space<vmem_shared>>)
    %dma_wait3A_217 = arith.constant 0 : i32
    %dma_wait3A_218 = arith.constant 0 : i32
    %dma_wait3A_219 = tpu.memref_slice %arg2[%dma_wait3A_217, %dma_wait3A_218] : memref<10000x128xf32, #tpu.memory_space<hbm>> -> memref<10000x128xf32, #tpu.memory_space<hbm>>
    tpu.wait_indirect_dma semaphore(%arg21 : memref<!tpu.dma_semaphore, #tpu.memory_space<semaphore_mem>>) src(%dma_wait3A_219 : memref<10000x128xf32, #tpu.memory_space<hbm>>) dst(%arg17 : memref<80x128xf32, #tpu.memory_space<vmem>>)
    %dma_wait3A_220 = arith.constant 0 : i32
    %dma_wait3A_221 = arith.constant 0 : i32
    %dma_wait3A_222 = tpu.memref_slice %arg4[%add3A, %dma_wait3A_220, %dma_wait3A_221] : memref<32x125x80xi32, #tpu.memory_space<hbm>> -> memref<1x1x80xi32, #tpu.memory_space<hbm>>
    %dma_wait3A_223 = tpu.memref_squeeze %dma_wait3A_222 : memref<1x1x80xi32, #tpu.memory_space<hbm>> -> memref<1x80xi32, #tpu.memory_space<hbm>>
    %dma_wait3A_224 = arith.constant 0 : i32
    %dma_wait3A_225 = arith.constant 0 : i32
    %dma_wait3A_226 = tpu.memref_slice %arg4[%add3A, %dma_wait3A_224, %dma_wait3A_225] : memref<32x125x80xi32, #tpu.memory_space<hbm>> -> memref<1x1x80xi32, #tpu.memory_space<hbm>>
    %dma_wait3A_227 = tpu.memref_squeeze %dma_wait3A_226 : memref<1x1x80xi32, #tpu.memory_space<hbm>> -> memref<1x80xi32, #tpu.memory_space<hbm>>
    tpu.wait_dma2 semaphore(%arg33 : memref<!tpu.dma_semaphore, #tpu.memory_space<semaphore_mem>>) src(%dma_wait3A_227 : memref<1x80xi32, #tpu.memory_space<hbm>>) dst(%arg13 : memref<1x80xi32, #tpu.memory_space<vmem>>)
    %dma_start3A_228 = arith.constant 0 : i32
    %dma_start3A_229 = arith.constant 0 : i32
    %dma_start3A_230 = tpu.memref_slice %arg13[%dma_start3A_228, %dma_start3A_229] : memref<1x80xi32, #tpu.memory_space<vmem>> -> memref<1x80xi32, #tpu.memory_space<vmem>>
    %dma_start3A_231 = tpu.memref_squeeze %dma_start3A_230 : memref<1x80xi32, #tpu.memory_space<vmem>> -> memref<80xi32, #tpu.memory_space<vmem>>
    %dma_start3A_232 = arith.constant 0 : i32
    %dma_start3A_233 = arith.constant 0 : i32
    %dma_start3A_234 = tpu.memref_slice %arg7[%dma_start3A_232, %dma_start3A_233] : memref<10240x128xf32, #tpu.memory_space<vmem_shared>> -> memref<10240x128xf32, #tpu.memory_space<vmem_shared>>
    tpu.enqueue_indirect_dma source(%arg17 : memref<80x128xf32, #tpu.memory_space<vmem>>) target(%dma_start3A_234 : memref<10240x128xf32, #tpu.memory_space<vmem_shared>>) offsets(%dma_start3A_231 : memref<80xi32, #tpu.memory_space<vmem>>) semaphore(%arg25 : memref<!tpu.dma_semaphore, #tpu.memory_space<semaphore_mem>>) {add = true}
    %dma_wait3A_235 = arith.constant 0 : i32
    %dma_wait3A_236 = arith.constant 0 : i32
    %dma_wait3A_237 = tpu.memref_slice %arg13[%dma_wait3A_235, %dma_wait3A_236] : memref<1x80xi32, #tpu.memory_space<vmem>> -> memref<1x80xi32, #tpu.memory_space<vmem>>
    %dma_wait3A_238 = tpu.memref_squeeze %dma_wait3A_237 : memref<1x80xi32, #tpu.memory_space<vmem>> -> memref<80xi32, #tpu.memory_space<vmem>>
    %dma_wait3A_239 = arith.constant 0 : i32
    %dma_wait3A_240 = arith.constant 0 : i32
    %dma_wait3A_241 = tpu.memref_slice %arg7[%dma_wait3A_239, %dma_wait3A_240] : memref<10240x128xf32, #tpu.memory_space<vmem_shared>> -> memref<10240x128xf32, #tpu.memory_space<vmem_shared>>
    tpu.wait_indirect_dma semaphore(%arg25 : memref<!tpu.dma_semaphore, #tpu.memory_space<semaphore_mem>>) src(%arg17 : memref<80x128xf32, #tpu.memory_space<vmem>>) dst(%dma_wait3A_241 : memref<10240x128xf32, #tpu.memory_space<vmem_shared>>)
    %barrier3A_242 = arith.constant 0 : index
    tpu.barrier barrier_id(%barrier3A_242)
    %mul3A_243 = arith.constant 640 : i32
    %mul3A_244 = arith.muli %arg1, %mul3A_243 : i32
    %mul3A_245 = arith.constant 640 : i32
    %mul3A_246 = arith.muli %arg1, %mul3A_245 : i32
    "tpu.region"() ({
      %run_scoped3A = tpu.sem_alloc : memref<!tpu.dma_semaphore, #tpu.memory_space<semaphore_mem>>
      %dma_start3A_247 = arith.constant 0 : i32
      %dma_start3A_248 = tpu.memref_slice %arg6[%arg0, %mul3A_246, %dma_start3A_247] : memref<2x10240x128xf32, #tpu.memory_space<hbm>> -> memref<1x640x128xf32, #tpu.memory_space<hbm>>
      %dma_start3A_249 = tpu.memref_squeeze %dma_start3A_248 : memref<1x640x128xf32, #tpu.memory_space<hbm>> -> memref<640x128xf32, #tpu.memory_space<hbm>>
      %dma_start3A_250 = arith.constant 0 : i32
      %dma_start3A_251 = tpu.memref_slice %arg7[%mul3A_244, %dma_start3A_250] : memref<10240x128xf32, #tpu.memory_space<vmem_shared>> -> memref<640x128xf32, #tpu.memory_space<vmem_shared>>
      tpu.enqueue_dma source(%dma_start3A_251 : memref<640x128xf32, #tpu.memory_space<vmem_shared>>) target(%dma_start3A_249 : memref<640x128xf32, #tpu.memory_space<hbm>>) target_semaphore(%run_scoped3A : memref<!tpu.dma_semaphore, #tpu.memory_space<semaphore_mem>>)
      %dma_wait3A_252 = arith.constant 0 : i32
      %dma_wait3A_253 = tpu.memref_slice %arg6[%arg0, %mul3A_246, %dma_wait3A_252] : memref<2x10240x128xf32, #tpu.memory_space<hbm>> -> memref<1x640x128xf32, #tpu.memory_space<hbm>>
      %dma_wait3A_254 = tpu.memref_squeeze %dma_wait3A_253 : memref<1x640x128xf32, #tpu.memory_space<hbm>> -> memref<640x128xf32, #tpu.memory_space<hbm>>
      %dma_wait3A_255 = arith.constant 0 : i32
      %dma_wait3A_256 = tpu.memref_slice %arg7[%mul3A_244, %dma_wait3A_255] : memref<10240x128xf32, #tpu.memory_space<vmem_shared>> -> memref<640x128xf32, #tpu.memory_space<vmem_shared>>
      tpu.wait_dma2 semaphore(%run_scoped3A : memref<!tpu.dma_semaphore, #tpu.memory_space<semaphore_mem>>) src(%dma_wait3A_256 : memref<640x128xf32, #tpu.memory_space<vmem_shared>>) dst(%dma_wait3A_254 : memref<640x128xf32, #tpu.memory_space<hbm>>)
      tpu.yield
    }) : () -> ()
    return
  }
}

module attributes {stable_mosaic.version = 14 : i64} {
  func.func @body(%arg0: i32, %arg1: memref<1024x128xf32, #tpu.memory_space<vmem>>, %arg2: memref<2x1024x1xf32, #tpu.memory_space<vmem>>, %arg3: memref<128x128xf32, #tpu.memory_space<vmem>>, %arg4: memref<1x128xf32, #tpu.memory_space<vmem>>, %arg5: memref<128x128xf32, #tpu.memory_space<vmem>>, %arg6: memref<1024x128xf32, #tpu.memory_space<vmem>>, %arg7: memref<1024x1xf32, #tpu.memory_space<vmem>>) attributes {dimension_semantics = [#tpu.dimension_semantics<arbitrary>], iteration_bounds = array<i64: 10>, scalar_prefetch = 0 : i64, scratch_operands = 0 : i64, tpu.core_type = #tpu.core_type<tc>, window_params = [{transform_indices = @transform_0, window_bounds = array<i64: 1024, 128>}, {transform_indices = @transform_1, window_bounds = array<i64: 2, 1024, 1>}, {pipeline_mode = #tpu.pipeline_mode<synchronous>, transform_indices = @transform_2, window_bounds = array<i64: 128, 128>}, {pipeline_mode = #tpu.pipeline_mode<synchronous>, transform_indices = @transform_3, window_bounds = array<i64: 1, 128>}, {pipeline_mode = #tpu.pipeline_mode<synchronous>, transform_indices = @transform_4, window_bounds = array<i64: 128, 128>}, {transform_indices = @transform_5, window_bounds = array<i64: 1024, 128>}, {transform_indices = @transform_6, window_bounds = array<i64: 1024, 1>}]} {
    %get3A = arith.constant 0 : index
    %get3A_0 = arith.constant 0 : index
    %get3A_1 = arith.constant 0 : index
    %get3A_2 = vector.load %arg2[%get3A, %get3A_0, %get3A_1] : memref<2x1024x1xf32, #tpu.memory_space<vmem>>, vector<1x1024x1xf32>
    %get3A_3 = vector.shape_cast %get3A_2 : vector<1x1024x1xf32> to vector<1024x1xf32>
    %add3A = arith.constant 1.000000e+00 : f32
    %add3A_4 = vector.broadcast %add3A : f32 to vector<1024x1xf32>
    %add3A_5 = arith.addf %add3A_4, %get3A_3 : vector<1024x1xf32>
    %get3A_6 = arith.constant 1 : index
    %get3A_7 = arith.constant 0 : index
    %get3A_8 = arith.constant 0 : index
    %get3A_9 = vector.load %arg2[%get3A_6, %get3A_7, %get3A_8] : memref<2x1024x1xf32, #tpu.memory_space<vmem>>, vector<1x1024x1xf32>
    %get3A_10 = vector.shape_cast %get3A_9 : vector<1x1024x1xf32> to vector<1024x1xf32>
    %add3A_11 = arith.addf %add3A_5, %get3A_10 : vector<1024x1xf32>
    %rsqrt3A = math.rsqrt %add3A_11 : vector<1024x1xf32>
    %get3A_12 = arith.constant 0 : index
    %get3A_13 = arith.constant 0 : index
    %get3A_14 = vector.load %arg1[%get3A_12, %get3A_13] : memref<1024x128xf32, #tpu.memory_space<vmem>>, vector<1024x128xf32>
    %get3A_15 = arith.constant 0 : index
    %get3A_16 = arith.constant 0 : index
    %get3A_17 = vector.load %arg3[%get3A_15, %get3A_16] : memref<128x128xf32, #tpu.memory_space<vmem>>, vector<128x128xf32>
    %dot_general3A = arith.constant dense<0.000000e+00> : vector<1024x128xf32>
    %dot_general3A_18 = tpu.matmul %get3A_14, %get3A_17, %dot_general3A {dimension_numbers = #tpu.dot_dimension_numbers<[1], [0], [0], [1], [0, 0, 1, 1], [], []>, transpose_lhs_hint = false} : vector<1024x128xf32>, vector<128x128xf32>, vector<1024x128xf32> -> vector<1024x128xf32>
    %get3A_19 = arith.constant 0 : index
    %get3A_20 = arith.constant 0 : index
    %get3A_21 = vector.load %arg4[%get3A_19, %get3A_20] : memref<1x128xf32, #tpu.memory_space<vmem>>, vector<1x128xf32>
    %add3A_22 = vector.broadcast %get3A_21 : vector<1x128xf32> to vector<1024x128xf32>
    %add3A_23 = arith.addf %dot_general3A_18, %add3A_22 : vector<1024x128xf32>
    %max3A = arith.constant 0.000000e+00 : f32
    %max3A_24 = vector.broadcast %max3A : f32 to vector<1024x128xf32>
    %max3A_25 = arith.maximumf %add3A_23, %max3A_24 : vector<1024x128xf32>
    %mul3A = vector.broadcast %rsqrt3A : vector<1024x1xf32> to vector<1024x128xf32>
    %mul3A_26 = arith.mulf %mul3A, %max3A_25 : vector<1024x128xf32>
    %get3A_27 = arith.constant 0 : index
    %get3A_28 = arith.constant 0 : index
    %get3A_29 = vector.load %arg5[%get3A_27, %get3A_28] : memref<128x128xf32, #tpu.memory_space<vmem>>, vector<128x128xf32>
    %dot_general3A_30 = arith.constant dense<0.000000e+00> : vector<1024x128xf32>
    %dot_general3A_31 = tpu.matmul %mul3A_26, %get3A_29, %dot_general3A_30 {dimension_numbers = #tpu.dot_dimension_numbers<[1], [0], [0], [1], [0, 0, 1, 1], [], []>, transpose_lhs_hint = false} : vector<1024x128xf32>, vector<128x128xf32>, vector<1024x128xf32> -> vector<1024x128xf32>
    %swap3A = arith.constant 0 : index
    %swap3A_32 = arith.constant 0 : index
    %swap3A_33 = vector.load %arg6[%swap3A, %swap3A_32] : memref<1024x128xf32, #tpu.memory_space<vmem>>, vector<1024x128xf32>
    tpu.vector_store %arg6[%swap3A, %swap3A_32], %dot_general3A_31 {strides = array<i32>} : memref<1024x128xf32, #tpu.memory_space<vmem>>, vector<1024x128xf32>,
    %swap3A_34 = arith.constant 0 : index
    %swap3A_35 = arith.constant 0 : index
    %swap3A_36 = vector.load %arg7[%swap3A_34, %swap3A_35] : memref<1024x1xf32, #tpu.memory_space<vmem>>, vector<1024x1xf32>
    tpu.vector_store %arg7[%swap3A_34, %swap3A_35], %rsqrt3A {strides = array<i32>} : memref<1024x1xf32, #tpu.memory_space<vmem>>, vector<1024x1xf32>,
    return
  }
  func.func @transform_0(%arg0: i32) -> (i32, i32) {
    %c0_i32 = arith.constant 0 : i32
    %c0_i32_0 = arith.constant 0 : i32
    return %arg0, %c0_i32 : i32, i32
  }
  func.func @transform_1(%arg0: i32) -> (i32, i32, i32) {
    %c0_i32 = arith.constant 0 : i32
    %c0_i32_0 = arith.constant 0 : i32
    %c0_i32_1 = arith.constant 0 : i32
    return %c0_i32, %arg0, %c0_i32_0 : i32, i32, i32
  }
  func.func @transform_2(%arg0: i32) -> (i32, i32) {
    %c0_i32 = arith.constant 0 : i32
    %c0_i32_0 = arith.constant 0 : i32
    %c0_i32_1 = arith.constant 0 : i32
    return %c0_i32, %c0_i32_0 : i32, i32
  }
  func.func @transform_3(%arg0: i32) -> (i32, i32) {
    %c0_i32 = arith.constant 0 : i32
    %c0_i32_0 = arith.constant 0 : i32
    %c0_i32_1 = arith.constant 0 : i32
    return %c0_i32, %c0_i32_0 : i32, i32
  }
  func.func @transform_4(%arg0: i32) -> (i32, i32) {
    %c0_i32 = arith.constant 0 : i32
    %c0_i32_0 = arith.constant 0 : i32
    %c0_i32_1 = arith.constant 0 : i32
    return %c0_i32, %c0_i32_0 : i32, i32
  }
  func.func @transform_5(%arg0: i32) -> (i32, i32) {
    %c0_i32 = arith.constant 0 : i32
    %c0_i32_0 = arith.constant 0 : i32
    return %arg0, %c0_i32 : i32, i32
  }
  func.func @transform_6(%arg0: i32) -> (i32, i32) {
    %c0_i32 = arith.constant 0 : i32
    %c0_i32_0 = arith.constant 0 : i32
    return %arg0, %c0_i32 : i32, i32
  }
}

module attributes {stable_mosaic.version = 14 : i64} {
  func.func @body(%arg0: i32, %arg1: memref<2x1024x128xf32, #tpu.memory_space<vmem>>, %arg2: memref<1024x128xf32, #tpu.memory_space<vmem>>, %arg3: memref<1024x1xf32, #tpu.memory_space<vmem>>, %arg4: memref<1x128xf32, #tpu.memory_space<vmem>>, %arg5: memref<128x128xf32, #tpu.memory_space<vmem>>, %arg6: memref<1024x128xf32, #tpu.memory_space<vmem>>) attributes {dimension_semantics = [#tpu.dimension_semantics<arbitrary>], iteration_bounds = array<i64: 10>, scalar_prefetch = 0 : i64, scratch_operands = 0 : i64, tpu.core_type = #tpu.core_type<tc>, window_params = [{transform_indices = @transform_0, window_bounds = array<i64: 2, 1024, 128>}, {transform_indices = @transform_1, window_bounds = array<i64: 1024, 128>}, {transform_indices = @transform_2, window_bounds = array<i64: 1024, 1>}, {pipeline_mode = #tpu.pipeline_mode<synchronous>, transform_indices = @transform_3, window_bounds = array<i64: 1, 128>}, {pipeline_mode = #tpu.pipeline_mode<synchronous>, transform_indices = @transform_4, window_bounds = array<i64: 128, 128>}, {transform_indices = @transform_5, window_bounds = array<i64: 1024, 128>}]} {
    %get3A = arith.constant 0 : index
    %get3A_0 = arith.constant 0 : index
    %get3A_1 = vector.load %arg3[%get3A, %get3A_0] : memref<1024x1xf32, #tpu.memory_space<vmem>>, vector<1024x1xf32>
    %get3A_2 = arith.constant 0 : index
    %get3A_3 = arith.constant 0 : index
    %get3A_4 = arith.constant 0 : index
    %get3A_5 = vector.load %arg1[%get3A_2, %get3A_3, %get3A_4] : memref<2x1024x128xf32, #tpu.memory_space<vmem>>, vector<1x1024x128xf32>
    %get3A_6 = vector.shape_cast %get3A_5 : vector<1x1024x128xf32> to vector<1024x128xf32>
    %get3A_7 = arith.constant 1 : index
    %get3A_8 = arith.constant 0 : index
    %get3A_9 = arith.constant 0 : index
    %get3A_10 = vector.load %arg1[%get3A_7, %get3A_8, %get3A_9] : memref<2x1024x128xf32, #tpu.memory_space<vmem>>, vector<1x1024x128xf32>
    %get3A_11 = vector.shape_cast %get3A_10 : vector<1x1024x128xf32> to vector<1024x128xf32>
    %add3A = arith.addf %get3A_6, %get3A_11 : vector<1024x128xf32>
    %get3A_12 = arith.constant 0 : index
    %get3A_13 = arith.constant 0 : index
    %get3A_14 = vector.load %arg2[%get3A_12, %get3A_13] : memref<1024x128xf32, #tpu.memory_space<vmem>>, vector<1024x128xf32>
    %add3A_15 = arith.addf %add3A, %get3A_14 : vector<1024x128xf32>
    %mul3A = vector.broadcast %get3A_1 : vector<1024x1xf32> to vector<1024x128xf32>
    %mul3A_16 = arith.mulf %mul3A, %add3A_15 : vector<1024x128xf32>
    %get3A_17 = arith.constant 0 : index
    %get3A_18 = arith.constant 0 : index
    %get3A_19 = vector.load %arg4[%get3A_17, %get3A_18] : memref<1x128xf32, #tpu.memory_space<vmem>>, vector<1x128xf32>
    %add3A_20 = vector.broadcast %get3A_19 : vector<1x128xf32> to vector<1024x128xf32>
    %add3A_21 = arith.addf %mul3A_16, %add3A_20 : vector<1024x128xf32>
    %max3A = arith.constant 0.000000e+00 : f32
    %max3A_22 = vector.broadcast %max3A : f32 to vector<1024x128xf32>
    %max3A_23 = arith.maximumf %add3A_21, %max3A_22 : vector<1024x128xf32>
    %mul3A_24 = vector.broadcast %get3A_1 : vector<1024x1xf32> to vector<1024x128xf32>
    %mul3A_25 = arith.mulf %mul3A_24, %max3A_23 : vector<1024x128xf32>
    %get3A_26 = arith.constant 0 : index
    %get3A_27 = arith.constant 0 : index
    %get3A_28 = vector.load %arg5[%get3A_26, %get3A_27] : memref<128x128xf32, #tpu.memory_space<vmem>>, vector<128x128xf32>
    %dot_general3A = arith.constant dense<0.000000e+00> : vector<1024x128xf32>
    %dot_general3A_29 = tpu.matmul %mul3A_25, %get3A_28, %dot_general3A {dimension_numbers = #tpu.dot_dimension_numbers<[1], [0], [0], [1], [0, 0, 1, 1], [], []>, transpose_lhs_hint = false} : vector<1024x128xf32>, vector<128x128xf32>, vector<1024x128xf32> -> vector<1024x128xf32>
    %swap3A = arith.constant 0 : index
    %swap3A_30 = arith.constant 0 : index
    %swap3A_31 = vector.load %arg6[%swap3A, %swap3A_30] : memref<1024x128xf32, #tpu.memory_space<vmem>>, vector<1024x128xf32>
    tpu.vector_store %arg6[%swap3A, %swap3A_30], %dot_general3A_29 {strides = array<i32>} : memref<1024x128xf32, #tpu.memory_space<vmem>>, vector<1024x128xf32>,
    return
  }
  func.func @transform_0(%arg0: i32) -> (i32, i32, i32) {
    %c0_i32 = arith.constant 0 : i32
    %c0_i32_0 = arith.constant 0 : i32
    %c0_i32_1 = arith.constant 0 : i32
    return %c0_i32, %arg0, %c0_i32_0 : i32, i32, i32
  }
  func.func @transform_1(%arg0: i32) -> (i32, i32) {
    %c0_i32 = arith.constant 0 : i32
    %c0_i32_0 = arith.constant 0 : i32
    return %arg0, %c0_i32 : i32, i32
  }
  func.func @transform_2(%arg0: i32) -> (i32, i32) {
    %c0_i32 = arith.constant 0 : i32
    %c0_i32_0 = arith.constant 0 : i32
    return %arg0, %c0_i32 : i32, i32
  }
  func.func @transform_3(%arg0: i32) -> (i32, i32) {
    %c0_i32 = arith.constant 0 : i32
    %c0_i32_0 = arith.constant 0 : i32
    %c0_i32_1 = arith.constant 0 : i32
    return %c0_i32, %c0_i32_0 : i32, i32
  }
  func.func @transform_4(%arg0: i32) -> (i32, i32) {
    %c0_i32 = arith.constant 0 : i32
    %c0_i32_0 = arith.constant 0 : i32
    %c0_i32_1 = arith.constant 0 : i32
    return %c0_i32, %c0_i32_0 : i32, i32
  }
  func.func @transform_5(%arg0: i32) -> (i32, i32) {
    %c0_i32 = arith.constant 0 : i32
    %c0_i32_0 = arith.constant 0 : i32
    return %arg0, %c0_i32 : i32, i32
  }
}

module attributes {stable_mosaic.version = 14 : i64} {
  func.func @body(%arg0: i32, %arg1: memref<2x1024x128xf32, #tpu.memory_space<vmem>>, %arg2: memref<1024x128xf32, #tpu.memory_space<vmem>>, %arg3: memref<1024x1xf32, #tpu.memory_space<vmem>>, %arg4: memref<1x128xf32, #tpu.memory_space<vmem>>, %arg5: memref<10240xi32, #tpu.memory_space<vmem>>, %arg6: memref<128x64xf32, #tpu.memory_space<vmem>>, %arg7: memref<1x64xf32, #tpu.memory_space<vmem>>, %arg8: memref<64x2xf32, #tpu.memory_space<vmem>>, %arg9: memref<1x2xf32, #tpu.memory_space<vmem>>, %arg10: memref<16x2xf32, #tpu.memory_space<vmem>>, %arg11: memref<16x128xf32, #tpu.memory_space<vmem>>, %arg12: memref<16x1xf32, #tpu.memory_space<vmem>>) attributes {dimension_semantics = [#tpu.dimension_semantics<arbitrary>], iteration_bounds = array<i64: 10>, scalar_prefetch = 0 : i64, scratch_operands = 2 : i64, tpu.core_type = #tpu.core_type<tc>, window_params = [{transform_indices = @transform_0, window_bounds = array<i64: 2, 1024, 128>}, {transform_indices = @transform_1, window_bounds = array<i64: 1024, 128>}, {transform_indices = @transform_2, window_bounds = array<i64: 1024, 1>}, {pipeline_mode = #tpu.pipeline_mode<synchronous>, transform_indices = @transform_3, window_bounds = array<i64: 1, 128>}, {pipeline_mode = #tpu.pipeline_mode<synchronous>, transform_indices = @transform_4, window_bounds = array<i64: 10240>}, {pipeline_mode = #tpu.pipeline_mode<synchronous>, transform_indices = @transform_5, window_bounds = array<i64: 128, 64>}, {pipeline_mode = #tpu.pipeline_mode<synchronous>, transform_indices = @transform_6, window_bounds = array<i64: 1, 64>}, {pipeline_mode = #tpu.pipeline_mode<synchronous>, transform_indices = @transform_7, window_bounds = array<i64: 64, 2>}, {pipeline_mode = #tpu.pipeline_mode<synchronous>, transform_indices = @transform_8, window_bounds = array<i64: 1, 2>}, {pipeline_mode = #tpu.pipeline_mode<synchronous>, transform_indices = @transform_9, window_bounds = array<i64: 16, 2>}]} {
    %eq3A = arith.constant 0 : i32
    %eq3A_0 = arith.cmpi eq, %arg0, %eq3A : i32
    %convert_element_type3A = arith.extui %eq3A_0 : i1 to i32
    %cond3A = arith.constant 0 : i32
    %cond3A_1 = arith.cmpi ne, %convert_element_type3A, %cond3A : i32
    scf.if %cond3A_1 {
      %broadcast_in_dim3A_77 = arith.constant 0.000000e+00 : f32
      %broadcast_in_dim3A_78 = vector.broadcast %broadcast_in_dim3A_77 : f32 to vector<16x128xf32>
      %swap3A_79 = arith.constant 0 : index
      %swap3A_80 = arith.constant 0 : index
      %swap3A_81 = vector.load %arg11[%swap3A_79, %swap3A_80] : memref<16x128xf32, #tpu.memory_space<vmem>>, vector<16x128xf32>
      tpu.vector_store %arg11[%swap3A_79, %swap3A_80], %broadcast_in_dim3A_78 {strides = array<i32>} : memref<16x128xf32, #tpu.memory_space<vmem>>, vector<16x128xf32>,
      %broadcast_in_dim3A_82 = arith.constant 0.000000e+00 : f32
      %broadcast_in_dim3A_83 = vector.broadcast %broadcast_in_dim3A_82 : f32 to vector<16x1xf32>
      %swap3A_84 = arith.constant 0 : index
      %swap3A_85 = arith.constant 0 : index
      %swap3A_86 = vector.load %arg12[%swap3A_84, %swap3A_85] : memref<16x1xf32, #tpu.memory_space<vmem>>, vector<16x1xf32>
      tpu.vector_store %arg12[%swap3A_84, %swap3A_85], %broadcast_in_dim3A_83 {strides = array<i32>} : memref<16x1xf32, #tpu.memory_space<vmem>>, vector<16x1xf32>,
    } else {
    }
    %get3A = arith.constant 0 : index
    %get3A_2 = arith.constant 0 : index
    %get3A_3 = vector.load %arg3[%get3A, %get3A_2] : memref<1024x1xf32, #tpu.memory_space<vmem>>, vector<1024x1xf32>
    %get3A_4 = arith.constant 0 : index
    %get3A_5 = arith.constant 0 : index
    %get3A_6 = arith.constant 0 : index
    %get3A_7 = vector.load %arg1[%get3A_4, %get3A_5, %get3A_6] : memref<2x1024x128xf32, #tpu.memory_space<vmem>>, vector<1x1024x128xf32>
    %get3A_8 = vector.shape_cast %get3A_7 : vector<1x1024x128xf32> to vector<1024x128xf32>
    %get3A_9 = arith.constant 1 : index
    %get3A_10 = arith.constant 0 : index
    %get3A_11 = arith.constant 0 : index
    %get3A_12 = vector.load %arg1[%get3A_9, %get3A_10, %get3A_11] : memref<2x1024x128xf32, #tpu.memory_space<vmem>>, vector<1x1024x128xf32>
    %get3A_13 = vector.shape_cast %get3A_12 : vector<1x1024x128xf32> to vector<1024x128xf32>
    %add3A = arith.addf %get3A_8, %get3A_13 : vector<1024x128xf32>
    %get3A_14 = arith.constant 0 : index
    %get3A_15 = arith.constant 0 : index
    %get3A_16 = vector.load %arg2[%get3A_14, %get3A_15] : memref<1024x128xf32, #tpu.memory_space<vmem>>, vector<1024x128xf32>
    %add3A_17 = arith.addf %add3A, %get3A_16 : vector<1024x128xf32>
    %mul3A = vector.broadcast %get3A_3 : vector<1024x1xf32> to vector<1024x128xf32>
    %mul3A_18 = arith.mulf %mul3A, %add3A_17 : vector<1024x128xf32>
    %get3A_19 = arith.constant 0 : index
    %get3A_20 = arith.constant 0 : index
    %get3A_21 = vector.load %arg4[%get3A_19, %get3A_20] : memref<1x128xf32, #tpu.memory_space<vmem>>, vector<1x128xf32>
    %add3A_22 = vector.broadcast %get3A_21 : vector<1x128xf32> to vector<1024x128xf32>
    %add3A_23 = arith.addf %mul3A_18, %add3A_22 : vector<1024x128xf32>
    %max3A = arith.constant 0.000000e+00 : f32
    %max3A_24 = vector.broadcast %max3A : f32 to vector<1024x128xf32>
    %max3A_25 = arith.maximumf %add3A_23, %max3A_24 : vector<1024x128xf32>
    %mul3A_26 = arith.constant 1024 : i32
    %mul3A_27 = arith.muli %arg0, %mul3A_26 : i32
    %iota3A = tpu.iota {dimensions = array<i32: 0>} : vector<1024x1xi32>
    %add3A_28 = vector.broadcast %mul3A_27 : i32 to vector<1024x1xi32>
    %add3A_29 = arith.addi %add3A_28, %iota3A : vector<1024x1xi32>
    %lt3A = arith.constant 10000 : i32
    %lt3A_30 = vector.broadcast %lt3A : i32 to vector<1024x1xi32>
    %lt3A_31 = arith.cmpi slt, %add3A_29, %lt3A_30 : vector<1024x1xi32>
    %jit3A = arith.constant 0.000000e+00 : f32
    %broadcast_in_dim3A = vector.shape_cast %lt3A_31 : vector<1024x1xi1> to vector<1024x1xi1>
    %broadcast_in_dim3A_32 = vector.broadcast %broadcast_in_dim3A : vector<1024x1xi1> to vector<1024x128xi1>
    %broadcast_in_dim3A_33 = vector.broadcast %jit3A : f32 to vector<1024x128xf32>
    %select_n3A = arith.select %broadcast_in_dim3A_32, %max3A_25, %broadcast_in_dim3A_33 : vector<1024x128xi1>, vector<1024x128xf32>
    %mul3A_34 = arith.constant 1024 : i32
    %mul3A_35 = arith.muli %arg0, %mul3A_34 : i32
    %iota3A_36 = tpu.iota {dimensions = array<i32: 1>} : vector<1x1024xi32>
    %add3A_37 = vector.broadcast %mul3A_35 : i32 to vector<1x1024xi32>
    %add3A_38 = arith.addi %add3A_37, %iota3A_36 : vector<1x1024xi32>
    %lt3A_39 = arith.constant 10000 : i32
    %lt3A_40 = vector.broadcast %lt3A_39 : i32 to vector<1x1024xi32>
    %lt3A_41 = arith.cmpi slt, %add3A_38, %lt3A_40 : vector<1x1024xi32>
    %mul3A_42 = arith.constant 1024 : i32
    %mul3A_43 = arith.muli %arg0, %mul3A_42 : i32
    %get3A_44 = arith.index_cast %mul3A_43 : i32 to index
    %get3A_45 = vector.load %arg5[%get3A_44] : memref<10240xi32, #tpu.memory_space<vmem>>, vector<1024xi32>
    %iota3A_46 = tpu.iota {dimensions = array<i32: 0>} : vector<16x1024xi32>
    %broadcast_in_dim3A_47 = vector.shape_cast %get3A_45 : vector<1024xi32> to vector<1x1024xi32>
    %eq3A_48 = vector.broadcast %broadcast_in_dim3A_47 : vector<1x1024xi32> to vector<16x1024xi32>
    %eq3A_49 = arith.cmpi eq, %iota3A_46, %eq3A_48 : vector<16x1024xi32>
    %and3A = vector.broadcast %lt3A_41 : vector<1x1024xi1> to vector<16x1024xi1>
    %and3A_50 = arith.andi %eq3A_49, %and3A : vector<16x1024xi1>
    %jit3A_51 = arith.constant 1.000000e+00 : f32
    %jit3A_52 = arith.constant 0.000000e+00 : f32
    %broadcast_in_dim3A_53 = vector.broadcast %jit3A_51 : f32 to vector<16x1024xf32>
    %broadcast_in_dim3A_54 = vector.broadcast %jit3A_52 : f32 to vector<16x1024xf32>
    %select_n3A_55 = arith.select %and3A_50, %broadcast_in_dim3A_53, %broadcast_in_dim3A_54 : vector<16x1024xi1>, vector<16x1024xf32>
    %get3A_56 = arith.constant 0 : index
    %get3A_57 = arith.constant 0 : index
    %get3A_58 = vector.load %arg11[%get3A_56, %get3A_57] : memref<16x128xf32, #tpu.memory_space<vmem>>, vector<16x128xf32>
    %dot_general3A = arith.constant dense<0.000000e+00> : vector<16x128xf32>
    %dot_general3A_59 = tpu.matmul %select_n3A_55, %select_n3A, %dot_general3A {dimension_numbers = #tpu.dot_dimension_numbers<[1], [0], [0], [1], [0, 0, 1, 1], [], []>, transpose_lhs_hint = false} : vector<16x1024xf32>, vector<1024x128xf32>, vector<16x128xf32> -> vector<16x128xf32>
    %add3A_60 = arith.addf %get3A_58, %dot_general3A_59 : vector<16x128xf32>
    %swap3A = arith.constant 0 : index
    %swap3A_61 = arith.constant 0 : index
    %swap3A_62 = vector.load %arg11[%swap3A, %swap3A_61] : memref<16x128xf32, #tpu.memory_space<vmem>>, vector<16x128xf32>
    tpu.vector_store %arg11[%swap3A, %swap3A_61], %add3A_60 {strides = array<i32>} : memref<16x128xf32, #tpu.memory_space<vmem>>, vector<16x128xf32>,
    %get3A_63 = arith.constant 0 : index
    %get3A_64 = arith.constant 0 : index
    %get3A_65 = vector.load %arg12[%get3A_63, %get3A_64] : memref<16x1xf32, #tpu.memory_space<vmem>>, vector<16x1xf32>
    %reduce_sum3A = arith.constant dense<0.000000e+00> : vector<16xf32>
    %reduce_sum3A_66 = vector.multi_reduction <add>, %select_n3A_55, %reduce_sum3A [1] : vector<16x1024xf32> to vector<16xf32>
    %broadcast_in_dim3A_67 = vector.shape_cast %reduce_sum3A_66 : vector<16xf32> to vector<16x1xf32>
    %add3A_68 = arith.addf %get3A_65, %broadcast_in_dim3A_67 : vector<16x1xf32>
    %swap3A_69 = arith.constant 0 : index
    %swap3A_70 = arith.constant 0 : index
    %swap3A_71 = vector.load %arg12[%swap3A_69, %swap3A_70] : memref<16x1xf32, #tpu.memory_space<vmem>>, vector<16x1xf32>
    tpu.vector_store %arg12[%swap3A_69, %swap3A_70], %add3A_68 {strides = array<i32>} : memref<16x1xf32, #tpu.memory_space<vmem>>, vector<16x1xf32>,
    %eq3A_72 = arith.constant 9 : i32
    %eq3A_73 = arith.cmpi eq, %arg0, %eq3A_72 : i32
    %convert_element_type3A_74 = arith.extui %eq3A_73 : i1 to i32
    %cond3A_75 = arith.constant 0 : i32
    %cond3A_76 = arith.cmpi ne, %convert_element_type3A_74, %cond3A_75 : i32
    scf.if %cond3A_76 {
      %get3A_77 = arith.constant 0 : index
      %get3A_78 = arith.constant 0 : index
      %get3A_79 = vector.load %arg11[%get3A_77, %get3A_78] : memref<16x128xf32, #tpu.memory_space<vmem>>, vector<16x128xf32>
      %get3A_80 = arith.constant 0 : index
      %get3A_81 = arith.constant 0 : index
      %get3A_82 = vector.load %arg12[%get3A_80, %get3A_81] : memref<16x1xf32, #tpu.memory_space<vmem>>, vector<16x1xf32>
      %max3A_83 = arith.constant 1.000000e+00 : f32
      %max3A_84 = vector.broadcast %max3A_83 : f32 to vector<16x1xf32>
      %max3A_85 = arith.maximumf %get3A_82, %max3A_84 : vector<16x1xf32>
      %div3A = vector.broadcast %max3A_85 : vector<16x1xf32> to vector<16x128xf32>
      %div3A_86 = arith.divf %get3A_79, %div3A : vector<16x128xf32>
      %get3A_87 = arith.constant 0 : index
      %get3A_88 = arith.constant 0 : index
      %get3A_89 = vector.load %arg6[%get3A_87, %get3A_88] : memref<128x64xf32, #tpu.memory_space<vmem>>, vector<128x64xf32>
      %dot_general3A_90 = arith.constant dense<0.000000e+00> : vector<16x64xf32>
      %dot_general3A_91 = tpu.matmul %div3A_86, %get3A_89, %dot_general3A_90 {dimension_numbers = #tpu.dot_dimension_numbers<[1], [0], [0], [1], [0, 0, 1, 1], [], []>, transpose_lhs_hint = false} : vector<16x128xf32>, vector<128x64xf32>, vector<16x64xf32> -> vector<16x64xf32>
      %get3A_92 = arith.constant 0 : index
      %get3A_93 = arith.constant 0 : index
      %get3A_94 = vector.load %arg7[%get3A_92, %get3A_93] : memref<1x64xf32, #tpu.memory_space<vmem>>, vector<1x64xf32>
      %add3A_95 = vector.broadcast %get3A_94 : vector<1x64xf32> to vector<16x64xf32>
      %add3A_96 = arith.addf %dot_general3A_91, %add3A_95 : vector<16x64xf32>
      %max3A_97 = arith.constant 0.000000e+00 : f32
      %max3A_98 = vector.broadcast %max3A_97 : f32 to vector<16x64xf32>
      %max3A_99 = arith.maximumf %add3A_96, %max3A_98 : vector<16x64xf32>
      %get3A_100 = arith.constant 0 : index
      %get3A_101 = arith.constant 0 : index
      %get3A_102 = vector.load %arg8[%get3A_100, %get3A_101] : memref<64x2xf32, #tpu.memory_space<vmem>>, vector<64x2xf32>
      %dot_general3A_103 = arith.constant dense<0.000000e+00> : vector<16x2xf32>
      %dot_general3A_104 = tpu.matmul %max3A_99, %get3A_102, %dot_general3A_103 {dimension_numbers = #tpu.dot_dimension_numbers<[1], [0], [0], [1], [0, 0, 1, 1], [], []>, transpose_lhs_hint = false} : vector<16x64xf32>, vector<64x2xf32>, vector<16x2xf32> -> vector<16x2xf32>
      %get3A_105 = arith.constant 0 : index
      %get3A_106 = arith.constant 0 : index
      %get3A_107 = vector.load %arg9[%get3A_105, %get3A_106] : memref<1x2xf32, #tpu.memory_space<vmem>>, vector<1x2xf32>
      %add3A_108 = vector.broadcast %get3A_107 : vector<1x2xf32> to vector<16x2xf32>
      %add3A_109 = arith.addf %dot_general3A_104, %add3A_108 : vector<16x2xf32>
      %swap3A_110 = arith.constant 0 : index
      %swap3A_111 = arith.constant 0 : index
      %swap3A_112 = vector.load %arg10[%swap3A_110, %swap3A_111] : memref<16x2xf32, #tpu.memory_space<vmem>>, vector<16x2xf32>
      tpu.vector_store %arg10[%swap3A_110, %swap3A_111], %add3A_109 {strides = array<i32>} : memref<16x2xf32, #tpu.memory_space<vmem>>, vector<16x2xf32>,
    } else {
    }
    return
  }
  func.func @transform_0(%arg0: i32) -> (i32, i32, i32) {
    %c0_i32 = arith.constant 0 : i32
    %c0_i32_0 = arith.constant 0 : i32
    %c0_i32_1 = arith.constant 0 : i32
    return %c0_i32, %arg0, %c0_i32_0 : i32, i32, i32
  }
  func.func @transform_1(%arg0: i32) -> (i32, i32) {
    %c0_i32 = arith.constant 0 : i32
    %c0_i32_0 = arith.constant 0 : i32
    return %arg0, %c0_i32 : i32, i32
  }
  func.func @transform_2(%arg0: i32) -> (i32, i32) {
    %c0_i32 = arith.constant 0 : i32
    %c0_i32_0 = arith.constant 0 : i32
    return %arg0, %c0_i32 : i32, i32
  }
  func.func @transform_3(%arg0: i32) -> (i32, i32) {
    %c0_i32 = arith.constant 0 : i32
    %c0_i32_0 = arith.constant 0 : i32
    %c0_i32_1 = arith.constant 0 : i32
    return %c0_i32, %c0_i32_0 : i32, i32
  }
  func.func @transform_4(%arg0: i32) -> i32 {
    %c0_i32 = arith.constant 0 : i32
    %c0_i32_0 = arith.constant 0 : i32
    return %c0_i32 : i32
  }
  func.func @transform_5(%arg0: i32) -> (i32, i32) {
    %c0_i32 = arith.constant 0 : i32
    %c0_i32_0 = arith.constant 0 : i32
    %c0_i32_1 = arith.constant 0 : i32
    return %c0_i32, %c0_i32_0 : i32, i32
  }
  func.func @transform_6(%arg0: i32) -> (i32, i32) {
    %c0_i32 = arith.constant 0 : i32
    %c0_i32_0 = arith.constant 0 : i32
    %c0_i32_1 = arith.constant 0 : i32
    return %c0_i32, %c0_i32_0 : i32, i32
  }
  func.func @transform_7(%arg0: i32) -> (i32, i32) {
    %c0_i32 = arith.constant 0 : i32
    %c0_i32_0 = arith.constant 0 : i32
    %c0_i32_1 = arith.constant 0 : i32
    return %c0_i32, %c0_i32_0 : i32, i32
  }
  func.func @transform_8(%arg0: i32) -> (i32, i32) {
    %c0_i32 = arith.constant 0 : i32
    %c0_i32_0 = arith.constant 0 : i32
    %c0_i32_1 = arith.constant 0 : i32
    return %c0_i32, %c0_i32_0 : i32, i32
  }
  func.func @transform_9(%arg0: i32) -> (i32, i32) {
    %c0_i32 = arith.constant 0 : i32
    %c0_i32_0 = arith.constant 0 : i32
    %c0_i32_1 = arith.constant 0 : i32
    return %c0_i32, %c0_i32_0 : i32, i32
  }
}

</mosaic_0001>

<sc_bundles>
// kernel: kernel.10.cloned.1.call-start
scs
__scs_entry_jumppad:
0x0: {  	(pc) =	sbr.rel $0x88, $3  }
0x1: {  	(tag) =	ssettag $0x0;
	lr =	simm.s32 $0x1  }
0x2: {  	[smem:$0x3F92] =	sst lr;
	_ =	strace $0xD0000000  }
0x3: {  	_ = 	snop  }
0x4: {  	_ = 	snop  }
0x5: {  	_ = 	snop  }
0x6: {  	_ = 	snop  }
0x7: {  	_ = 	snop  }
__scs_overlays_trampoline_lowered:
0x8: {  	[smem:$0x3FA1] =	sst s0  }
0x9: {  	[smem:$0x3FA2] =	sst s1  }
0xa: {  	[smem:$0x3FA3] =	sst s2  }
0xb: {  	[smem:$0x3FA4] =	sst s3  }
0xc: {  	[smem:$0x3FA5] =	sst s4  }
0xd: {  	[smem:$0x3FA6] =	sst s5  }
0xe: {  	[smem:$0x3FA7] =	sst s6  }
0xf: {  	[smem:$0x3FA8] =	sst s7  }
0x10: {  	[smem:$0x3FA9] =	sst s8  }
0x11: {  	[smem:$0x3FAA] =	sst s9;
	s0 =	simm.s32 @!p0 $0x0  }
0x12: {  	s1 =	sld [smem:$0x3F90];
	s0 =	simm.s32 @p0 $0x1  }
0x13: {  	[smem:$0x3FAB] =	sst s0;
	s0 =	simm.s32 @!p1 $0x0  }
0x14: {  	s2 =	sld [smem:$0x3F8F];
	s0 =	simm.s32 @p1 $0x1  }
0x15: {  	[smem:$0x3FAC] =	sst s0;
	s0 =	simm.s32 @!p2 $0x0  }
0x16: {  	s3 =	sld [smem:$0x3FDB];
	s0 =	simm.s32 @p2 $0x1  }
0x17: {  	s4 =	simm.s32 $0x1BF5;
	[smem:$0x3FAE] =	sst s0  }
0x18: {  	s0 =	sld [smem:$0x3F91];
	_ =	swait.ge [sflag:s4], $0x0  }
0x19: {  	s7 =	sld [smem:$0x3F92]  }
0x1a: {  	s8 =	sadd.s32 $0xFFFFE003, lr  }
0x1b: {  	s9 =	sadd.s32 $0xFFFFFEF7, lr;
	s5 =	simm.s32 $0xFFFFFFFF;
	p2 =	slt.u32 s8, $0xFFFFF086  }
0x1c: {  	p1 =	slt.u32 s9, $0xF7A;
	s5 =	simm.s32 @!p2 $0x0  }
0x1d: {  	s5 =	simm.s32 @p1 $0x1;
	p0 =	seq.s32 s7, s2  }
0x1e: {  	s7 =	smul.u32 @!p0 $0xF7A, s2;
	p2 =	seq.s32 @!p0 s5, $0x0  }
0x1f: {  	s9 =	smul.u32 $0xF7A, s1;
	s8 =	simm.s32 @!p0 $0x1BF5;
	p2 =	por !p2, p0  }
0x20: {  	[sflag:s8] =	ssyncset.s32 @!p0 $0xFFFFF086;
	s6 =	sadd.s32 @!p0 s3, s7;
	s7 =	simm.s32 @!p0 $0x108  }
0x21: {  	s3 =	sadd.s32 s3, s9;
	s6 =	sadd.s32 @!p0 $0x88, s6;
	s7 =	simm.s32 @p2 $0x1082  }
0x22: {  	[simem:s7], [sflag:s8] =	dma.local @!p0 [hbm:s6], $0xF7A  }
0x23: {  	s9 =	sor.u32 $0xD0000000, s2;
	s6 =	simm.s32 $0x108;
	_ =	swait.ge @!p0 [sflag:s8], $0x0  }
0x24: {  	s3 =	sadd.s32 $0x88, s3;
	s6 =	simm.s32 @!p1 $0x1082;
	[sflag:s4] =	ssyncset.s32 $0xFFFFF086  }
0x25: {  	[simem:s6], [sflag:s4] =	dma.local [hbm:s3], $0xF7A  }
0x26: {  	[smem:$0x3F92] =	sst s1;
	(tag) =	ssettag s2;
	_ =	strace s9  }
0x27: {  	s1 =	sld [smem:$0x3FA2]  }
0x28: {  	s2 =	sld [smem:$0x3FA3]  }
0x29: {  	s4 =	sld [smem:$0x3FA5]  }
0x2a: {  	p0 =	seq.s32 s5, $0x0;
	s5 =	sld [smem:$0x3FA6]  }
0x2b: {  	s6 =	sld [smem:$0x3FA7]  }
0x2c: {  	s7 =	sld [smem:$0x3FA8]  }
0x2d: {  	s3 =	simm.s32 $0x108;
	s8 =	sld [smem:$0x3FA9]  }
0x2e: {  	s3 =	simm.s32 @!p0 $0x1082;
	s9 =	sld [smem:$0x3FAA]  }
0x2f: {  	lr =	sadd.s32 s0, s3;
	s0 =	sld [smem:$0x3FA1]  }
0x30: {  	s3 =	sld [smem:$0x3FA4]  }
0x31: {  	[smem:$0x3FAD] =	sst s10  }
0x32: {  	s10 =	sld [smem:$0x3FAB];
	_ =	sdelay $0x3  }
0x33: {  	p0 =	seq.s32 s10, $0x1;
	s10 =	sld [smem:$0x3FAD];
	_ =	sdelay $0x3  }
0x34: {  	[smem:$0x3FAD] =	sst s10  }
0x35: {  	s10 =	sld [smem:$0x3FAC];
	_ =	sdelay $0x3  }
0x36: {  	p1 =	seq.s32 s10, $0x1;
	s10 =	sld [smem:$0x3FAD];
	_ =	sdelay $0x3  }
0x37: {  	[smem:$0x3FAD] =	sst s10  }
0x38: {  	s10 =	sld [smem:$0x3FAE]  }
0x39: {  	_ = 	snop;
	(pc) =	sbr.ind lr, $3  }
0x3a: {  	_ = 	snop  }
0x3b: {  	_ = 	snop  }
0x3c: {  	p2 =	seq.s32 s10, $0x1;
	s10 =	sld [smem:$0x3FAD]  }
0x3d: {  	_ =	shalt  }
0x3e: {  	_ =	shalt  }
0x3f: {  	_ =	shalt  }
0x40: {  	_ =	shalt  }
0x41: {  	_ =	shalt  }
0x42: {  	_ =	shalt  }
0x43: {  	_ =	shalt  }
0x44: {  	_ =	shalt  }
0x45: {  	_ =	shalt  }
0x46: {  	_ =	shalt  }
0x47: {  	_ =	shalt  }
0x48: {  	_ =	shalt  }
0x49: {  	_ =	shalt  }
0x4a: {  	_ =	shalt  }
0x4b: {  	_ =	shalt  }
0x4c: {  	_ =	shalt  }
0x4d: {  	_ =	shalt  }
0x4e: {  	_ =	shalt  }
0x4f: {  	_ =	shalt  }
0x50: {  	_ =	shalt  }
0x51: {  	_ =	shalt  }
0x52: {  	_ =	shalt  }
0x53: {  	_ =	shalt  }
0x54: {  	_ =	shalt  }
0x55: {  	_ =	shalt  }
0x56: {  	_ =	shalt  }
0x57: {  	_ =	shalt  }
0x58: {  	_ =	shalt  }
0x59: {  	_ =	shalt  }
0x5a: {  	_ =	shalt  }
0x5b: {  	_ =	shalt  }
0x5c: {  	_ =	shalt  }
0x5d: {  	_ =	shalt  }
0x5e: {  	_ =	shalt  }
0x5f: {  	_ =	shalt  }
0x60: {  	_ =	shalt  }
0x61: {  	_ =	shalt  }
0x62: {  	_ =	shalt  }
0x63: {  	_ =	shalt  }
0x64: {  	_ =	shalt  }
0x65: {  	_ =	shalt  }
0x66: {  	_ =	shalt  }
0x67: {  	_ =	shalt  }
0x68: {  	_ =	shalt  }
0x69: {  	_ =	shalt  }
0x6a: {  	_ =	shalt  }
0x6b: {  	_ =	shalt  }
0x6c: {  	_ =	shalt  }
0x6d: {  	_ =	shalt  }
0x6e: {  	_ =	shalt  }
0x6f: {  	_ =	shalt  }
0x70: {  	_ =	shalt  }
0x71: {  	_ =	shalt  }
0x72: {  	_ =	shalt  }
0x73: {  	_ =	shalt  }
0x74: {  	_ =	shalt  }
0x75: {  	_ =	shalt  }
0x76: {  	_ =	shalt  }
0x77: {  	_ =	shalt  }
0x78: {  	_ =	shalt  }
0x79: {  	_ =	shalt  }
0x7a: {  	_ =	shalt  }
0x7b: {  	_ =	shalt  }
0x7c: {  	_ =	shalt  }
0x7d: {  	_ =	shalt  }
0x7e: {  	_ =	shalt  }
0x7f: {  	_ =	shalt  }
0x80: {  	_ =	shalt  }
0x81: {  	_ =	shalt  }
0x82: {  	_ =	shalt  }
0x83: {  	_ =	shalt  }
0x84: {  	_ =	shalt  }
0x85: {  	_ =	shalt  }
0x86: {  	_ =	shalt  }
0x87: {  	_ =	shalt  }
.Lfunc_end0:
.L_simem_size_0:
called_computation_lowered:
.L_overlay_start_0:
0x88: {  	s2 =	sld [smem:$0x3FD9]  }
0x89: {  	s3 =	sld [smem:$0x3FFE];
	_ =	sdelay $0x1  }
0x8a: {  	s1 =	srdreg.scid  }
0x8b: {  	s0 =	sand.u32 $0x1, s1  }
0x8c: {  	s16 =	sshll.u32 s0, $0xA;
	s2 =	sadd.s32 s3, s2  }
0x8d: {  	s2 =	sadd.s32 s2, s16  }
0x8e: {  	[smem:$0x3FB9] =	sst s2  }
0x8f: {  	_ = 	snop  }
0x90: {  	(tm) =	ssettm $0x1  }
0x91: {  	s17 =	sld [smem:$0x3FFB];
	_ =	sdelay $0x3  }
0x92: {  	_ =	strace s17  }
0x93: {  	s2 =	sld [smem:$0x3FFC];
	_ =	sdelay $0x3  }
0x94: {  	_ =	strace s2  }
0x95: {  	s2 =	sld [smem:$0x3FFD];
	_ =	sdelay $0x3  }
0x96: {  	_ =	strace s2  }
0x97: {  	_ =	strace $0x8FFFFFFF  }
0x98: {  	s18 =	sld [smem:$0x3FDB];
	_ =	sdelay $0x1  }
0x99: {  	s19 =	simm.s32 $_scs_section_size  }
0x9a: {  	s4 =	simm.s32 $_size__tile_overlayer_lowered;
	s5 =	simm.s32 $_tile_overlayer_lowered  }
0x9b: {  	s22 =	simm.s32 $0x1BFF;
	s21 =	sshll.u32 s5, $0x1;
	s2 =	sadd.s32 s19, s18  }
0x9c: {  	s6 =	simm.s32 $0x0;
	s20 =	sshll.u32 s4, $0x1;
	s4 =	sadd.s32 s21, s2  }
0x9d: {  	[timem:s6], [sflag:s22] =	dma.local [hbm:s4], s20  }
0x9e: {  	_ =	swait.ge [sflag:s22], s20  }
0x9f: {  	s3 =	ssub.s32 $0x0, s20;
	[sflag:s22] =	ssyncset.done $0x0  }
0xa0: {  	[sflag:s22] =	ssyncadd.s32 s3;
	_ =	sdelay $0x1  }
0xa1: {  	s23 =	simm.s32 $0x1B8B  }
0xa2: {  	_ =	swait.ge [sflag:s23], $0x1  }
0xa3: {  	[sflag:s23] =	ssyncset.done $0x0  }
0xa4: {  	s25 =	simm.s32 $0x1B8E;
	s24 =	sld [smem:$0x3FFE];
	[sflag:s23] =	ssyncadd.s32 $0xFFFFFFFF  }
0xa5: {  	s26 =	simm.s32 $execute0_lowered;
	[smem:$0x3FD2] =	sst s25  }
0xa6: {  	s4 =	sshll.u32 s26, $0x1;
	_ =	strace $0x80000046;
	[dreg:$0x1] =	wrdreg $0xFFFFFFFF  }
0xa7: {  	s28 =	simm.s32 $_size_execute0_lowered;
	s2 =	sadd.s32 s2, s4;
	[dreg:$0x0] =	wrdreg $0x0  }
0xa8: {  	s4 =	sshll.u32 s28, $0x1;
	[dreg:$0x2] =	wrdreg s2  }
0xa9: {  	[dreg:$0x3] =	wrdreg s4  }
0xaa: {  	[dreg:$0x4] =	wrdreg $0xC0  }
0xab: {  	_ =	task [dreg:s6], $0x5FFFF  }
0xac: {  	[dreg:$0x1] =	wrdreg $0xFFFFFFFF  }
0xad: {  	[dreg:$0x0] =	wrdreg $0x60  }
0xae: {  	[dreg:$0x2] =	wrdreg s24  }
0xaf: {  	[dreg:$0x3] =	wrdreg $0x0  }
0xb0: {  	[dreg:$0x4] =	wrdreg $0x9  }
0xb1: {  	_ =	task.clear_ibuf [dreg:s6], $0x5FFFF;
	_ =	strace $0x90000046  }
0xb2: {  	s29 =	simm.s32 $0x9;
	_ =	strace $0x80000048  }
0xb3: {  	_ =	swait.ge [sflag:s29], $0x1  }
0xb4: {  	[sflag:s29] =	ssyncadd.s32 $0xFFFFFFFF  }
0xb5: {  	_ =	strace $0x90000048  }
0xb6: {  	_ =	sfence  }
0xb7: {  	s30 =	sld [smem:$0x0];
	_ =	sdelay $0x2  }
0xb8: {  	s31 =	sshll.u32 s1, $0xD;
	s1 =	sshrl.u32 s1, $0x2  }
0xb9: {  	s3 =	sand.u32 $0x4000, s31;
	s1 =	sadd.s32 s1, s30  }
0xba: {  	s0 =	sor.u32 s3, s0;
	s1 =	sshll.u32 s1, $0x11  }
0xbb: {  	s0 =	sor.u32 s1, s0  }
0xbc: {  	s0 =	sadd.s32 $0x8F2B, s0  }
0xbd: {  	[sflag:s0] =	ssyncadd.remote.s32 $0x1  }
0xbe: {  	_ =	sfence.sel $0xFFFF  }
0xbf: {  	[dreg:$0x0] =	wrdreg $0xFFFFFFFF;
	(pc) =	sbr.abs _section_cstart, $3  }
0xc0: {  	[dreg:$0x1] =	wrdreg $0xFFFFFFFF  }
0xc1: {  	_ =	task.clear_ibuf [dreg:s6], $0x2FFFF;
	_ =	strace $0x9FFFFFFF  }
0xc2: {  	(tm) =	ssettm $0x7FFFFFFF  }
0xc3: {  	_ =	shalt  }
tec
execute0_lowered:
.L_overlay_start_1:
0x0: {  	(tag) =	ssettag $0x1  }
0x1: {  	s4 =	rddreg [dreg:$0x0]  }
0x2: {  	s2 =	rddreg [dreg:$0x1]  }
0x3: {  	s0 =	rddreg [dreg:$0x2]  }
0x4: {  	s1 =	stileid.u32;
	s5 =	srdreg.scid;
	s3 =	simm.s32 $0x0  }
0x5: {  	s10 =	simm.s32 $0x580;
	s11 =	simm.s32 $0x50;
	s12 =	simm.s32 $0x500  }
0x6: {  	s13 =	simm.s32 $0x1;
	s16 =	simm.s32 $0x20;
	s17 =	simm.s32 $0x10  }
0x7: {  	s18 =	simm.s32 $0x0;
	s5 =	sand.u32 $0x1, s5;
	s6 =	smul.u32 $0x500, s1  }
0x8: {  	[smem:$0x7FF] =	sst s3;
	s30 =	sshll.u32 s1, $0xB;
	s8 =	smul.u32 $0xA00, s1  }
0x9: {  	s14 =	sshll.u32 s1, $0x6;
	s7 =	sshll.u32 s5, $0x7;
	_ =	strace $0x80000047  }
0xa: {  	s31 =	ssub.s32 $0x2, s5;
	s5 =	sshll.u32 s5, $0xF;
	s14 =	sor.u32 $0x1C02, s14  }
0xb: {  	s6 =	sor.u32 s7, s6;
	s7 =	sadd.s32 s30, s4;
	s9 =	sshrl.u32 s31, $0x1  }
0xc: {  	s8 =	sshrl.u32 s8, $0x2;
	s6 =	sshrl.u32 s6, $0x3;
	s9 =	ssub.s32 s31, s9  }
0xd: {  	s5 =	sadd.s32 s5, s7;
	s6 =	sadd.s32 s6, s4;
	s4 =	sadd.s32 s8, s2  }
0xe: {  	s5 =	sadd.s32 $0xD800, s5;
	s7 =	smax.u32 s9, $0x1;
	s8 =	simm.s32 $0x280  }
0xf: {  	v0 =	vimm.f32 $0.0e+00;
	v1 =	vimm.f32 $1.000000000e+00;
	s9 =	simm.s32 $0x2;
	s6 =	sadd.s32 $0x1D800, s6;
	s15 =	sshrl.u32 s4, $0x3  }
.LBB2_1:
0x10: {  	[tilespmem:$0x280] =	vst v0  }
0x11: {  	[tilespmem:$0x290] =	vst v0  }
0x12: {  	[tilespmem:$0x2A0] =	vst v0  }
0x13: {  	[tilespmem:$0x2B0] =	vst v0  }
0x14: {  	[tilespmem:$0x2C0] =	vst v0  }
0x15: {  	[tilespmem:$0x2D0] =	vst v0  }
0x16: {  	[tilespmem:$0x2E0] =	vst v0  }
0x17: {  	[tilespmem:$0x2F0] =	vst v0  }
0x18: {  	[tilespmem:$0x300] =	vst v0  }
0x19: {  	[tilespmem:$0x310] =	vst v0  }
0x1a: {  	[tilespmem:$0x320] =	vst v0  }
0x1b: {  	[tilespmem:$0x330] =	vst v0  }
0x1c: {  	[tilespmem:$0x340] =	vst v0  }
0x1d: {  	[tilespmem:$0x350] =	vst v0  }
0x1e: {  	[tilespmem:$0x360] =	vst v0  }
0x1f: {  	[tilespmem:$0x370] =	vst v0  }
0x20: {  	[tilespmem:$0x380] =	vst v0  }
0x21: {  	[tilespmem:$0x390] =	vst v0  }
0x22: {  	[tilespmem:$0x3A0] =	vst v0  }
0x23: {  	[tilespmem:$0x3B0] =	vst v0  }
0x24: {  	[tilespmem:$0x3C0] =	vst v0  }
0x25: {  	[tilespmem:$0x3D0] =	vst v0  }
0x26: {  	[tilespmem:$0x3E0] =	vst v0  }
0x27: {  	[tilespmem:$0x3F0] =	vst v0  }
0x28: {  	[tilespmem:$0x400] =	vst v0  }
0x29: {  	[tilespmem:$0x410] =	vst v0  }
0x2a: {  	[tilespmem:$0x420] =	vst v0  }
0x2b: {  	[tilespmem:$0x430] =	vst v0  }
0x2c: {  	[tilespmem:$0x440] =	vst v0  }
0x2d: {  	[tilespmem:$0x450] =	vst v0  }
0x2e: {  	[tilespmem:$0x460] =	vst v0  }
0x2f: {  	[tilespmem:$0x470] =	vst v0  }
0x30: {  	[tilespmem:$0x480] =	vst v0  }
0x31: {  	[tilespmem:$0x490] =	vst v0  }
0x32: {  	[tilespmem:$0x4A0] =	vst v0  }
0x33: {  	[tilespmem:$0x4B0] =	vst v0  }
0x34: {  	[tilespmem:$0x4C0] =	vst v0  }
0x35: {  	[tilespmem:$0x4D0] =	vst v0  }
0x36: {  	[tilespmem:$0x4E0] =	vst v0  }
0x37: {  	[tilespmem:$0x4F0] =	vst v0  }
0x38: {  	[tilespmem:$0x500] =	vst v1  }
0x39: {  	[tilespmem:$0x510] =	vst v1  }
0x3a: {  	[tilespmem:$0x520] =	vst v1  }
0x3b: {  	[tilespmem:$0x530] =	vst v1  }
0x3c: {  	[tilespmem:$0x540] =	vst v1  }
0x3d: {  	[spmem:s4] =	stream.linear.scatter [tilespmem:s8], [sflag:$0x2], $0x280, $0x38;
	[tilespmem:$0x4580] =	vst v63  }
0x3e: {  	_ =	swait.ge [sflag:s9], $0x280  }
0x3f: {  	[sflag:s9] =	ssyncset.done $0x0  }
0x40: {  	[sflag:s9] =	ssyncadd.s32 $0xFFFFFD80  }
0x41: {  	[tilespmem:s10], [sflag:$0x2] =	stream.linear.gather [hbm4b:s5+s3], $0x3E80, $0x38;
	[tilespmem:$0x4580] =	vst v63  }
0x42: {  	_ =	swait.ge [sflag:s9], $0x3E80  }
0x43: {  	[sflag:s9] =	ssyncset.done $0x0  }
0x44: {  	[sflag:s9] =	ssyncadd.s32 $0xFFFFC180  }
0x45: {  	s19 =	simm.s32 $0x0;
	[bflag:$0x0] =	sbarrier.arrive $0xFFFF  }
.LBB2_2:
0x46: {  	p0 =	sne.s32 s19, $0xF800  }
.Ltmp0:
0x47: {  	_ = 	snop;
	(pc) =	sbr.rel @p0 .LBB2_2-.Ltmp0, $4  }
0x48: {  	_ = 	snop  }
0x49: {  	s20 =	sshra.s32 s19, $0x2  }
0x4a: {  	s19 =	sadd.s32 $0x200, s19;
	s20 =	sadd.s32 $0x580, s20  }
0x4b: {  	[spmem:s2] =	stream.indirect.scatter.add.f32 [tilespmem:s12], [sflag:$0x1], $0x1, s20, s11, $0xb8;
	[tilespmem:$0x4580] =	vst v63  }
0x4c: {  	_ =	swait.ge [sflag:s13], $0x50  }
0x4d: {  	s19 =	simm.s32 $0x7C;
	[sflag:s13] =	ssyncset.done $0x0  }
.LBB2_4:
0x4e: {  	p0 =	sne.s32 s19, $0x1;
	s19 =	sadd.s32 $0xFFFFFFFF, s19;
	[sflag:s13] =	ssyncadd.s32 $0xFFFFFFB0  }
.Ltmp1:
0x4f: {  	(pc) =	sbr.rel @p0 .LBB2_4-.Ltmp1, $3  }
0x50: {  	_ =	sdelay $0x1  }
0x51: {  	_ =	swait.ge [sflag:s13], $0x50  }
0x52: {  	[sflag:s13] =	ssyncset.done $0x0  }
0x53: {  	s18 =	sadd.s32 $0x1, s18  }
0x54: {  	[sflag:s13] =	ssyncadd.s32 $0xFFFFFFB0;
	p0 =	sne.s32 s18, s7  }
.Ltmp2:
0x55: {  	[bflag:$0x0] =	sbarrier.arrive $0xFFFF;
	(pc) =	sbr.rel @p0 .LBB2_1-.Ltmp2, $4  }
0x56: {  	[hbm:s6@s16], [sflag:s14] =	dma.strided [spmem:s15@s17], $0x50, s13, $0x10   }
0x57: {  	_ =	swait.ge [sflag:s9], $0x50  }
0x58: {  	[sflag:s9] =	ssyncset.done $0x0  }
0x59: {  	[sflag:s9] =	ssyncadd.s32 $0xFFFFFFB0  }
0x5a: {  	_ =	sfence.sel $0x180000  }
0x5b: {  	[bflag:$0x0] =	sbarrier.arrive $0xFFFF  }
0x5c: {  	p0 =	sne.s32 s1, $0x0;
	_ =	strace $0x90000047  }
0x5d: {  	s0 =	sadd.s32 @!p0 $0x100000, s0;
	[bflag:$0x2] =	sbarrier.arrive $0xFFFF  }
0x5e: {  	[sflag:s0] =	ssyncadd.tile.s32 @!p0 $0x1;
	_ =	shalt  }
.Lfunc_end2:
_tile_overlayer_lowered:
.L_overlay_start_2:
0x5f: {  	(tag) =	ssettag $0x2  }
0x60: {  	s0 =	rddreg [dreg:$0x0];
	s2 =	stileid.u32  }
0x61: {  	s1 =	rddreg [dreg:$0x1];
	p0 =	sne.s32 s2, $0x0  }
0x62: {  	s3 =	rddreg [dreg:$0x2];
	[bflag:$0x3] =	sbarrier.arrive $0xFFFF;
	s2 =	simm.s32 @!p0 $0x1C02  }
0x63: {  	[timem:s3], [sflag:s2] =	dma.local @!p0 [hbm:s0], s1  }
0x64: {  	s0 =	simm.s32 @!p0 $0x2  }
0x65: {  	_ =	swait.ge @!p0 [sflag:s0], s1  }
0x66: {  	s1 =	ssub.s32 @!p0 $0x0, s1;
	[sflag:s0] =	ssyncset.done @!p0 $0x0  }
0x67: {  	[sflag:s0] =	ssyncadd.s32 @!p0 s1  }
0x68: {  	[bflag:$0x3] =	sbarrier.arrive $0xFFFF  }
0x69: {  	_ =	shalt  }

// kernel: kernel.13.cloned.1.call-start
scs
__scs_entry_jumppad:
0x0: {  	(pc) =	sbr.rel $0x88, $3  }
0x1: {  	(tag) =	ssettag $0x0;
	lr =	simm.s32 $0x1  }
0x2: {  	[smem:$0x3F92] =	sst lr;
	_ =	strace $0xD0000000  }
0x3: {  	_ = 	snop  }
0x4: {  	_ = 	snop  }
0x5: {  	_ = 	snop  }
0x6: {  	_ = 	snop  }
0x7: {  	_ = 	snop  }
__scs_overlays_trampoline_lowered:
0x8: {  	[smem:$0x3FA1] =	sst s0  }
0x9: {  	[smem:$0x3FA2] =	sst s1  }
0xa: {  	[smem:$0x3FA3] =	sst s2  }
0xb: {  	[smem:$0x3FA4] =	sst s3  }
0xc: {  	[smem:$0x3FA5] =	sst s4  }
0xd: {  	[smem:$0x3FA6] =	sst s5  }
0xe: {  	[smem:$0x3FA7] =	sst s6  }
0xf: {  	[smem:$0x3FA8] =	sst s7  }
0x10: {  	[smem:$0x3FA9] =	sst s8  }
0x11: {  	[smem:$0x3FAA] =	sst s9;
	s0 =	simm.s32 @!p0 $0x0  }
0x12: {  	s1 =	sld [smem:$0x3F90];
	s0 =	simm.s32 @p0 $0x1  }
0x13: {  	[smem:$0x3FAB] =	sst s0;
	s0 =	simm.s32 @!p1 $0x0  }
0x14: {  	s2 =	sld [smem:$0x3F8F];
	s0 =	simm.s32 @p1 $0x1  }
0x15: {  	[smem:$0x3FAC] =	sst s0;
	s0 =	simm.s32 @!p2 $0x0  }
0x16: {  	s3 =	sld [smem:$0x3FDB];
	s0 =	simm.s32 @p2 $0x1  }
0x17: {  	s4 =	simm.s32 $0x1BF5;
	[smem:$0x3FAE] =	sst s0  }
0x18: {  	s0 =	sld [smem:$0x3F91];
	_ =	swait.ge [sflag:s4], $0x0  }
0x19: {  	s7 =	sld [smem:$0x3F92]  }
0x1a: {  	s8 =	sadd.s32 $0xFFFFE003, lr  }
0x1b: {  	s9 =	sadd.s32 $0xFFFFFEF7, lr;
	s5 =	simm.s32 $0xFFFFFFFF;
	p2 =	slt.u32 s8, $0xFFFFF086  }
0x1c: {  	p1 =	slt.u32 s9, $0xF7A;
	s5 =	simm.s32 @!p2 $0x0  }
0x1d: {  	s5 =	simm.s32 @p1 $0x1;
	p0 =	seq.s32 s7, s2  }
0x1e: {  	s7 =	smul.u32 @!p0 $0xF7A, s2;
	p2 =	seq.s32 @!p0 s5, $0x0  }
0x1f: {  	s9 =	smul.u32 $0xF7A, s1;
	s8 =	simm.s32 @!p0 $0x1BF5;
	p2 =	por !p2, p0  }
0x20: {  	[sflag:s8] =	ssyncset.s32 @!p0 $0xFFFFF086;
	s6 =	sadd.s32 @!p0 s3, s7;
	s7 =	simm.s32 @!p0 $0x108  }
0x21: {  	s3 =	sadd.s32 s3, s9;
	s6 =	sadd.s32 @!p0 $0x88, s6;
	s7 =	simm.s32 @p2 $0x1082  }
0x22: {  	[simem:s7], [sflag:s8] =	dma.local @!p0 [hbm:s6], $0xF7A  }
0x23: {  	s9 =	sor.u32 $0xD0000000, s2;
	s6 =	simm.s32 $0x108;
	_ =	swait.ge @!p0 [sflag:s8], $0x0  }
0x24: {  	s3 =	sadd.s32 $0x88, s3;
	s6 =	simm.s32 @!p1 $0x1082;
	[sflag:s4] =	ssyncset.s32 $0xFFFFF086  }
0x25: {  	[simem:s6], [sflag:s4] =	dma.local [hbm:s3], $0xF7A  }
0x26: {  	[smem:$0x3F92] =	sst s1;
	(tag) =	ssettag s2;
	_ =	strace s9  }
0x27: {  	s1 =	sld [smem:$0x3FA2]  }
0x28: {  	s2 =	sld [smem:$0x3FA3]  }
0x29: {  	s4 =	sld [smem:$0x3FA5]  }
0x2a: {  	p0 =	seq.s32 s5, $0x0;
	s5 =	sld [smem:$0x3FA6]  }
0x2b: {  	s6 =	sld [smem:$0x3FA7]  }
0x2c: {  	s7 =	sld [smem:$0x3FA8]  }
0x2d: {  	s3 =	simm.s32 $0x108;
	s8 =	sld [smem:$0x3FA9]  }
0x2e: {  	s3 =	simm.s32 @!p0 $0x1082;
	s9 =	sld [smem:$0x3FAA]  }
0x2f: {  	lr =	sadd.s32 s0, s3;
	s0 =	sld [smem:$0x3FA1]  }
0x30: {  	s3 =	sld [smem:$0x3FA4]  }
0x31: {  	[smem:$0x3FAD] =	sst s10  }
0x32: {  	s10 =	sld [smem:$0x3FAB];
	_ =	sdelay $0x3  }
0x33: {  	p0 =	seq.s32 s10, $0x1;
	s10 =	sld [smem:$0x3FAD];
	_ =	sdelay $0x3  }
0x34: {  	[smem:$0x3FAD] =	sst s10  }
0x35: {  	s10 =	sld [smem:$0x3FAC];
	_ =	sdelay $0x3  }
0x36: {  	p1 =	seq.s32 s10, $0x1;
	s10 =	sld [smem:$0x3FAD];
	_ =	sdelay $0x3  }
0x37: {  	[smem:$0x3FAD] =	sst s10  }
0x38: {  	s10 =	sld [smem:$0x3FAE]  }
0x39: {  	_ = 	snop;
	(pc) =	sbr.ind lr, $3  }
0x3a: {  	_ = 	snop  }
0x3b: {  	_ = 	snop  }
0x3c: {  	p2 =	seq.s32 s10, $0x1;
	s10 =	sld [smem:$0x3FAD]  }
0x3d: {  	_ =	shalt  }
0x3e: {  	_ =	shalt  }
0x3f: {  	_ =	shalt  }
0x40: {  	_ =	shalt  }
0x41: {  	_ =	shalt  }
0x42: {  	_ =	shalt  }
0x43: {  	_ =	shalt  }
0x44: {  	_ =	shalt  }
0x45: {  	_ =	shalt  }
0x46: {  	_ =	shalt  }
0x47: {  	_ =	shalt  }
0x48: {  	_ =	shalt  }
0x49: {  	_ =	shalt  }
0x4a: {  	_ =	shalt  }
0x4b: {  	_ =	shalt  }
0x4c: {  	_ =	shalt  }
0x4d: {  	_ =	shalt  }
0x4e: {  	_ =	shalt  }
0x4f: {  	_ =	shalt  }
0x50: {  	_ =	shalt  }
0x51: {  	_ =	shalt  }
0x52: {  	_ =	shalt  }
0x53: {  	_ =	shalt  }
0x54: {  	_ =	shalt  }
0x55: {  	_ =	shalt  }
0x56: {  	_ =	shalt  }
0x57: {  	_ =	shalt  }
0x58: {  	_ =	shalt  }
0x59: {  	_ =	shalt  }
0x5a: {  	_ =	shalt  }
0x5b: {  	_ =	shalt  }
0x5c: {  	_ =	shalt  }
0x5d: {  	_ =	shalt  }
0x5e: {  	_ =	shalt  }
0x5f: {  	_ =	shalt  }
0x60: {  	_ =	shalt  }
0x61: {  	_ =	shalt  }
0x62: {  	_ =	shalt  }
0x63: {  	_ =	shalt  }
0x64: {  	_ =	shalt  }
0x65: {  	_ =	shalt  }
0x66: {  	_ =	shalt  }
0x67: {  	_ =	shalt  }
0x68: {  	_ =	shalt  }
0x69: {  	_ =	shalt  }
0x6a: {  	_ =	shalt  }
0x6b: {  	_ =	shalt  }
0x6c: {  	_ =	shalt  }
0x6d: {  	_ =	shalt  }
0x6e: {  	_ =	shalt  }
0x6f: {  	_ =	shalt  }
0x70: {  	_ =	shalt  }
0x71: {  	_ =	shalt  }
0x72: {  	_ =	shalt  }
0x73: {  	_ =	shalt  }
0x74: {  	_ =	shalt  }
0x75: {  	_ =	shalt  }
0x76: {  	_ =	shalt  }
0x77: {  	_ =	shalt  }
0x78: {  	_ =	shalt  }
0x79: {  	_ =	shalt  }
0x7a: {  	_ =	shalt  }
0x7b: {  	_ =	shalt  }
0x7c: {  	_ =	shalt  }
0x7d: {  	_ =	shalt  }
0x7e: {  	_ =	shalt  }
0x7f: {  	_ =	shalt  }
0x80: {  	_ =	shalt  }
0x81: {  	_ =	shalt  }
0x82: {  	_ =	shalt  }
0x83: {  	_ =	shalt  }
0x84: {  	_ =	shalt  }
0x85: {  	_ =	shalt  }
0x86: {  	_ =	shalt  }
0x87: {  	_ =	shalt  }
.Lfunc_end0:
.L_simem_size_0:
called_computation.1_lowered:
.L_overlay_start_0:
0x88: {  	s2 =	sld [smem:$0x3FD9]  }
0x89: {  	s3 =	sld [smem:$0x3FFE];
	_ =	sdelay $0x1  }
0x8a: {  	s1 =	srdreg.scid  }
0x8b: {  	s0 =	sand.u32 $0x1, s1  }
0x8c: {  	s16 =	sshll.u32 s0, $0xA;
	s2 =	sadd.s32 s3, s2  }
0x8d: {  	s2 =	sadd.s32 s2, s16  }
0x8e: {  	[smem:$0x3FB9] =	sst s2  }
0x8f: {  	_ = 	snop  }
0x90: {  	(tm) =	ssettm $0x1  }
0x91: {  	s17 =	sld [smem:$0x3FFB];
	_ =	sdelay $0x3  }
0x92: {  	_ =	strace s17  }
0x93: {  	s2 =	sld [smem:$0x3FFC];
	_ =	sdelay $0x3  }
0x94: {  	_ =	strace s2  }
0x95: {  	s2 =	sld [smem:$0x3FFD];
	_ =	sdelay $0x3  }
0x96: {  	_ =	strace s2  }
0x97: {  	_ =	strace $0x8FFFFFFF  }
0x98: {  	s18 =	sld [smem:$0x3FDB];
	_ =	sdelay $0x1  }
0x99: {  	s19 =	simm.s32 $_scs_section_size  }
0x9a: {  	s4 =	simm.s32 $_size__tile_overlayer_lowered;
	s5 =	simm.s32 $_tile_overlayer_lowered  }
0x9b: {  	s22 =	simm.s32 $0x1BFF;
	s21 =	sshll.u32 s5, $0x1;
	s2 =	sadd.s32 s19, s18  }
0x9c: {  	s6 =	simm.s32 $0x0;
	s20 =	sshll.u32 s4, $0x1;
	s4 =	sadd.s32 s21, s2  }
0x9d: {  	[timem:s6], [sflag:s22] =	dma.local [hbm:s4], s20  }
0x9e: {  	_ =	swait.ge [sflag:s22], s20  }
0x9f: {  	s3 =	ssub.s32 $0x0, s20;
	[sflag:s22] =	ssyncset.done $0x0  }
0xa0: {  	[sflag:s22] =	ssyncadd.s32 s3;
	_ =	sdelay $0x1  }
0xa1: {  	s23 =	simm.s32 $0x1B8B  }
0xa2: {  	_ =	swait.ge [sflag:s23], $0x1  }
0xa3: {  	[sflag:s23] =	ssyncset.done $0x0  }
0xa4: {  	s25 =	simm.s32 $0x1B8E;
	s24 =	sld [smem:$0x3FFE];
	[sflag:s23] =	ssyncadd.s32 $0xFFFFFFFF  }
0xa5: {  	s26 =	simm.s32 $execute0_lowered;
	[smem:$0x3FD2] =	sst s25  }
0xa6: {  	s4 =	sshll.u32 s26, $0x1;
	_ =	strace $0x80000049;
	[dreg:$0x1] =	wrdreg $0xFFFFFFFF  }
0xa7: {  	s28 =	simm.s32 $_size_execute0_lowered;
	s2 =	sadd.s32 s2, s4;
	[dreg:$0x0] =	wrdreg $0x0  }
0xa8: {  	s4 =	sshll.u32 s28, $0x1;
	[dreg:$0x2] =	wrdreg s2  }
0xa9: {  	[dreg:$0x3] =	wrdreg s4  }
0xaa: {  	[dreg:$0x4] =	wrdreg $0xC0  }
0xab: {  	_ =	task [dreg:s6], $0x5FFFF  }
0xac: {  	[dreg:$0x1] =	wrdreg $0xFFFFFFFF  }
0xad: {  	[dreg:$0x0] =	wrdreg $0x60  }
0xae: {  	[dreg:$0x2] =	wrdreg s24  }
0xaf: {  	[dreg:$0x3] =	wrdreg $0x0  }
0xb0: {  	[dreg:$0x4] =	wrdreg $0x9  }
0xb1: {  	_ =	task.clear_ibuf [dreg:s6], $0x5FFFF;
	_ =	strace $0x90000049  }
0xb2: {  	s29 =	simm.s32 $0x9;
	_ =	strace $0x8000004B  }
0xb3: {  	_ =	swait.ge [sflag:s29], $0x1  }
0xb4: {  	[sflag:s29] =	ssyncadd.s32 $0xFFFFFFFF  }
0xb5: {  	_ =	strace $0x9000004B  }
0xb6: {  	_ =	sfence  }
0xb7: {  	s30 =	sld [smem:$0x0];
	_ =	sdelay $0x2  }
0xb8: {  	s31 =	sshll.u32 s1, $0xD;
	s1 =	sshrl.u32 s1, $0x2  }
0xb9: {  	s3 =	sand.u32 $0x4000, s31;
	s1 =	sadd.s32 s1, s30  }
0xba: {  	s0 =	sor.u32 s3, s0;
	s1 =	sshll.u32 s1, $0x11  }
0xbb: {  	s0 =	sor.u32 s1, s0  }
0xbc: {  	s0 =	sadd.s32 $0x8F2B, s0  }
0xbd: {  	[sflag:s0] =	ssyncadd.remote.s32 $0x1  }
0xbe: {  	_ =	sfence.sel $0xFFFF  }
0xbf: {  	[dreg:$0x0] =	wrdreg $0xFFFFFFFF;
	(pc) =	sbr.abs _section_cstart, $3  }
0xc0: {  	[dreg:$0x1] =	wrdreg $0xFFFFFFFF  }
0xc1: {  	_ =	task.clear_ibuf [dreg:s6], $0x2FFFF;
	_ =	strace $0x9FFFFFFF  }
0xc2: {  	(tm) =	ssettm $0x7FFFFFFF  }
0xc3: {  	_ =	shalt  }
tec
execute0_lowered:
.L_overlay_start_1:
0x0: {  	(tag) =	ssettag $0x1  }
0x1: {  	s0 =	rddreg [dreg:$0x0]  }
0x2: {  	s1 =	rddreg [dreg:$0x1];
	s2 =	srdreg.scid;
	s3 =	simm.s32 $0x0  }
0x3: {  	s11 =	stileid.u32;
	s28 =	simm.s32 $0x11;
	s29 =	simm.s32 $0x1  }
0x4: {  	s30 =	simm.s32 $0xD;
	s31 =	simm.s32 $0x5;
	s7 =	smul.u32 $0x14000, s11  }
0x5: {  	s2 =	sand.u32 $0x1, s2;
	[smem:$0x7FF] =	sst s3;
	s15 =	smul.u32 $0x50000, s11  }
0x6: {  	s20 =	sadd.s32 $0x3A00, s0;
	s6 =	sadd.s32 $0xD800, s0;
	s19 =	smul.u32 $0x2710, s11  }
0x7: {  	s10 =	sadd.s32 $0x44A00, s0;
	s5 =	smul.u32 $0x140000, s2;
	s4 =	sshll.u32 s2, $0x4  }
0x8: {  	_ =	strace $0x8000004A;
	[dreg:$0x3] =	wrdreg s10;
	s23 =	ssub.s32 $0x2, s2  }
0x9: {  	s2 =	smul.u32 $0x27100, s2;
	s8 =	sor.u32 s11, s4;
	s4 =	sadd.s32 $0x1D800, s0  }
0xa: {  	s24 =	sshrl.u32 s23, $0x1;
	s11 =	simm.s32 $0x14600;
	s9 =	smul.u32 $0x2710, s8  }
0xb: {  	s5 =	sadd.s32 s7, s5;
	s25 =	ssub.s32 s23, s24;
	s13 =	sshll.u32 s8, $0xB  }
0xc: {  	s7 =	sshrl.u32 s15, $0x2;
	s23 =	sadd.s32 s19, s2;
	s15 =	simm.s32 $0x14480  }
0xd: {  	s19 =	simm.s32 $0x14800;
	s5 =	sshrl.u32 s5, $0x3;
	s14 =	sadd.s32 s6, s13  }
0xe: {  	s7 =	sadd.s32 s7, s1;
	s22 =	smax.u32 s25, $0x1;
	s2 =	sadd.s32 $0x140, s23  }
0xf: {  	s24 =	sadd.s32 $0x190, s23;
	s25 =	sadd.s32 $0x1E0, s23;
	[dreg:$0x8] =	wrdreg s14  }
0x10: {  	s13 =	simm.s32 $0x14680;
	s9 =	sshrl.u32 s9, $0x3;
	[dreg:$0x10] =	wrdreg s22  }
0x11: {  	s0 =	sadd.s32 s5, s0;
	s16 =	sadd.s32 $0x10, s14;
	[dreg:$0x11] =	wrdreg s2  }
0x12: {  	s17 =	sadd.s32 $0x20, s14;
	s18 =	sadd.s32 $0x30, s14;
	[dreg:$0xc] =	wrdreg s7  }
0x13: {  	s21 =	sadd.s32 $0x7C0, s14;
	s2 =	sshrl.u32 s24, $0x3;
	[dreg:$0x9] =	wrdreg s16  }
0x14: {  	s5 =	sshrl.u32 s25, $0x3;
	s24 =	simm.s32 $0x14580;
	[dreg:$0xa] =	wrdreg s17  }
0x15: {  	s22 =	simm.s32 $0x14780;
	s14 =	simm.s32 $0x9;
	[dreg:$0xb] =	wrdreg s18  }
0x16: {  	s25 =	simm.s32 $0x14000;
	s9 =	sadd.s32 s20, s9;
	[dreg:$0xe] =	wrdreg s21  }
0x17: {  	s0 =	sadd.s32 $0x44C00, s0;
	s2 =	sadd.s32 s2, s20;
	[dreg:$0x4] =	wrdreg s9  }
0x18: {  	s16 =	simm.s32 $0x14500;
	s21 =	simm.s32 $0xA;
	[dreg:$0xf] =	wrdreg s0  }
0x19: {  	s17 =	simm.s32 $0xB;
	s26 =	sadd.s32 $0xA, s9;
	[dreg:$0x12] =	wrdreg s2  }
0x1a: {  	s18 =	simm.s32 $0xC;
	s10 =	sadd.s32 $0x14, s9;
	[dreg:$0x5] =	wrdreg s26  }
0x1b: {  	s12 =	sadd.s32 $0x1E, s9;
	s9 =	sadd.s32 $0x4D8, s9;
	[dreg:$0x6] =	wrdreg s10  }
0x1c: {  	s0 =	sadd.s32 $0x230, s23;
	s23 =	simm.s32 $0x19800;
	[dreg:$0x7] =	wrdreg s12  }
0x1d: {  	s2 =	simm.s32 $0x0;
	s12 =	sshll.u32 s8, $0xE;
	[dreg:$0xd] =	wrdreg s9  }
0x1e: {  	s26 =	sadd.s32 s5, s20;
	s0 =	sshrl.u32 s0, $0x3;
	s9 =	simm.s32 $0x14400  }
0x1f: {  	s8 =	simm.s32 $0x14700;
	[dreg:$0x13] =	wrdreg s26;
	s0 =	sadd.s32 s0, s20  }
0x20: {  	s10 =	simm.s32 $0x50;
	s26 =	simm.s32 $0x17000;
	[dreg:$0x14] =	wrdreg s0  }
.LBB2_1:
0x21: {  	[dreg:$0x15] =	wrdreg s2  }
0x22: {  	s0 =	rddreg [dreg:$0x4]  }
0x23: {  	[tilespmem:s9], [sflag:$0x9] =	stream.linear.gather [hbm4b:s0+s3], $0x50, $0x38;
	[tilespmem:$0x1E800] =	vst v63  }
0x24: {  	s5 =	rddreg [dreg:$0x5]  }
0x25: {  	[tilespmem:s15], [sflag:$0xA] =	stream.linear.gather [hbm4b:s5+s3], $0x50, $0x38;
	[tilespmem:$0x1E800] =	vst v63  }
0x26: {  	s5 =	rddreg [dreg:$0x6]  }
0x27: {  	[tilespmem:s16], [sflag:$0xB] =	stream.linear.gather [hbm4b:s5+s3], $0x50, $0x38;
	[tilespmem:$0x1E800] =	vst v63  }
0x28: {  	s5 =	rddreg [dreg:$0x7]  }
0x29: {  	[tilespmem:s24], [sflag:$0xC] =	stream.linear.gather [hbm4b:s5+s3], $0x50, $0x38;
	[tilespmem:$0x1E800] =	vst v63  }
0x2a: {  	s5 =	rddreg [dreg:$0x8]  }
0x2b: {  	[tilespmem:s11], [sflag:$0xD] =	stream.linear.gather [hbm4b:s5+s3], $0x80, $0x38;
	[tilespmem:$0x1E800] =	vst v63  }
0x2c: {  	s5 =	rddreg [dreg:$0x9]  }
0x2d: {  	[tilespmem:s13], [sflag:$0xE] =	stream.linear.gather [hbm4b:s5+s3], $0x80, $0x38;
	[tilespmem:$0x1E800] =	vst v63  }
0x2e: {  	s5 =	rddreg [dreg:$0xa]  }
0x2f: {  	[tilespmem:s8], [sflag:$0xF] =	stream.linear.gather [hbm4b:s5+s3], $0x80, $0x38;
	[tilespmem:$0x1E800] =	vst v63  }
0x30: {  	s5 =	rddreg [dreg:$0xb]  }
0x31: {  	[tilespmem:s22], [sflag:$0x10] =	stream.linear.gather [hbm4b:s5+s3], $0x80, $0x38;
	[tilespmem:$0x1E800] =	vst v63  }
0x32: {  	_ =	swait.ge [sflag:s14], $0x50  }
0x33: {  	[sflag:s14] =	ssyncset.done $0x0  }
0x34: {  	[sflag:s14] =	ssyncadd.s32 $0xFFFFFFB0  }
0x35: {  	[tilespmem:s19], [sflag:$0x1] =	stream.indirect.gather [hbm4b:s4+s10], $0x80, s9, s10, $0xb8;
	[tilespmem:$0x1E800] =	vst v63  }
0x36: {  	_ =	swait.ge [sflag:s21], $0x50  }
0x37: {  	[sflag:s21] =	ssyncset.done $0x0  }
0x38: {  	[sflag:s21] =	ssyncadd.s32 $0xFFFFFFB0  }
0x39: {  	[tilespmem:s26], [sflag:$0x2] =	stream.indirect.gather [hbm4b:s4+s10], $0x80, s15, s10, $0xb8;
	[tilespmem:$0x1E800] =	vst v63  }
0x3a: {  	_ =	swait.ge [sflag:s17], $0x50  }
0x3b: {  	[sflag:s17] =	ssyncset.done $0x0  }
0x3c: {  	[sflag:s17] =	ssyncadd.s32 $0xFFFFFFB0  }
0x3d: {  	[tilespmem:s23], [sflag:$0x3] =	stream.indirect.gather [hbm4b:s4+s10], $0x80, s16, s10, $0xb8;
	[tilespmem:$0x1E800] =	vst v63  }
0x3e: {  	_ =	swait.ge [sflag:s18], $0x50  }
0x3f: {  	[sflag:s18] =	ssyncset.done $0x0  }
0x40: {  	s2 =	simm.s32 $0x1C000;
	[sflag:s18] =	ssyncadd.s32 $0xFFFFFFB0  }
0x41: {  	[tilespmem:s2], [sflag:$0x4] =	stream.indirect.gather [hbm4b:s4+s10], $0x80, s24, s10, $0xb8;
	[tilespmem:$0x1E800] =	vst v63  }
0x42: {  	s2 =	rddreg [dreg:$0x3]  }
0x43: {  	[tilespmem:s25], [sflag:$0x11] =	stream.linear.gather [hbm4b:s2+s3], $0x400, $0x38;
	[tilespmem:$0x1E800] =	vst v63  }
0x44: {  	_ =	swait.ge [sflag:s28], $0x400  }
0x45: {  	[sflag:s28] =	ssyncset.done $0x0  }
0x46: {  	s5 =	sadd.s32 $0x0, s7;
	[sflag:s28] =	ssyncadd.s32 $0xFFFFFC00  }
0x47: {  	[spmem:s5] =	stream.linear.scatter [tilespmem:s25], [sflag:$0x11], $0x400, $0x38;
	[tilespmem:$0x1E800] =	vst v63  }
0x48: {  	s0 =	simm.s32 $0x1000;
	_ =	swait.ge [sflag:s28], $0x400  }
.LBB2_2:
0x49: {  	s2 =	sshra.s32 s0, $0x2;
	[sflag:s28] =	ssyncset.done $0x0;
	p0 =	sne.s32 s0, $0x4F000  }
.Ltmp0:
0x4a: {  	s2 =	sadd.s32 s2, s7;
	[sflag:s28] =	ssyncadd.s32 $0xFFFFFC00;
	(pc) =	sbr.rel @p0 .LBB2_2-.Ltmp0, $3  }
0x4b: {  	[spmem:s2] =	stream.linear.scatter [tilespmem:s25], [sflag:$0x11], $0x400, $0x38;
	[tilespmem:$0x1E800] =	vst v63  }
0x4c: {  	s0 =	sadd.s32 $0x1000, s0;
	_ =	sdelay $0x1  }
0x4d: {  	_ =	swait.ge [sflag:s28], $0x400  }
0x4e: {  	[sflag:s28] =	ssyncset.done $0x0  }
0x4f: {  	[sflag:s28] =	ssyncadd.s32 $0xFFFFFC00  }
0x50: {  	[bflag:$0x0] =	sbarrier.arrive $0xFFFF  }
0x51: {  	_ =	swait.ge [sflag:s29], $0x2800  }
0x52: {  	s7 =	rddreg [dreg:$0x11]  }
0x53: {  	[sflag:s29] =	ssyncset.done $0x0;
	s0 =	sshrl.u32 s7, $0x3  }
0x54: {  	[sflag:s29] =	ssyncadd.s32 $0xFFFFD800;
	s0 =	sadd.s32 s20, s0  }
0x55: {  	[tilespmem:s9], [sflag:$0x9] =	stream.linear.gather [hbm4b:s0+s3], $0x50, $0x38;
	[tilespmem:$0x1E800] =	vst v63  }
0x56: {  	s5 =	simm.s32 $0x200;
	_ =	swait.ge [sflag:s30], $0x80  }
0x57: {  	s2 =	sand.u32 $0x7C00, s5;
	[sflag:s30] =	ssyncset.done $0x0  }
0x58: {  	s2 =	sadd.s32 s12, s2;
	s0 =	sand.u32 $0x200, s5;
	[sflag:s30] =	ssyncadd.s32 $0xFFFFFF80  }
0x59: {  	[spmem:s1] =	stream.indirect.scatter.add.f32 [tilespmem:s19], [sflag:$0x5], $0x80, s11, s10, $0xb8;
	[tilespmem:$0x1E800] =	vst v63  }
0x5a: {  	s0 =	sor.u32 s0, s2;
	_ =	swait.ge [sflag:s31], $0x2800  }
0x5b: {  	s0 =	sshrl.u32 s0, $0x3;
	[sflag:s31] =	ssyncset.done $0x0  }
0x5c: {  	s0 =	sadd.s32 s6, s0;
	[sflag:s31] =	ssyncadd.s32 $0xFFFFD800  }
0x5d: {  	[tilespmem:s11], [sflag:$0xD] =	stream.linear.gather [hbm4b:s0+s3], $0x80, $0x38;
	[tilespmem:$0x1E800] =	vst v63  }
0x5e: {  	_ =	swait.ge [sflag:s14], $0x50  }
0x5f: {  	[sflag:s14] =	ssyncset.done $0x0  }
0x60: {  	s11 =	simm.s32 $0x2;
	[sflag:s14] =	ssyncadd.s32 $0xFFFFFFB0  }
0x61: {  	[tilespmem:s19], [sflag:$0x1] =	stream.indirect.gather [hbm4b:s4+s10], $0x80, s9, s10, $0xb8;
	[tilespmem:$0x1E800] =	vst v63  }
0x62: {  	_ =	swait.ge [sflag:s11], $0x2800  }
0x63: {  	[sflag:s11] =	ssyncset.done $0x0  }
0x64: {  	s14 =	simm.s32 $0xE;
	[sflag:s11] =	ssyncadd.s32 $0xFFFFD800;
	s11 =	rddreg [dreg:$0x12]  }
0x65: {  	[tilespmem:s15], [sflag:$0xA] =	stream.linear.gather [hbm4b:s11+s3], $0x50, $0x38;
	[tilespmem:$0x1E800] =	vst v63  }
0x66: {  	s28 =	simm.s32 $0x6;
	s19 =	simm.s32 $0x280;
	_ =	swait.ge [sflag:s14], $0x80  }
0x67: {  	s5 =	smov.u32 s1;
	s25 =	sand.u32 $0x7C00, s19;
	[sflag:s14] =	ssyncset.done $0x0  }
0x68: {  	s0 =	sand.u32 $0x280, s19;
	s2 =	sadd.s32 s12, s25;
	[sflag:s14] =	ssyncadd.s32 $0xFFFFFF80  }
0x69: {  	[spmem:s5] =	stream.indirect.scatter.add.f32 [tilespmem:s26], [sflag:$0x6], $0x80, s13, s10, $0xb8;
	[tilespmem:$0x1E800] =	vst v63  }
0x6a: {  	s0 =	sor.u32 s0, s2;
	_ =	swait.ge [sflag:s28], $0x2800  }
0x6b: {  	s0 =	sshrl.u32 s0, $0x3;
	[sflag:s28] =	ssyncset.done $0x0  }
0x6c: {  	s0 =	sadd.s32 s6, s0;
	[sflag:s28] =	ssyncadd.s32 $0xFFFFD800  }
0x6d: {  	[tilespmem:s13], [sflag:$0xE] =	stream.linear.gather [hbm4b:s0+s3], $0x80, $0x38;
	[tilespmem:$0x1E800] =	vst v63  }
0x6e: {  	_ =	swait.ge [sflag:s21], $0x50  }
0x6f: {  	[sflag:s21] =	ssyncset.done $0x0  }
0x70: {  	s9 =	simm.s32 $0x3;
	[sflag:s21] =	ssyncadd.s32 $0xFFFFFFB0  }
0x71: {  	[tilespmem:s26], [sflag:$0x2] =	stream.indirect.gather [hbm4b:s4+s10], $0x80, s15, s10, $0xb8;
	[tilespmem:$0x1E800] =	vst v63  }
0x72: {  	_ =	swait.ge [sflag:s9], $0x2800  }
0x73: {  	[sflag:s9] =	ssyncset.done $0x0  }
0x74: {  	s13 =	simm.s32 $0xF;
	[sflag:s9] =	ssyncadd.s32 $0xFFFFD800;
	s9 =	rddreg [dreg:$0x13]  }
0x75: {  	[tilespmem:s16], [sflag:$0xB] =	stream.linear.gather [hbm4b:s9+s3], $0x50, $0x38;
	[tilespmem:$0x1E800] =	vst v63  }
0x76: {  	s14 =	simm.s32 $0x300;
	_ =	swait.ge [sflag:s13], $0x80  }
0x77: {  	s19 =	simm.s32 $0x7;
	s15 =	sand.u32 $0x7C00, s14;
	[sflag:s13] =	ssyncset.done $0x0  }
0x78: {  	s0 =	sand.u32 $0x300, s14;
	s2 =	sadd.s32 s12, s15;
	[sflag:s13] =	ssyncadd.s32 $0xFFFFFF80  }
0x79: {  	[spmem:s5] =	stream.indirect.scatter.add.f32 [tilespmem:s23], [sflag:$0x7], $0x80, s8, s10, $0xb8;
	[tilespmem:$0x1E800] =	vst v63  }
0x7a: {  	s0 =	sor.u32 s0, s2;
	_ =	swait.ge [sflag:s19], $0x2800  }
0x7b: {  	s0 =	sshrl.u32 s0, $0x3;
	[sflag:s19] =	ssyncset.done $0x0  }
0x7c: {  	s0 =	sadd.s32 s6, s0;
	[sflag:s19] =	ssyncadd.s32 $0xFFFFD800  }
0x7d: {  	[tilespmem:s8], [sflag:$0xF] =	stream.linear.gather [hbm4b:s0+s3], $0x80, $0x38;
	[tilespmem:$0x1E800] =	vst v63  }
0x7e: {  	_ =	swait.ge [sflag:s17], $0x50  }
0x7f: {  	[sflag:s17] =	ssyncset.done $0x0  }
0x80: {  	s21 =	simm.s32 $0x4;
	[sflag:s17] =	ssyncadd.s32 $0xFFFFFFB0  }
0x81: {  	[tilespmem:s23], [sflag:$0x3] =	stream.indirect.gather [hbm4b:s4+s10], $0x80, s16, s10, $0xb8;
	[tilespmem:$0x1E800] =	vst v63  }
0x82: {  	_ =	swait.ge [sflag:s21], $0x2800  }
0x83: {  	s29 =	simm.s32 $0x1;
	s30 =	simm.s32 $0xD;
	[sflag:s21] =	ssyncset.done $0x0  }
0x84: {  	s19 =	simm.s32 $0x10;
	s23 =	rddreg [dreg:$0x14];
	[sflag:s21] =	ssyncadd.s32 $0xFFFFD800  }
0x85: {  	[tilespmem:s24], [sflag:$0xC] =	stream.linear.gather [hbm4b:s23+s3], $0x50, $0x38;
	[tilespmem:$0x1E800] =	vst v63  }
0x86: {  	s28 =	simm.s32 $0x1C000;
	s24 =	simm.s32 $0x380;
	_ =	swait.ge [sflag:s19], $0x80  }
0x87: {  	s8 =	simm.s32 $0x8;
	s26 =	sand.u32 $0x7C00, s24;
	[sflag:s19] =	ssyncset.done $0x0  }
0x88: {  	s0 =	sand.u32 $0x380, s24;
	s2 =	sadd.s32 s12, s26;
	[sflag:s19] =	ssyncadd.s32 $0xFFFFFF80  }
0x89: {  	[spmem:s5] =	stream.indirect.scatter.add.f32 [tilespmem:s28], [sflag:$0x8], $0x80, s22, s10, $0xb8;
	[tilespmem:$0x1E800] =	vst v63  }
0x8a: {  	s31 =	simm.s32 $0x580;
	s0 =	sor.u32 s0, s2;
	_ =	swait.ge [sflag:s8], $0x2800  }
0x8b: {  	s25 =	simm.s32 $0x9;
	s0 =	sshrl.u32 s0, $0x3;
	[sflag:s8] =	ssyncset.done $0x0  }
0x8c: {  	s17 =	simm.s32 $0xB;
	s0 =	sadd.s32 s6, s0;
	[sflag:s8] =	ssyncadd.s32 $0xFFFFD800  }
0x8d: {  	[tilespmem:s22], [sflag:$0x10] =	stream.linear.gather [hbm4b:s0+s3], $0x80, $0x38;
	[tilespmem:$0x1E800] =	vst v63  }
0x8e: {  	s21 =	simm.s32 $0xA;
	s26 =	simm.s32 $0xC;
	_ =	swait.ge [sflag:s18], $0x50  }
0x8f: {  	s2 =	sadd.s32 $0x28, s23;
	s0 =	sadd.s32 $0x28, s9;
	[sflag:s18] =	ssyncset.done $0x0  }
.LBB2_4:
0x90: {  	[sflag:s26] =	ssyncadd.s32 $0xFFFFFFB0  }
0x91: {  	s7 =	sadd.s32 $0x140, s7;
	s11 =	sadd.s32 $0x28, s11;
	s15 =	smov.u32 s31  }
0x92: {  	s28 =	simm.s32 $0x1C000;
	s23 =	simm.s32 $0x14580;
	p0 =	sne.s32 s31, $0x3D80  }
0x93: {  	[tilespmem:s28], [sflag:$0x4] =	stream.indirect.gather [hbm4b:s4+s10], $0x80, s23, s10, $0xb8;
	[tilespmem:$0x1E800] =	vst v63  }
0x94: {  	s31 =	sadd.s32 $0x200, s31;
	s18 =	sshrl.u32 s7, $0x3;
	_ =	swait.ge [sflag:s29], $0x2800  }
0x95: {  	s1 =	simm.s32 $0x14400;
	s18 =	sadd.s32 s20, s18;
	[sflag:s29] =	ssyncset.done $0x0  }
0x96: {  	s9 =	smov.u32 s20;
	s14 =	simm.s32 $0x14600;
	[sflag:s29] =	ssyncadd.s32 $0xFFFFD800  }
0x97: {  	[tilespmem:s1], [sflag:$0x9] =	stream.linear.gather [hbm4b:s18+s3], $0x50, $0x38;
	[tilespmem:$0x1E800] =	vst v63  }
0x98: {  	s24 =	simm.s32 $0x14800;
	s18 =	sadd.s32 $0xFFFFFE80, s15;
	_ =	swait.ge [sflag:s30], $0x80  }
0x99: {  	s20 =	sand.u32 $0x7C00, s18;
	s18 =	sand.u32 $0x200, s18;
	[sflag:s30] =	ssyncset.done $0x0  }
0x9a: {  	s13 =	simm.s32 $0x5;
	s20 =	sadd.s32 s12, s20;
	[sflag:s30] =	ssyncadd.s32 $0xFFFFFF80  }
0x9b: {  	[spmem:s5] =	stream.indirect.scatter.add.f32 [tilespmem:s24], [sflag:$0x5], $0x80, s14, s10, $0xb8;
	[tilespmem:$0x1E800] =	vst v63  }
0x9c: {  	s18 =	sor.u32 s18, s20;
	_ =	swait.ge [sflag:s13], $0x2800  }
0x9d: {  	s18 =	sshrl.u32 s18, $0x3;
	[sflag:s13] =	ssyncset.done $0x0  }
0x9e: {  	s18 =	sadd.s32 s6, s18;
	[sflag:s13] =	ssyncadd.s32 $0xFFFFD800  }
0x9f: {  	[tilespmem:s14], [sflag:$0xD] =	stream.linear.gather [hbm4b:s18+s3], $0x80, $0x38;
	[tilespmem:$0x1E800] =	vst v63  }
0xa0: {  	_ =	swait.ge [sflag:s25], $0x50  }
0xa1: {  	[sflag:s25] =	ssyncset.done $0x0  }
0xa2: {  	s14 =	simm.s32 $0x2;
	[sflag:s25] =	ssyncadd.s32 $0xFFFFFFB0  }
0xa3: {  	[tilespmem:s24], [sflag:$0x1] =	stream.indirect.gather [hbm4b:s4+s10], $0x80, s1, s10, $0xb8;
	[tilespmem:$0x1E800] =	vst v63  }
0xa4: {  	_ =	swait.ge [sflag:s14], $0x2800  }
0xa5: {  	s16 =	simm.s32 $0x14480;
	[sflag:s14] =	ssyncset.done $0x0  }
0xa6: {  	s18 =	sadd.s32 $0xFFFFFF00, s15;
	s1 =	simm.s32 $0xE;
	[sflag:s14] =	ssyncadd.s32 $0xFFFFD800  }
0xa7: {  	[tilespmem:s16], [sflag:$0xA] =	stream.linear.gather [hbm4b:s11+s3], $0x50, $0x38;
	[tilespmem:$0x1E800] =	vst v63  }
0xa8: {  	s20 =	sand.u32 $0x7C00, s18;
	s18 =	sand.u32 $0x280, s18;
	_ =	swait.ge [sflag:s1], $0x80  }
0xa9: {  	s20 =	sadd.s32 s12, s20;
	s24 =	simm.s32 $0x17000;
	[sflag:s1] =	ssyncset.done $0x0  }
0xaa: {  	s14 =	simm.s32 $0x14680;
	[sflag:s1] =	ssyncadd.s32 $0xFFFFFF80;
	s1 =	simm.s32 $0x6  }
0xab: {  	[spmem:s5] =	stream.indirect.scatter.add.f32 [tilespmem:s24], [sflag:$0x6], $0x80, s14, s10, $0xb8;
	[tilespmem:$0x1E800] =	vst v63  }
0xac: {  	s18 =	sor.u32 s18, s20;
	_ =	swait.ge [sflag:s1], $0x2800  }
0xad: {  	s18 =	sshrl.u32 s18, $0x3;
	[sflag:s1] =	ssyncset.done $0x0  }
0xae: {  	s13 =	simm.s32 $0x14680;
	s18 =	sadd.s32 s6, s18;
	[sflag:s1] =	ssyncadd.s32 $0xFFFFD800  }
0xaf: {  	[tilespmem:s14], [sflag:$0xE] =	stream.linear.gather [hbm4b:s18+s3], $0x80, $0x38;
	[tilespmem:$0x1E800] =	vst v63  }
0xb0: {  	_ =	swait.ge [sflag:s21], $0x50  }
0xb1: {  	[sflag:s21] =	ssyncset.done $0x0  }
0xb2: {  	s1 =	simm.s32 $0x3;
	s14 =	simm.s32 $0x17000;
	[sflag:s21] =	ssyncadd.s32 $0xFFFFFFB0  }
0xb3: {  	[tilespmem:s24], [sflag:$0x2] =	stream.indirect.gather [hbm4b:s4+s10], $0x80, s16, s10, $0xb8;
	[tilespmem:$0x1E800] =	vst v63  }
0xb4: {  	_ =	swait.ge [sflag:s1], $0x2800  }
0xb5: {  	s18 =	sadd.s32 $0xFFFFFF80, s15;
	[sflag:s1] =	ssyncset.done $0x0  }
0xb6: {  	s16 =	simm.s32 $0x14500;
	[sflag:s1] =	ssyncadd.s32 $0xFFFFD800;
	s1 =	simm.s32 $0xF  }
0xb7: {  	[tilespmem:s16], [sflag:$0xB] =	stream.linear.gather [hbm4b:s0+s3], $0x50, $0x38;
	[tilespmem:$0x1E800] =	vst v63  }
0xb8: {  	s22 =	simm.s32 $0x14700;
	s20 =	sand.u32 $0x7C00, s18;
	_ =	swait.ge [sflag:s1], $0x80  }
0xb9: {  	s18 =	sand.u32 $0x300, s18;
	s20 =	sadd.s32 s12, s20;
	[sflag:s1] =	ssyncset.done $0x0  }
0xba: {  	s24 =	simm.s32 $0x7;
	[sflag:s1] =	ssyncadd.s32 $0xFFFFFF80;
	s1 =	simm.s32 $0x19800  }
0xbb: {  	[spmem:s5] =	stream.indirect.scatter.add.f32 [tilespmem:s1], [sflag:$0x7], $0x80, s22, s10, $0xb8;
	[tilespmem:$0x1E800] =	vst v63  }
0xbc: {  	s18 =	sor.u32 s18, s20;
	s20 =	smov.u32 s9;
	_ =	swait.ge [sflag:s24], $0x2800  }
0xbd: {  	s18 =	sshrl.u32 s18, $0x3;
	[sflag:s24] =	ssyncset.done $0x0  }
0xbe: {  	s18 =	sadd.s32 s6, s18;
	[sflag:s24] =	ssyncadd.s32 $0xFFFFD800;
	s24 =	simm.s32 $0x14700  }
0xbf: {  	[tilespmem:s22], [sflag:$0xF] =	stream.linear.gather [hbm4b:s18+s3], $0x80, $0x38;
	[tilespmem:$0x1E800] =	vst v63  }
0xc0: {  	_ =	swait.ge [sflag:s17], $0x50  }
0xc1: {  	[sflag:s17] =	ssyncset.done $0x0  }
0xc2: {  	[sflag:s17] =	ssyncadd.s32 $0xFFFFFFB0  }
0xc3: {  	[tilespmem:s1], [sflag:$0x3] =	stream.indirect.gather [hbm4b:s4+s10], $0x80, s16, s10, $0xb8;
	[tilespmem:$0x1E800] =	vst v63  }
0xc4: {  	s9 =	simm.s32 $0x19800;
	s1 =	simm.s32 $0x4  }
0xc5: {  	_ =	swait.ge [sflag:s1], $0x2800  }
0xc6: {  	[sflag:s1] =	ssyncset.done $0x0  }
0xc7: {  	s16 =	simm.s32 $0x14580;
	[sflag:s1] =	ssyncadd.s32 $0xFFFFD800  }
0xc8: {  	[tilespmem:s23], [sflag:$0xC] =	stream.linear.gather [hbm4b:s2+s3], $0x50, $0x38;
	[tilespmem:$0x1E800] =	vst v63  }
0xc9: {  	_ =	swait.ge [sflag:s19], $0x80  }
0xca: {  	s18 =	sand.u32 $0x7C00, s15;
	s15 =	sand.u32 $0x380, s15;
	[sflag:s19] =	ssyncset.done $0x0  }
0xcb: {  	s18 =	sadd.s32 s12, s18;
	s1 =	simm.s32 $0x14780;
	[sflag:s19] =	ssyncadd.s32 $0xFFFFFF80  }
0xcc: {  	[spmem:s5] =	stream.indirect.scatter.add.f32 [tilespmem:s28], [sflag:$0x8], $0x80, s1, s10, $0xb8;
	[tilespmem:$0x1E800] =	vst v63  }
0xcd: {  	s15 =	sor.u32 s15, s18;
	_ =	swait.ge [sflag:s8], $0x2800  }
.Ltmp1:
0xce: {  	s15 =	sshrl.u32 s15, $0x3;
	[sflag:s8] =	ssyncset.done $0x0;
	(pc) =	sbr.rel @p0 .LBB2_4-.Ltmp1, $4  }
0xcf: {  	s18 =	simm.s32 $0x14780;
	s15 =	sadd.s32 s6, s15;
	[sflag:s8] =	ssyncadd.s32 $0xFFFFD800  }
0xd0: {  	[tilespmem:s1], [sflag:$0x10] =	stream.linear.gather [hbm4b:s15+s3], $0x80, $0x38;
	[tilespmem:$0x1E800] =	vst v63  }
0xd1: {  	_ =	swait.ge [sflag:s26], $0x50  }
0xd2: {  	s0 =	sadd.s32 $0x28, s0;
	s2 =	sadd.s32 $0x28, s2;
	[sflag:s26] =	ssyncset.done $0x0  }
0xd3: {  	[sflag:s26] =	ssyncadd.s32 $0xFFFFFFB0;
	s11 =	simm.s32 $0x1C000  }
0xd4: {  	[tilespmem:s11], [sflag:$0x4] =	stream.indirect.gather [hbm4b:s4+s10], $0x80, s16, s10, $0xb8;
	[tilespmem:$0x1E800] =	vst v63  }
0xd5: {  	_ =	swait.ge [sflag:s29], $0x2800  }
0xd6: {  	[sflag:s29] =	ssyncset.done $0x0  }
0xd7: {  	s1 =	simm.s32 $0x14400;
	s0 =	rddreg [dreg:$0xd];
	[sflag:s29] =	ssyncadd.s32 $0xFFFFD800  }
0xd8: {  	[tilespmem:s1], [sflag:$0x9] =	stream.linear.gather [hbm4b:s0+s3], $0x50, $0x38;
	[tilespmem:$0x1E800] =	vst v63  }
0xd9: {  	_ =	swait.ge [sflag:s30], $0x80  }
0xda: {  	s2 =	simm.s32 $0x14600;
	[sflag:s30] =	ssyncset.done $0x0  }
0xdb: {  	s7 =	simm.s32 $0x14800;
	s15 =	simm.s32 $0x5;
	[sflag:s30] =	ssyncadd.s32 $0xFFFFFF80  }
0xdc: {  	[spmem:s5] =	stream.indirect.scatter.add.f32 [tilespmem:s7], [sflag:$0x5], $0x80, s2, s10, $0xb8;
	[tilespmem:$0x1E800] =	vst v63  }
0xdd: {  	_ =	swait.ge [sflag:s15], $0x2800  }
0xde: {  	[sflag:s15] =	ssyncset.done $0x0  }
0xdf: {  	s23 =	rddreg [dreg:$0xe];
	[sflag:s15] =	ssyncadd.s32 $0xFFFFD800  }
0xe0: {  	[tilespmem:s2], [sflag:$0xD] =	stream.linear.gather [hbm4b:s23+s3], $0x80, $0x38;
	[tilespmem:$0x1E800] =	vst v63  }
0xe1: {  	_ =	swait.ge [sflag:s25], $0x50  }
0xe2: {  	[sflag:s25] =	ssyncset.done $0x0  }
0xe3: {  	s26 =	simm.s32 $0x2;
	[sflag:s25] =	ssyncadd.s32 $0xFFFFFFB0  }
0xe4: {  	[tilespmem:s7], [sflag:$0x1] =	stream.indirect.gather [hbm4b:s4+s10], $0x80, s1, s10, $0xb8;
	[tilespmem:$0x1E800] =	vst v63  }
0xe5: {  	_ =	swait.ge [sflag:s26], $0x2800  }
0xe6: {  	[sflag:s26] =	ssyncset.done $0x0  }
0xe7: {  	s1 =	simm.s32 $0xE;
	[sflag:s26] =	ssyncadd.s32 $0xFFFFD800  }
0xe8: {  	_ =	swait.ge [sflag:s1], $0x80  }
0xe9: {  	[sflag:s1] =	ssyncset.done $0x0  }
0xea: {  	[sflag:s1] =	ssyncadd.s32 $0xFFFFFF80  }
0xeb: {  	[spmem:s5] =	stream.indirect.scatter.add.f32 [tilespmem:s14], [sflag:$0x6], $0x80, s13, s10, $0xb8;
	[tilespmem:$0x1E800] =	vst v63  }
0xec: {  	s13 =	simm.s32 $0x6  }
0xed: {  	_ =	swait.ge [sflag:s13], $0x2800  }
0xee: {  	[sflag:s13] =	ssyncset.done $0x0  }
0xef: {  	s14 =	simm.s32 $0x3;
	[sflag:s13] =	ssyncadd.s32 $0xFFFFD800  }
0xf0: {  	_ =	swait.ge [sflag:s14], $0x2800  }
0xf1: {  	[sflag:s14] =	ssyncset.done $0x0  }
0xf2: {  	s16 =	simm.s32 $0xF;
	[sflag:s14] =	ssyncadd.s32 $0xFFFFD800  }
0xf3: {  	_ =	swait.ge [sflag:s16], $0x80  }
0xf4: {  	[sflag:s16] =	ssyncset.done $0x0  }
0xf5: {  	s17 =	simm.s32 $0x7;
	[sflag:s16] =	ssyncadd.s32 $0xFFFFFF80  }
0xf6: {  	[spmem:s5] =	stream.indirect.scatter.add.f32 [tilespmem:s9], [sflag:$0x7], $0x80, s24, s10, $0xb8;
	[tilespmem:$0x1E800] =	vst v63  }
0xf7: {  	_ =	swait.ge [sflag:s17], $0x2800  }
0xf8: {  	[sflag:s17] =	ssyncset.done $0x0  }
0xf9: {  	s21 =	simm.s32 $0x4;
	[sflag:s17] =	ssyncadd.s32 $0xFFFFD800  }
0xfa: {  	_ =	swait.ge [sflag:s21], $0x2800  }
0xfb: {  	[sflag:s21] =	ssyncset.done $0x0  }
0xfc: {  	[sflag:s21] =	ssyncadd.s32 $0xFFFFD800  }
0xfd: {  	_ =	swait.ge [sflag:s19], $0x80  }
0xfe: {  	[sflag:s19] =	ssyncset.done $0x0  }
0xff: {  	[sflag:s19] =	ssyncadd.s32 $0xFFFFFF80  }
0x100: {  	[spmem:s5] =	stream.indirect.scatter.add.f32 [tilespmem:s11], [sflag:$0x8], $0x80, s18, s10, $0xb8;
	[tilespmem:$0x1E800] =	vst v63  }
0x101: {  	_ =	swait.ge [sflag:s8], $0x2800  }
0x102: {  	[sflag:s8] =	ssyncset.done $0x0  }
0x103: {  	[sflag:s8] =	ssyncadd.s32 $0xFFFFD800  }
0x104: {  	_ =	swait.ge [sflag:s29], $0x2800  }
0x105: {  	[sflag:s29] =	ssyncset.done $0x0  }
0x106: {  	[sflag:s29] =	ssyncadd.s32 $0xFFFFD800  }
0x107: {  	_ =	swait.ge [sflag:s30], $0x80  }
0x108: {  	[sflag:s30] =	ssyncset.done $0x0  }
0x109: {  	[sflag:s30] =	ssyncadd.s32 $0xFFFFFF80  }
0x10a: {  	[spmem:s5] =	stream.indirect.scatter.add.f32 [tilespmem:s7], [sflag:$0x5], $0x80, s2, s10, $0xb8;
	[tilespmem:$0x1E800] =	vst v63  }
0x10b: {  	_ =	swait.ge [sflag:s15], $0x2800  }
0x10c: {  	[sflag:s15] =	ssyncset.done $0x0  }
0x10d: {  	[sflag:s15] =	ssyncadd.s32 $0xFFFFD800  }
0x10e: {  	s22 =	stileid.u32;
	s28 =	simm.s32 $0x11;
	[bflag:$0x0] =	sbarrier.arrive $0xFFFF  }
0x10f: {  	s31 =	simm.s32 $0x5;
	s0 =	sshll.u32 s22, $0x6;
	s7 =	rddreg [dreg:$0xc]  }
0x110: {  	s0 =	sor.u32 $0x1C11, s0;
	s24 =	rddreg [dreg:$0xf];
	s23 =	sshrl.u32 s7, $0x3  }
0x111: {  	[hbm:s24], [sflag:s0] =	dma.local [spmem:s23], $0x2800  }
0x112: {  	s22 =	simm.s32 $0x14780;
	s1 =	smov.u32 s5;
	_ =	swait.ge [sflag:s28], $0x2800  }
0x113: {  	s13 =	simm.s32 $0x14680;
	s14 =	simm.s32 $0x9;
	s25 =	rddreg [dreg:$0x15]  }
0x114: {  	s16 =	simm.s32 $0x14500;
	s26 =	rddreg [dreg:$0x10];
	s2 =	sadd.s32 $0x1, s25  }
0x115: {  	s9 =	simm.s32 $0x14400;
	s17 =	simm.s32 $0xB;
	p0 =	sne.s32 s2, s26  }
.Ltmp2:
0x116: {  	s21 =	simm.s32 $0xA;
	s19 =	simm.s32 $0x14800;
	(pc) =	sbr.rel @p0 .LBB2_1-.Ltmp2, $4  }
0x117: {  	s11 =	simm.s32 $0x14600;
	s18 =	simm.s32 $0xC;
	s8 =	simm.s32 $0x14700  }
0x118: {  	s29 =	simm.s32 $0x1;
	s30 =	simm.s32 $0xD;
	s15 =	simm.s32 $0x14480  }
0x119: {  	s24 =	simm.s32 $0x14580;
	s23 =	simm.s32 $0x19800;
	[sflag:s28] =	ssyncset.done $0x0  }
0x11a: {  	[sflag:s28] =	ssyncadd.s32 $0xFFFFD800;
	s25 =	simm.s32 $0x14000;
	s26 =	simm.s32 $0x17000  }
0x11b: {  	_ =	sfence.sel $0x180000  }
0x11c: {  	[bflag:$0x0] =	sbarrier.arrive $0xFFFF  }
0x11d: {  	_ =	strace $0x9000004A  }
0x11e: {  	s0 =	stileid.u32;
	[bflag:$0x2] =	sbarrier.arrive $0xFFFF  }
0x11f: {  	p0 =	sne.s32 s0, $0x0;
	s0 =	rddreg [dreg:$0x2]  }
0x120: {  	s0 =	sadd.s32 @!p0 $0x100000, s0  }
0x121: {  	[sflag:s0] =	ssyncadd.tile.s32 @!p0 $0x1;
	_ =	shalt  }
.Lfunc_end2:
_tile_overlayer_lowered:
.L_overlay_start_2:
0x122: {  	(tag) =	ssettag $0x2  }
0x123: {  	s0 =	rddreg [dreg:$0x0];
	s2 =	stileid.u32  }
0x124: {  	s1 =	rddreg [dreg:$0x1];
	p0 =	sne.s32 s2, $0x0  }
0x125: {  	s3 =	rddreg [dreg:$0x2];
	[bflag:$0x3] =	sbarrier.arrive $0xFFFF;
	s2 =	simm.s32 @!p0 $0x1C11  }
0x126: {  	[timem:s3], [sflag:s2] =	dma.local @!p0 [hbm:s0], s1  }
0x127: {  	s0 =	simm.s32 @!p0 $0x11  }
0x128: {  	_ =	swait.ge @!p0 [sflag:s0], s1  }
0x129: {  	s1 =	ssub.s32 @!p0 $0x0, s1;
	[sflag:s0] =	ssyncset.done @!p0 $0x0  }
0x12a: {  	[sflag:s0] =	ssyncadd.s32 @!p0 s1  }
0x12b: {  	[bflag:$0x3] =	sbarrier.arrive $0xFFFF  }
0x12c: {  	_ =	shalt  }

// kernel: kernel.16.cloned.1.call-start
scs
__scs_entry_jumppad:
0x0: {  	(pc) =	sbr.rel $0x88, $3  }
0x1: {  	(tag) =	ssettag $0x0;
	lr =	simm.s32 $0x1  }
0x2: {  	[smem:$0x3F92] =	sst lr;
	_ =	strace $0xD0000000  }
0x3: {  	_ = 	snop  }
0x4: {  	_ = 	snop  }
0x5: {  	_ = 	snop  }
0x6: {  	_ = 	snop  }
0x7: {  	_ = 	snop  }
__scs_overlays_trampoline_lowered:
0x8: {  	[smem:$0x3FA1] =	sst s0  }
0x9: {  	[smem:$0x3FA2] =	sst s1  }
0xa: {  	[smem:$0x3FA3] =	sst s2  }
0xb: {  	[smem:$0x3FA4] =	sst s3  }
0xc: {  	[smem:$0x3FA5] =	sst s4  }
0xd: {  	[smem:$0x3FA6] =	sst s5  }
0xe: {  	[smem:$0x3FA7] =	sst s6  }
0xf: {  	[smem:$0x3FA8] =	sst s7  }
0x10: {  	[smem:$0x3FA9] =	sst s8  }
0x11: {  	[smem:$0x3FAA] =	sst s9;
	s0 =	simm.s32 @!p0 $0x0  }
0x12: {  	s1 =	sld [smem:$0x3F90];
	s0 =	simm.s32 @p0 $0x1  }
0x13: {  	[smem:$0x3FAB] =	sst s0;
	s0 =	simm.s32 @!p1 $0x0  }
0x14: {  	s2 =	sld [smem:$0x3F8F];
	s0 =	simm.s32 @p1 $0x1  }
0x15: {  	[smem:$0x3FAC] =	sst s0;
	s0 =	simm.s32 @!p2 $0x0  }
0x16: {  	s3 =	sld [smem:$0x3FDB];
	s0 =	simm.s32 @p2 $0x1  }
0x17: {  	s4 =	simm.s32 $0x1BF5;
	[smem:$0x3FAE] =	sst s0  }
0x18: {  	s0 =	sld [smem:$0x3F91];
	_ =	swait.ge [sflag:s4], $0x0  }
0x19: {  	s7 =	sld [smem:$0x3F92]  }
0x1a: {  	s8 =	sadd.s32 $0xFFFFE003, lr  }
0x1b: {  	s9 =	sadd.s32 $0xFFFFFEF7, lr;
	s5 =	simm.s32 $0xFFFFFFFF;
	p2 =	slt.u32 s8, $0xFFFFF086  }
0x1c: {  	p1 =	slt.u32 s9, $0xF7A;
	s5 =	simm.s32 @!p2 $0x0  }
0x1d: {  	s5 =	simm.s32 @p1 $0x1;
	p0 =	seq.s32 s7, s2  }
0x1e: {  	s7 =	smul.u32 @!p0 $0xF7A, s2;
	p2 =	seq.s32 @!p0 s5, $0x0  }
0x1f: {  	s9 =	smul.u32 $0xF7A, s1;
	s8 =	simm.s32 @!p0 $0x1BF5;
	p2 =	por !p2, p0  }
0x20: {  	[sflag:s8] =	ssyncset.s32 @!p0 $0xFFFFF086;
	s6 =	sadd.s32 @!p0 s3, s7;
	s7 =	simm.s32 @!p0 $0x108  }
0x21: {  	s3 =	sadd.s32 s3, s9;
	s6 =	sadd.s32 @!p0 $0x88, s6;
	s7 =	simm.s32 @p2 $0x1082  }
0x22: {  	[simem:s7], [sflag:s8] =	dma.local @!p0 [hbm:s6], $0xF7A  }
0x23: {  	s9 =	sor.u32 $0xD0000000, s2;
	s6 =	simm.s32 $0x108;
	_ =	swait.ge @!p0 [sflag:s8], $0x0  }
0x24: {  	s3 =	sadd.s32 $0x88, s3;
	s6 =	simm.s32 @!p1 $0x1082;
	[sflag:s4] =	ssyncset.s32 $0xFFFFF086  }
0x25: {  	[simem:s6], [sflag:s4] =	dma.local [hbm:s3], $0xF7A  }
0x26: {  	[smem:$0x3F92] =	sst s1;
	(tag) =	ssettag s2;
	_ =	strace s9  }
0x27: {  	s1 =	sld [smem:$0x3FA2]  }
0x28: {  	s2 =	sld [smem:$0x3FA3]  }
0x29: {  	s4 =	sld [smem:$0x3FA5]  }
0x2a: {  	p0 =	seq.s32 s5, $0x0;
	s5 =	sld [smem:$0x3FA6]  }
0x2b: {  	s6 =	sld [smem:$0x3FA7]  }
0x2c: {  	s7 =	sld [smem:$0x3FA8]  }
0x2d: {  	s3 =	simm.s32 $0x108;
	s8 =	sld [smem:$0x3FA9]  }
0x2e: {  	s3 =	simm.s32 @!p0 $0x1082;
	s9 =	sld [smem:$0x3FAA]  }
0x2f: {  	lr =	sadd.s32 s0, s3;
	s0 =	sld [smem:$0x3FA1]  }
0x30: {  	s3 =	sld [smem:$0x3FA4]  }
0x31: {  	[smem:$0x3FAD] =	sst s10  }
0x32: {  	s10 =	sld [smem:$0x3FAB];
	_ =	sdelay $0x3  }
0x33: {  	p0 =	seq.s32 s10, $0x1;
	s10 =	sld [smem:$0x3FAD];
	_ =	sdelay $0x3  }
0x34: {  	[smem:$0x3FAD] =	sst s10  }
0x35: {  	s10 =	sld [smem:$0x3FAC];
	_ =	sdelay $0x3  }
0x36: {  	p1 =	seq.s32 s10, $0x1;
	s10 =	sld [smem:$0x3FAD];
	_ =	sdelay $0x3  }
0x37: {  	[smem:$0x3FAD] =	sst s10  }
0x38: {  	s10 =	sld [smem:$0x3FAE]  }
0x39: {  	_ = 	snop;
	(pc) =	sbr.ind lr, $3  }
0x3a: {  	_ = 	snop  }
0x3b: {  	_ = 	snop  }
0x3c: {  	p2 =	seq.s32 s10, $0x1;
	s10 =	sld [smem:$0x3FAD]  }
0x3d: {  	_ =	shalt  }
0x3e: {  	_ =	shalt  }
0x3f: {  	_ =	shalt  }
0x40: {  	_ =	shalt  }
0x41: {  	_ =	shalt  }
0x42: {  	_ =	shalt  }
0x43: {  	_ =	shalt  }
0x44: {  	_ =	shalt  }
0x45: {  	_ =	shalt  }
0x46: {  	_ =	shalt  }
0x47: {  	_ =	shalt  }
0x48: {  	_ =	shalt  }
0x49: {  	_ =	shalt  }
0x4a: {  	_ =	shalt  }
0x4b: {  	_ =	shalt  }
0x4c: {  	_ =	shalt  }
0x4d: {  	_ =	shalt  }
0x4e: {  	_ =	shalt  }
0x4f: {  	_ =	shalt  }
0x50: {  	_ =	shalt  }
0x51: {  	_ =	shalt  }
0x52: {  	_ =	shalt  }
0x53: {  	_ =	shalt  }
0x54: {  	_ =	shalt  }
0x55: {  	_ =	shalt  }
0x56: {  	_ =	shalt  }
0x57: {  	_ =	shalt  }
0x58: {  	_ =	shalt  }
0x59: {  	_ =	shalt  }
0x5a: {  	_ =	shalt  }
0x5b: {  	_ =	shalt  }
0x5c: {  	_ =	shalt  }
0x5d: {  	_ =	shalt  }
0x5e: {  	_ =	shalt  }
0x5f: {  	_ =	shalt  }
0x60: {  	_ =	shalt  }
0x61: {  	_ =	shalt  }
0x62: {  	_ =	shalt  }
0x63: {  	_ =	shalt  }
0x64: {  	_ =	shalt  }
0x65: {  	_ =	shalt  }
0x66: {  	_ =	shalt  }
0x67: {  	_ =	shalt  }
0x68: {  	_ =	shalt  }
0x69: {  	_ =	shalt  }
0x6a: {  	_ =	shalt  }
0x6b: {  	_ =	shalt  }
0x6c: {  	_ =	shalt  }
0x6d: {  	_ =	shalt  }
0x6e: {  	_ =	shalt  }
0x6f: {  	_ =	shalt  }
0x70: {  	_ =	shalt  }
0x71: {  	_ =	shalt  }
0x72: {  	_ =	shalt  }
0x73: {  	_ =	shalt  }
0x74: {  	_ =	shalt  }
0x75: {  	_ =	shalt  }
0x76: {  	_ =	shalt  }
0x77: {  	_ =	shalt  }
0x78: {  	_ =	shalt  }
0x79: {  	_ =	shalt  }
0x7a: {  	_ =	shalt  }
0x7b: {  	_ =	shalt  }
0x7c: {  	_ =	shalt  }
0x7d: {  	_ =	shalt  }
0x7e: {  	_ =	shalt  }
0x7f: {  	_ =	shalt  }
0x80: {  	_ =	shalt  }
0x81: {  	_ =	shalt  }
0x82: {  	_ =	shalt  }
0x83: {  	_ =	shalt  }
0x84: {  	_ =	shalt  }
0x85: {  	_ =	shalt  }
0x86: {  	_ =	shalt  }
0x87: {  	_ =	shalt  }
.Lfunc_end0:
.L_simem_size_0:
called_computation.2_lowered:
.L_overlay_start_0:
0x88: {  	s2 =	sld [smem:$0x3FD9]  }
0x89: {  	s3 =	sld [smem:$0x3FFE];
	_ =	sdelay $0x1  }
0x8a: {  	s1 =	srdreg.scid  }
0x8b: {  	s0 =	sand.u32 $0x1, s1  }
0x8c: {  	s16 =	sshll.u32 s0, $0xA;
	s2 =	sadd.s32 s3, s2  }
0x8d: {  	s2 =	sadd.s32 s2, s16  }
0x8e: {  	[smem:$0x3FB9] =	sst s2  }
0x8f: {  	_ = 	snop  }
0x90: {  	(tm) =	ssettm $0x1  }
0x91: {  	s17 =	sld [smem:$0x3FFB];
	_ =	sdelay $0x3  }
0x92: {  	_ =	strace s17  }
0x93: {  	s2 =	sld [smem:$0x3FFC];
	_ =	sdelay $0x3  }
0x94: {  	_ =	strace s2  }
0x95: {  	s2 =	sld [smem:$0x3FFD];
	_ =	sdelay $0x3  }
0x96: {  	_ =	strace s2  }
0x97: {  	_ =	strace $0x8FFFFFFF  }
0x98: {  	s18 =	sld [smem:$0x3FDB];
	_ =	sdelay $0x1  }
0x99: {  	s19 =	simm.s32 $_scs_section_size  }
0x9a: {  	s4 =	simm.s32 $_size__tile_overlayer_lowered;
	s5 =	simm.s32 $_tile_overlayer_lowered  }
0x9b: {  	s22 =	simm.s32 $0x1BFF;
	s21 =	sshll.u32 s5, $0x1;
	s2 =	sadd.s32 s19, s18  }
0x9c: {  	s6 =	simm.s32 $0x0;
	s20 =	sshll.u32 s4, $0x1;
	s4 =	sadd.s32 s21, s2  }
0x9d: {  	[timem:s6], [sflag:s22] =	dma.local [hbm:s4], s20  }
0x9e: {  	_ =	swait.ge [sflag:s22], s20  }
0x9f: {  	s3 =	ssub.s32 $0x0, s20;
	[sflag:s22] =	ssyncset.done $0x0  }
0xa0: {  	[sflag:s22] =	ssyncadd.s32 s3;
	_ =	sdelay $0x1  }
0xa1: {  	s23 =	simm.s32 $0x1B8B  }
0xa2: {  	_ =	swait.ge [sflag:s23], $0x1  }
0xa3: {  	[sflag:s23] =	ssyncset.done $0x0  }
0xa4: {  	s25 =	simm.s32 $0x1B8E;
	s24 =	sld [smem:$0x3FFE];
	[sflag:s23] =	ssyncadd.s32 $0xFFFFFFFF  }
0xa5: {  	s26 =	simm.s32 $execute0_lowered;
	[smem:$0x3FD2] =	sst s25  }
0xa6: {  	s4 =	sshll.u32 s26, $0x1;
	_ =	strace $0x8000004C;
	[dreg:$0x1] =	wrdreg $0xFFFFFFFF  }
0xa7: {  	s28 =	simm.s32 $_size_execute0_lowered;
	s2 =	sadd.s32 s2, s4;
	[dreg:$0x0] =	wrdreg $0x0  }
0xa8: {  	s4 =	sshll.u32 s28, $0x1;
	[dreg:$0x2] =	wrdreg s2  }
0xa9: {  	[dreg:$0x3] =	wrdreg s4  }
0xaa: {  	[dreg:$0x4] =	wrdreg $0xC0  }
0xab: {  	_ =	task [dreg:s6], $0x5FFFF  }
0xac: {  	[dreg:$0x1] =	wrdreg $0xFFFFFFFF  }
0xad: {  	[dreg:$0x0] =	wrdreg $0x60  }
0xae: {  	[dreg:$0x2] =	wrdreg s24  }
0xaf: {  	[dreg:$0x3] =	wrdreg $0x0  }
0xb0: {  	[dreg:$0x4] =	wrdreg $0x9  }
0xb1: {  	_ =	task.clear_ibuf [dreg:s6], $0x5FFFF;
	_ =	strace $0x9000004C  }
0xb2: {  	s29 =	simm.s32 $0x9;
	_ =	strace $0x8000004E  }
0xb3: {  	_ =	swait.ge [sflag:s29], $0x1  }
0xb4: {  	[sflag:s29] =	ssyncadd.s32 $0xFFFFFFFF  }
0xb5: {  	_ =	strace $0x9000004E  }
0xb6: {  	_ =	sfence  }
0xb7: {  	s30 =	sld [smem:$0x0];
	_ =	sdelay $0x2  }
0xb8: {  	s31 =	sshll.u32 s1, $0xD;
	s1 =	sshrl.u32 s1, $0x2  }
0xb9: {  	s3 =	sand.u32 $0x4000, s31;
	s1 =	sadd.s32 s1, s30  }
0xba: {  	s0 =	sor.u32 s3, s0;
	s1 =	sshll.u32 s1, $0x11  }
0xbb: {  	s0 =	sor.u32 s1, s0  }
0xbc: {  	s0 =	sadd.s32 $0x8F2B, s0  }
0xbd: {  	[sflag:s0] =	ssyncadd.remote.s32 $0x1  }
0xbe: {  	_ =	sfence.sel $0xFFFF  }
0xbf: {  	[dreg:$0x0] =	wrdreg $0xFFFFFFFF;
	(pc) =	sbr.abs _section_cstart, $3  }
0xc0: {  	[dreg:$0x1] =	wrdreg $0xFFFFFFFF  }
0xc1: {  	_ =	task.clear_ibuf [dreg:s6], $0x2FFFF;
	_ =	strace $0x9FFFFFFF  }
0xc2: {  	(tm) =	ssettm $0x7FFFFFFF  }
0xc3: {  	_ =	shalt  }
tec
execute0_lowered:
.L_overlay_start_1:
0x0: {  	(tag) =	ssettag $0x1  }
0x1: {  	s0 =	rddreg [dreg:$0x0]  }
0x2: {  	s1 =	rddreg [dreg:$0x1];
	s2 =	srdreg.scid;
	s3 =	simm.s32 $0x0  }
0x3: {  	s11 =	stileid.u32;
	s28 =	simm.s32 $0x11;
	s29 =	simm.s32 $0x1  }
0x4: {  	s30 =	simm.s32 $0xD;
	s31 =	simm.s32 $0x5;
	s7 =	smul.u32 $0x14000, s11  }
0x5: {  	s2 =	sand.u32 $0x1, s2;
	[smem:$0x7FF] =	sst s3;
	s15 =	smul.u32 $0x50000, s11  }
0x6: {  	s20 =	sadd.s32 $0x3A00, s0;
	s6 =	sadd.s32 $0xD800, s0;
	s19 =	smul.u32 $0x2710, s11  }
0x7: {  	s10 =	sadd.s32 $0x44A00, s0;
	s5 =	smul.u32 $0x140000, s2;
	s4 =	sshll.u32 s2, $0x4  }
0x8: {  	_ =	strace $0x8000004D;
	[dreg:$0x3] =	wrdreg s10;
	s23 =	ssub.s32 $0x2, s2  }
0x9: {  	s2 =	smul.u32 $0x27100, s2;
	s8 =	sor.u32 s11, s4;
	s4 =	sadd.s32 $0x1D800, s0  }
0xa: {  	s24 =	sshrl.u32 s23, $0x1;
	s11 =	simm.s32 $0x14600;
	s9 =	smul.u32 $0x2710, s8  }
0xb: {  	s5 =	sadd.s32 s7, s5;
	s25 =	ssub.s32 s23, s24;
	s13 =	sshll.u32 s8, $0xB  }
0xc: {  	s7 =	sshrl.u32 s15, $0x2;
	s23 =	sadd.s32 s19, s2;
	s15 =	simm.s32 $0x14480  }
0xd: {  	s19 =	simm.s32 $0x14800;
	s5 =	sshrl.u32 s5, $0x3;
	s14 =	sadd.s32 s6, s13  }
0xe: {  	s7 =	sadd.s32 s7, s1;
	s22 =	smax.u32 s25, $0x1;
	s2 =	sadd.s32 $0x140, s23  }
0xf: {  	s24 =	sadd.s32 $0x190, s23;
	s25 =	sadd.s32 $0x1E0, s23;
	[dreg:$0x8] =	wrdreg s14  }
0x10: {  	s13 =	simm.s32 $0x14680;
	s9 =	sshrl.u32 s9, $0x3;
	[dreg:$0x10] =	wrdreg s22  }
0x11: {  	s0 =	sadd.s32 s5, s0;
	s16 =	sadd.s32 $0x10, s14;
	[dreg:$0x11] =	wrdreg s2  }
0x12: {  	s17 =	sadd.s32 $0x20, s14;
	s18 =	sadd.s32 $0x30, s14;
	[dreg:$0xc] =	wrdreg s7  }
0x13: {  	s21 =	sadd.s32 $0x7C0, s14;
	s2 =	sshrl.u32 s24, $0x3;
	[dreg:$0x9] =	wrdreg s16  }
0x14: {  	s5 =	sshrl.u32 s25, $0x3;
	s24 =	simm.s32 $0x14580;
	[dreg:$0xa] =	wrdreg s17  }
0x15: {  	s22 =	simm.s32 $0x14780;
	s14 =	simm.s32 $0x9;
	[dreg:$0xb] =	wrdreg s18  }
0x16: {  	s25 =	simm.s32 $0x14000;
	s9 =	sadd.s32 s20, s9;
	[dreg:$0xe] =	wrdreg s21  }
0x17: {  	s0 =	sadd.s32 $0x44C00, s0;
	s2 =	sadd.s32 s2, s20;
	[dreg:$0x4] =	wrdreg s9  }
0x18: {  	s16 =	simm.s32 $0x14500;
	s21 =	simm.s32 $0xA;
	[dreg:$0xf] =	wrdreg s0  }
0x19: {  	s17 =	simm.s32 $0xB;
	s26 =	sadd.s32 $0xA, s9;
	[dreg:$0x12] =	wrdreg s2  }
0x1a: {  	s18 =	simm.s32 $0xC;
	s10 =	sadd.s32 $0x14, s9;
	[dreg:$0x5] =	wrdreg s26  }
0x1b: {  	s12 =	sadd.s32 $0x1E, s9;
	s9 =	sadd.s32 $0x4D8, s9;
	[dreg:$0x6] =	wrdreg s10  }
0x1c: {  	s0 =	sadd.s32 $0x230, s23;
	s23 =	simm.s32 $0x19800;
	[dreg:$0x7] =	wrdreg s12  }
0x1d: {  	s2 =	simm.s32 $0x0;
	s12 =	sshll.u32 s8, $0xE;
	[dreg:$0xd] =	wrdreg s9  }
0x1e: {  	s26 =	sadd.s32 s5, s20;
	s0 =	sshrl.u32 s0, $0x3;
	s9 =	simm.s32 $0x14400  }
0x1f: {  	s8 =	simm.s32 $0x14700;
	[dreg:$0x13] =	wrdreg s26;
	s0 =	sadd.s32 s0, s20  }
0x20: {  	s10 =	simm.s32 $0x50;
	s26 =	simm.s32 $0x17000;
	[dreg:$0x14] =	wrdreg s0  }
.LBB2_1:
0x21: {  	[dreg:$0x15] =	wrdreg s2  }
0x22: {  	s0 =	rddreg [dreg:$0x4]  }
0x23: {  	[tilespmem:s9], [sflag:$0x9] =	stream.linear.gather [hbm4b:s0+s3], $0x50, $0x38;
	[tilespmem:$0x1E800] =	vst v63  }
0x24: {  	s5 =	rddreg [dreg:$0x5]  }
0x25: {  	[tilespmem:s15], [sflag:$0xA] =	stream.linear.gather [hbm4b:s5+s3], $0x50, $0x38;
	[tilespmem:$0x1E800] =	vst v63  }
0x26: {  	s5 =	rddreg [dreg:$0x6]  }
0x27: {  	[tilespmem:s16], [sflag:$0xB] =	stream.linear.gather [hbm4b:s5+s3], $0x50, $0x38;
	[tilespmem:$0x1E800] =	vst v63  }
0x28: {  	s5 =	rddreg [dreg:$0x7]  }
0x29: {  	[tilespmem:s24], [sflag:$0xC] =	stream.linear.gather [hbm4b:s5+s3], $0x50, $0x38;
	[tilespmem:$0x1E800] =	vst v63  }
0x2a: {  	s5 =	rddreg [dreg:$0x8]  }
0x2b: {  	[tilespmem:s11], [sflag:$0xD] =	stream.linear.gather [hbm4b:s5+s3], $0x80, $0x38;
	[tilespmem:$0x1E800] =	vst v63  }
0x2c: {  	s5 =	rddreg [dreg:$0x9]  }
0x2d: {  	[tilespmem:s13], [sflag:$0xE] =	stream.linear.gather [hbm4b:s5+s3], $0x80, $0x38;
	[tilespmem:$0x1E800] =	vst v63  }
0x2e: {  	s5 =	rddreg [dreg:$0xa]  }
0x2f: {  	[tilespmem:s8], [sflag:$0xF] =	stream.linear.gather [hbm4b:s5+s3], $0x80, $0x38;
	[tilespmem:$0x1E800] =	vst v63  }
0x30: {  	s5 =	rddreg [dreg:$0xb]  }
0x31: {  	[tilespmem:s22], [sflag:$0x10] =	stream.linear.gather [hbm4b:s5+s3], $0x80, $0x38;
	[tilespmem:$0x1E800] =	vst v63  }
0x32: {  	_ =	swait.ge [sflag:s14], $0x50  }
0x33: {  	[sflag:s14] =	ssyncset.done $0x0  }
0x34: {  	[sflag:s14] =	ssyncadd.s32 $0xFFFFFFB0  }
0x35: {  	[tilespmem:s19], [sflag:$0x1] =	stream.indirect.gather [hbm4b:s4+s10], $0x80, s9, s10, $0xb8;
	[tilespmem:$0x1E800] =	vst v63  }
0x36: {  	_ =	swait.ge [sflag:s21], $0x50  }
0x37: {  	[sflag:s21] =	ssyncset.done $0x0  }
0x38: {  	[sflag:s21] =	ssyncadd.s32 $0xFFFFFFB0  }
0x39: {  	[tilespmem:s26], [sflag:$0x2] =	stream.indirect.gather [hbm4b:s4+s10], $0x80, s15, s10, $0xb8;
	[tilespmem:$0x1E800] =	vst v63  }
0x3a: {  	_ =	swait.ge [sflag:s17], $0x50  }
0x3b: {  	[sflag:s17] =	ssyncset.done $0x0  }
0x3c: {  	[sflag:s17] =	ssyncadd.s32 $0xFFFFFFB0  }
0x3d: {  	[tilespmem:s23], [sflag:$0x3] =	stream.indirect.gather [hbm4b:s4+s10], $0x80, s16, s10, $0xb8;
	[tilespmem:$0x1E800] =	vst v63  }
0x3e: {  	_ =	swait.ge [sflag:s18], $0x50  }
0x3f: {  	[sflag:s18] =	ssyncset.done $0x0  }
0x40: {  	s2 =	simm.s32 $0x1C000;
	[sflag:s18] =	ssyncadd.s32 $0xFFFFFFB0  }
0x41: {  	[tilespmem:s2], [sflag:$0x4] =	stream.indirect.gather [hbm4b:s4+s10], $0x80, s24, s10, $0xb8;
	[tilespmem:$0x1E800] =	vst v63  }
0x42: {  	s2 =	rddreg [dreg:$0x3]  }
0x43: {  	[tilespmem:s25], [sflag:$0x11] =	stream.linear.gather [hbm4b:s2+s3], $0x400, $0x38;
	[tilespmem:$0x1E800] =	vst v63  }
0x44: {  	_ =	swait.ge [sflag:s28], $0x400  }
0x45: {  	[sflag:s28] =	ssyncset.done $0x0  }
0x46: {  	s5 =	sadd.s32 $0x0, s7;
	[sflag:s28] =	ssyncadd.s32 $0xFFFFFC00  }
0x47: {  	[spmem:s5] =	stream.linear.scatter [tilespmem:s25], [sflag:$0x11], $0x400, $0x38;
	[tilespmem:$0x1E800] =	vst v63  }
0x48: {  	s0 =	simm.s32 $0x1000;
	_ =	swait.ge [sflag:s28], $0x400  }
.LBB2_2:
0x49: {  	s2 =	sshra.s32 s0, $0x2;
	[sflag:s28] =	ssyncset.done $0x0;
	p0 =	sne.s32 s0, $0x4F000  }
.Ltmp0:
0x4a: {  	s2 =	sadd.s32 s2, s7;
	[sflag:s28] =	ssyncadd.s32 $0xFFFFFC00;
	(pc) =	sbr.rel @p0 .LBB2_2-.Ltmp0, $3  }
0x4b: {  	[spmem:s2] =	stream.linear.scatter [tilespmem:s25], [sflag:$0x11], $0x400, $0x38;
	[tilespmem:$0x1E800] =	vst v63  }
0x4c: {  	s0 =	sadd.s32 $0x1000, s0;
	_ =	sdelay $0x1  }
0x4d: {  	_ =	swait.ge [sflag:s28], $0x400  }
0x4e: {  	[sflag:s28] =	ssyncset.done $0x0  }
0x4f: {  	[sflag:s28] =	ssyncadd.s32 $0xFFFFFC00  }
0x50: {  	[bflag:$0x0] =	sbarrier.arrive $0xFFFF  }
0x51: {  	_ =	swait.ge [sflag:s29], $0x2800  }
0x52: {  	s7 =	rddreg [dreg:$0x11]  }
0x53: {  	[sflag:s29] =	ssyncset.done $0x0;
	s0 =	sshrl.u32 s7, $0x3  }
0x54: {  	[sflag:s29] =	ssyncadd.s32 $0xFFFFD800;
	s0 =	sadd.s32 s20, s0  }
0x55: {  	[tilespmem:s9], [sflag:$0x9] =	stream.linear.gather [hbm4b:s0+s3], $0x50, $0x38;
	[tilespmem:$0x1E800] =	vst v63  }
0x56: {  	s5 =	simm.s32 $0x200;
	_ =	swait.ge [sflag:s30], $0x80  }
0x57: {  	s2 =	sand.u32 $0x7C00, s5;
	[sflag:s30] =	ssyncset.done $0x0  }
0x58: {  	s2 =	sadd.s32 s12, s2;
	s0 =	sand.u32 $0x200, s5;
	[sflag:s30] =	ssyncadd.s32 $0xFFFFFF80  }
0x59: {  	[spmem:s1] =	stream.indirect.scatter.add.f32 [tilespmem:s19], [sflag:$0x5], $0x80, s11, s10, $0xb8;
	[tilespmem:$0x1E800] =	vst v63  }
0x5a: {  	s0 =	sor.u32 s0, s2;
	_ =	swait.ge [sflag:s31], $0x2800  }
0x5b: {  	s0 =	sshrl.u32 s0, $0x3;
	[sflag:s31] =	ssyncset.done $0x0  }
0x5c: {  	s0 =	sadd.s32 s6, s0;
	[sflag:s31] =	ssyncadd.s32 $0xFFFFD800  }
0x5d: {  	[tilespmem:s11], [sflag:$0xD] =	stream.linear.gather [hbm4b:s0+s3], $0x80, $0x38;
	[tilespmem:$0x1E800] =	vst v63  }
0x5e: {  	_ =	swait.ge [sflag:s14], $0x50  }
0x5f: {  	[sflag:s14] =	ssyncset.done $0x0  }
0x60: {  	s11 =	simm.s32 $0x2;
	[sflag:s14] =	ssyncadd.s32 $0xFFFFFFB0  }
0x61: {  	[tilespmem:s19], [sflag:$0x1] =	stream.indirect.gather [hbm4b:s4+s10], $0x80, s9, s10, $0xb8;
	[tilespmem:$0x1E800] =	vst v63  }
0x62: {  	_ =	swait.ge [sflag:s11], $0x2800  }
0x63: {  	[sflag:s11] =	ssyncset.done $0x0  }
0x64: {  	s14 =	simm.s32 $0xE;
	[sflag:s11] =	ssyncadd.s32 $0xFFFFD800;
	s11 =	rddreg [dreg:$0x12]  }
0x65: {  	[tilespmem:s15], [sflag:$0xA] =	stream.linear.gather [hbm4b:s11+s3], $0x50, $0x38;
	[tilespmem:$0x1E800] =	vst v63  }
0x66: {  	s28 =	simm.s32 $0x6;
	s19 =	simm.s32 $0x280;
	_ =	swait.ge [sflag:s14], $0x80  }
0x67: {  	s5 =	smov.u32 s1;
	s25 =	sand.u32 $0x7C00, s19;
	[sflag:s14] =	ssyncset.done $0x0  }
0x68: {  	s0 =	sand.u32 $0x280, s19;
	s2 =	sadd.s32 s12, s25;
	[sflag:s14] =	ssyncadd.s32 $0xFFFFFF80  }
0x69: {  	[spmem:s5] =	stream.indirect.scatter.add.f32 [tilespmem:s26], [sflag:$0x6], $0x80, s13, s10, $0xb8;
	[tilespmem:$0x1E800] =	vst v63  }
0x6a: {  	s0 =	sor.u32 s0, s2;
	_ =	swait.ge [sflag:s28], $0x2800  }
0x6b: {  	s0 =	sshrl.u32 s0, $0x3;
	[sflag:s28] =	ssyncset.done $0x0  }
0x6c: {  	s0 =	sadd.s32 s6, s0;
	[sflag:s28] =	ssyncadd.s32 $0xFFFFD800  }
0x6d: {  	[tilespmem:s13], [sflag:$0xE] =	stream.linear.gather [hbm4b:s0+s3], $0x80, $0x38;
	[tilespmem:$0x1E800] =	vst v63  }
0x6e: {  	_ =	swait.ge [sflag:s21], $0x50  }
0x6f: {  	[sflag:s21] =	ssyncset.done $0x0  }
0x70: {  	s9 =	simm.s32 $0x3;
	[sflag:s21] =	ssyncadd.s32 $0xFFFFFFB0  }
0x71: {  	[tilespmem:s26], [sflag:$0x2] =	stream.indirect.gather [hbm4b:s4+s10], $0x80, s15, s10, $0xb8;
	[tilespmem:$0x1E800] =	vst v63  }
0x72: {  	_ =	swait.ge [sflag:s9], $0x2800  }
0x73: {  	[sflag:s9] =	ssyncset.done $0x0  }
0x74: {  	s13 =	simm.s32 $0xF;
	[sflag:s9] =	ssyncadd.s32 $0xFFFFD800;
	s9 =	rddreg [dreg:$0x13]  }
0x75: {  	[tilespmem:s16], [sflag:$0xB] =	stream.linear.gather [hbm4b:s9+s3], $0x50, $0x38;
	[tilespmem:$0x1E800] =	vst v63  }
0x76: {  	s14 =	simm.s32 $0x300;
	_ =	swait.ge [sflag:s13], $0x80  }
0x77: {  	s19 =	simm.s32 $0x7;
	s15 =	sand.u32 $0x7C00, s14;
	[sflag:s13] =	ssyncset.done $0x0  }
0x78: {  	s0 =	sand.u32 $0x300, s14;
	s2 =	sadd.s32 s12, s15;
	[sflag:s13] =	ssyncadd.s32 $0xFFFFFF80  }
0x79: {  	[spmem:s5] =	stream.indirect.scatter.add.f32 [tilespmem:s23], [sflag:$0x7], $0x80, s8, s10, $0xb8;
	[tilespmem:$0x1E800] =	vst v63  }
0x7a: {  	s0 =	sor.u32 s0, s2;
	_ =	swait.ge [sflag:s19], $0x2800  }
0x7b: {  	s0 =	sshrl.u32 s0, $0x3;
	[sflag:s19] =	ssyncset.done $0x0  }
0x7c: {  	s0 =	sadd.s32 s6, s0;
	[sflag:s19] =	ssyncadd.s32 $0xFFFFD800  }
0x7d: {  	[tilespmem:s8], [sflag:$0xF] =	stream.linear.gather [hbm4b:s0+s3], $0x80, $0x38;
	[tilespmem:$0x1E800] =	vst v63  }
0x7e: {  	_ =	swait.ge [sflag:s17], $0x50  }
0x7f: {  	[sflag:s17] =	ssyncset.done $0x0  }
0x80: {  	s21 =	simm.s32 $0x4;
	[sflag:s17] =	ssyncadd.s32 $0xFFFFFFB0  }
0x81: {  	[tilespmem:s23], [sflag:$0x3] =	stream.indirect.gather [hbm4b:s4+s10], $0x80, s16, s10, $0xb8;
	[tilespmem:$0x1E800] =	vst v63  }
0x82: {  	_ =	swait.ge [sflag:s21], $0x2800  }
0x83: {  	s29 =	simm.s32 $0x1;
	s30 =	simm.s32 $0xD;
	[sflag:s21] =	ssyncset.done $0x0  }
0x84: {  	s19 =	simm.s32 $0x10;
	s23 =	rddreg [dreg:$0x14];
	[sflag:s21] =	ssyncadd.s32 $0xFFFFD800  }
0x85: {  	[tilespmem:s24], [sflag:$0xC] =	stream.linear.gather [hbm4b:s23+s3], $0x50, $0x38;
	[tilespmem:$0x1E800] =	vst v63  }
0x86: {  	s28 =	simm.s32 $0x1C000;
	s24 =	simm.s32 $0x380;
	_ =	swait.ge [sflag:s19], $0x80  }
0x87: {  	s8 =	simm.s32 $0x8;
	s26 =	sand.u32 $0x7C00, s24;
	[sflag:s19] =	ssyncset.done $0x0  }
0x88: {  	s0 =	sand.u32 $0x380, s24;
	s2 =	sadd.s32 s12, s26;
	[sflag:s19] =	ssyncadd.s32 $0xFFFFFF80  }
0x89: {  	[spmem:s5] =	stream.indirect.scatter.add.f32 [tilespmem:s28], [sflag:$0x8], $0x80, s22, s10, $0xb8;
	[tilespmem:$0x1E800] =	vst v63  }
0x8a: {  	s31 =	simm.s32 $0x580;
	s0 =	sor.u32 s0, s2;
	_ =	swait.ge [sflag:s8], $0x2800  }
0x8b: {  	s25 =	simm.s32 $0x9;
	s0 =	sshrl.u32 s0, $0x3;
	[sflag:s8] =	ssyncset.done $0x0  }
0x8c: {  	s17 =	simm.s32 $0xB;
	s0 =	sadd.s32 s6, s0;
	[sflag:s8] =	ssyncadd.s32 $0xFFFFD800  }
0x8d: {  	[tilespmem:s22], [sflag:$0x10] =	stream.linear.gather [hbm4b:s0+s3], $0x80, $0x38;
	[tilespmem:$0x1E800] =	vst v63  }
0x8e: {  	s21 =	simm.s32 $0xA;
	s26 =	simm.s32 $0xC;
	_ =	swait.ge [sflag:s18], $0x50  }
0x8f: {  	s2 =	sadd.s32 $0x28, s23;
	s0 =	sadd.s32 $0x28, s9;
	[sflag:s18] =	ssyncset.done $0x0  }
.LBB2_4:
0x90: {  	[sflag:s26] =	ssyncadd.s32 $0xFFFFFFB0  }
0x91: {  	s7 =	sadd.s32 $0x140, s7;
	s11 =	sadd.s32 $0x28, s11;
	s15 =	smov.u32 s31  }
0x92: {  	s28 =	simm.s32 $0x1C000;
	s23 =	simm.s32 $0x14580;
	p0 =	sne.s32 s31, $0x3D80  }
0x93: {  	[tilespmem:s28], [sflag:$0x4] =	stream.indirect.gather [hbm4b:s4+s10], $0x80, s23, s10, $0xb8;
	[tilespmem:$0x1E800] =	vst v63  }
0x94: {  	s31 =	sadd.s32 $0x200, s31;
	s18 =	sshrl.u32 s7, $0x3;
	_ =	swait.ge [sflag:s29], $0x2800  }
0x95: {  	s1 =	simm.s32 $0x14400;
	s18 =	sadd.s32 s20, s18;
	[sflag:s29] =	ssyncset.done $0x0  }
0x96: {  	s9 =	smov.u32 s20;
	s14 =	simm.s32 $0x14600;
	[sflag:s29] =	ssyncadd.s32 $0xFFFFD800  }
0x97: {  	[tilespmem:s1], [sflag:$0x9] =	stream.linear.gather [hbm4b:s18+s3], $0x50, $0x38;
	[tilespmem:$0x1E800] =	vst v63  }
0x98: {  	s24 =	simm.s32 $0x14800;
	s18 =	sadd.s32 $0xFFFFFE80, s15;
	_ =	swait.ge [sflag:s30], $0x80  }
0x99: {  	s20 =	sand.u32 $0x7C00, s18;
	s18 =	sand.u32 $0x200, s18;
	[sflag:s30] =	ssyncset.done $0x0  }
0x9a: {  	s13 =	simm.s32 $0x5;
	s20 =	sadd.s32 s12, s20;
	[sflag:s30] =	ssyncadd.s32 $0xFFFFFF80  }
0x9b: {  	[spmem:s5] =	stream.indirect.scatter.add.f32 [tilespmem:s24], [sflag:$0x5], $0x80, s14, s10, $0xb8;
	[tilespmem:$0x1E800] =	vst v63  }
0x9c: {  	s18 =	sor.u32 s18, s20;
	_ =	swait.ge [sflag:s13], $0x2800  }
0x9d: {  	s18 =	sshrl.u32 s18, $0x3;
	[sflag:s13] =	ssyncset.done $0x0  }
0x9e: {  	s18 =	sadd.s32 s6, s18;
	[sflag:s13] =	ssyncadd.s32 $0xFFFFD800  }
0x9f: {  	[tilespmem:s14], [sflag:$0xD] =	stream.linear.gather [hbm4b:s18+s3], $0x80, $0x38;
	[tilespmem:$0x1E800] =	vst v63  }
0xa0: {  	_ =	swait.ge [sflag:s25], $0x50  }
0xa1: {  	[sflag:s25] =	ssyncset.done $0x0  }
0xa2: {  	s14 =	simm.s32 $0x2;
	[sflag:s25] =	ssyncadd.s32 $0xFFFFFFB0  }
0xa3: {  	[tilespmem:s24], [sflag:$0x1] =	stream.indirect.gather [hbm4b:s4+s10], $0x80, s1, s10, $0xb8;
	[tilespmem:$0x1E800] =	vst v63  }
0xa4: {  	_ =	swait.ge [sflag:s14], $0x2800  }
0xa5: {  	s16 =	simm.s32 $0x14480;
	[sflag:s14] =	ssyncset.done $0x0  }
0xa6: {  	s18 =	sadd.s32 $0xFFFFFF00, s15;
	s1 =	simm.s32 $0xE;
	[sflag:s14] =	ssyncadd.s32 $0xFFFFD800  }
0xa7: {  	[tilespmem:s16], [sflag:$0xA] =	stream.linear.gather [hbm4b:s11+s3], $0x50, $0x38;
	[tilespmem:$0x1E800] =	vst v63  }
0xa8: {  	s20 =	sand.u32 $0x7C00, s18;
	s18 =	sand.u32 $0x280, s18;
	_ =	swait.ge [sflag:s1], $0x80  }
0xa9: {  	s20 =	sadd.s32 s12, s20;
	s24 =	simm.s32 $0x17000;
	[sflag:s1] =	ssyncset.done $0x0  }
0xaa: {  	s14 =	simm.s32 $0x14680;
	[sflag:s1] =	ssyncadd.s32 $0xFFFFFF80;
	s1 =	simm.s32 $0x6  }
0xab: {  	[spmem:s5] =	stream.indirect.scatter.add.f32 [tilespmem:s24], [sflag:$0x6], $0x80, s14, s10, $0xb8;
	[tilespmem:$0x1E800] =	vst v63  }
0xac: {  	s18 =	sor.u32 s18, s20;
	_ =	swait.ge [sflag:s1], $0x2800  }
0xad: {  	s18 =	sshrl.u32 s18, $0x3;
	[sflag:s1] =	ssyncset.done $0x0  }
0xae: {  	s13 =	simm.s32 $0x14680;
	s18 =	sadd.s32 s6, s18;
	[sflag:s1] =	ssyncadd.s32 $0xFFFFD800  }
0xaf: {  	[tilespmem:s14], [sflag:$0xE] =	stream.linear.gather [hbm4b:s18+s3], $0x80, $0x38;
	[tilespmem:$0x1E800] =	vst v63  }
0xb0: {  	_ =	swait.ge [sflag:s21], $0x50  }
0xb1: {  	[sflag:s21] =	ssyncset.done $0x0  }
0xb2: {  	s1 =	simm.s32 $0x3;
	s14 =	simm.s32 $0x17000;
	[sflag:s21] =	ssyncadd.s32 $0xFFFFFFB0  }
0xb3: {  	[tilespmem:s24], [sflag:$0x2] =	stream.indirect.gather [hbm4b:s4+s10], $0x80, s16, s10, $0xb8;
	[tilespmem:$0x1E800] =	vst v63  }
0xb4: {  	_ =	swait.ge [sflag:s1], $0x2800  }
0xb5: {  	s18 =	sadd.s32 $0xFFFFFF80, s15;
	[sflag:s1] =	ssyncset.done $0x0  }
0xb6: {  	s16 =	simm.s32 $0x14500;
	[sflag:s1] =	ssyncadd.s32 $0xFFFFD800;
	s1 =	simm.s32 $0xF  }
0xb7: {  	[tilespmem:s16], [sflag:$0xB] =	stream.linear.gather [hbm4b:s0+s3], $0x50, $0x38;
	[tilespmem:$0x1E800] =	vst v63  }
0xb8: {  	s22 =	simm.s32 $0x14700;
	s20 =	sand.u32 $0x7C00, s18;
	_ =	swait.ge [sflag:s1], $0x80  }
0xb9: {  	s18 =	sand.u32 $0x300, s18;
	s20 =	sadd.s32 s12, s20;
	[sflag:s1] =	ssyncset.done $0x0  }
0xba: {  	s24 =	simm.s32 $0x7;
	[sflag:s1] =	ssyncadd.s32 $0xFFFFFF80;
	s1 =	simm.s32 $0x19800  }
0xbb: {  	[spmem:s5] =	stream.indirect.scatter.add.f32 [tilespmem:s1], [sflag:$0x7], $0x80, s22, s10, $0xb8;
	[tilespmem:$0x1E800] =	vst v63  }
0xbc: {  	s18 =	sor.u32 s18, s20;
	s20 =	smov.u32 s9;
	_ =	swait.ge [sflag:s24], $0x2800  }
0xbd: {  	s18 =	sshrl.u32 s18, $0x3;
	[sflag:s24] =	ssyncset.done $0x0  }
0xbe: {  	s18 =	sadd.s32 s6, s18;
	[sflag:s24] =	ssyncadd.s32 $0xFFFFD800;
	s24 =	simm.s32 $0x14700  }
0xbf: {  	[tilespmem:s22], [sflag:$0xF] =	stream.linear.gather [hbm4b:s18+s3], $0x80, $0x38;
	[tilespmem:$0x1E800] =	vst v63  }
0xc0: {  	_ =	swait.ge [sflag:s17], $0x50  }
0xc1: {  	[sflag:s17] =	ssyncset.done $0x0  }
0xc2: {  	[sflag:s17] =	ssyncadd.s32 $0xFFFFFFB0  }
0xc3: {  	[tilespmem:s1], [sflag:$0x3] =	stream.indirect.gather [hbm4b:s4+s10], $0x80, s16, s10, $0xb8;
	[tilespmem:$0x1E800] =	vst v63  }
0xc4: {  	s9 =	simm.s32 $0x19800;
	s1 =	simm.s32 $0x4  }
0xc5: {  	_ =	swait.ge [sflag:s1], $0x2800  }
0xc6: {  	[sflag:s1] =	ssyncset.done $0x0  }
0xc7: {  	s16 =	simm.s32 $0x14580;
	[sflag:s1] =	ssyncadd.s32 $0xFFFFD800  }
0xc8: {  	[tilespmem:s23], [sflag:$0xC] =	stream.linear.gather [hbm4b:s2+s3], $0x50, $0x38;
	[tilespmem:$0x1E800] =	vst v63  }
0xc9: {  	_ =	swait.ge [sflag:s19], $0x80  }
0xca: {  	s18 =	sand.u32 $0x7C00, s15;
	s15 =	sand.u32 $0x380, s15;
	[sflag:s19] =	ssyncset.done $0x0  }
0xcb: {  	s18 =	sadd.s32 s12, s18;
	s1 =	simm.s32 $0x14780;
	[sflag:s19] =	ssyncadd.s32 $0xFFFFFF80  }
0xcc: {  	[spmem:s5] =	stream.indirect.scatter.add.f32 [tilespmem:s28], [sflag:$0x8], $0x80, s1, s10, $0xb8;
	[tilespmem:$0x1E800] =	vst v63  }
0xcd: {  	s15 =	sor.u32 s15, s18;
	_ =	swait.ge [sflag:s8], $0x2800  }
.Ltmp1:
0xce: {  	s15 =	sshrl.u32 s15, $0x3;
	[sflag:s8] =	ssyncset.done $0x0;
	(pc) =	sbr.rel @p0 .LBB2_4-.Ltmp1, $4  }
0xcf: {  	s18 =	simm.s32 $0x14780;
	s15 =	sadd.s32 s6, s15;
	[sflag:s8] =	ssyncadd.s32 $0xFFFFD800  }
0xd0: {  	[tilespmem:s1], [sflag:$0x10] =	stream.linear.gather [hbm4b:s15+s3], $0x80, $0x38;
	[tilespmem:$0x1E800] =	vst v63  }
0xd1: {  	_ =	swait.ge [sflag:s26], $0x50  }
0xd2: {  	s0 =	sadd.s32 $0x28, s0;
	s2 =	sadd.s32 $0x28, s2;
	[sflag:s26] =	ssyncset.done $0x0  }
0xd3: {  	[sflag:s26] =	ssyncadd.s32 $0xFFFFFFB0;
	s11 =	simm.s32 $0x1C000  }
0xd4: {  	[tilespmem:s11], [sflag:$0x4] =	stream.indirect.gather [hbm4b:s4+s10], $0x80, s16, s10, $0xb8;
	[tilespmem:$0x1E800] =	vst v63  }
0xd5: {  	_ =	swait.ge [sflag:s29], $0x2800  }
0xd6: {  	[sflag:s29] =	ssyncset.done $0x0  }
0xd7: {  	s1 =	simm.s32 $0x14400;
	s0 =	rddreg [dreg:$0xd];
	[sflag:s29] =	ssyncadd.s32 $0xFFFFD800  }
0xd8: {  	[tilespmem:s1], [sflag:$0x9] =	stream.linear.gather [hbm4b:s0+s3], $0x50, $0x38;
	[tilespmem:$0x1E800] =	vst v63  }
0xd9: {  	_ =	swait.ge [sflag:s30], $0x80  }
0xda: {  	s2 =	simm.s32 $0x14600;
	[sflag:s30] =	ssyncset.done $0x0  }
0xdb: {  	s7 =	simm.s32 $0x14800;
	s15 =	simm.s32 $0x5;
	[sflag:s30] =	ssyncadd.s32 $0xFFFFFF80  }
0xdc: {  	[spmem:s5] =	stream.indirect.scatter.add.f32 [tilespmem:s7], [sflag:$0x5], $0x80, s2, s10, $0xb8;
	[tilespmem:$0x1E800] =	vst v63  }
0xdd: {  	_ =	swait.ge [sflag:s15], $0x2800  }
0xde: {  	[sflag:s15] =	ssyncset.done $0x0  }
0xdf: {  	s23 =	rddreg [dreg:$0xe];
	[sflag:s15] =	ssyncadd.s32 $0xFFFFD800  }
0xe0: {  	[tilespmem:s2], [sflag:$0xD] =	stream.linear.gather [hbm4b:s23+s3], $0x80, $0x38;
	[tilespmem:$0x1E800] =	vst v63  }
0xe1: {  	_ =	swait.ge [sflag:s25], $0x50  }
0xe2: {  	[sflag:s25] =	ssyncset.done $0x0  }
0xe3: {  	s26 =	simm.s32 $0x2;
	[sflag:s25] =	ssyncadd.s32 $0xFFFFFFB0  }
0xe4: {  	[tilespmem:s7], [sflag:$0x1] =	stream.indirect.gather [hbm4b:s4+s10], $0x80, s1, s10, $0xb8;
	[tilespmem:$0x1E800] =	vst v63  }
0xe5: {  	_ =	swait.ge [sflag:s26], $0x2800  }
0xe6: {  	[sflag:s26] =	ssyncset.done $0x0  }
0xe7: {  	s1 =	simm.s32 $0xE;
	[sflag:s26] =	ssyncadd.s32 $0xFFFFD800  }
0xe8: {  	_ =	swait.ge [sflag:s1], $0x80  }
0xe9: {  	[sflag:s1] =	ssyncset.done $0x0  }
0xea: {  	[sflag:s1] =	ssyncadd.s32 $0xFFFFFF80  }
0xeb: {  	[spmem:s5] =	stream.indirect.scatter.add.f32 [tilespmem:s14], [sflag:$0x6], $0x80, s13, s10, $0xb8;
	[tilespmem:$0x1E800] =	vst v63  }
0xec: {  	s13 =	simm.s32 $0x6  }
0xed: {  	_ =	swait.ge [sflag:s13], $0x2800  }
0xee: {  	[sflag:s13] =	ssyncset.done $0x0  }
0xef: {  	s14 =	simm.s32 $0x3;
	[sflag:s13] =	ssyncadd.s32 $0xFFFFD800  }
0xf0: {  	_ =	swait.ge [sflag:s14], $0x2800  }
0xf1: {  	[sflag:s14] =	ssyncset.done $0x0  }
0xf2: {  	s16 =	simm.s32 $0xF;
	[sflag:s14] =	ssyncadd.s32 $0xFFFFD800  }
0xf3: {  	_ =	swait.ge [sflag:s16], $0x80  }
0xf4: {  	[sflag:s16] =	ssyncset.done $0x0  }
0xf5: {  	s17 =	simm.s32 $0x7;
	[sflag:s16] =	ssyncadd.s32 $0xFFFFFF80  }
0xf6: {  	[spmem:s5] =	stream.indirect.scatter.add.f32 [tilespmem:s9], [sflag:$0x7], $0x80, s24, s10, $0xb8;
	[tilespmem:$0x1E800] =	vst v63  }
0xf7: {  	_ =	swait.ge [sflag:s17], $0x2800  }
0xf8: {  	[sflag:s17] =	ssyncset.done $0x0  }
0xf9: {  	s21 =	simm.s32 $0x4;
	[sflag:s17] =	ssyncadd.s32 $0xFFFFD800  }
0xfa: {  	_ =	swait.ge [sflag:s21], $0x2800  }
0xfb: {  	[sflag:s21] =	ssyncset.done $0x0  }
0xfc: {  	[sflag:s21] =	ssyncadd.s32 $0xFFFFD800  }
0xfd: {  	_ =	swait.ge [sflag:s19], $0x80  }
0xfe: {  	[sflag:s19] =	ssyncset.done $0x0  }
0xff: {  	[sflag:s19] =	ssyncadd.s32 $0xFFFFFF80  }
0x100: {  	[spmem:s5] =	stream.indirect.scatter.add.f32 [tilespmem:s11], [sflag:$0x8], $0x80, s18, s10, $0xb8;
	[tilespmem:$0x1E800] =	vst v63  }
0x101: {  	_ =	swait.ge [sflag:s8], $0x2800  }
0x102: {  	[sflag:s8] =	ssyncset.done $0x0  }
0x103: {  	[sflag:s8] =	ssyncadd.s32 $0xFFFFD800  }
0x104: {  	_ =	swait.ge [sflag:s29], $0x2800  }
0x105: {  	[sflag:s29] =	ssyncset.done $0x0  }
0x106: {  	[sflag:s29] =	ssyncadd.s32 $0xFFFFD800  }
0x107: {  	_ =	swait.ge [sflag:s30], $0x80  }
0x108: {  	[sflag:s30] =	ssyncset.done $0x0  }
0x109: {  	[sflag:s30] =	ssyncadd.s32 $0xFFFFFF80  }
0x10a: {  	[spmem:s5] =	stream.indirect.scatter.add.f32 [tilespmem:s7], [sflag:$0x5], $0x80, s2, s10, $0xb8;
	[tilespmem:$0x1E800] =	vst v63  }
0x10b: {  	_ =	swait.ge [sflag:s15], $0x2800  }
0x10c: {  	[sflag:s15] =	ssyncset.done $0x0  }
0x10d: {  	[sflag:s15] =	ssyncadd.s32 $0xFFFFD800  }
0x10e: {  	s22 =	stileid.u32;
	s28 =	simm.s32 $0x11;
	[bflag:$0x0] =	sbarrier.arrive $0xFFFF  }
0x10f: {  	s31 =	simm.s32 $0x5;
	s0 =	sshll.u32 s22, $0x6;
	s7 =	rddreg [dreg:$0xc]  }
0x110: {  	s0 =	sor.u32 $0x1C11, s0;
	s24 =	rddreg [dreg:$0xf];
	s23 =	sshrl.u32 s7, $0x3  }
0x111: {  	[hbm:s24], [sflag:s0] =	dma.local [spmem:s23], $0x2800  }
0x112: {  	s22 =	simm.s32 $0x14780;
	s1 =	smov.u32 s5;
	_ =	swait.ge [sflag:s28], $0x2800  }
0x113: {  	s13 =	simm.s32 $0x14680;
	s14 =	simm.s32 $0x9;
	s25 =	rddreg [dreg:$0x15]  }
0x114: {  	s16 =	simm.s32 $0x14500;
	s26 =	rddreg [dreg:$0x10];
	s2 =	sadd.s32 $0x1, s25  }
0x115: {  	s9 =	simm.s32 $0x14400;
	s17 =	simm.s32 $0xB;
	p0 =	sne.s32 s2, s26  }
.Ltmp2:
0x116: {  	s21 =	simm.s32 $0xA;
	s19 =	simm.s32 $0x14800;
	(pc) =	sbr.rel @p0 .LBB2_1-.Ltmp2, $4  }
0x117: {  	s11 =	simm.s32 $0x14600;
	s18 =	simm.s32 $0xC;
	s8 =	simm.s32 $0x14700  }
0x118: {  	s29 =	simm.s32 $0x1;
	s30 =	simm.s32 $0xD;
	s15 =	simm.s32 $0x14480  }
0x119: {  	s24 =	simm.s32 $0x14580;
	s23 =	simm.s32 $0x19800;
	[sflag:s28] =	ssyncset.done $0x0  }
0x11a: {  	[sflag:s28] =	ssyncadd.s32 $0xFFFFD800;
	s25 =	simm.s32 $0x14000;
	s26 =	simm.s32 $0x17000  }
0x11b: {  	_ =	sfence.sel $0x180000  }
0x11c: {  	[bflag:$0x0] =	sbarrier.arrive $0xFFFF  }
0x11d: {  	_ =	strace $0x9000004D  }
0x11e: {  	s0 =	stileid.u32;
	[bflag:$0x2] =	sbarrier.arrive $0xFFFF  }
0x11f: {  	p0 =	sne.s32 s0, $0x0;
	s0 =	rddreg [dreg:$0x2]  }
0x120: {  	s0 =	sadd.s32 @!p0 $0x100000, s0  }
0x121: {  	[sflag:s0] =	ssyncadd.tile.s32 @!p0 $0x1;
	_ =	shalt  }
.Lfunc_end2:
_tile_overlayer_lowered:
.L_overlay_start_2:
0x122: {  	(tag) =	ssettag $0x2  }
0x123: {  	s0 =	rddreg [dreg:$0x0];
	s2 =	stileid.u32  }
0x124: {  	s1 =	rddreg [dreg:$0x1];
	p0 =	sne.s32 s2, $0x0  }
0x125: {  	s3 =	rddreg [dreg:$0x2];
	[bflag:$0x3] =	sbarrier.arrive $0xFFFF;
	s2 =	simm.s32 @!p0 $0x1C11  }
0x126: {  	[timem:s3], [sflag:s2] =	dma.local @!p0 [hbm:s0], s1  }
0x127: {  	s0 =	simm.s32 @!p0 $0x11  }
0x128: {  	_ =	swait.ge @!p0 [sflag:s0], s1  }
0x129: {  	s1 =	ssub.s32 @!p0 $0x0, s1;
	[sflag:s0] =	ssyncset.done @!p0 $0x0  }
0x12a: {  	[sflag:s0] =	ssyncadd.s32 @!p0 s1  }
0x12b: {  	[bflag:$0x3] =	sbarrier.arrive $0xFFFF  }
0x12c: {  	_ =	shalt  }

// kernel: kernel.19.cloned.1.call-start
scs
__scs_entry_jumppad:
0x0: {  	(pc) =	sbr.rel $0x88, $3  }
0x1: {  	(tag) =	ssettag $0x0;
	lr =	simm.s32 $0x1  }
0x2: {  	[smem:$0x3F92] =	sst lr;
	_ =	strace $0xD0000000  }
0x3: {  	_ = 	snop  }
0x4: {  	_ = 	snop  }
0x5: {  	_ = 	snop  }
0x6: {  	_ = 	snop  }
0x7: {  	_ = 	snop  }
__scs_overlays_trampoline_lowered:
0x8: {  	[smem:$0x3FA1] =	sst s0  }
0x9: {  	[smem:$0x3FA2] =	sst s1  }
0xa: {  	[smem:$0x3FA3] =	sst s2  }
0xb: {  	[smem:$0x3FA4] =	sst s3  }
0xc: {  	[smem:$0x3FA5] =	sst s4  }
0xd: {  	[smem:$0x3FA6] =	sst s5  }
0xe: {  	[smem:$0x3FA7] =	sst s6  }
0xf: {  	[smem:$0x3FA8] =	sst s7  }
0x10: {  	[smem:$0x3FA9] =	sst s8  }
0x11: {  	[smem:$0x3FAA] =	sst s9;
	s0 =	simm.s32 @!p0 $0x0  }
0x12: {  	s1 =	sld [smem:$0x3F90];
	s0 =	simm.s32 @p0 $0x1  }
0x13: {  	[smem:$0x3FAB] =	sst s0;
	s0 =	simm.s32 @!p1 $0x0  }
0x14: {  	s2 =	sld [smem:$0x3F8F];
	s0 =	simm.s32 @p1 $0x1  }
0x15: {  	[smem:$0x3FAC] =	sst s0;
	s0 =	simm.s32 @!p2 $0x0  }
0x16: {  	s3 =	sld [smem:$0x3FDB];
	s0 =	simm.s32 @p2 $0x1  }
0x17: {  	s4 =	simm.s32 $0x1BF5;
	[smem:$0x3FAE] =	sst s0  }
0x18: {  	s0 =	sld [smem:$0x3F91];
	_ =	swait.ge [sflag:s4], $0x0  }
0x19: {  	s7 =	sld [smem:$0x3F92]  }
0x1a: {  	s8 =	sadd.s32 $0xFFFFE003, lr  }
0x1b: {  	s9 =	sadd.s32 $0xFFFFFEF7, lr;
	s5 =	simm.s32 $0xFFFFFFFF;
	p2 =	slt.u32 s8, $0xFFFFF086  }
0x1c: {  	p1 =	slt.u32 s9, $0xF7A;
	s5 =	simm.s32 @!p2 $0x0  }
0x1d: {  	s5 =	simm.s32 @p1 $0x1;
	p0 =	seq.s32 s7, s2  }
0x1e: {  	s7 =	smul.u32 @!p0 $0xF7A, s2;
	p2 =	seq.s32 @!p0 s5, $0x0  }
0x1f: {  	s9 =	smul.u32 $0xF7A, s1;
	s8 =	simm.s32 @!p0 $0x1BF5;
	p2 =	por !p2, p0  }
0x20: {  	[sflag:s8] =	ssyncset.s32 @!p0 $0xFFFFF086;
	s6 =	sadd.s32 @!p0 s3, s7;
	s7 =	simm.s32 @!p0 $0x108  }
0x21: {  	s3 =	sadd.s32 s3, s9;
	s6 =	sadd.s32 @!p0 $0x88, s6;
	s7 =	simm.s32 @p2 $0x1082  }
0x22: {  	[simem:s7], [sflag:s8] =	dma.local @!p0 [hbm:s6], $0xF7A  }
0x23: {  	s9 =	sor.u32 $0xD0000000, s2;
	s6 =	simm.s32 $0x108;
	_ =	swait.ge @!p0 [sflag:s8], $0x0  }
0x24: {  	s3 =	sadd.s32 $0x88, s3;
	s6 =	simm.s32 @!p1 $0x1082;
	[sflag:s4] =	ssyncset.s32 $0xFFFFF086  }
0x25: {  	[simem:s6], [sflag:s4] =	dma.local [hbm:s3], $0xF7A  }
0x26: {  	[smem:$0x3F92] =	sst s1;
	(tag) =	ssettag s2;
	_ =	strace s9  }
0x27: {  	s1 =	sld [smem:$0x3FA2]  }
0x28: {  	s2 =	sld [smem:$0x3FA3]  }
0x29: {  	s4 =	sld [smem:$0x3FA5]  }
0x2a: {  	p0 =	seq.s32 s5, $0x0;
	s5 =	sld [smem:$0x3FA6]  }
0x2b: {  	s6 =	sld [smem:$0x3FA7]  }
0x2c: {  	s7 =	sld [smem:$0x3FA8]  }
0x2d: {  	s3 =	simm.s32 $0x108;
	s8 =	sld [smem:$0x3FA9]  }
0x2e: {  	s3 =	simm.s32 @!p0 $0x1082;
	s9 =	sld [smem:$0x3FAA]  }
0x2f: {  	lr =	sadd.s32 s0, s3;
	s0 =	sld [smem:$0x3FA1]  }
0x30: {  	s3 =	sld [smem:$0x3FA4]  }
0x31: {  	[smem:$0x3FAD] =	sst s10  }
0x32: {  	s10 =	sld [smem:$0x3FAB];
	_ =	sdelay $0x3  }
0x33: {  	p0 =	seq.s32 s10, $0x1;
	s10 =	sld [smem:$0x3FAD];
	_ =	sdelay $0x3  }
0x34: {  	[smem:$0x3FAD] =	sst s10  }
0x35: {  	s10 =	sld [smem:$0x3FAC];
	_ =	sdelay $0x3  }
0x36: {  	p1 =	seq.s32 s10, $0x1;
	s10 =	sld [smem:$0x3FAD];
	_ =	sdelay $0x3  }
0x37: {  	[smem:$0x3FAD] =	sst s10  }
0x38: {  	s10 =	sld [smem:$0x3FAE]  }
0x39: {  	_ = 	snop;
	(pc) =	sbr.ind lr, $3  }
0x3a: {  	_ = 	snop  }
0x3b: {  	_ = 	snop  }
0x3c: {  	p2 =	seq.s32 s10, $0x1;
	s10 =	sld [smem:$0x3FAD]  }
0x3d: {  	_ =	shalt  }
0x3e: {  	_ =	shalt  }
0x3f: {  	_ =	shalt  }
0x40: {  	_ =	shalt  }
0x41: {  	_ =	shalt  }
0x42: {  	_ =	shalt  }
0x43: {  	_ =	shalt  }
0x44: {  	_ =	shalt  }
0x45: {  	_ =	shalt  }
0x46: {  	_ =	shalt  }
0x47: {  	_ =	shalt  }
0x48: {  	_ =	shalt  }
0x49: {  	_ =	shalt  }
0x4a: {  	_ =	shalt  }
0x4b: {  	_ =	shalt  }
0x4c: {  	_ =	shalt  }
0x4d: {  	_ =	shalt  }
0x4e: {  	_ =	shalt  }
0x4f: {  	_ =	shalt  }
0x50: {  	_ =	shalt  }
0x51: {  	_ =	shalt  }
0x52: {  	_ =	shalt  }
0x53: {  	_ =	shalt  }
0x54: {  	_ =	shalt  }
0x55: {  	_ =	shalt  }
0x56: {  	_ =	shalt  }
0x57: {  	_ =	shalt  }
0x58: {  	_ =	shalt  }
0x59: {  	_ =	shalt  }
0x5a: {  	_ =	shalt  }
0x5b: {  	_ =	shalt  }
0x5c: {  	_ =	shalt  }
0x5d: {  	_ =	shalt  }
0x5e: {  	_ =	shalt  }
0x5f: {  	_ =	shalt  }
0x60: {  	_ =	shalt  }
0x61: {  	_ =	shalt  }
0x62: {  	_ =	shalt  }
0x63: {  	_ =	shalt  }
0x64: {  	_ =	shalt  }
0x65: {  	_ =	shalt  }
0x66: {  	_ =	shalt  }
0x67: {  	_ =	shalt  }
0x68: {  	_ =	shalt  }
0x69: {  	_ =	shalt  }
0x6a: {  	_ =	shalt  }
0x6b: {  	_ =	shalt  }
0x6c: {  	_ =	shalt  }
0x6d: {  	_ =	shalt  }
0x6e: {  	_ =	shalt  }
0x6f: {  	_ =	shalt  }
0x70: {  	_ =	shalt  }
0x71: {  	_ =	shalt  }
0x72: {  	_ =	shalt  }
0x73: {  	_ =	shalt  }
0x74: {  	_ =	shalt  }
0x75: {  	_ =	shalt  }
0x76: {  	_ =	shalt  }
0x77: {  	_ =	shalt  }
0x78: {  	_ =	shalt  }
0x79: {  	_ =	shalt  }
0x7a: {  	_ =	shalt  }
0x7b: {  	_ =	shalt  }
0x7c: {  	_ =	shalt  }
0x7d: {  	_ =	shalt  }
0x7e: {  	_ =	shalt  }
0x7f: {  	_ =	shalt  }
0x80: {  	_ =	shalt  }
0x81: {  	_ =	shalt  }
0x82: {  	_ =	shalt  }
0x83: {  	_ =	shalt  }
0x84: {  	_ =	shalt  }
0x85: {  	_ =	shalt  }
0x86: {  	_ =	shalt  }
0x87: {  	_ =	shalt  }
.Lfunc_end0:
.L_simem_size_0:
called_computation.3_lowered:
.L_overlay_start_0:
0x88: {  	s2 =	sld [smem:$0x3FD9]  }
0x89: {  	s3 =	sld [smem:$0x3FFE];
	_ =	sdelay $0x1  }
0x8a: {  	s1 =	srdreg.scid  }
0x8b: {  	s0 =	sand.u32 $0x1, s1  }
0x8c: {  	s16 =	sshll.u32 s0, $0xA;
	s2 =	sadd.s32 s3, s2  }
0x8d: {  	s2 =	sadd.s32 s2, s16  }
0x8e: {  	[smem:$0x3FB9] =	sst s2  }
0x8f: {  	_ = 	snop  }
0x90: {  	(tm) =	ssettm $0x1  }
0x91: {  	s17 =	sld [smem:$0x3FFB];
	_ =	sdelay $0x3  }
0x92: {  	_ =	strace s17  }
0x93: {  	s2 =	sld [smem:$0x3FFC];
	_ =	sdelay $0x3  }
0x94: {  	_ =	strace s2  }
0x95: {  	s2 =	sld [smem:$0x3FFD];
	_ =	sdelay $0x3  }
0x96: {  	_ =	strace s2  }
0x97: {  	_ =	strace $0x8FFFFFFF  }
0x98: {  	s18 =	sld [smem:$0x3FDB];
	_ =	sdelay $0x1  }
0x99: {  	s19 =	simm.s32 $_scs_section_size  }
0x9a: {  	s4 =	simm.s32 $_size__tile_overlayer_lowered;
	s5 =	simm.s32 $_tile_overlayer_lowered  }
0x9b: {  	s22 =	simm.s32 $0x1BFF;
	s21 =	sshll.u32 s5, $0x1;
	s2 =	sadd.s32 s19, s18  }
0x9c: {  	s6 =	simm.s32 $0x0;
	s20 =	sshll.u32 s4, $0x1;
	s4 =	sadd.s32 s21, s2  }
0x9d: {  	[timem:s6], [sflag:s22] =	dma.local [hbm:s4], s20  }
0x9e: {  	_ =	swait.ge [sflag:s22], s20  }
0x9f: {  	s3 =	ssub.s32 $0x0, s20;
	[sflag:s22] =	ssyncset.done $0x0  }
0xa0: {  	[sflag:s22] =	ssyncadd.s32 s3;
	_ =	sdelay $0x1  }
0xa1: {  	s23 =	simm.s32 $0x1B8B  }
0xa2: {  	_ =	swait.ge [sflag:s23], $0x1  }
0xa3: {  	[sflag:s23] =	ssyncset.done $0x0  }
0xa4: {  	s25 =	simm.s32 $0x1B8E;
	s24 =	sld [smem:$0x3FFE];
	[sflag:s23] =	ssyncadd.s32 $0xFFFFFFFF  }
0xa5: {  	s26 =	simm.s32 $execute0_lowered;
	[smem:$0x3FD2] =	sst s25  }
0xa6: {  	s4 =	sshll.u32 s26, $0x1;
	_ =	strace $0x8000004F;
	[dreg:$0x1] =	wrdreg $0xFFFFFFFF  }
0xa7: {  	s28 =	simm.s32 $_size_execute0_lowered;
	s2 =	sadd.s32 s2, s4;
	[dreg:$0x0] =	wrdreg $0x0  }
0xa8: {  	s4 =	sshll.u32 s28, $0x1;
	[dreg:$0x2] =	wrdreg s2  }
0xa9: {  	[dreg:$0x3] =	wrdreg s4  }
0xaa: {  	[dreg:$0x4] =	wrdreg $0xC0  }
0xab: {  	_ =	task [dreg:s6], $0x5FFFF  }
0xac: {  	[dreg:$0x1] =	wrdreg $0xFFFFFFFF  }
0xad: {  	[dreg:$0x0] =	wrdreg $0x60  }
0xae: {  	[dreg:$0x2] =	wrdreg s24  }
0xaf: {  	[dreg:$0x3] =	wrdreg $0x0  }
0xb0: {  	[dreg:$0x4] =	wrdreg $0x9  }
0xb1: {  	_ =	task.clear_ibuf [dreg:s6], $0x5FFFF;
	_ =	strace $0x9000004F  }
0xb2: {  	s29 =	simm.s32 $0x9;
	_ =	strace $0x80000051  }
0xb3: {  	_ =	swait.ge [sflag:s29], $0x1  }
0xb4: {  	[sflag:s29] =	ssyncadd.s32 $0xFFFFFFFF  }
0xb5: {  	_ =	strace $0x90000051  }
0xb6: {  	_ =	sfence  }
0xb7: {  	s30 =	sld [smem:$0x0];
	_ =	sdelay $0x2  }
0xb8: {  	s31 =	sshll.u32 s1, $0xD;
	s1 =	sshrl.u32 s1, $0x2  }
0xb9: {  	s3 =	sand.u32 $0x4000, s31;
	s1 =	sadd.s32 s1, s30  }
0xba: {  	s0 =	sor.u32 s3, s0;
	s1 =	sshll.u32 s1, $0x11  }
0xbb: {  	s0 =	sor.u32 s1, s0  }
0xbc: {  	s0 =	sadd.s32 $0x8F2B, s0  }
0xbd: {  	[sflag:s0] =	ssyncadd.remote.s32 $0x1  }
0xbe: {  	_ =	sfence.sel $0xFFFF  }
0xbf: {  	[dreg:$0x0] =	wrdreg $0xFFFFFFFF;
	(pc) =	sbr.abs _section_cstart, $3  }
0xc0: {  	[dreg:$0x1] =	wrdreg $0xFFFFFFFF  }
0xc1: {  	_ =	task.clear_ibuf [dreg:s6], $0x2FFFF;
	_ =	strace $0x9FFFFFFF  }
0xc2: {  	(tm) =	ssettm $0x7FFFFFFF  }
0xc3: {  	_ =	shalt  }
tec
execute0_lowered:
.L_overlay_start_1:
0x0: {  	(tag) =	ssettag $0x1  }
0x1: {  	s0 =	rddreg [dreg:$0x0]  }
0x2: {  	s1 =	rddreg [dreg:$0x1];
	s2 =	srdreg.scid;
	s3 =	simm.s32 $0x0  }
0x3: {  	s11 =	stileid.u32;
	s28 =	simm.s32 $0x11;
	s29 =	simm.s32 $0x1  }
0x4: {  	s30 =	simm.s32 $0xD;
	s31 =	simm.s32 $0x5;
	s7 =	smul.u32 $0x14000, s11  }
0x5: {  	s2 =	sand.u32 $0x1, s2;
	[smem:$0x7FF] =	sst s3;
	s15 =	smul.u32 $0x50000, s11  }
0x6: {  	s20 =	sadd.s32 $0x3A00, s0;
	s6 =	sadd.s32 $0xD800, s0;
	s19 =	smul.u32 $0x2710, s11  }
0x7: {  	s10 =	sadd.s32 $0x44A00, s0;
	s5 =	smul.u32 $0x140000, s2;
	s4 =	sshll.u32 s2, $0x4  }
0x8: {  	_ =	strace $0x80000050;
	[dreg:$0x3] =	wrdreg s10;
	s23 =	ssub.s32 $0x2, s2  }
0x9: {  	s2 =	smul.u32 $0x27100, s2;
	s8 =	sor.u32 s11, s4;
	s4 =	sadd.s32 $0x1D800, s0  }
0xa: {  	s24 =	sshrl.u32 s23, $0x1;
	s11 =	simm.s32 $0x14600;
	s9 =	smul.u32 $0x2710, s8  }
0xb: {  	s5 =	sadd.s32 s7, s5;
	s25 =	ssub.s32 s23, s24;
	s13 =	sshll.u32 s8, $0xB  }
0xc: {  	s7 =	sshrl.u32 s15, $0x2;
	s23 =	sadd.s32 s19, s2;
	s15 =	simm.s32 $0x14480  }
0xd: {  	s19 =	simm.s32 $0x14800;
	s5 =	sshrl.u32 s5, $0x3;
	s14 =	sadd.s32 s6, s13  }
0xe: {  	s7 =	sadd.s32 s7, s1;
	s22 =	smax.u32 s25, $0x1;
	s2 =	sadd.s32 $0x140, s23  }
0xf: {  	s24 =	sadd.s32 $0x190, s23;
	s25 =	sadd.s32 $0x1E0, s23;
	[dreg:$0x8] =	wrdreg s14  }
0x10: {  	s13 =	simm.s32 $0x14680;
	s9 =	sshrl.u32 s9, $0x3;
	[dreg:$0x10] =	wrdreg s22  }
0x11: {  	s0 =	sadd.s32 s5, s0;
	s16 =	sadd.s32 $0x10, s14;
	[dreg:$0x11] =	wrdreg s2  }
0x12: {  	s17 =	sadd.s32 $0x20, s14;
	s18 =	sadd.s32 $0x30, s14;
	[dreg:$0xc] =	wrdreg s7  }
0x13: {  	s21 =	sadd.s32 $0x7C0, s14;
	s2 =	sshrl.u32 s24, $0x3;
	[dreg:$0x9] =	wrdreg s16  }
0x14: {  	s5 =	sshrl.u32 s25, $0x3;
	s24 =	simm.s32 $0x14580;
	[dreg:$0xa] =	wrdreg s17  }
0x15: {  	s22 =	simm.s32 $0x14780;
	s14 =	simm.s32 $0x9;
	[dreg:$0xb] =	wrdreg s18  }
0x16: {  	s25 =	simm.s32 $0x14000;
	s9 =	sadd.s32 s20, s9;
	[dreg:$0xe] =	wrdreg s21  }
0x17: {  	s0 =	sadd.s32 $0x44C00, s0;
	s2 =	sadd.s32 s2, s20;
	[dreg:$0x4] =	wrdreg s9  }
0x18: {  	s16 =	simm.s32 $0x14500;
	s21 =	simm.s32 $0xA;
	[dreg:$0xf] =	wrdreg s0  }
0x19: {  	s17 =	simm.s32 $0xB;
	s26 =	sadd.s32 $0xA, s9;
	[dreg:$0x12] =	wrdreg s2  }
0x1a: {  	s18 =	simm.s32 $0xC;
	s10 =	sadd.s32 $0x14, s9;
	[dreg:$0x5] =	wrdreg s26  }
0x1b: {  	s12 =	sadd.s32 $0x1E, s9;
	s9 =	sadd.s32 $0x4D8, s9;
	[dreg:$0x6] =	wrdreg s10  }
0x1c: {  	s0 =	sadd.s32 $0x230, s23;
	s23 =	simm.s32 $0x19800;
	[dreg:$0x7] =	wrdreg s12  }
0x1d: {  	s2 =	simm.s32 $0x0;
	s12 =	sshll.u32 s8, $0xE;
	[dreg:$0xd] =	wrdreg s9  }
0x1e: {  	s26 =	sadd.s32 s5, s20;
	s0 =	sshrl.u32 s0, $0x3;
	s9 =	simm.s32 $0x14400  }
0x1f: {  	s8 =	simm.s32 $0x14700;
	[dreg:$0x13] =	wrdreg s26;
	s0 =	sadd.s32 s0, s20  }
0x20: {  	s10 =	simm.s32 $0x50;
	s26 =	simm.s32 $0x17000;
	[dreg:$0x14] =	wrdreg s0  }
.LBB2_1:
0x21: {  	[dreg:$0x15] =	wrdreg s2  }
0x22: {  	s0 =	rddreg [dreg:$0x4]  }
0x23: {  	[tilespmem:s9], [sflag:$0x9] =	stream.linear.gather [hbm4b:s0+s3], $0x50, $0x38;
	[tilespmem:$0x1E800] =	vst v63  }
0x24: {  	s5 =	rddreg [dreg:$0x5]  }
0x25: {  	[tilespmem:s15], [sflag:$0xA] =	stream.linear.gather [hbm4b:s5+s3], $0x50, $0x38;
	[tilespmem:$0x1E800] =	vst v63  }
0x26: {  	s5 =	rddreg [dreg:$0x6]  }
0x27: {  	[tilespmem:s16], [sflag:$0xB] =	stream.linear.gather [hbm4b:s5+s3], $0x50, $0x38;
	[tilespmem:$0x1E800] =	vst v63  }
0x28: {  	s5 =	rddreg [dreg:$0x7]  }
0x29: {  	[tilespmem:s24], [sflag:$0xC] =	stream.linear.gather [hbm4b:s5+s3], $0x50, $0x38;
	[tilespmem:$0x1E800] =	vst v63  }
0x2a: {  	s5 =	rddreg [dreg:$0x8]  }
0x2b: {  	[tilespmem:s11], [sflag:$0xD] =	stream.linear.gather [hbm4b:s5+s3], $0x80, $0x38;
	[tilespmem:$0x1E800] =	vst v63  }
0x2c: {  	s5 =	rddreg [dreg:$0x9]  }
0x2d: {  	[tilespmem:s13], [sflag:$0xE] =	stream.linear.gather [hbm4b:s5+s3], $0x80, $0x38;
	[tilespmem:$0x1E800] =	vst v63  }
0x2e: {  	s5 =	rddreg [dreg:$0xa]  }
0x2f: {  	[tilespmem:s8], [sflag:$0xF] =	stream.linear.gather [hbm4b:s5+s3], $0x80, $0x38;
	[tilespmem:$0x1E800] =	vst v63  }
0x30: {  	s5 =	rddreg [dreg:$0xb]  }
0x31: {  	[tilespmem:s22], [sflag:$0x10] =	stream.linear.gather [hbm4b:s5+s3], $0x80, $0x38;
	[tilespmem:$0x1E800] =	vst v63  }
0x32: {  	_ =	swait.ge [sflag:s14], $0x50  }
0x33: {  	[sflag:s14] =	ssyncset.done $0x0  }
0x34: {  	[sflag:s14] =	ssyncadd.s32 $0xFFFFFFB0  }
0x35: {  	[tilespmem:s19], [sflag:$0x1] =	stream.indirect.gather [hbm4b:s4+s10], $0x80, s9, s10, $0xb8;
	[tilespmem:$0x1E800] =	vst v63  }
0x36: {  	_ =	swait.ge [sflag:s21], $0x50  }
0x37: {  	[sflag:s21] =	ssyncset.done $0x0  }
0x38: {  	[sflag:s21] =	ssyncadd.s32 $0xFFFFFFB0  }
0x39: {  	[tilespmem:s26], [sflag:$0x2] =	stream.indirect.gather [hbm4b:s4+s10], $0x80, s15, s10, $0xb8;
	[tilespmem:$0x1E800] =	vst v63  }
0x3a: {  	_ =	swait.ge [sflag:s17], $0x50  }
0x3b: {  	[sflag:s17] =	ssyncset.done $0x0  }
0x3c: {  	[sflag:s17] =	ssyncadd.s32 $0xFFFFFFB0  }
0x3d: {  	[tilespmem:s23], [sflag:$0x3] =	stream.indirect.gather [hbm4b:s4+s10], $0x80, s16, s10, $0xb8;
	[tilespmem:$0x1E800] =	vst v63  }
0x3e: {  	_ =	swait.ge [sflag:s18], $0x50  }
0x3f: {  	[sflag:s18] =	ssyncset.done $0x0  }
0x40: {  	s2 =	simm.s32 $0x1C000;
	[sflag:s18] =	ssyncadd.s32 $0xFFFFFFB0  }
0x41: {  	[tilespmem:s2], [sflag:$0x4] =	stream.indirect.gather [hbm4b:s4+s10], $0x80, s24, s10, $0xb8;
	[tilespmem:$0x1E800] =	vst v63  }
0x42: {  	s2 =	rddreg [dreg:$0x3]  }
0x43: {  	[tilespmem:s25], [sflag:$0x11] =	stream.linear.gather [hbm4b:s2+s3], $0x400, $0x38;
	[tilespmem:$0x1E800] =	vst v63  }
0x44: {  	_ =	swait.ge [sflag:s28], $0x400  }
0x45: {  	[sflag:s28] =	ssyncset.done $0x0  }
0x46: {  	s5 =	sadd.s32 $0x0, s7;
	[sflag:s28] =	ssyncadd.s32 $0xFFFFFC00  }
0x47: {  	[spmem:s5] =	stream.linear.scatter [tilespmem:s25], [sflag:$0x11], $0x400, $0x38;
	[tilespmem:$0x1E800] =	vst v63  }
0x48: {  	s0 =	simm.s32 $0x1000;
	_ =	swait.ge [sflag:s28], $0x400  }
.LBB2_2:
0x49: {  	s2 =	sshra.s32 s0, $0x2;
	[sflag:s28] =	ssyncset.done $0x0;
	p0 =	sne.s32 s0, $0x4F000  }
.Ltmp0:
0x4a: {  	s2 =	sadd.s32 s2, s7;
	[sflag:s28] =	ssyncadd.s32 $0xFFFFFC00;
	(pc) =	sbr.rel @p0 .LBB2_2-.Ltmp0, $3  }
0x4b: {  	[spmem:s2] =	stream.linear.scatter [tilespmem:s25], [sflag:$0x11], $0x400, $0x38;
	[tilespmem:$0x1E800] =	vst v63  }
0x4c: {  	s0 =	sadd.s32 $0x1000, s0;
	_ =	sdelay $0x1  }
0x4d: {  	_ =	swait.ge [sflag:s28], $0x400  }
0x4e: {  	[sflag:s28] =	ssyncset.done $0x0  }
0x4f: {  	[sflag:s28] =	ssyncadd.s32 $0xFFFFFC00  }
0x50: {  	[bflag:$0x0] =	sbarrier.arrive $0xFFFF  }
0x51: {  	_ =	swait.ge [sflag:s29], $0x2800  }
0x52: {  	s7 =	rddreg [dreg:$0x11]  }
0x53: {  	[sflag:s29] =	ssyncset.done $0x0;
	s0 =	sshrl.u32 s7, $0x3  }
0x54: {  	[sflag:s29] =	ssyncadd.s32 $0xFFFFD800;
	s0 =	sadd.s32 s20, s0  }
0x55: {  	[tilespmem:s9], [sflag:$0x9] =	stream.linear.gather [hbm4b:s0+s3], $0x50, $0x38;
	[tilespmem:$0x1E800] =	vst v63  }
0x56: {  	s5 =	simm.s32 $0x200;
	_ =	swait.ge [sflag:s30], $0x80  }
0x57: {  	s2 =	sand.u32 $0x7C00, s5;
	[sflag:s30] =	ssyncset.done $0x0  }
0x58: {  	s2 =	sadd.s32 s12, s2;
	s0 =	sand.u32 $0x200, s5;
	[sflag:s30] =	ssyncadd.s32 $0xFFFFFF80  }
0x59: {  	[spmem:s1] =	stream.indirect.scatter.add.f32 [tilespmem:s19], [sflag:$0x5], $0x80, s11, s10, $0xb8;
	[tilespmem:$0x1E800] =	vst v63  }
0x5a: {  	s0 =	sor.u32 s0, s2;
	_ =	swait.ge [sflag:s31], $0x2800  }
0x5b: {  	s0 =	sshrl.u32 s0, $0x3;
	[sflag:s31] =	ssyncset.done $0x0  }
0x5c: {  	s0 =	sadd.s32 s6, s0;
	[sflag:s31] =	ssyncadd.s32 $0xFFFFD800  }
0x5d: {  	[tilespmem:s11], [sflag:$0xD] =	stream.linear.gather [hbm4b:s0+s3], $0x80, $0x38;
	[tilespmem:$0x1E800] =	vst v63  }
0x5e: {  	_ =	swait.ge [sflag:s14], $0x50  }
0x5f: {  	[sflag:s14] =	ssyncset.done $0x0  }
0x60: {  	s11 =	simm.s32 $0x2;
	[sflag:s14] =	ssyncadd.s32 $0xFFFFFFB0  }
0x61: {  	[tilespmem:s19], [sflag:$0x1] =	stream.indirect.gather [hbm4b:s4+s10], $0x80, s9, s10, $0xb8;
	[tilespmem:$0x1E800] =	vst v63  }
0x62: {  	_ =	swait.ge [sflag:s11], $0x2800  }
0x63: {  	[sflag:s11] =	ssyncset.done $0x0  }
0x64: {  	s14 =	simm.s32 $0xE;
	[sflag:s11] =	ssyncadd.s32 $0xFFFFD800;
	s11 =	rddreg [dreg:$0x12]  }
0x65: {  	[tilespmem:s15], [sflag:$0xA] =	stream.linear.gather [hbm4b:s11+s3], $0x50, $0x38;
	[tilespmem:$0x1E800] =	vst v63  }
0x66: {  	s28 =	simm.s32 $0x6;
	s19 =	simm.s32 $0x280;
	_ =	swait.ge [sflag:s14], $0x80  }
0x67: {  	s5 =	smov.u32 s1;
	s25 =	sand.u32 $0x7C00, s19;
	[sflag:s14] =	ssyncset.done $0x0  }
0x68: {  	s0 =	sand.u32 $0x280, s19;
	s2 =	sadd.s32 s12, s25;
	[sflag:s14] =	ssyncadd.s32 $0xFFFFFF80  }
0x69: {  	[spmem:s5] =	stream.indirect.scatter.add.f32 [tilespmem:s26], [sflag:$0x6], $0x80, s13, s10, $0xb8;
	[tilespmem:$0x1E800] =	vst v63  }
0x6a: {  	s0 =	sor.u32 s0, s2;
	_ =	swait.ge [sflag:s28], $0x2800  }
0x6b: {  	s0 =	sshrl.u32 s0, $0x3;
	[sflag:s28] =	ssyncset.done $0x0  }
0x6c: {  	s0 =	sadd.s32 s6, s0;
	[sflag:s28] =	ssyncadd.s32 $0xFFFFD800  }
0x6d: {  	[tilespmem:s13], [sflag:$0xE] =	stream.linear.gather [hbm4b:s0+s3], $0x80, $0x38;
	[tilespmem:$0x1E800] =	vst v63  }
0x6e: {  	_ =	swait.ge [sflag:s21], $0x50  }
0x6f: {  	[sflag:s21] =	ssyncset.done $0x0  }
0x70: {  	s9 =	simm.s32 $0x3;
	[sflag:s21] =	ssyncadd.s32 $0xFFFFFFB0  }
0x71: {  	[tilespmem:s26], [sflag:$0x2] =	stream.indirect.gather [hbm4b:s4+s10], $0x80, s15, s10, $0xb8;
	[tilespmem:$0x1E800] =	vst v63  }
0x72: {  	_ =	swait.ge [sflag:s9], $0x2800  }
0x73: {  	[sflag:s9] =	ssyncset.done $0x0  }
0x74: {  	s13 =	simm.s32 $0xF;
	[sflag:s9] =	ssyncadd.s32 $0xFFFFD800;
	s9 =	rddreg [dreg:$0x13]  }
0x75: {  	[tilespmem:s16], [sflag:$0xB] =	stream.linear.gather [hbm4b:s9+s3], $0x50, $0x38;
	[tilespmem:$0x1E800] =	vst v63  }
0x76: {  	s14 =	simm.s32 $0x300;
	_ =	swait.ge [sflag:s13], $0x80  }
0x77: {  	s19 =	simm.s32 $0x7;
	s15 =	sand.u32 $0x7C00, s14;
	[sflag:s13] =	ssyncset.done $0x0  }
0x78: {  	s0 =	sand.u32 $0x300, s14;
	s2 =	sadd.s32 s12, s15;
	[sflag:s13] =	ssyncadd.s32 $0xFFFFFF80  }
0x79: {  	[spmem:s5] =	stream.indirect.scatter.add.f32 [tilespmem:s23], [sflag:$0x7], $0x80, s8, s10, $0xb8;
	[tilespmem:$0x1E800] =	vst v63  }
0x7a: {  	s0 =	sor.u32 s0, s2;
	_ =	swait.ge [sflag:s19], $0x2800  }
0x7b: {  	s0 =	sshrl.u32 s0, $0x3;
	[sflag:s19] =	ssyncset.done $0x0  }
0x7c: {  	s0 =	sadd.s32 s6, s0;
	[sflag:s19] =	ssyncadd.s32 $0xFFFFD800  }
0x7d: {  	[tilespmem:s8], [sflag:$0xF] =	stream.linear.gather [hbm4b:s0+s3], $0x80, $0x38;
	[tilespmem:$0x1E800] =	vst v63  }
0x7e: {  	_ =	swait.ge [sflag:s17], $0x50  }
0x7f: {  	[sflag:s17] =	ssyncset.done $0x0  }
0x80: {  	s21 =	simm.s32 $0x4;
	[sflag:s17] =	ssyncadd.s32 $0xFFFFFFB0  }
0x81: {  	[tilespmem:s23], [sflag:$0x3] =	stream.indirect.gather [hbm4b:s4+s10], $0x80, s16, s10, $0xb8;
	[tilespmem:$0x1E800] =	vst v63  }
0x82: {  	_ =	swait.ge [sflag:s21], $0x2800  }
0x83: {  	s29 =	simm.s32 $0x1;
	s30 =	simm.s32 $0xD;
	[sflag:s21] =	ssyncset.done $0x0  }
0x84: {  	s19 =	simm.s32 $0x10;
	s23 =	rddreg [dreg:$0x14];
	[sflag:s21] =	ssyncadd.s32 $0xFFFFD800  }
0x85: {  	[tilespmem:s24], [sflag:$0xC] =	stream.linear.gather [hbm4b:s23+s3], $0x50, $0x38;
	[tilespmem:$0x1E800] =	vst v63  }
0x86: {  	s28 =	simm.s32 $0x1C000;
	s24 =	simm.s32 $0x380;
	_ =	swait.ge [sflag:s19], $0x80  }
0x87: {  	s8 =	simm.s32 $0x8;
	s26 =	sand.u32 $0x7C00, s24;
	[sflag:s19] =	ssyncset.done $0x0  }
0x88: {  	s0 =	sand.u32 $0x380, s24;
	s2 =	sadd.s32 s12, s26;
	[sflag:s19] =	ssyncadd.s32 $0xFFFFFF80  }
0x89: {  	[spmem:s5] =	stream.indirect.scatter.add.f32 [tilespmem:s28], [sflag:$0x8], $0x80, s22, s10, $0xb8;
	[tilespmem:$0x1E800] =	vst v63  }
0x8a: {  	s31 =	simm.s32 $0x580;
	s0 =	sor.u32 s0, s2;
	_ =	swait.ge [sflag:s8], $0x2800  }
0x8b: {  	s25 =	simm.s32 $0x9;
	s0 =	sshrl.u32 s0, $0x3;
	[sflag:s8] =	ssyncset.done $0x0  }
0x8c: {  	s17 =	simm.s32 $0xB;
	s0 =	sadd.s32 s6, s0;
	[sflag:s8] =	ssyncadd.s32 $0xFFFFD800  }
0x8d: {  	[tilespmem:s22], [sflag:$0x10] =	stream.linear.gather [hbm4b:s0+s3], $0x80, $0x38;
	[tilespmem:$0x1E800] =	vst v63  }
0x8e: {  	s21 =	simm.s32 $0xA;
	s26 =	simm.s32 $0xC;
	_ =	swait.ge [sflag:s18], $0x50  }
0x8f: {  	s2 =	sadd.s32 $0x28, s23;
	s0 =	sadd.s32 $0x28, s9;
	[sflag:s18] =	ssyncset.done $0x0  }
.LBB2_4:
0x90: {  	[sflag:s26] =	ssyncadd.s32 $0xFFFFFFB0  }
0x91: {  	s7 =	sadd.s32 $0x140, s7;
	s11 =	sadd.s32 $0x28, s11;
	s15 =	smov.u32 s31  }
0x92: {  	s28 =	simm.s32 $0x1C000;
	s23 =	simm.s32 $0x14580;
	p0 =	sne.s32 s31, $0x3D80  }
0x93: {  	[tilespmem:s28], [sflag:$0x4] =	stream.indirect.gather [hbm4b:s4+s10], $0x80, s23, s10, $0xb8;
	[tilespmem:$0x1E800] =	vst v63  }
0x94: {  	s31 =	sadd.s32 $0x200, s31;
	s18 =	sshrl.u32 s7, $0x3;
	_ =	swait.ge [sflag:s29], $0x2800  }
0x95: {  	s1 =	simm.s32 $0x14400;
	s18 =	sadd.s32 s20, s18;
	[sflag:s29] =	ssyncset.done $0x0  }
0x96: {  	s9 =	smov.u32 s20;
	s14 =	simm.s32 $0x14600;
	[sflag:s29] =	ssyncadd.s32 $0xFFFFD800  }
0x97: {  	[tilespmem:s1], [sflag:$0x9] =	stream.linear.gather [hbm4b:s18+s3], $0x50, $0x38;
	[tilespmem:$0x1E800] =	vst v63  }
0x98: {  	s24 =	simm.s32 $0x14800;
	s18 =	sadd.s32 $0xFFFFFE80, s15;
	_ =	swait.ge [sflag:s30], $0x80  }
0x99: {  	s20 =	sand.u32 $0x7C00, s18;
	s18 =	sand.u32 $0x200, s18;
	[sflag:s30] =	ssyncset.done $0x0  }
0x9a: {  	s13 =	simm.s32 $0x5;
	s20 =	sadd.s32 s12, s20;
	[sflag:s30] =	ssyncadd.s32 $0xFFFFFF80  }
0x9b: {  	[spmem:s5] =	stream.indirect.scatter.add.f32 [tilespmem:s24], [sflag:$0x5], $0x80, s14, s10, $0xb8;
	[tilespmem:$0x1E800] =	vst v63  }
0x9c: {  	s18 =	sor.u32 s18, s20;
	_ =	swait.ge [sflag:s13], $0x2800  }
0x9d: {  	s18 =	sshrl.u32 s18, $0x3;
	[sflag:s13] =	ssyncset.done $0x0  }
0x9e: {  	s18 =	sadd.s32 s6, s18;
	[sflag:s13] =	ssyncadd.s32 $0xFFFFD800  }
0x9f: {  	[tilespmem:s14], [sflag:$0xD] =	stream.linear.gather [hbm4b:s18+s3], $0x80, $0x38;
	[tilespmem:$0x1E800] =	vst v63  }
0xa0: {  	_ =	swait.ge [sflag:s25], $0x50  }
0xa1: {  	[sflag:s25] =	ssyncset.done $0x0  }
0xa2: {  	s14 =	simm.s32 $0x2;
	[sflag:s25] =	ssyncadd.s32 $0xFFFFFFB0  }
0xa3: {  	[tilespmem:s24], [sflag:$0x1] =	stream.indirect.gather [hbm4b:s4+s10], $0x80, s1, s10, $0xb8;
	[tilespmem:$0x1E800] =	vst v63  }
0xa4: {  	_ =	swait.ge [sflag:s14], $0x2800  }
0xa5: {  	s16 =	simm.s32 $0x14480;
	[sflag:s14] =	ssyncset.done $0x0  }
0xa6: {  	s18 =	sadd.s32 $0xFFFFFF00, s15;
	s1 =	simm.s32 $0xE;
	[sflag:s14] =	ssyncadd.s32 $0xFFFFD800  }
0xa7: {  	[tilespmem:s16], [sflag:$0xA] =	stream.linear.gather [hbm4b:s11+s3], $0x50, $0x38;
	[tilespmem:$0x1E800] =	vst v63  }
0xa8: {  	s20 =	sand.u32 $0x7C00, s18;
	s18 =	sand.u32 $0x280, s18;
	_ =	swait.ge [sflag:s1], $0x80  }
0xa9: {  	s20 =	sadd.s32 s12, s20;
	s24 =	simm.s32 $0x17000;
	[sflag:s1] =	ssyncset.done $0x0  }
0xaa: {  	s14 =	simm.s32 $0x14680;
	[sflag:s1] =	ssyncadd.s32 $0xFFFFFF80;
	s1 =	simm.s32 $0x6  }
0xab: {  	[spmem:s5] =	stream.indirect.scatter.add.f32 [tilespmem:s24], [sflag:$0x6], $0x80, s14, s10, $0xb8;
	[tilespmem:$0x1E800] =	vst v63  }
0xac: {  	s18 =	sor.u32 s18, s20;
	_ =	swait.ge [sflag:s1], $0x2800  }
0xad: {  	s18 =	sshrl.u32 s18, $0x3;
	[sflag:s1] =	ssyncset.done $0x0  }
0xae: {  	s13 =	simm.s32 $0x14680;
	s18 =	sadd.s32 s6, s18;
	[sflag:s1] =	ssyncadd.s32 $0xFFFFD800  }
0xaf: {  	[tilespmem:s14], [sflag:$0xE] =	stream.linear.gather [hbm4b:s18+s3], $0x80, $0x38;
	[tilespmem:$0x1E800] =	vst v63  }
0xb0: {  	_ =	swait.ge [sflag:s21], $0x50  }
0xb1: {  	[sflag:s21] =	ssyncset.done $0x0  }
0xb2: {  	s1 =	simm.s32 $0x3;
	s14 =	simm.s32 $0x17000;
	[sflag:s21] =	ssyncadd.s32 $0xFFFFFFB0  }
0xb3: {  	[tilespmem:s24], [sflag:$0x2] =	stream.indirect.gather [hbm4b:s4+s10], $0x80, s16, s10, $0xb8;
	[tilespmem:$0x1E800] =	vst v63  }
0xb4: {  	_ =	swait.ge [sflag:s1], $0x2800  }
0xb5: {  	s18 =	sadd.s32 $0xFFFFFF80, s15;
	[sflag:s1] =	ssyncset.done $0x0  }
0xb6: {  	s16 =	simm.s32 $0x14500;
	[sflag:s1] =	ssyncadd.s32 $0xFFFFD800;
	s1 =	simm.s32 $0xF  }
0xb7: {  	[tilespmem:s16], [sflag:$0xB] =	stream.linear.gather [hbm4b:s0+s3], $0x50, $0x38;
	[tilespmem:$0x1E800] =	vst v63  }
0xb8: {  	s22 =	simm.s32 $0x14700;
	s20 =	sand.u32 $0x7C00, s18;
	_ =	swait.ge [sflag:s1], $0x80  }
0xb9: {  	s18 =	sand.u32 $0x300, s18;
	s20 =	sadd.s32 s12, s20;
	[sflag:s1] =	ssyncset.done $0x0  }
0xba: {  	s24 =	simm.s32 $0x7;
	[sflag:s1] =	ssyncadd.s32 $0xFFFFFF80;
	s1 =	simm.s32 $0x19800  }
0xbb: {  	[spmem:s5] =	stream.indirect.scatter.add.f32 [tilespmem:s1], [sflag:$0x7], $0x80, s22, s10, $0xb8;
	[tilespmem:$0x1E800] =	vst v63  }
0xbc: {  	s18 =	sor.u32 s18, s20;
	s20 =	smov.u32 s9;
	_ =	swait.ge [sflag:s24], $0x2800  }
0xbd: {  	s18 =	sshrl.u32 s18, $0x3;
	[sflag:s24] =	ssyncset.done $0x0  }
0xbe: {  	s18 =	sadd.s32 s6, s18;
	[sflag:s24] =	ssyncadd.s32 $0xFFFFD800;
	s24 =	simm.s32 $0x14700  }
0xbf: {  	[tilespmem:s22], [sflag:$0xF] =	stream.linear.gather [hbm4b:s18+s3], $0x80, $0x38;
	[tilespmem:$0x1E800] =	vst v63  }
0xc0: {  	_ =	swait.ge [sflag:s17], $0x50  }
0xc1: {  	[sflag:s17] =	ssyncset.done $0x0  }
0xc2: {  	[sflag:s17] =	ssyncadd.s32 $0xFFFFFFB0  }
0xc3: {  	[tilespmem:s1], [sflag:$0x3] =	stream.indirect.gather [hbm4b:s4+s10], $0x80, s16, s10, $0xb8;
	[tilespmem:$0x1E800] =	vst v63  }
0xc4: {  	s9 =	simm.s32 $0x19800;
	s1 =	simm.s32 $0x4  }
0xc5: {  	_ =	swait.ge [sflag:s1], $0x2800  }
0xc6: {  	[sflag:s1] =	ssyncset.done $0x0  }
0xc7: {  	s16 =	simm.s32 $0x14580;
	[sflag:s1] =	ssyncadd.s32 $0xFFFFD800  }
0xc8: {  	[tilespmem:s23], [sflag:$0xC] =	stream.linear.gather [hbm4b:s2+s3], $0x50, $0x38;
	[tilespmem:$0x1E800] =	vst v63  }
0xc9: {  	_ =	swait.ge [sflag:s19], $0x80  }
0xca: {  	s18 =	sand.u32 $0x7C00, s15;
	s15 =	sand.u32 $0x380, s15;
	[sflag:s19] =	ssyncset.done $0x0  }
0xcb: {  	s18 =	sadd.s32 s12, s18;
	s1 =	simm.s32 $0x14780;
	[sflag:s19] =	ssyncadd.s32 $0xFFFFFF80  }
0xcc: {  	[spmem:s5] =	stream.indirect.scatter.add.f32 [tilespmem:s28], [sflag:$0x8], $0x80, s1, s10, $0xb8;
	[tilespmem:$0x1E800] =	vst v63  }
0xcd: {  	s15 =	sor.u32 s15, s18;
	_ =	swait.ge [sflag:s8], $0x2800  }
.Ltmp1:
0xce: {  	s15 =	sshrl.u32 s15, $0x3;
	[sflag:s8] =	ssyncset.done $0x0;
	(pc) =	sbr.rel @p0 .LBB2_4-.Ltmp1, $4  }
0xcf: {  	s18 =	simm.s32 $0x14780;
	s15 =	sadd.s32 s6, s15;
	[sflag:s8] =	ssyncadd.s32 $0xFFFFD800  }
0xd0: {  	[tilespmem:s1], [sflag:$0x10] =	stream.linear.gather [hbm4b:s15+s3], $0x80, $0x38;
	[tilespmem:$0x1E800] =	vst v63  }
0xd1: {  	_ =	swait.ge [sflag:s26], $0x50  }
0xd2: {  	s0 =	sadd.s32 $0x28, s0;
	s2 =	sadd.s32 $0x28, s2;
	[sflag:s26] =	ssyncset.done $0x0  }
0xd3: {  	[sflag:s26] =	ssyncadd.s32 $0xFFFFFFB0;
	s11 =	simm.s32 $0x1C000  }
0xd4: {  	[tilespmem:s11], [sflag:$0x4] =	stream.indirect.gather [hbm4b:s4+s10], $0x80, s16, s10, $0xb8;
	[tilespmem:$0x1E800] =	vst v63  }
0xd5: {  	_ =	swait.ge [sflag:s29], $0x2800  }
0xd6: {  	[sflag:s29] =	ssyncset.done $0x0  }
0xd7: {  	s1 =	simm.s32 $0x14400;
	s0 =	rddreg [dreg:$0xd];
	[sflag:s29] =	ssyncadd.s32 $0xFFFFD800  }
0xd8: {  	[tilespmem:s1], [sflag:$0x9] =	stream.linear.gather [hbm4b:s0+s3], $0x50, $0x38;
	[tilespmem:$0x1E800] =	vst v63  }
0xd9: {  	_ =	swait.ge [sflag:s30], $0x80  }
0xda: {  	s2 =	simm.s32 $0x14600;
	[sflag:s30] =	ssyncset.done $0x0  }
0xdb: {  	s7 =	simm.s32 $0x14800;
	s15 =	simm.s32 $0x5;
	[sflag:s30] =	ssyncadd.s32 $0xFFFFFF80  }
0xdc: {  	[spmem:s5] =	stream.indirect.scatter.add.f32 [tilespmem:s7], [sflag:$0x5], $0x80, s2, s10, $0xb8;
	[tilespmem:$0x1E800] =	vst v63  }
0xdd: {  	_ =	swait.ge [sflag:s15], $0x2800  }
0xde: {  	[sflag:s15] =	ssyncset.done $0x0  }
0xdf: {  	s23 =	rddreg [dreg:$0xe];
	[sflag:s15] =	ssyncadd.s32 $0xFFFFD800  }
0xe0: {  	[tilespmem:s2], [sflag:$0xD] =	stream.linear.gather [hbm4b:s23+s3], $0x80, $0x38;
	[tilespmem:$0x1E800] =	vst v63  }
0xe1: {  	_ =	swait.ge [sflag:s25], $0x50  }
0xe2: {  	[sflag:s25] =	ssyncset.done $0x0  }
0xe3: {  	s26 =	simm.s32 $0x2;
	[sflag:s25] =	ssyncadd.s32 $0xFFFFFFB0  }
0xe4: {  	[tilespmem:s7], [sflag:$0x1] =	stream.indirect.gather [hbm4b:s4+s10], $0x80, s1, s10, $0xb8;
	[tilespmem:$0x1E800] =	vst v63  }
0xe5: {  	_ =	swait.ge [sflag:s26], $0x2800  }
0xe6: {  	[sflag:s26] =	ssyncset.done $0x0  }
0xe7: {  	s1 =	simm.s32 $0xE;
	[sflag:s26] =	ssyncadd.s32 $0xFFFFD800  }
0xe8: {  	_ =	swait.ge [sflag:s1], $0x80  }
0xe9: {  	[sflag:s1] =	ssyncset.done $0x0  }
0xea: {  	[sflag:s1] =	ssyncadd.s32 $0xFFFFFF80  }
0xeb: {  	[spmem:s5] =	stream.indirect.scatter.add.f32 [tilespmem:s14], [sflag:$0x6], $0x80, s13, s10, $0xb8;
	[tilespmem:$0x1E800] =	vst v63  }
0xec: {  	s13 =	simm.s32 $0x6  }
0xed: {  	_ =	swait.ge [sflag:s13], $0x2800  }
0xee: {  	[sflag:s13] =	ssyncset.done $0x0  }
0xef: {  	s14 =	simm.s32 $0x3;
	[sflag:s13] =	ssyncadd.s32 $0xFFFFD800  }
0xf0: {  	_ =	swait.ge [sflag:s14], $0x2800  }
0xf1: {  	[sflag:s14] =	ssyncset.done $0x0  }
0xf2: {  	s16 =	simm.s32 $0xF;
	[sflag:s14] =	ssyncadd.s32 $0xFFFFD800  }
0xf3: {  	_ =	swait.ge [sflag:s16], $0x80  }
0xf4: {  	[sflag:s16] =	ssyncset.done $0x0  }
0xf5: {  	s17 =	simm.s32 $0x7;
	[sflag:s16] =	ssyncadd.s32 $0xFFFFFF80  }
0xf6: {  	[spmem:s5] =	stream.indirect.scatter.add.f32 [tilespmem:s9], [sflag:$0x7], $0x80, s24, s10, $0xb8;
	[tilespmem:$0x1E800] =	vst v63  }
0xf7: {  	_ =	swait.ge [sflag:s17], $0x2800  }
0xf8: {  	[sflag:s17] =	ssyncset.done $0x0  }
0xf9: {  	s21 =	simm.s32 $0x4;
	[sflag:s17] =	ssyncadd.s32 $0xFFFFD800  }
0xfa: {  	_ =	swait.ge [sflag:s21], $0x2800  }
0xfb: {  	[sflag:s21] =	ssyncset.done $0x0  }
0xfc: {  	[sflag:s21] =	ssyncadd.s32 $0xFFFFD800  }
0xfd: {  	_ =	swait.ge [sflag:s19], $0x80  }
0xfe: {  	[sflag:s19] =	ssyncset.done $0x0  }
0xff: {  	[sflag:s19] =	ssyncadd.s32 $0xFFFFFF80  }
0x100: {  	[spmem:s5] =	stream.indirect.scatter.add.f32 [tilespmem:s11], [sflag:$0x8], $0x80, s18, s10, $0xb8;
	[tilespmem:$0x1E800] =	vst v63  }
0x101: {  	_ =	swait.ge [sflag:s8], $0x2800  }
0x102: {  	[sflag:s8] =	ssyncset.done $0x0  }
0x103: {  	[sflag:s8] =	ssyncadd.s32 $0xFFFFD800  }
0x104: {  	_ =	swait.ge [sflag:s29], $0x2800  }
0x105: {  	[sflag:s29] =	ssyncset.done $0x0  }
0x106: {  	[sflag:s29] =	ssyncadd.s32 $0xFFFFD800  }
0x107: {  	_ =	swait.ge [sflag:s30], $0x80  }
0x108: {  	[sflag:s30] =	ssyncset.done $0x0  }
0x109: {  	[sflag:s30] =	ssyncadd.s32 $0xFFFFFF80  }
0x10a: {  	[spmem:s5] =	stream.indirect.scatter.add.f32 [tilespmem:s7], [sflag:$0x5], $0x80, s2, s10, $0xb8;
	[tilespmem:$0x1E800] =	vst v63  }
0x10b: {  	_ =	swait.ge [sflag:s15], $0x2800  }
0x10c: {  	[sflag:s15] =	ssyncset.done $0x0  }
0x10d: {  	[sflag:s15] =	ssyncadd.s32 $0xFFFFD800  }
0x10e: {  	s22 =	stileid.u32;
	s28 =	simm.s32 $0x11;
	[bflag:$0x0] =	sbarrier.arrive $0xFFFF  }
0x10f: {  	s31 =	simm.s32 $0x5;
	s0 =	sshll.u32 s22, $0x6;
	s7 =	rddreg [dreg:$0xc]  }
0x110: {  	s0 =	sor.u32 $0x1C11, s0;
	s24 =	rddreg [dreg:$0xf];
	s23 =	sshrl.u32 s7, $0x3  }
0x111: {  	[hbm:s24], [sflag:s0] =	dma.local [spmem:s23], $0x2800  }
0x112: {  	s22 =	simm.s32 $0x14780;
	s1 =	smov.u32 s5;
	_ =	swait.ge [sflag:s28], $0x2800  }
0x113: {  	s13 =	simm.s32 $0x14680;
	s14 =	simm.s32 $0x9;
	s25 =	rddreg [dreg:$0x15]  }
0x114: {  	s16 =	simm.s32 $0x14500;
	s26 =	rddreg [dreg:$0x10];
	s2 =	sadd.s32 $0x1, s25  }
0x115: {  	s9 =	simm.s32 $0x14400;
	s17 =	simm.s32 $0xB;
	p0 =	sne.s32 s2, s26  }
.Ltmp2:
0x116: {  	s21 =	simm.s32 $0xA;
	s19 =	simm.s32 $0x14800;
	(pc) =	sbr.rel @p0 .LBB2_1-.Ltmp2, $4  }
0x117: {  	s11 =	simm.s32 $0x14600;
	s18 =	simm.s32 $0xC;
	s8 =	simm.s32 $0x14700  }
0x118: {  	s29 =	simm.s32 $0x1;
	s30 =	simm.s32 $0xD;
	s15 =	simm.s32 $0x14480  }
0x119: {  	s24 =	simm.s32 $0x14580;
	s23 =	simm.s32 $0x19800;
	[sflag:s28] =	ssyncset.done $0x0  }
0x11a: {  	[sflag:s28] =	ssyncadd.s32 $0xFFFFD800;
	s25 =	simm.s32 $0x14000;
	s26 =	simm.s32 $0x17000  }
0x11b: {  	_ =	sfence.sel $0x180000  }
0x11c: {  	[bflag:$0x0] =	sbarrier.arrive $0xFFFF  }
0x11d: {  	_ =	strace $0x90000050  }
0x11e: {  	s0 =	stileid.u32;
	[bflag:$0x2] =	sbarrier.arrive $0xFFFF  }
0x11f: {  	p0 =	sne.s32 s0, $0x0;
	s0 =	rddreg [dreg:$0x2]  }
0x120: {  	s0 =	sadd.s32 @!p0 $0x100000, s0  }
0x121: {  	[sflag:s0] =	ssyncadd.tile.s32 @!p0 $0x1;
	_ =	shalt  }
.Lfunc_end2:
_tile_overlayer_lowered:
.L_overlay_start_2:
0x122: {  	(tag) =	ssettag $0x2  }
0x123: {  	s0 =	rddreg [dreg:$0x0];
	s2 =	stileid.u32  }
0x124: {  	s1 =	rddreg [dreg:$0x1];
	p0 =	sne.s32 s2, $0x0  }
0x125: {  	s3 =	rddreg [dreg:$0x2];
	[bflag:$0x3] =	sbarrier.arrive $0xFFFF;
	s2 =	simm.s32 @!p0 $0x1C11  }
0x126: {  	[timem:s3], [sflag:s2] =	dma.local @!p0 [hbm:s0], s1  }
0x127: {  	s0 =	simm.s32 @!p0 $0x11  }
0x128: {  	_ =	swait.ge @!p0 [sflag:s0], s1  }
0x129: {  	s1 =	ssub.s32 @!p0 $0x0, s1;
	[sflag:s0] =	ssyncset.done @!p0 $0x0  }
0x12a: {  	[sflag:s0] =	ssyncadd.s32 @!p0 s1  }
0x12b: {  	[bflag:$0x3] =	sbarrier.arrive $0xFFFF  }
0x12c: {  	_ =	shalt  }

</sc_bundles>
